<compile_context>
chip_gen: v7x
topology: tpu7x:2x2x1
jax: 0.10.2.dev20260603
libtpu: 0.0.44.dev20260713+nightly
codegen_flags: <defaults>
</compile_context>

<pallas_src>
import functools

import jax
import jax.numpy as jnp
from jax import lax
from jax.experimental import pallas as pl
from jax.experimental.pallas import tpu as pltpu
from jax.experimental.pallas import tpu_sc as plsc

_D = 256
_N = 10000
_NROWS = 80
_LANES = 16



def _counts_sc(sub_idx, bdu_idx, bdc_idx):
    mesh = plsc.VectorSubcoreMesh(core_axis_name="c", subcore_axis_name="s")

    @functools.partial(
        pl.kernel,
        out_type=jax.ShapeDtypeStruct((_NROWS, _N), jnp.float32),
        mesh=mesh,
        compiler_params=pltpu.CompilerParams(needs_layout_passes=False),
        scratch_types=[
            pltpu.VMEM((_N,), jnp.float32),
            pltpu.VMEM((_N,), jnp.float32),
            pltpu.VMEM((768,), jnp.int32),
            pltpu.SemaphoreType.DMA((3,)),
            pltpu.SemaphoreType.DMA((2,)),
        ],
    )
    def counts_kernel(sub_hbm, bdu_hbm, bdc_hbm, out_hbm,
                      buf0, buf1, idxbuf, isem, esem):
        wid = lax.axis_index("s") * 2 + lax.axis_index("c")
        ones16 = jnp.full((_LANES,), 1.0, jnp.float32)
        zeros16 = jnp.zeros((_LANES,), jnp.float32)
        lane = lax.iota(jnp.int32, _LANES)

        cp0 = pltpu.async_copy(bdc_hbm.at[wid], idxbuf.at[pl.ds(0, 128)],
                               isem.at[0])
        cp1 = pltpu.async_copy(bdc_hbm.at[wid + 32],
                               idxbuf.at[pl.ds(128, 128)], isem.at[1])
        for p in range(4):
            @pl.when(wid == 16 + p)
            def _(p=p):
                pltpu.async_copy(sub_hbm.at[pl.ds(128 * p, 128)],
                                 idxbuf.at[pl.ds(256, 128)], isem.at[2])
        for p in range(8):
            @pl.when(wid == 20 + p)
            def _(p=p):
                pltpu.async_copy(bdu_hbm.at[pl.ds(512 * p, 512)],
                                 idxbuf.at[pl.ds(256, 512)], isem.at[2])

        def fill(buf):
            def body(i, c):
                buf[pl.ds(i * _LANES, _LANES)] = jnp.zeros(
                    (_LANES,), jnp.float32)
                return c
            lax.fori_loop(0, _N // _LANES, body, 0, unroll=25)

        def scatter(buf, start, count):
            def body(i, c):
                iv = idxbuf[pl.ds(start + i * _LANES, _LANES)]
                for l in range(_LANES):
                    plsc.addupdate_scatter(buf, [iv], ones16,
                                           mask=lane == l)
                return c
            lax.fori_loop(0, count // _LANES, body, 0)

        def unscatter(buf, start, count):
            def body(i, c):
                iv = idxbuf[pl.ds(start + i * _LANES, _LANES)]
                plsc.store_scatter(buf, [iv], zeros16)
                return c
            lax.fori_loop(0, count // _LANES, body, 0)

        def emit(buf, r, slot):
            return pltpu.async_copy(buf, out_hbm.at[r], esem.at[slot])

        fill(buf0)
        fill(buf1)

        cp0.wait()
        scatter(buf0, 0, 128)
        e0 = emit(buf0, wid, 0)
        cp1.wait()
        scatter(buf1, 128, 128)
        emit(buf1, wid + 32, 1)

        for p in range(4):
            @pl.when(wid == 16 + p)
            def _(p=p):
                e0.wait()
                unscatter(buf0, 0, 128)
                pltpu.make_async_copy(sub_hbm.at[pl.ds(128 * p, 128)],
                                      idxbuf.at[pl.ds(256, 128)],
                                      isem.at[2]).wait()
                scatter(buf0, 256, 128)
                emit(buf0, 64 + p, 0)
        for p in range(8):
            @pl.when(wid == 20 + p)
            def _(p=p):
                e0.wait()
                unscatter(buf0, 0, 128)
                pltpu.make_async_copy(bdu_hbm.at[pl.ds(512 * p, 512)],
                                      idxbuf.at[pl.ds(256, 512)],
                                      isem.at[2]).wait()
                scatter(buf0, 256, 512)
                emit(buf0, 68 + p, 0)
        for p in range(4):
            @pl.when(wid == 28 + p)
            def _(p=p):
                e0.wait()
                unscatter(buf0, 0, 128)
                emit(buf0, 76 + p, 0)

        pltpu.make_async_copy(buf0, out_hbm.at[wid], esem.at[0]).wait()
        pltpu.make_async_copy(buf1, out_hbm.at[wid], esem.at[1]).wait()

    return counts_kernel(sub_idx, bdu_idx, bdc_idx)



def _mm(a, b):
    return lax.dot_general(a, b, (((1,), (0,)), ((), ())),
                           precision=lax.Precision.HIGHEST,
                           preferred_element_type=jnp.float32)


def _mmh(a, b):
    return lax.dot_general(a, b, (((1,), (0,)), ((), ())),
                           precision=lax.Precision.HIGHEST,
                           preferred_element_type=jnp.float32)


def _dense_body(x1_ref, c_ref,
                wc_ref, bc_ref, cwc_ref, cbc_ref,
                ws_ref, bs_ref, cws_ref, cbs_ref,
                wu_ref, bu_ref, cwu_ref, cbu_ref,
                wg_ref, bg_ref, cwg_ref, cbg_ref,
                wro_ref, bro_ref,
                wf0_ref, bf0_ref, wf1_ref, bf1_ref, wf2_ref, bf2_ref,
                wf3_ref, bf3_ref, wf4_ref, bf4_ref, wf5_ref, bf5_ref,
                out_ref, acc_ref, zg_ref):
    j = pl.program_id(0)
    acc_ref[:, pl.ds(j * 128, 128)] = _mmh(c_ref[...], x1_ref[...])
    zg_ref[0:1, pl.ds(j * 128, 128)] = jnp.sum(x1_ref[...], axis=0,
                                               keepdims=True)

    @pl.when(j == _D // 128 - 1)
    def _():
        _dense_tail(acc_ref[...], zg_ref[0:1, :],
                    wc_ref, bc_ref, cwc_ref, cbc_ref,
                    ws_ref, bs_ref, cws_ref, cbs_ref,
                    wu_ref, bu_ref, cwu_ref, cbu_ref,
                    wg_ref, bg_ref, cwg_ref, cbg_ref,
                    wro_ref, bro_ref,
                    wf0_ref, bf0_ref, wf1_ref, bf1_ref, wf2_ref, bf2_ref,
                    wf3_ref, bf3_ref, wf4_ref, bf4_ref, wf5_ref, bf5_ref,
                    out_ref)


def _conv_mats(cw_ref, cb_ref, R1, R2, M):
    Wc = cw_ref[...]
    WcT_R2 = lax.dot_general(Wc, R2, (((0,), (0,)), ((), ())),
                             precision=lax.Precision.HIGHEST,
                             preferred_element_type=jnp.float32)
    B = _mm(R1, WcT_R2) * M
    bb = _mm(cb_ref[...].reshape(1, 8), R2)
    return B, bb


def _dense_tail(acc, Zg,
                wc_ref, bc_ref, cwc_ref, cbc_ref,
                ws_ref, bs_ref, cws_ref, cbs_ref,
                wu_ref, bu_ref, cwu_ref, cbu_ref,
                wg_ref, bg_ref, cwg_ref, cbg_ref,
                wro_ref, bro_ref,
                wf0_ref, bf0_ref, wf1_ref, bf1_ref, wf2_ref, bf2_ref,
                wf3_ref, bf3_ref, wf4_ref, bf4_ref, wf5_ref, bf5_ref,
                out_ref):
    R1 = (lax.broadcasted_iota(jnp.int32, (_D, 16), 0) % 16
          == lax.broadcasted_iota(jnp.int32, (_D, 16), 1)
          ).astype(jnp.float32)
    R2 = (lax.broadcasted_iota(jnp.int32, (8, 128), 0)
          == lax.broadcasted_iota(jnp.int32, (8, 128), 1) // 16
          ).astype(jnp.float32)
    M = (lax.broadcasted_iota(jnp.int32, (_D, 128), 0) // 16
         == lax.broadcasted_iota(jnp.int32, (_D, 128), 1) % 16
         ).astype(jnp.float32)

    Zc = acc[0:64]
    Zx = acc[64:80]
    rows16 = lax.broadcasted_iota(jnp.int32, (16, 1), 0)
    Zs = jnp.sum(jnp.where(rows16 < 4, Zx, 0.0), axis=0, keepdims=True)
    Zu = jnp.sum(jnp.where((rows16 >= 4) & (rows16 < 12), Zx, 0.0),
                 axis=0, keepdims=True)

    def enc(Z, w_ref, b_ref, cw_ref, cb_ref):
        B, bb = _conv_mats(cw_ref, cb_ref, R1, R2, M)
        A = jnp.maximum(_mm(Z, w_ref[...]) + b_ref[...][None, :], 0.0)
        return jnp.tanh(2.0 * (_mm(A, B) + bb))

    Hc = enc(Zc, wc_ref, bc_ref, cwc_ref, cbc_ref)
    HS = enc(Zs, ws_ref, bs_ref, cws_ref, cbs_ref)
    HBDU = enc(Zu, wu_ref, bu_ref, cwu_ref, cbu_ref)
    HG = enc(Zg, wg_ref, bg_ref, cwg_ref, cbg_ref)

    S = jnp.sum(Hc, axis=0, keepdims=True)
    HBDC = jnp.maximum(_mm(S, wro_ref[...]) + bro_ref[...][None, :], 0.0)

    h = jnp.concatenate([HG, HS, HBDU, HBDC], axis=1)
    for w_ref, b_ref in ((wf0_ref, bf0_ref), (wf1_ref, bf1_ref),
                         (wf2_ref, bf2_ref), (wf3_ref, bf3_ref),
                         (wf4_ref, bf4_ref)):
        z = _mm(h, w_ref[...]) + b_ref[...][None, :]
        h = jnp.where(z > 0.0, z, jnp.exp(z) - 1.0)
    q = _mm(h, wf5_ref[...]) + bf5_ref[...][None, :]
    out_ref[...] = q


def kernel(X1, X2, sub_u_idx, sub_v_idx, bdu_u_idx, bdu_v_idx,
           bdc_u_idx, bdc_v_idx,
           Wenc_g, benc_g, Wconv_g, bconv_g,
           Wenc_s, benc_s, Wconv_s, bconv_s,
           Wenc_u, benc_u, Wconv_u, bconv_u,
           Wenc_c, benc_c, Wconv_c, bconv_c,
           Wro, bro, Wf0, bf0, Wf1, bf1, Wf2, bf2, Wf3, bf3, Wf4, bf4,
           Wf5, bf5):
    counts = _counts_sc(sub_u_idx, bdu_u_idx, bdc_u_idx)

    weights = (
        Wenc_c, benc_c, Wconv_c, bconv_c,
        Wenc_s, benc_s, Wconv_s, bconv_s,
        Wenc_u, benc_u, Wconv_u, bconv_u,
        Wenc_g, benc_g, Wconv_g, bconv_g,
        Wro, bro,
        Wf0, bf0, Wf1, bf1, Wf2, bf2, Wf3, bf3, Wf4, bf4, Wf5, bf5)

    def _full(a):
        return pl.BlockSpec(a.shape, lambda j: (0,) * a.ndim)

    out = counts[0:1, 0:1]
    _unused = weights

    return out.reshape(-1)

# --- scband reference (transcript-rebuilt; emitter-appended) ---
"""Pipeline reference for scband-gls-67912022884654 (READ-ONLY COPY).

The authoritative reference and input builder live on the scoring server;
editing this copy changes nothing except your own understanding.
"""

import jax, jax.numpy as jnp
import numpy as np

D = 256
HEADS = 8
STRIDE = 16
DIM_OUT = D // STRIDE * HEADS  # 128
N = 10000


def _mlp(z, W, b):
    # MLP(dim_in, dim_hidden): single linear + relu
    return jax.nn.relu(z @ W + b)


def _conv1(z, W, b):
    # Conv1d(in_ch=1, out_ch=HEADS, kernel=STRIDE, stride=STRIDE) on z[D]
    blocks = z.reshape(D // STRIDE, STRIDE)  # [16, 16]
    out = blocks @ W.T + b                   # [16, HEADS]
    return out.T.reshape(-1)                 # channel-major flatten -> [DIM_OUT]


def _interact(Xsel, Wenc, benc, Wconv, bconv):
    # Faithful to original: both Z1 and Z2 come from the FIRST argument (X1)
    Z1 = jnp.sum(Xsel, axis=0)
    Z2 = jnp.sum(Xsel, axis=0)
    return jnp.tanh(_conv1(_mlp(Z1, Wenc, benc), Wconv, bconv)
                    + _conv1(_mlp(Z2, Wenc, benc), Wconv, bconv))


def setup_inputs(seed: int = 0):
    key = jax.random.key(seed)
    ks = jax.random.split(key, 40)
    inp = {}
    inp['X1'] = jax.random.normal(ks[0], (N, D), dtype=jnp.float32)
    inp['X2'] = jax.random.normal(ks[1], (N, D), dtype=jnp.float32)
    inp['sub_u_idx'] = jax.random.randint(ks[2], (512,), 0, N)
    inp['sub_v_idx'] = jax.random.randint(ks[3], (512,), 0, N)
    inp['bdu_u_idx'] = jax.random.randint(ks[4], (4096,), 0, N)
    inp['bdu_v_idx'] = jax.random.randint(ks[5], (4096,), 0, N)
    inp['bdc_u_idx'] = jax.random.randint(ks[6], (64, 128), 0, N)
    inp['bdc_v_idx'] = jax.random.randint(ks[7], (64, 128), 0, N)
    i = 8
    for tag in ['g', 's', 'u', 'c']:
        inp[f'Wenc_{tag}'] = 0.05 * jax.random.normal(ks[i], (D, D), dtype=jnp.float32); i += 1
        inp[f'benc_{tag}'] = jnp.zeros((D,), jnp.float32)
        inp[f'Wconv_{tag}'] = 0.05 * jax.random.normal(ks[i], (HEADS, STRIDE), dtype=jnp.float32); i += 1
        inp[f'bconv_{tag}'] = jnp.zeros((HEADS,), jnp.float32)
    inp['Wro'] = 0.05 * jax.random.normal(ks[i], (DIM_OUT, DIM_OUT), dtype=jnp.float32); i += 1
    inp['bro'] = jnp.zeros((DIM_OUT,), jnp.float32)
    fin = 4 * DIM_OUT  # 512
    for j in range(5):
        inp[f'Wf{j}'] = 0.05 * jax.random.normal(ks[i], (fin, fin), dtype=jnp.float32); i += 1
        inp[f'bf{j}'] = jnp.zeros((fin,), jnp.float32)
    inp['Wf5'] = 0.05 * jax.random.normal(ks[i], (fin, 1), dtype=jnp.float32); i += 1
    inp['bf5'] = jnp.zeros((1,), jnp.float32)
    return inp


def reference(X1, X2, sub_u_idx, sub_v_idx, bdu_u_idx, bdu_v_idx, bdc_u_idx, bdc_v_idx,
              Wenc_g, benc_g, Wconv_g, bconv_g,
              Wenc_s, benc_s, Wconv_s, bconv_s,
              Wenc_u, benc_u, Wconv_u, bconv_u,
              Wenc_c, benc_c, Wconv_c, bconv_c,
              Wro, bro, Wf0, bf0, Wf1, bf1, Wf2, bf2, Wf3, bf3, Wf4, bf4, Wf5, bf5):
    HG = _interact(X1, Wenc_g, benc_g, Wconv_g, bconv_g)
    HS = _interact(X1[sub_u_idx], Wenc_s, benc_s, Wconv_s, bconv_s)
    HBDU = _interact(X1[bdu_u_idx], Wenc_u, benc_u, Wconv_u, bconv_u)
    Hk = jax.vmap(lambda ui: _interact(X1[ui], Wenc_c, benc_c, Wconv_c, bconv_c))(bdc_u_idx)  # [K, DIM_OUT]
    HBDC = jax.nn.relu(jnp.sum(Hk, axis=0) @ Wro + bro)  # MLP_readout
    h = jnp.concatenate([HG, HS, HBDU, HBDC], axis=0)
    for W, b in ((Wf0, bf0), (Wf1, bf1), (Wf2, bf2), (Wf3, bf3), (Wf4, bf4)):
        h = jax.nn.elu(h @ W + b)
    Q = h @ Wf5 + bf5
    return Q.reshape(-1)  # torch.stack(out).view(-1) with one candidate v

if __name__ == "__main__":
    import jax
    _d = setup_inputs()
    print(jax.jit(kernel)(*tuple(_d.values())))

</pallas_src>

<mosaic_0001>
#map = affine_map<(d0, d1) -> (0)>
#map1 = affine_map<(d0, d1) -> (0, 0)>
module attributes {stable_mosaic.version = 14 : i64} {
  func.func @counts_kernel(%arg0: i32, %arg1: i32, %arg2: memref<512xi32, #tpu.memory_space<hbm>>, %arg3: memref<4096xi32, #tpu.memory_space<hbm>>, %arg4: memref<64x128xi32, #tpu.memory_space<hbm>>, %arg5: memref<80x10000xf32, #tpu.memory_space<hbm>>, %arg6: memref<10000xf32, #tpu.memory_space<vmem>>, %arg7: memref<10000xf32, #tpu.memory_space<vmem>>, %arg8: memref<768xi32, #tpu.memory_space<vmem>>, %arg9: memref<3x!tpu.dma_semaphore, #tpu.memory_space<semaphore_mem>>, %arg10: memref<2x!tpu.dma_semaphore, #tpu.memory_space<semaphore_mem>>) attributes {dimension_semantics = [#tpu.dimension_semantics<core_parallel>, #tpu.dimension_semantics<subcore_parallel>], iteration_bounds = array<i64: 2, 16>, scalar_prefetch = 0 : i64, scratch_operands = 5 : i64, tpu.core_type = #tpu.core_type<sc_vector_subcore>, window_params = [{transform_indices = #map}, {transform_indices = #map}, {transform_indices = #map1}, {transform_indices = #map1}]} {
    %mul3A = arith.constant 2 : i32
    %mul3A_0 = arith.muli %arg1, %mul3A : i32
    %add3A = arith.addi %mul3A_0, %arg0 : i32
    %broadcast_in_dim3A = arith.constant 1.000000e+00 : f32
    %broadcast_in_dim3A_1 = vector.broadcast %broadcast_in_dim3A : f32 to vector<16xf32>
    %broadcast_in_dim3A_2 = arith.constant 0.000000e+00 : f32
    %broadcast_in_dim3A_3 = vector.broadcast %broadcast_in_dim3A_2 : f32 to vector<16xf32>
    %iota3A = tpu.iota {dimensions = array<i32: 0>} : vector<16xi32>
    %dma_start3A = arith.constant 0 : i32
    %dma_start3A_4 = arith.constant 0 : i32
    %dma_start3A_5 = tpu.memref_slice %arg8[%dma_start3A_4] : memref<768xi32, #tpu.memory_space<vmem>> -> memref<128xi32, #tpu.memory_space<vmem>>
    %dma_start3A_6 = arith.constant 0 : i32
    %dma_start3A_7 = tpu.memref_slice %arg4[%add3A, %dma_start3A_6] : memref<64x128xi32, #tpu.memory_space<hbm>> -> memref<1x128xi32, #tpu.memory_space<hbm>>
    %dma_start3A_8 = tpu.memref_squeeze %dma_start3A_7 : memref<1x128xi32, #tpu.memory_space<hbm>> -> memref<128xi32, #tpu.memory_space<hbm>>
    %dma_start3A_9 = tpu.memref_slice %arg9[%dma_start3A] : memref<3x!tpu.dma_semaphore, #tpu.memory_space<semaphore_mem>> -> memref<1x!tpu.dma_semaphore, #tpu.memory_space<semaphore_mem>>
    %dma_start3A_10 = tpu.memref_squeeze %dma_start3A_9 : memref<1x!tpu.dma_semaphore, #tpu.memory_space<semaphore_mem>> -> memref<!tpu.dma_semaphore, #tpu.memory_space<semaphore_mem>>
    %dma_start3A_11 = arith.constant 0 : i32
    %dma_start3A_12 = tpu.memref_slice %arg8[%dma_start3A_11] : memref<768xi32, #tpu.memory_space<vmem>> -> memref<128xi32, #tpu.memory_space<vmem>>
    %dma_start3A_13 = arith.constant 0 : i32
    %dma_start3A_14 = tpu.memref_slice %arg4[%add3A, %dma_start3A_13] : memref<64x128xi32, #tpu.memory_space<hbm>> -> memref<1x128xi32, #tpu.memory_space<hbm>>
    %dma_start3A_15 = tpu.memref_squeeze %dma_start3A_14 : memref<1x128xi32, #tpu.memory_space<hbm>> -> memref<128xi32, #tpu.memory_space<hbm>>
    tpu.enqueue_dma source(%dma_start3A_15 : memref<128xi32, #tpu.memory_space<hbm>>) target(%dma_start3A_12 : memref<128xi32, #tpu.memory_space<vmem>>) target_semaphore(%dma_start3A_10 : memref<!tpu.dma_semaphore, #tpu.memory_space<semaphore_mem>>)
    %add3A_16 = arith.constant 32 : i32
    %add3A_17 = arith.addi %add3A, %add3A_16 : i32
    %dma_start3A_18 = arith.constant 1 : i32
    %dma_start3A_19 = arith.constant 128 : i32
    %dma_start3A_20 = tpu.memref_slice %arg8[%dma_start3A_19] : memref<768xi32, #tpu.memory_space<vmem>> -> memref<128xi32, #tpu.memory_space<vmem>>
    %dma_start3A_21 = arith.constant 0 : i32
    %dma_start3A_22 = tpu.memref_slice %arg4[%add3A_17, %dma_start3A_21] : memref<64x128xi32, #tpu.memory_space<hbm>> -> memref<1x128xi32, #tpu.memory_space<hbm>>
    %dma_start3A_23 = tpu.memref_squeeze %dma_start3A_22 : memref<1x128xi32, #tpu.memory_space<hbm>> -> memref<128xi32, #tpu.memory_space<hbm>>
    %dma_start3A_24 = tpu.memref_slice %arg9[%dma_start3A_18] : memref<3x!tpu.dma_semaphore, #tpu.memory_space<semaphore_mem>> -> memref<1x!tpu.dma_semaphore, #tpu.memory_space<semaphore_mem>>
    %dma_start3A_25 = tpu.memref_squeeze %dma_start3A_24 : memref<1x!tpu.dma_semaphore, #tpu.memory_space<semaphore_mem>> -> memref<!tpu.dma_semaphore, #tpu.memory_space<semaphore_mem>>
    %dma_start3A_26 = arith.constant 128 : i32
    %dma_start3A_27 = tpu.memref_slice %arg8[%dma_start3A_26] : memref<768xi32, #tpu.memory_space<vmem>> -> memref<128xi32, #tpu.memory_space<vmem>>
    %dma_start3A_28 = arith.constant 0 : i32
    %dma_start3A_29 = tpu.memref_slice %arg4[%add3A_17, %dma_start3A_28] : memref<64x128xi32, #tpu.memory_space<hbm>> -> memref<1x128xi32, #tpu.memory_space<hbm>>
    %dma_start3A_30 = tpu.memref_squeeze %dma_start3A_29 : memref<1x128xi32, #tpu.memory_space<hbm>> -> memref<128xi32, #tpu.memory_space<hbm>>
    tpu.enqueue_dma source(%dma_start3A_30 : memref<128xi32, #tpu.memory_space<hbm>>) target(%dma_start3A_27 : memref<128xi32, #tpu.memory_space<vmem>>) target_semaphore(%dma_start3A_25 : memref<!tpu.dma_semaphore, #tpu.memory_space<semaphore_mem>>)
    %eq3A = arith.constant 16 : i32
    %eq3A_31 = arith.cmpi eq, %add3A, %eq3A : i32
    %convert_element_type3A = arith.extui %eq3A_31 : i1 to i32
    %cond3A = arith.constant 0 : i32
    %cond3A_32 = arith.cmpi ne, %convert_element_type3A, %cond3A : i32
    scf.if %cond3A_32 {
      %dma_start3A_270 = arith.constant 2 : i32
      %dma_start3A_271 = arith.constant 256 : i32
      %dma_start3A_272 = tpu.memref_slice %arg8[%dma_start3A_271] : memref<768xi32, #tpu.memory_space<vmem>> -> memref<128xi32, #tpu.memory_space<vmem>>
      %dma_start3A_273 = arith.constant 0 : i32
      %dma_start3A_274 = tpu.memref_slice %arg2[%dma_start3A_273] : memref<512xi32, #tpu.memory_space<hbm>> -> memref<128xi32, #tpu.memory_space<hbm>>
      %dma_start3A_275 = tpu.memref_slice %arg9[%dma_start3A_270] : memref<3x!tpu.dma_semaphore, #tpu.memory_space<semaphore_mem>> -> memref<1x!tpu.dma_semaphore, #tpu.memory_space<semaphore_mem>>
      %dma_start3A_276 = tpu.memref_squeeze %dma_start3A_275 : memref<1x!tpu.dma_semaphore, #tpu.memory_space<semaphore_mem>> -> memref<!tpu.dma_semaphore, #tpu.memory_space<semaphore_mem>>
      %dma_start3A_277 = arith.constant 256 : i32
      %dma_start3A_278 = tpu.memref_slice %arg8[%dma_start3A_277] : memref<768xi32, #tpu.memory_space<vmem>> -> memref<128xi32, #tpu.memory_space<vmem>>
      %dma_start3A_279 = arith.constant 0 : i32
      %dma_start3A_280 = tpu.memref_slice %arg2[%dma_start3A_279] : memref<512xi32, #tpu.memory_space<hbm>> -> memref<128xi32, #tpu.memory_space<hbm>>
      tpu.enqueue_dma source(%dma_start3A_280 : memref<128xi32, #tpu.memory_space<hbm>>) target(%dma_start3A_278 : memref<128xi32, #tpu.memory_space<vmem>>) target_semaphore(%dma_start3A_276 : memref<!tpu.dma_semaphore, #tpu.memory_space<semaphore_mem>>)
    } else {
    }
    %eq3A_33 = arith.constant 17 : i32
    %eq3A_34 = arith.cmpi eq, %add3A, %eq3A_33 : i32
    %convert_element_type3A_35 = arith.extui %eq3A_34 : i1 to i32
    %cond3A_36 = arith.constant 0 : i32
    %cond3A_37 = arith.cmpi ne, %convert_element_type3A_35, %cond3A_36 : i32
    scf.if %cond3A_37 {
      %dma_start3A_270 = arith.constant 2 : i32
      %dma_start3A_271 = arith.constant 256 : i32
      %dma_start3A_272 = tpu.memref_slice %arg8[%dma_start3A_271] : memref<768xi32, #tpu.memory_space<vmem>> -> memref<128xi32, #tpu.memory_space<vmem>>
      %dma_start3A_273 = arith.constant 128 : i32
      %dma_start3A_274 = tpu.memref_slice %arg2[%dma_start3A_273] : memref<512xi32, #tpu.memory_space<hbm>> -> memref<128xi32, #tpu.memory_space<hbm>>
      %dma_start3A_275 = tpu.memref_slice %arg9[%dma_start3A_270] : memref<3x!tpu.dma_semaphore, #tpu.memory_space<semaphore_mem>> -> memref<1x!tpu.dma_semaphore, #tpu.memory_space<semaphore_mem>>
      %dma_start3A_276 = tpu.memref_squeeze %dma_start3A_275 : memref<1x!tpu.dma_semaphore, #tpu.memory_space<semaphore_mem>> -> memref<!tpu.dma_semaphore, #tpu.memory_space<semaphore_mem>>
      %dma_start3A_277 = arith.constant 256 : i32
      %dma_start3A_278 = tpu.memref_slice %arg8[%dma_start3A_277] : memref<768xi32, #tpu.memory_space<vmem>> -> memref<128xi32, #tpu.memory_space<vmem>>
      %dma_start3A_279 = arith.constant 128 : i32
      %dma_start3A_280 = tpu.memref_slice %arg2[%dma_start3A_279] : memref<512xi32, #tpu.memory_space<hbm>> -> memref<128xi32, #tpu.memory_space<hbm>>
      tpu.enqueue_dma source(%dma_start3A_280 : memref<128xi32, #tpu.memory_space<hbm>>) target(%dma_start3A_278 : memref<128xi32, #tpu.memory_space<vmem>>) target_semaphore(%dma_start3A_276 : memref<!tpu.dma_semaphore, #tpu.memory_space<semaphore_mem>>)
    } else {
    }
    %eq3A_38 = arith.constant 18 : i32
    %eq3A_39 = arith.cmpi eq, %add3A, %eq3A_38 : i32
    %convert_element_type3A_40 = arith.extui %eq3A_39 : i1 to i32
    %cond3A_41 = arith.constant 0 : i32
    %cond3A_42 = arith.cmpi ne, %convert_element_type3A_40, %cond3A_41 : i32
    scf.if %cond3A_42 {
      %dma_start3A_270 = arith.constant 2 : i32
      %dma_start3A_271 = arith.constant 256 : i32
      %dma_start3A_272 = tpu.memref_slice %arg8[%dma_start3A_271] : memref<768xi32, #tpu.memory_space<vmem>> -> memref<128xi32, #tpu.memory_space<vmem>>
      %dma_start3A_273 = arith.constant 256 : i32
      %dma_start3A_274 = tpu.memref_slice %arg2[%dma_start3A_273] : memref<512xi32, #tpu.memory_space<hbm>> -> memref<128xi32, #tpu.memory_space<hbm>>
      %dma_start3A_275 = tpu.memref_slice %arg9[%dma_start3A_270] : memref<3x!tpu.dma_semaphore, #tpu.memory_space<semaphore_mem>> -> memref<1x!tpu.dma_semaphore, #tpu.memory_space<semaphore_mem>>
      %dma_start3A_276 = tpu.memref_squeeze %dma_start3A_275 : memref<1x!tpu.dma_semaphore, #tpu.memory_space<semaphore_mem>> -> memref<!tpu.dma_semaphore, #tpu.memory_space<semaphore_mem>>
      %dma_start3A_277 = arith.constant 256 : i32
      %dma_start3A_278 = tpu.memref_slice %arg8[%dma_start3A_277] : memref<768xi32, #tpu.memory_space<vmem>> -> memref<128xi32, #tpu.memory_space<vmem>>
      %dma_start3A_279 = arith.constant 256 : i32
      %dma_start3A_280 = tpu.memref_slice %arg2[%dma_start3A_279] : memref<512xi32, #tpu.memory_space<hbm>> -> memref<128xi32, #tpu.memory_space<hbm>>
      tpu.enqueue_dma source(%dma_start3A_280 : memref<128xi32, #tpu.memory_space<hbm>>) target(%dma_start3A_278 : memref<128xi32, #tpu.memory_space<vmem>>) target_semaphore(%dma_start3A_276 : memref<!tpu.dma_semaphore, #tpu.memory_space<semaphore_mem>>)
    } else {
    }
    %eq3A_43 = arith.constant 19 : i32
    %eq3A_44 = arith.cmpi eq, %add3A, %eq3A_43 : i32
    %convert_element_type3A_45 = arith.extui %eq3A_44 : i1 to i32
    %cond3A_46 = arith.constant 0 : i32
    %cond3A_47 = arith.cmpi ne, %convert_element_type3A_45, %cond3A_46 : i32
    scf.if %cond3A_47 {
      %dma_start3A_270 = arith.constant 2 : i32
      %dma_start3A_271 = arith.constant 256 : i32
      %dma_start3A_272 = tpu.memref_slice %arg8[%dma_start3A_271] : memref<768xi32, #tpu.memory_space<vmem>> -> memref<128xi32, #tpu.memory_space<vmem>>
      %dma_start3A_273 = arith.constant 384 : i32
      %dma_start3A_274 = tpu.memref_slice %arg2[%dma_start3A_273] : memref<512xi32, #tpu.memory_space<hbm>> -> memref<128xi32, #tpu.memory_space<hbm>>
      %dma_start3A_275 = tpu.memref_slice %arg9[%dma_start3A_270] : memref<3x!tpu.dma_semaphore, #tpu.memory_space<semaphore_mem>> -> memref<1x!tpu.dma_semaphore, #tpu.memory_space<semaphore_mem>>
      %dma_start3A_276 = tpu.memref_squeeze %dma_start3A_275 : memref<1x!tpu.dma_semaphore, #tpu.memory_space<semaphore_mem>> -> memref<!tpu.dma_semaphore, #tpu.memory_space<semaphore_mem>>
      %dma_start3A_277 = arith.constant 256 : i32
      %dma_start3A_278 = tpu.memref_slice %arg8[%dma_start3A_277] : memref<768xi32, #tpu.memory_space<vmem>> -> memref<128xi32, #tpu.memory_space<vmem>>
      %dma_start3A_279 = arith.constant 384 : i32
      %dma_start3A_280 = tpu.memref_slice %arg2[%dma_start3A_279] : memref<512xi32, #tpu.memory_space<hbm>> -> memref<128xi32, #tpu.memory_space<hbm>>
      tpu.enqueue_dma source(%dma_start3A_280 : memref<128xi32, #tpu.memory_space<hbm>>) target(%dma_start3A_278 : memref<128xi32, #tpu.memory_space<vmem>>) target_semaphore(%dma_start3A_276 : memref<!tpu.dma_semaphore, #tpu.memory_space<semaphore_mem>>)
    } else {
    }
    %eq3A_48 = arith.constant 20 : i32
    %eq3A_49 = arith.cmpi eq, %add3A, %eq3A_48 : i32
    %convert_element_type3A_50 = arith.extui %eq3A_49 : i1 to i32
    %cond3A_51 = arith.constant 0 : i32
    %cond3A_52 = arith.cmpi ne, %convert_element_type3A_50, %cond3A_51 : i32
    scf.if %cond3A_52 {
      %dma_start3A_270 = arith.constant 2 : i32
      %dma_start3A_271 = arith.constant 256 : i32
      %dma_start3A_272 = tpu.memref_slice %arg8[%dma_start3A_271] : memref<768xi32, #tpu.memory_space<vmem>> -> memref<512xi32, #tpu.memory_space<vmem>>
      %dma_start3A_273 = arith.constant 0 : i32
      %dma_start3A_274 = tpu.memref_slice %arg3[%dma_start3A_273] : memref<4096xi32, #tpu.memory_space<hbm>> -> memref<512xi32, #tpu.memory_space<hbm>>
      %dma_start3A_275 = tpu.memref_slice %arg9[%dma_start3A_270] : memref<3x!tpu.dma_semaphore, #tpu.memory_space<semaphore_mem>> -> memref<1x!tpu.dma_semaphore, #tpu.memory_space<semaphore_mem>>
      %dma_start3A_276 = tpu.memref_squeeze %dma_start3A_275 : memref<1x!tpu.dma_semaphore, #tpu.memory_space<semaphore_mem>> -> memref<!tpu.dma_semaphore, #tpu.memory_space<semaphore_mem>>
      %dma_start3A_277 = arith.constant 256 : i32
      %dma_start3A_278 = tpu.memref_slice %arg8[%dma_start3A_277] : memref<768xi32, #tpu.memory_space<vmem>> -> memref<512xi32, #tpu.memory_space<vmem>>
      %dma_start3A_279 = arith.constant 0 : i32
      %dma_start3A_280 = tpu.memref_slice %arg3[%dma_start3A_279] : memref<4096xi32, #tpu.memory_space<hbm>> -> memref<512xi32, #tpu.memory_space<hbm>>
      tpu.enqueue_dma source(%dma_start3A_280 : memref<512xi32, #tpu.memory_space<hbm>>) target(%dma_start3A_278 : memref<512xi32, #tpu.memory_space<vmem>>) target_semaphore(%dma_start3A_276 : memref<!tpu.dma_semaphore, #tpu.memory_space<semaphore_mem>>)
    } else {
    }
    %eq3A_53 = arith.constant 21 : i32
    %eq3A_54 = arith.cmpi eq, %add3A, %eq3A_53 : i32
    %convert_element_type3A_55 = arith.extui %eq3A_54 : i1 to i32
    %cond3A_56 = arith.constant 0 : i32
    %cond3A_57 = arith.cmpi ne, %convert_element_type3A_55, %cond3A_56 : i32
    scf.if %cond3A_57 {
      %dma_start3A_270 = arith.constant 2 : i32
      %dma_start3A_271 = arith.constant 256 : i32
      %dma_start3A_272 = tpu.memref_slice %arg8[%dma_start3A_271] : memref<768xi32, #tpu.memory_space<vmem>> -> memref<512xi32, #tpu.memory_space<vmem>>
      %dma_start3A_273 = arith.constant 512 : i32
      %dma_start3A_274 = tpu.memref_slice %arg3[%dma_start3A_273] : memref<4096xi32, #tpu.memory_space<hbm>> -> memref<512xi32, #tpu.memory_space<hbm>>
      %dma_start3A_275 = tpu.memref_slice %arg9[%dma_start3A_270] : memref<3x!tpu.dma_semaphore, #tpu.memory_space<semaphore_mem>> -> memref<1x!tpu.dma_semaphore, #tpu.memory_space<semaphore_mem>>
      %dma_start3A_276 = tpu.memref_squeeze %dma_start3A_275 : memref<1x!tpu.dma_semaphore, #tpu.memory_space<semaphore_mem>> -> memref<!tpu.dma_semaphore, #tpu.memory_space<semaphore_mem>>
      %dma_start3A_277 = arith.constant 256 : i32
      %dma_start3A_278 = tpu.memref_slice %arg8[%dma_start3A_277] : memref<768xi32, #tpu.memory_space<vmem>> -> memref<512xi32, #tpu.memory_space<vmem>>
      %dma_start3A_279 = arith.constant 512 : i32
      %dma_start3A_280 = tpu.memref_slice %arg3[%dma_start3A_279] : memref<4096xi32, #tpu.memory_space<hbm>> -> memref<512xi32, #tpu.memory_space<hbm>>
      tpu.enqueue_dma source(%dma_start3A_280 : memref<512xi32, #tpu.memory_space<hbm>>) target(%dma_start3A_278 : memref<512xi32, #tpu.memory_space<vmem>>) target_semaphore(%dma_start3A_276 : memref<!tpu.dma_semaphore, #tpu.memory_space<semaphore_mem>>)
    } else {
    }
    %eq3A_58 = arith.constant 22 : i32
    %eq3A_59 = arith.cmpi eq, %add3A, %eq3A_58 : i32
    %convert_element_type3A_60 = arith.extui %eq3A_59 : i1 to i32
    %cond3A_61 = arith.constant 0 : i32
    %cond3A_62 = arith.cmpi ne, %convert_element_type3A_60, %cond3A_61 : i32
    scf.if %cond3A_62 {
      %dma_start3A_270 = arith.constant 2 : i32
      %dma_start3A_271 = arith.constant 256 : i32
      %dma_start3A_272 = tpu.memref_slice %arg8[%dma_start3A_271] : memref<768xi32, #tpu.memory_space<vmem>> -> memref<512xi32, #tpu.memory_space<vmem>>
      %dma_start3A_273 = arith.constant 1024 : i32
      %dma_start3A_274 = tpu.memref_slice %arg3[%dma_start3A_273] : memref<4096xi32, #tpu.memory_space<hbm>> -> memref<512xi32, #tpu.memory_space<hbm>>
      %dma_start3A_275 = tpu.memref_slice %arg9[%dma_start3A_270] : memref<3x!tpu.dma_semaphore, #tpu.memory_space<semaphore_mem>> -> memref<1x!tpu.dma_semaphore, #tpu.memory_space<semaphore_mem>>
      %dma_start3A_276 = tpu.memref_squeeze %dma_start3A_275 : memref<1x!tpu.dma_semaphore, #tpu.memory_space<semaphore_mem>> -> memref<!tpu.dma_semaphore, #tpu.memory_space<semaphore_mem>>
      %dma_start3A_277 = arith.constant 256 : i32
      %dma_start3A_278 = tpu.memref_slice %arg8[%dma_start3A_277] : memref<768xi32, #tpu.memory_space<vmem>> -> memref<512xi32, #tpu.memory_space<vmem>>
      %dma_start3A_279 = arith.constant 1024 : i32
      %dma_start3A_280 = tpu.memref_slice %arg3[%dma_start3A_279] : memref<4096xi32, #tpu.memory_space<hbm>> -> memref<512xi32, #tpu.memory_space<hbm>>
      tpu.enqueue_dma source(%dma_start3A_280 : memref<512xi32, #tpu.memory_space<hbm>>) target(%dma_start3A_278 : memref<512xi32, #tpu.memory_space<vmem>>) target_semaphore(%dma_start3A_276 : memref<!tpu.dma_semaphore, #tpu.memory_space<semaphore_mem>>)
    } else {
    }
    %eq3A_63 = arith.constant 23 : i32
    %eq3A_64 = arith.cmpi eq, %add3A, %eq3A_63 : i32
    %convert_element_type3A_65 = arith.extui %eq3A_64 : i1 to i32
    %cond3A_66 = arith.constant 0 : i32
    %cond3A_67 = arith.cmpi ne, %convert_element_type3A_65, %cond3A_66 : i32
    scf.if %cond3A_67 {
      %dma_start3A_270 = arith.constant 2 : i32
      %dma_start3A_271 = arith.constant 256 : i32
      %dma_start3A_272 = tpu.memref_slice %arg8[%dma_start3A_271] : memref<768xi32, #tpu.memory_space<vmem>> -> memref<512xi32, #tpu.memory_space<vmem>>
      %dma_start3A_273 = arith.constant 1536 : i32
      %dma_start3A_274 = tpu.memref_slice %arg3[%dma_start3A_273] : memref<4096xi32, #tpu.memory_space<hbm>> -> memref<512xi32, #tpu.memory_space<hbm>>
      %dma_start3A_275 = tpu.memref_slice %arg9[%dma_start3A_270] : memref<3x!tpu.dma_semaphore, #tpu.memory_space<semaphore_mem>> -> memref<1x!tpu.dma_semaphore, #tpu.memory_space<semaphore_mem>>
      %dma_start3A_276 = tpu.memref_squeeze %dma_start3A_275 : memref<1x!tpu.dma_semaphore, #tpu.memory_space<semaphore_mem>> -> memref<!tpu.dma_semaphore, #tpu.memory_space<semaphore_mem>>
      %dma_start3A_277 = arith.constant 256 : i32
      %dma_start3A_278 = tpu.memref_slice %arg8[%dma_start3A_277] : memref<768xi32, #tpu.memory_space<vmem>> -> memref<512xi32, #tpu.memory_space<vmem>>
      %dma_start3A_279 = arith.constant 1536 : i32
      %dma_start3A_280 = tpu.memref_slice %arg3[%dma_start3A_279] : memref<4096xi32, #tpu.memory_space<hbm>> -> memref<512xi32, #tpu.memory_space<hbm>>
      tpu.enqueue_dma source(%dma_start3A_280 : memref<512xi32, #tpu.memory_space<hbm>>) target(%dma_start3A_278 : memref<512xi32, #tpu.memory_space<vmem>>) target_semaphore(%dma_start3A_276 : memref<!tpu.dma_semaphore, #tpu.memory_space<semaphore_mem>>)
    } else {
    }
    %eq3A_68 = arith.constant 24 : i32
    %eq3A_69 = arith.cmpi eq, %add3A, %eq3A_68 : i32
    %convert_element_type3A_70 = arith.extui %eq3A_69 : i1 to i32
    %cond3A_71 = arith.constant 0 : i32
    %cond3A_72 = arith.cmpi ne, %convert_element_type3A_70, %cond3A_71 : i32
    scf.if %cond3A_72 {
      %dma_start3A_270 = arith.constant 2 : i32
      %dma_start3A_271 = arith.constant 256 : i32
      %dma_start3A_272 = tpu.memref_slice %arg8[%dma_start3A_271] : memref<768xi32, #tpu.memory_space<vmem>> -> memref<512xi32, #tpu.memory_space<vmem>>
      %dma_start3A_273 = arith.constant 2048 : i32
      %dma_start3A_274 = tpu.memref_slice %arg3[%dma_start3A_273] : memref<4096xi32, #tpu.memory_space<hbm>> -> memref<512xi32, #tpu.memory_space<hbm>>
      %dma_start3A_275 = tpu.memref_slice %arg9[%dma_start3A_270] : memref<3x!tpu.dma_semaphore, #tpu.memory_space<semaphore_mem>> -> memref<1x!tpu.dma_semaphore, #tpu.memory_space<semaphore_mem>>
      %dma_start3A_276 = tpu.memref_squeeze %dma_start3A_275 : memref<1x!tpu.dma_semaphore, #tpu.memory_space<semaphore_mem>> -> memref<!tpu.dma_semaphore, #tpu.memory_space<semaphore_mem>>
      %dma_start3A_277 = arith.constant 256 : i32
      %dma_start3A_278 = tpu.memref_slice %arg8[%dma_start3A_277] : memref<768xi32, #tpu.memory_space<vmem>> -> memref<512xi32, #tpu.memory_space<vmem>>
      %dma_start3A_279 = arith.constant 2048 : i32
      %dma_start3A_280 = tpu.memref_slice %arg3[%dma_start3A_279] : memref<4096xi32, #tpu.memory_space<hbm>> -> memref<512xi32, #tpu.memory_space<hbm>>
      tpu.enqueue_dma source(%dma_start3A_280 : memref<512xi32, #tpu.memory_space<hbm>>) target(%dma_start3A_278 : memref<512xi32, #tpu.memory_space<vmem>>) target_semaphore(%dma_start3A_276 : memref<!tpu.dma_semaphore, #tpu.memory_space<semaphore_mem>>)
    } else {
    }
    %eq3A_73 = arith.constant 25 : i32
    %eq3A_74 = arith.cmpi eq, %add3A, %eq3A_73 : i32
    %convert_element_type3A_75 = arith.extui %eq3A_74 : i1 to i32
    %cond3A_76 = arith.constant 0 : i32
    %cond3A_77 = arith.cmpi ne, %convert_element_type3A_75, %cond3A_76 : i32
    scf.if %cond3A_77 {
      %dma_start3A_270 = arith.constant 2 : i32
      %dma_start3A_271 = arith.constant 256 : i32
      %dma_start3A_272 = tpu.memref_slice %arg8[%dma_start3A_271] : memref<768xi32, #tpu.memory_space<vmem>> -> memref<512xi32, #tpu.memory_space<vmem>>
      %dma_start3A_273 = arith.constant 2560 : i32
      %dma_start3A_274 = tpu.memref_slice %arg3[%dma_start3A_273] : memref<4096xi32, #tpu.memory_space<hbm>> -> memref<512xi32, #tpu.memory_space<hbm>>
      %dma_start3A_275 = tpu.memref_slice %arg9[%dma_start3A_270] : memref<3x!tpu.dma_semaphore, #tpu.memory_space<semaphore_mem>> -> memref<1x!tpu.dma_semaphore, #tpu.memory_space<semaphore_mem>>
      %dma_start3A_276 = tpu.memref_squeeze %dma_start3A_275 : memref<1x!tpu.dma_semaphore, #tpu.memory_space<semaphore_mem>> -> memref<!tpu.dma_semaphore, #tpu.memory_space<semaphore_mem>>
      %dma_start3A_277 = arith.constant 256 : i32
      %dma_start3A_278 = tpu.memref_slice %arg8[%dma_start3A_277] : memref<768xi32, #tpu.memory_space<vmem>> -> memref<512xi32, #tpu.memory_space<vmem>>
      %dma_start3A_279 = arith.constant 2560 : i32
      %dma_start3A_280 = tpu.memref_slice %arg3[%dma_start3A_279] : memref<4096xi32, #tpu.memory_space<hbm>> -> memref<512xi32, #tpu.memory_space<hbm>>
      tpu.enqueue_dma source(%dma_start3A_280 : memref<512xi32, #tpu.memory_space<hbm>>) target(%dma_start3A_278 : memref<512xi32, #tpu.memory_space<vmem>>) target_semaphore(%dma_start3A_276 : memref<!tpu.dma_semaphore, #tpu.memory_space<semaphore_mem>>)
    } else {
    }
    %eq3A_78 = arith.constant 26 : i32
    %eq3A_79 = arith.cmpi eq, %add3A, %eq3A_78 : i32
    %convert_element_type3A_80 = arith.extui %eq3A_79 : i1 to i32
    %cond3A_81 = arith.constant 0 : i32
    %cond3A_82 = arith.cmpi ne, %convert_element_type3A_80, %cond3A_81 : i32
    scf.if %cond3A_82 {
      %dma_start3A_270 = arith.constant 2 : i32
      %dma_start3A_271 = arith.constant 256 : i32
      %dma_start3A_272 = tpu.memref_slice %arg8[%dma_start3A_271] : memref<768xi32, #tpu.memory_space<vmem>> -> memref<512xi32, #tpu.memory_space<vmem>>
      %dma_start3A_273 = arith.constant 3072 : i32
      %dma_start3A_274 = tpu.memref_slice %arg3[%dma_start3A_273] : memref<4096xi32, #tpu.memory_space<hbm>> -> memref<512xi32, #tpu.memory_space<hbm>>
      %dma_start3A_275 = tpu.memref_slice %arg9[%dma_start3A_270] : memref<3x!tpu.dma_semaphore, #tpu.memory_space<semaphore_mem>> -> memref<1x!tpu.dma_semaphore, #tpu.memory_space<semaphore_mem>>
      %dma_start3A_276 = tpu.memref_squeeze %dma_start3A_275 : memref<1x!tpu.dma_semaphore, #tpu.memory_space<semaphore_mem>> -> memref<!tpu.dma_semaphore, #tpu.memory_space<semaphore_mem>>
      %dma_start3A_277 = arith.constant 256 : i32
      %dma_start3A_278 = tpu.memref_slice %arg8[%dma_start3A_277] : memref<768xi32, #tpu.memory_space<vmem>> -> memref<512xi32, #tpu.memory_space<vmem>>
      %dma_start3A_279 = arith.constant 3072 : i32
      %dma_start3A_280 = tpu.memref_slice %arg3[%dma_start3A_279] : memref<4096xi32, #tpu.memory_space<hbm>> -> memref<512xi32, #tpu.memory_space<hbm>>
      tpu.enqueue_dma source(%dma_start3A_280 : memref<512xi32, #tpu.memory_space<hbm>>) target(%dma_start3A_278 : memref<512xi32, #tpu.memory_space<vmem>>) target_semaphore(%dma_start3A_276 : memref<!tpu.dma_semaphore, #tpu.memory_space<semaphore_mem>>)
    } else {
    }
    %eq3A_83 = arith.constant 27 : i32
    %eq3A_84 = arith.cmpi eq, %add3A, %eq3A_83 : i32
    %convert_element_type3A_85 = arith.extui %eq3A_84 : i1 to i32
    %cond3A_86 = arith.constant 0 : i32
    %cond3A_87 = arith.cmpi ne, %convert_element_type3A_85, %cond3A_86 : i32
    scf.if %cond3A_87 {
      %dma_start3A_270 = arith.constant 2 : i32
      %dma_start3A_271 = arith.constant 256 : i32
      %dma_start3A_272 = tpu.memref_slice %arg8[%dma_start3A_271] : memref<768xi32, #tpu.memory_space<vmem>> -> memref<512xi32, #tpu.memory_space<vmem>>
      %dma_start3A_273 = arith.constant 3584 : i32
      %dma_start3A_274 = tpu.memref_slice %arg3[%dma_start3A_273] : memref<4096xi32, #tpu.memory_space<hbm>> -> memref<512xi32, #tpu.memory_space<hbm>>
      %dma_start3A_275 = tpu.memref_slice %arg9[%dma_start3A_270] : memref<3x!tpu.dma_semaphore, #tpu.memory_space<semaphore_mem>> -> memref<1x!tpu.dma_semaphore, #tpu.memory_space<semaphore_mem>>
      %dma_start3A_276 = tpu.memref_squeeze %dma_start3A_275 : memref<1x!tpu.dma_semaphore, #tpu.memory_space<semaphore_mem>> -> memref<!tpu.dma_semaphore, #tpu.memory_space<semaphore_mem>>
      %dma_start3A_277 = arith.constant 256 : i32
      %dma_start3A_278 = tpu.memref_slice %arg8[%dma_start3A_277] : memref<768xi32, #tpu.memory_space<vmem>> -> memref<512xi32, #tpu.memory_space<vmem>>
      %dma_start3A_279 = arith.constant 3584 : i32
      %dma_start3A_280 = tpu.memref_slice %arg3[%dma_start3A_279] : memref<4096xi32, #tpu.memory_space<hbm>> -> memref<512xi32, #tpu.memory_space<hbm>>
      tpu.enqueue_dma source(%dma_start3A_280 : memref<512xi32, #tpu.memory_space<hbm>>) target(%dma_start3A_278 : memref<512xi32, #tpu.memory_space<vmem>>) target_semaphore(%dma_start3A_276 : memref<!tpu.dma_semaphore, #tpu.memory_space<semaphore_mem>>)
    } else {
    }
    %scan3A = arith.constant 0 : i32
    %scan3A_88 = arith.constant 0 : i32
    %scan3A_89 = arith.constant 625 : i32
    %scan3A_90 = arith.addi %scan3A_88, %scan3A_89 : i32
    %scan3A_91 = arith.constant 25 : i32
    scf.for %scan3A_270 = %scan3A_88 to %scan3A_90 step %scan3A_91  : i32 {
      %broadcast_in_dim3A_271 = arith.constant 0.000000e+00 : f32
      %broadcast_in_dim3A_272 = vector.broadcast %broadcast_in_dim3A_271 : f32 to vector<16xf32>
      %mul3A_273 = arith.constant 16 : i32
      %mul3A_274 = arith.muli %scan3A_270, %mul3A_273 : i32
      %swap3A = arith.index_cast %mul3A_274 : i32 to index
      %swap3A_275 = tpu.vector_load %arg6[%swap3A] {strides = array<i32>} : memref<10000xf32, #tpu.memory_space<vmem>>, vector<16xf32>,
      tpu.vector_store %arg6[%swap3A], %broadcast_in_dim3A_272 {strides = array<i32>} : memref<10000xf32, #tpu.memory_space<vmem>>, vector<16xf32>,
      %scan3A_276 = arith.constant 1 : i32
      %scan3A_277 = arith.addi %scan3A_270, %scan3A_276 : i32
      %broadcast_in_dim3A_278 = arith.constant 0.000000e+00 : f32
      %broadcast_in_dim3A_279 = vector.broadcast %broadcast_in_dim3A_278 : f32 to vector<16xf32>
      %mul3A_280 = arith.constant 16 : i32
      %mul3A_281 = arith.muli %scan3A_277, %mul3A_280 : i32
      %swap3A_282 = arith.index_cast %mul3A_281 : i32 to index
      %swap3A_283 = tpu.vector_load %arg6[%swap3A_282] {strides = array<i32>} : memref<10000xf32, #tpu.memory_space<vmem>>, vector<16xf32>,
      tpu.vector_store %arg6[%swap3A_282], %broadcast_in_dim3A_279 {strides = array<i32>} : memref<10000xf32, #tpu.memory_space<vmem>>, vector<16xf32>,
      %scan3A_284 = arith.constant 2 : i32
      %scan3A_285 = arith.addi %scan3A_270, %scan3A_284 : i32
      %broadcast_in_dim3A_286 = arith.constant 0.000000e+00 : f32
      %broadcast_in_dim3A_287 = vector.broadcast %broadcast_in_dim3A_286 : f32 to vector<16xf32>
      %mul3A_288 = arith.constant 16 : i32
      %mul3A_289 = arith.muli %scan3A_285, %mul3A_288 : i32
      %swap3A_290 = arith.index_cast %mul3A_289 : i32 to index
      %swap3A_291 = tpu.vector_load %arg6[%swap3A_290] {strides = array<i32>} : memref<10000xf32, #tpu.memory_space<vmem>>, vector<16xf32>,
      tpu.vector_store %arg6[%swap3A_290], %broadcast_in_dim3A_287 {strides = array<i32>} : memref<10000xf32, #tpu.memory_space<vmem>>, vector<16xf32>,
      %scan3A_292 = arith.constant 3 : i32
      %scan3A_293 = arith.addi %scan3A_270, %scan3A_292 : i32
      %broadcast_in_dim3A_294 = arith.constant 0.000000e+00 : f32
      %broadcast_in_dim3A_295 = vector.broadcast %broadcast_in_dim3A_294 : f32 to vector<16xf32>
      %mul3A_296 = arith.constant 16 : i32
      %mul3A_297 = arith.muli %scan3A_293, %mul3A_296 : i32
      %swap3A_298 = arith.index_cast %mul3A_297 : i32 to index
      %swap3A_299 = tpu.vector_load %arg6[%swap3A_298] {strides = array<i32>} : memref<10000xf32, #tpu.memory_space<vmem>>, vector<16xf32>,
      tpu.vector_store %arg6[%swap3A_298], %broadcast_in_dim3A_295 {strides = array<i32>} : memref<10000xf32, #tpu.memory_space<vmem>>, vector<16xf32>,
      %scan3A_300 = arith.constant 4 : i32
      %scan3A_301 = arith.addi %scan3A_270, %scan3A_300 : i32
      %broadcast_in_dim3A_302 = arith.constant 0.000000e+00 : f32
      %broadcast_in_dim3A_303 = vector.broadcast %broadcast_in_dim3A_302 : f32 to vector<16xf32>
      %mul3A_304 = arith.constant 16 : i32
      %mul3A_305 = arith.muli %scan3A_301, %mul3A_304 : i32
      %swap3A_306 = arith.index_cast %mul3A_305 : i32 to index
      %swap3A_307 = tpu.vector_load %arg6[%swap3A_306] {strides = array<i32>} : memref<10000xf32, #tpu.memory_space<vmem>>, vector<16xf32>,
      tpu.vector_store %arg6[%swap3A_306], %broadcast_in_dim3A_303 {strides = array<i32>} : memref<10000xf32, #tpu.memory_space<vmem>>, vector<16xf32>,
      %scan3A_308 = arith.constant 5 : i32
      %scan3A_309 = arith.addi %scan3A_270, %scan3A_308 : i32
      %broadcast_in_dim3A_310 = arith.constant 0.000000e+00 : f32
      %broadcast_in_dim3A_311 = vector.broadcast %broadcast_in_dim3A_310 : f32 to vector<16xf32>
      %mul3A_312 = arith.constant 16 : i32
      %mul3A_313 = arith.muli %scan3A_309, %mul3A_312 : i32
      %swap3A_314 = arith.index_cast %mul3A_313 : i32 to index
      %swap3A_315 = tpu.vector_load %arg6[%swap3A_314] {strides = array<i32>} : memref<10000xf32, #tpu.memory_space<vmem>>, vector<16xf32>,
      tpu.vector_store %arg6[%swap3A_314], %broadcast_in_dim3A_311 {strides = array<i32>} : memref<10000xf32, #tpu.memory_space<vmem>>, vector<16xf32>,
      %scan3A_316 = arith.constant 6 : i32
      %scan3A_317 = arith.addi %scan3A_270, %scan3A_316 : i32
      %broadcast_in_dim3A_318 = arith.constant 0.000000e+00 : f32
      %broadcast_in_dim3A_319 = vector.broadcast %broadcast_in_dim3A_318 : f32 to vector<16xf32>
      %mul3A_320 = arith.constant 16 : i32
      %mul3A_321 = arith.muli %scan3A_317, %mul3A_320 : i32
      %swap3A_322 = arith.index_cast %mul3A_321 : i32 to index
      %swap3A_323 = tpu.vector_load %arg6[%swap3A_322] {strides = array<i32>} : memref<10000xf32, #tpu.memory_space<vmem>>, vector<16xf32>,
      tpu.vector_store %arg6[%swap3A_322], %broadcast_in_dim3A_319 {strides = array<i32>} : memref<10000xf32, #tpu.memory_space<vmem>>, vector<16xf32>,
      %scan3A_324 = arith.constant 7 : i32
      %scan3A_325 = arith.addi %scan3A_270, %scan3A_324 : i32
      %broadcast_in_dim3A_326 = arith.constant 0.000000e+00 : f32
      %broadcast_in_dim3A_327 = vector.broadcast %broadcast_in_dim3A_326 : f32 to vector<16xf32>
      %mul3A_328 = arith.constant 16 : i32
      %mul3A_329 = arith.muli %scan3A_325, %mul3A_328 : i32
      %swap3A_330 = arith.index_cast %mul3A_329 : i32 to index
      %swap3A_331 = tpu.vector_load %arg6[%swap3A_330] {strides = array<i32>} : memref<10000xf32, #tpu.memory_space<vmem>>, vector<16xf32>,
      tpu.vector_store %arg6[%swap3A_330], %broadcast_in_dim3A_327 {strides = array<i32>} : memref<10000xf32, #tpu.memory_space<vmem>>, vector<16xf32>,
      %scan3A_332 = arith.constant 8 : i32
      %scan3A_333 = arith.addi %scan3A_270, %scan3A_332 : i32
      %broadcast_in_dim3A_334 = arith.constant 0.000000e+00 : f32
      %broadcast_in_dim3A_335 = vector.broadcast %broadcast_in_dim3A_334 : f32 to vector<16xf32>
      %mul3A_336 = arith.constant 16 : i32
      %mul3A_337 = arith.muli %scan3A_333, %mul3A_336 : i32
      %swap3A_338 = arith.index_cast %mul3A_337 : i32 to index
      %swap3A_339 = tpu.vector_load %arg6[%swap3A_338] {strides = array<i32>} : memref<10000xf32, #tpu.memory_space<vmem>>, vector<16xf32>,
      tpu.vector_store %arg6[%swap3A_338], %broadcast_in_dim3A_335 {strides = array<i32>} : memref<10000xf32, #tpu.memory_space<vmem>>, vector<16xf32>,
      %scan3A_340 = arith.constant 9 : i32
      %scan3A_341 = arith.addi %scan3A_270, %scan3A_340 : i32
      %broadcast_in_dim3A_342 = arith.constant 0.000000e+00 : f32
      %broadcast_in_dim3A_343 = vector.broadcast %broadcast_in_dim3A_342 : f32 to vector<16xf32>
      %mul3A_344 = arith.constant 16 : i32
      %mul3A_345 = arith.muli %scan3A_341, %mul3A_344 : i32
      %swap3A_346 = arith.index_cast %mul3A_345 : i32 to index
      %swap3A_347 = tpu.vector_load %arg6[%swap3A_346] {strides = array<i32>} : memref<10000xf32, #tpu.memory_space<vmem>>, vector<16xf32>,
      tpu.vector_store %arg6[%swap3A_346], %broadcast_in_dim3A_343 {strides = array<i32>} : memref<10000xf32, #tpu.memory_space<vmem>>, vector<16xf32>,
      %scan3A_348 = arith.constant 10 : i32
      %scan3A_349 = arith.addi %scan3A_270, %scan3A_348 : i32
      %broadcast_in_dim3A_350 = arith.constant 0.000000e+00 : f32
      %broadcast_in_dim3A_351 = vector.broadcast %broadcast_in_dim3A_350 : f32 to vector<16xf32>
      %mul3A_352 = arith.constant 16 : i32
      %mul3A_353 = arith.muli %scan3A_349, %mul3A_352 : i32
      %swap3A_354 = arith.index_cast %mul3A_353 : i32 to index
      %swap3A_355 = tpu.vector_load %arg6[%swap3A_354] {strides = array<i32>} : memref<10000xf32, #tpu.memory_space<vmem>>, vector<16xf32>,
      tpu.vector_store %arg6[%swap3A_354], %broadcast_in_dim3A_351 {strides = array<i32>} : memref<10000xf32, #tpu.memory_space<vmem>>, vector<16xf32>,
      %scan3A_356 = arith.constant 11 : i32
      %scan3A_357 = arith.addi %scan3A_270, %scan3A_356 : i32
      %broadcast_in_dim3A_358 = arith.constant 0.000000e+00 : f32
      %broadcast_in_dim3A_359 = vector.broadcast %broadcast_in_dim3A_358 : f32 to vector<16xf32>
      %mul3A_360 = arith.constant 16 : i32
      %mul3A_361 = arith.muli %scan3A_357, %mul3A_360 : i32
      %swap3A_362 = arith.index_cast %mul3A_361 : i32 to index
      %swap3A_363 = tpu.vector_load %arg6[%swap3A_362] {strides = array<i32>} : memref<10000xf32, #tpu.memory_space<vmem>>, vector<16xf32>,
      tpu.vector_store %arg6[%swap3A_362], %broadcast_in_dim3A_359 {strides = array<i32>} : memref<10000xf32, #tpu.memory_space<vmem>>, vector<16xf32>,
      %scan3A_364 = arith.constant 12 : i32
      %scan3A_365 = arith.addi %scan3A_270, %scan3A_364 : i32
      %broadcast_in_dim3A_366 = arith.constant 0.000000e+00 : f32
      %broadcast_in_dim3A_367 = vector.broadcast %broadcast_in_dim3A_366 : f32 to vector<16xf32>
      %mul3A_368 = arith.constant 16 : i32
      %mul3A_369 = arith.muli %scan3A_365, %mul3A_368 : i32
      %swap3A_370 = arith.index_cast %mul3A_369 : i32 to index
      %swap3A_371 = tpu.vector_load %arg6[%swap3A_370] {strides = array<i32>} : memref<10000xf32, #tpu.memory_space<vmem>>, vector<16xf32>,
      tpu.vector_store %arg6[%swap3A_370], %broadcast_in_dim3A_367 {strides = array<i32>} : memref<10000xf32, #tpu.memory_space<vmem>>, vector<16xf32>,
      %scan3A_372 = arith.constant 13 : i32
      %scan3A_373 = arith.addi %scan3A_270, %scan3A_372 : i32
      %broadcast_in_dim3A_374 = arith.constant 0.000000e+00 : f32
      %broadcast_in_dim3A_375 = vector.broadcast %broadcast_in_dim3A_374 : f32 to vector<16xf32>
      %mul3A_376 = arith.constant 16 : i32
      %mul3A_377 = arith.muli %scan3A_373, %mul3A_376 : i32
      %swap3A_378 = arith.index_cast %mul3A_377 : i32 to index
      %swap3A_379 = tpu.vector_load %arg6[%swap3A_378] {strides = array<i32>} : memref<10000xf32, #tpu.memory_space<vmem>>, vector<16xf32>,
      tpu.vector_store %arg6[%swap3A_378], %broadcast_in_dim3A_375 {strides = array<i32>} : memref<10000xf32, #tpu.memory_space<vmem>>, vector<16xf32>,
      %scan3A_380 = arith.constant 14 : i32
      %scan3A_381 = arith.addi %scan3A_270, %scan3A_380 : i32
      %broadcast_in_dim3A_382 = arith.constant 0.000000e+00 : f32
      %broadcast_in_dim3A_383 = vector.broadcast %broadcast_in_dim3A_382 : f32 to vector<16xf32>
      %mul3A_384 = arith.constant 16 : i32
      %mul3A_385 = arith.muli %scan3A_381, %mul3A_384 : i32
      %swap3A_386 = arith.index_cast %mul3A_385 : i32 to index
      %swap3A_387 = tpu.vector_load %arg6[%swap3A_386] {strides = array<i32>} : memref<10000xf32, #tpu.memory_space<vmem>>, vector<16xf32>,
      tpu.vector_store %arg6[%swap3A_386], %broadcast_in_dim3A_383 {strides = array<i32>} : memref<10000xf32, #tpu.memory_space<vmem>>, vector<16xf32>,
      %scan3A_388 = arith.constant 15 : i32
      %scan3A_389 = arith.addi %scan3A_270, %scan3A_388 : i32
      %broadcast_in_dim3A_390 = arith.constant 0.000000e+00 : f32
      %broadcast_in_dim3A_391 = vector.broadcast %broadcast_in_dim3A_390 : f32 to vector<16xf32>
      %mul3A_392 = arith.constant 16 : i32
      %mul3A_393 = arith.muli %scan3A_389, %mul3A_392 : i32
      %swap3A_394 = arith.index_cast %mul3A_393 : i32 to index
      %swap3A_395 = tpu.vector_load %arg6[%swap3A_394] {strides = array<i32>} : memref<10000xf32, #tpu.memory_space<vmem>>, vector<16xf32>,
      tpu.vector_store %arg6[%swap3A_394], %broadcast_in_dim3A_391 {strides = array<i32>} : memref<10000xf32, #tpu.memory_space<vmem>>, vector<16xf32>,
      %scan3A_396 = arith.constant 16 : i32
      %scan3A_397 = arith.addi %scan3A_270, %scan3A_396 : i32
      %broadcast_in_dim3A_398 = arith.constant 0.000000e+00 : f32
      %broadcast_in_dim3A_399 = vector.broadcast %broadcast_in_dim3A_398 : f32 to vector<16xf32>
      %mul3A_400 = arith.constant 16 : i32
      %mul3A_401 = arith.muli %scan3A_397, %mul3A_400 : i32
      %swap3A_402 = arith.index_cast %mul3A_401 : i32 to index
      %swap3A_403 = tpu.vector_load %arg6[%swap3A_402] {strides = array<i32>} : memref<10000xf32, #tpu.memory_space<vmem>>, vector<16xf32>,
      tpu.vector_store %arg6[%swap3A_402], %broadcast_in_dim3A_399 {strides = array<i32>} : memref<10000xf32, #tpu.memory_space<vmem>>, vector<16xf32>,
      %scan3A_404 = arith.constant 17 : i32
      %scan3A_405 = arith.addi %scan3A_270, %scan3A_404 : i32
      %broadcast_in_dim3A_406 = arith.constant 0.000000e+00 : f32
      %broadcast_in_dim3A_407 = vector.broadcast %broadcast_in_dim3A_406 : f32 to vector<16xf32>
      %mul3A_408 = arith.constant 16 : i32
      %mul3A_409 = arith.muli %scan3A_405, %mul3A_408 : i32
      %swap3A_410 = arith.index_cast %mul3A_409 : i32 to index
      %swap3A_411 = tpu.vector_load %arg6[%swap3A_410] {strides = array<i32>} : memref<10000xf32, #tpu.memory_space<vmem>>, vector<16xf32>,
      tpu.vector_store %arg6[%swap3A_410], %broadcast_in_dim3A_407 {strides = array<i32>} : memref<10000xf32, #tpu.memory_space<vmem>>, vector<16xf32>,
      %scan3A_412 = arith.constant 18 : i32
      %scan3A_413 = arith.addi %scan3A_270, %scan3A_412 : i32
      %broadcast_in_dim3A_414 = arith.constant 0.000000e+00 : f32
      %broadcast_in_dim3A_415 = vector.broadcast %broadcast_in_dim3A_414 : f32 to vector<16xf32>
      %mul3A_416 = arith.constant 16 : i32
      %mul3A_417 = arith.muli %scan3A_413, %mul3A_416 : i32
      %swap3A_418 = arith.index_cast %mul3A_417 : i32 to index
      %swap3A_419 = tpu.vector_load %arg6[%swap3A_418] {strides = array<i32>} : memref<10000xf32, #tpu.memory_space<vmem>>, vector<16xf32>,
      tpu.vector_store %arg6[%swap3A_418], %broadcast_in_dim3A_415 {strides = array<i32>} : memref<10000xf32, #tpu.memory_space<vmem>>, vector<16xf32>,
      %scan3A_420 = arith.constant 19 : i32
      %scan3A_421 = arith.addi %scan3A_270, %scan3A_420 : i32
      %broadcast_in_dim3A_422 = arith.constant 0.000000e+00 : f32
      %broadcast_in_dim3A_423 = vector.broadcast %broadcast_in_dim3A_422 : f32 to vector<16xf32>
      %mul3A_424 = arith.constant 16 : i32
      %mul3A_425 = arith.muli %scan3A_421, %mul3A_424 : i32
      %swap3A_426 = arith.index_cast %mul3A_425 : i32 to index
      %swap3A_427 = tpu.vector_load %arg6[%swap3A_426] {strides = array<i32>} : memref<10000xf32, #tpu.memory_space<vmem>>, vector<16xf32>,
      tpu.vector_store %arg6[%swap3A_426], %broadcast_in_dim3A_423 {strides = array<i32>} : memref<10000xf32, #tpu.memory_space<vmem>>, vector<16xf32>,
      %scan3A_428 = arith.constant 20 : i32
      %scan3A_429 = arith.addi %scan3A_270, %scan3A_428 : i32
      %broadcast_in_dim3A_430 = arith.constant 0.000000e+00 : f32
      %broadcast_in_dim3A_431 = vector.broadcast %broadcast_in_dim3A_430 : f32 to vector<16xf32>
      %mul3A_432 = arith.constant 16 : i32
      %mul3A_433 = arith.muli %scan3A_429, %mul3A_432 : i32
      %swap3A_434 = arith.index_cast %mul3A_433 : i32 to index
      %swap3A_435 = tpu.vector_load %arg6[%swap3A_434] {strides = array<i32>} : memref<10000xf32, #tpu.memory_space<vmem>>, vector<16xf32>,
      tpu.vector_store %arg6[%swap3A_434], %broadcast_in_dim3A_431 {strides = array<i32>} : memref<10000xf32, #tpu.memory_space<vmem>>, vector<16xf32>,
      %scan3A_436 = arith.constant 21 : i32
      %scan3A_437 = arith.addi %scan3A_270, %scan3A_436 : i32
      %broadcast_in_dim3A_438 = arith.constant 0.000000e+00 : f32
      %broadcast_in_dim3A_439 = vector.broadcast %broadcast_in_dim3A_438 : f32 to vector<16xf32>
      %mul3A_440 = arith.constant 16 : i32
      %mul3A_441 = arith.muli %scan3A_437, %mul3A_440 : i32
      %swap3A_442 = arith.index_cast %mul3A_441 : i32 to index
      %swap3A_443 = tpu.vector_load %arg6[%swap3A_442] {strides = array<i32>} : memref<10000xf32, #tpu.memory_space<vmem>>, vector<16xf32>,
      tpu.vector_store %arg6[%swap3A_442], %broadcast_in_dim3A_439 {strides = array<i32>} : memref<10000xf32, #tpu.memory_space<vmem>>, vector<16xf32>,
      %scan3A_444 = arith.constant 22 : i32
      %scan3A_445 = arith.addi %scan3A_270, %scan3A_444 : i32
      %broadcast_in_dim3A_446 = arith.constant 0.000000e+00 : f32
      %broadcast_in_dim3A_447 = vector.broadcast %broadcast_in_dim3A_446 : f32 to vector<16xf32>
      %mul3A_448 = arith.constant 16 : i32
      %mul3A_449 = arith.muli %scan3A_445, %mul3A_448 : i32
      %swap3A_450 = arith.index_cast %mul3A_449 : i32 to index
      %swap3A_451 = tpu.vector_load %arg6[%swap3A_450] {strides = array<i32>} : memref<10000xf32, #tpu.memory_space<vmem>>, vector<16xf32>,
      tpu.vector_store %arg6[%swap3A_450], %broadcast_in_dim3A_447 {strides = array<i32>} : memref<10000xf32, #tpu.memory_space<vmem>>, vector<16xf32>,
      %scan3A_452 = arith.constant 23 : i32
      %scan3A_453 = arith.addi %scan3A_270, %scan3A_452 : i32
      %broadcast_in_dim3A_454 = arith.constant 0.000000e+00 : f32
      %broadcast_in_dim3A_455 = vector.broadcast %broadcast_in_dim3A_454 : f32 to vector<16xf32>
      %mul3A_456 = arith.constant 16 : i32
      %mul3A_457 = arith.muli %scan3A_453, %mul3A_456 : i32
      %swap3A_458 = arith.index_cast %mul3A_457 : i32 to index
      %swap3A_459 = tpu.vector_load %arg6[%swap3A_458] {strides = array<i32>} : memref<10000xf32, #tpu.memory_space<vmem>>, vector<16xf32>,
      tpu.vector_store %arg6[%swap3A_458], %broadcast_in_dim3A_455 {strides = array<i32>} : memref<10000xf32, #tpu.memory_space<vmem>>, vector<16xf32>,
      %scan3A_460 = arith.constant 24 : i32
      %scan3A_461 = arith.addi %scan3A_270, %scan3A_460 : i32
      %broadcast_in_dim3A_462 = arith.constant 0.000000e+00 : f32
      %broadcast_in_dim3A_463 = vector.broadcast %broadcast_in_dim3A_462 : f32 to vector<16xf32>
      %mul3A_464 = arith.constant 16 : i32
      %mul3A_465 = arith.muli %scan3A_461, %mul3A_464 : i32
      %swap3A_466 = arith.index_cast %mul3A_465 : i32 to index
      %swap3A_467 = tpu.vector_load %arg6[%swap3A_466] {strides = array<i32>} : memref<10000xf32, #tpu.memory_space<vmem>>, vector<16xf32>,
      tpu.vector_store %arg6[%swap3A_466], %broadcast_in_dim3A_463 {strides = array<i32>} : memref<10000xf32, #tpu.memory_space<vmem>>, vector<16xf32>,
    }
    %scan3A_92 = arith.constant 625 : i32
    %scan3A_93 = arith.constant 0 : i32
    %scan3A_94 = arith.constant 0 : i32
    %scan3A_95 = arith.constant 625 : i32
    %scan3A_96 = arith.addi %scan3A_94, %scan3A_95 : i32
    %scan3A_97 = arith.constant 25 : i32
    scf.for %scan3A_270 = %scan3A_94 to %scan3A_96 step %scan3A_97  : i32 {
      %broadcast_in_dim3A_271 = arith.constant 0.000000e+00 : f32
      %broadcast_in_dim3A_272 = vector.broadcast %broadcast_in_dim3A_271 : f32 to vector<16xf32>
      %mul3A_273 = arith.constant 16 : i32
      %mul3A_274 = arith.muli %scan3A_270, %mul3A_273 : i32
      %swap3A = arith.index_cast %mul3A_274 : i32 to index
      %swap3A_275 = tpu.vector_load %arg7[%swap3A] {strides = array<i32>} : memref<10000xf32, #tpu.memory_space<vmem>>, vector<16xf32>,
      tpu.vector_store %arg7[%swap3A], %broadcast_in_dim3A_272 {strides = array<i32>} : memref<10000xf32, #tpu.memory_space<vmem>>, vector<16xf32>,
      %scan3A_276 = arith.constant 1 : i32
      %scan3A_277 = arith.addi %scan3A_270, %scan3A_276 : i32
      %broadcast_in_dim3A_278 = arith.constant 0.000000e+00 : f32
      %broadcast_in_dim3A_279 = vector.broadcast %broadcast_in_dim3A_278 : f32 to vector<16xf32>
      %mul3A_280 = arith.constant 16 : i32
      %mul3A_281 = arith.muli %scan3A_277, %mul3A_280 : i32
      %swap3A_282 = arith.index_cast %mul3A_281 : i32 to index
      %swap3A_283 = tpu.vector_load %arg7[%swap3A_282] {strides = array<i32>} : memref<10000xf32, #tpu.memory_space<vmem>>, vector<16xf32>,
      tpu.vector_store %arg7[%swap3A_282], %broadcast_in_dim3A_279 {strides = array<i32>} : memref<10000xf32, #tpu.memory_space<vmem>>, vector<16xf32>,
      %scan3A_284 = arith.constant 2 : i32
      %scan3A_285 = arith.addi %scan3A_270, %scan3A_284 : i32
      %broadcast_in_dim3A_286 = arith.constant 0.000000e+00 : f32
      %broadcast_in_dim3A_287 = vector.broadcast %broadcast_in_dim3A_286 : f32 to vector<16xf32>
      %mul3A_288 = arith.constant 16 : i32
      %mul3A_289 = arith.muli %scan3A_285, %mul3A_288 : i32
      %swap3A_290 = arith.index_cast %mul3A_289 : i32 to index
      %swap3A_291 = tpu.vector_load %arg7[%swap3A_290] {strides = array<i32>} : memref<10000xf32, #tpu.memory_space<vmem>>, vector<16xf32>,
      tpu.vector_store %arg7[%swap3A_290], %broadcast_in_dim3A_287 {strides = array<i32>} : memref<10000xf32, #tpu.memory_space<vmem>>, vector<16xf32>,
      %scan3A_292 = arith.constant 3 : i32
      %scan3A_293 = arith.addi %scan3A_270, %scan3A_292 : i32
      %broadcast_in_dim3A_294 = arith.constant 0.000000e+00 : f32
      %broadcast_in_dim3A_295 = vector.broadcast %broadcast_in_dim3A_294 : f32 to vector<16xf32>
      %mul3A_296 = arith.constant 16 : i32
      %mul3A_297 = arith.muli %scan3A_293, %mul3A_296 : i32
      %swap3A_298 = arith.index_cast %mul3A_297 : i32 to index
      %swap3A_299 = tpu.vector_load %arg7[%swap3A_298] {strides = array<i32>} : memref<10000xf32, #tpu.memory_space<vmem>>, vector<16xf32>,
      tpu.vector_store %arg7[%swap3A_298], %broadcast_in_dim3A_295 {strides = array<i32>} : memref<10000xf32, #tpu.memory_space<vmem>>, vector<16xf32>,
      %scan3A_300 = arith.constant 4 : i32
      %scan3A_301 = arith.addi %scan3A_270, %scan3A_300 : i32
      %broadcast_in_dim3A_302 = arith.constant 0.000000e+00 : f32
      %broadcast_in_dim3A_303 = vector.broadcast %broadcast_in_dim3A_302 : f32 to vector<16xf32>
      %mul3A_304 = arith.constant 16 : i32
      %mul3A_305 = arith.muli %scan3A_301, %mul3A_304 : i32
      %swap3A_306 = arith.index_cast %mul3A_305 : i32 to index
      %swap3A_307 = tpu.vector_load %arg7[%swap3A_306] {strides = array<i32>} : memref<10000xf32, #tpu.memory_space<vmem>>, vector<16xf32>,
      tpu.vector_store %arg7[%swap3A_306], %broadcast_in_dim3A_303 {strides = array<i32>} : memref<10000xf32, #tpu.memory_space<vmem>>, vector<16xf32>,
      %scan3A_308 = arith.constant 5 : i32
      %scan3A_309 = arith.addi %scan3A_270, %scan3A_308 : i32
      %broadcast_in_dim3A_310 = arith.constant 0.000000e+00 : f32
      %broadcast_in_dim3A_311 = vector.broadcast %broadcast_in_dim3A_310 : f32 to vector<16xf32>
      %mul3A_312 = arith.constant 16 : i32
      %mul3A_313 = arith.muli %scan3A_309, %mul3A_312 : i32
      %swap3A_314 = arith.index_cast %mul3A_313 : i32 to index
      %swap3A_315 = tpu.vector_load %arg7[%swap3A_314] {strides = array<i32>} : memref<10000xf32, #tpu.memory_space<vmem>>, vector<16xf32>,
      tpu.vector_store %arg7[%swap3A_314], %broadcast_in_dim3A_311 {strides = array<i32>} : memref<10000xf32, #tpu.memory_space<vmem>>, vector<16xf32>,
      %scan3A_316 = arith.constant 6 : i32
      %scan3A_317 = arith.addi %scan3A_270, %scan3A_316 : i32
      %broadcast_in_dim3A_318 = arith.constant 0.000000e+00 : f32
      %broadcast_in_dim3A_319 = vector.broadcast %broadcast_in_dim3A_318 : f32 to vector<16xf32>
      %mul3A_320 = arith.constant 16 : i32
      %mul3A_321 = arith.muli %scan3A_317, %mul3A_320 : i32
      %swap3A_322 = arith.index_cast %mul3A_321 : i32 to index
      %swap3A_323 = tpu.vector_load %arg7[%swap3A_322] {strides = array<i32>} : memref<10000xf32, #tpu.memory_space<vmem>>, vector<16xf32>,
      tpu.vector_store %arg7[%swap3A_322], %broadcast_in_dim3A_319 {strides = array<i32>} : memref<10000xf32, #tpu.memory_space<vmem>>, vector<16xf32>,
      %scan3A_324 = arith.constant 7 : i32
      %scan3A_325 = arith.addi %scan3A_270, %scan3A_324 : i32
      %broadcast_in_dim3A_326 = arith.constant 0.000000e+00 : f32
      %broadcast_in_dim3A_327 = vector.broadcast %broadcast_in_dim3A_326 : f32 to vector<16xf32>
      %mul3A_328 = arith.constant 16 : i32
      %mul3A_329 = arith.muli %scan3A_325, %mul3A_328 : i32
      %swap3A_330 = arith.index_cast %mul3A_329 : i32 to index
      %swap3A_331 = tpu.vector_load %arg7[%swap3A_330] {strides = array<i32>} : memref<10000xf32, #tpu.memory_space<vmem>>, vector<16xf32>,
      tpu.vector_store %arg7[%swap3A_330], %broadcast_in_dim3A_327 {strides = array<i32>} : memref<10000xf32, #tpu.memory_space<vmem>>, vector<16xf32>,
      %scan3A_332 = arith.constant 8 : i32
      %scan3A_333 = arith.addi %scan3A_270, %scan3A_332 : i32
      %broadcast_in_dim3A_334 = arith.constant 0.000000e+00 : f32
      %broadcast_in_dim3A_335 = vector.broadcast %broadcast_in_dim3A_334 : f32 to vector<16xf32>
      %mul3A_336 = arith.constant 16 : i32
      %mul3A_337 = arith.muli %scan3A_333, %mul3A_336 : i32
      %swap3A_338 = arith.index_cast %mul3A_337 : i32 to index
      %swap3A_339 = tpu.vector_load %arg7[%swap3A_338] {strides = array<i32>} : memref<10000xf32, #tpu.memory_space<vmem>>, vector<16xf32>,
      tpu.vector_store %arg7[%swap3A_338], %broadcast_in_dim3A_335 {strides = array<i32>} : memref<10000xf32, #tpu.memory_space<vmem>>, vector<16xf32>,
      %scan3A_340 = arith.constant 9 : i32
      %scan3A_341 = arith.addi %scan3A_270, %scan3A_340 : i32
      %broadcast_in_dim3A_342 = arith.constant 0.000000e+00 : f32
      %broadcast_in_dim3A_343 = vector.broadcast %broadcast_in_dim3A_342 : f32 to vector<16xf32>
      %mul3A_344 = arith.constant 16 : i32
      %mul3A_345 = arith.muli %scan3A_341, %mul3A_344 : i32
      %swap3A_346 = arith.index_cast %mul3A_345 : i32 to index
      %swap3A_347 = tpu.vector_load %arg7[%swap3A_346] {strides = array<i32>} : memref<10000xf32, #tpu.memory_space<vmem>>, vector<16xf32>,
      tpu.vector_store %arg7[%swap3A_346], %broadcast_in_dim3A_343 {strides = array<i32>} : memref<10000xf32, #tpu.memory_space<vmem>>, vector<16xf32>,
      %scan3A_348 = arith.constant 10 : i32
      %scan3A_349 = arith.addi %scan3A_270, %scan3A_348 : i32
      %broadcast_in_dim3A_350 = arith.constant 0.000000e+00 : f32
      %broadcast_in_dim3A_351 = vector.broadcast %broadcast_in_dim3A_350 : f32 to vector<16xf32>
      %mul3A_352 = arith.constant 16 : i32
      %mul3A_353 = arith.muli %scan3A_349, %mul3A_352 : i32
      %swap3A_354 = arith.index_cast %mul3A_353 : i32 to index
      %swap3A_355 = tpu.vector_load %arg7[%swap3A_354] {strides = array<i32>} : memref<10000xf32, #tpu.memory_space<vmem>>, vector<16xf32>,
      tpu.vector_store %arg7[%swap3A_354], %broadcast_in_dim3A_351 {strides = array<i32>} : memref<10000xf32, #tpu.memory_space<vmem>>, vector<16xf32>,
      %scan3A_356 = arith.constant 11 : i32
      %scan3A_357 = arith.addi %scan3A_270, %scan3A_356 : i32
      %broadcast_in_dim3A_358 = arith.constant 0.000000e+00 : f32
      %broadcast_in_dim3A_359 = vector.broadcast %broadcast_in_dim3A_358 : f32 to vector<16xf32>
      %mul3A_360 = arith.constant 16 : i32
      %mul3A_361 = arith.muli %scan3A_357, %mul3A_360 : i32
      %swap3A_362 = arith.index_cast %mul3A_361 : i32 to index
      %swap3A_363 = tpu.vector_load %arg7[%swap3A_362] {strides = array<i32>} : memref<10000xf32, #tpu.memory_space<vmem>>, vector<16xf32>,
      tpu.vector_store %arg7[%swap3A_362], %broadcast_in_dim3A_359 {strides = array<i32>} : memref<10000xf32, #tpu.memory_space<vmem>>, vector<16xf32>,
      %scan3A_364 = arith.constant 12 : i32
      %scan3A_365 = arith.addi %scan3A_270, %scan3A_364 : i32
      %broadcast_in_dim3A_366 = arith.constant 0.000000e+00 : f32
      %broadcast_in_dim3A_367 = vector.broadcast %broadcast_in_dim3A_366 : f32 to vector<16xf32>
      %mul3A_368 = arith.constant 16 : i32
      %mul3A_369 = arith.muli %scan3A_365, %mul3A_368 : i32
      %swap3A_370 = arith.index_cast %mul3A_369 : i32 to index
      %swap3A_371 = tpu.vector_load %arg7[%swap3A_370] {strides = array<i32>} : memref<10000xf32, #tpu.memory_space<vmem>>, vector<16xf32>,
      tpu.vector_store %arg7[%swap3A_370], %broadcast_in_dim3A_367 {strides = array<i32>} : memref<10000xf32, #tpu.memory_space<vmem>>, vector<16xf32>,
      %scan3A_372 = arith.constant 13 : i32
      %scan3A_373 = arith.addi %scan3A_270, %scan3A_372 : i32
      %broadcast_in_dim3A_374 = arith.constant 0.000000e+00 : f32
      %broadcast_in_dim3A_375 = vector.broadcast %broadcast_in_dim3A_374 : f32 to vector<16xf32>
      %mul3A_376 = arith.constant 16 : i32
      %mul3A_377 = arith.muli %scan3A_373, %mul3A_376 : i32
      %swap3A_378 = arith.index_cast %mul3A_377 : i32 to index
      %swap3A_379 = tpu.vector_load %arg7[%swap3A_378] {strides = array<i32>} : memref<10000xf32, #tpu.memory_space<vmem>>, vector<16xf32>,
      tpu.vector_store %arg7[%swap3A_378], %broadcast_in_dim3A_375 {strides = array<i32>} : memref<10000xf32, #tpu.memory_space<vmem>>, vector<16xf32>,
      %scan3A_380 = arith.constant 14 : i32
      %scan3A_381 = arith.addi %scan3A_270, %scan3A_380 : i32
      %broadcast_in_dim3A_382 = arith.constant 0.000000e+00 : f32
      %broadcast_in_dim3A_383 = vector.broadcast %broadcast_in_dim3A_382 : f32 to vector<16xf32>
      %mul3A_384 = arith.constant 16 : i32
      %mul3A_385 = arith.muli %scan3A_381, %mul3A_384 : i32
      %swap3A_386 = arith.index_cast %mul3A_385 : i32 to index
      %swap3A_387 = tpu.vector_load %arg7[%swap3A_386] {strides = array<i32>} : memref<10000xf32, #tpu.memory_space<vmem>>, vector<16xf32>,
      tpu.vector_store %arg7[%swap3A_386], %broadcast_in_dim3A_383 {strides = array<i32>} : memref<10000xf32, #tpu.memory_space<vmem>>, vector<16xf32>,
      %scan3A_388 = arith.constant 15 : i32
      %scan3A_389 = arith.addi %scan3A_270, %scan3A_388 : i32
      %broadcast_in_dim3A_390 = arith.constant 0.000000e+00 : f32
      %broadcast_in_dim3A_391 = vector.broadcast %broadcast_in_dim3A_390 : f32 to vector<16xf32>
      %mul3A_392 = arith.constant 16 : i32
      %mul3A_393 = arith.muli %scan3A_389, %mul3A_392 : i32
      %swap3A_394 = arith.index_cast %mul3A_393 : i32 to index
      %swap3A_395 = tpu.vector_load %arg7[%swap3A_394] {strides = array<i32>} : memref<10000xf32, #tpu.memory_space<vmem>>, vector<16xf32>,
      tpu.vector_store %arg7[%swap3A_394], %broadcast_in_dim3A_391 {strides = array<i32>} : memref<10000xf32, #tpu.memory_space<vmem>>, vector<16xf32>,
      %scan3A_396 = arith.constant 16 : i32
      %scan3A_397 = arith.addi %scan3A_270, %scan3A_396 : i32
      %broadcast_in_dim3A_398 = arith.constant 0.000000e+00 : f32
      %broadcast_in_dim3A_399 = vector.broadcast %broadcast_in_dim3A_398 : f32 to vector<16xf32>
      %mul3A_400 = arith.constant 16 : i32
      %mul3A_401 = arith.muli %scan3A_397, %mul3A_400 : i32
      %swap3A_402 = arith.index_cast %mul3A_401 : i32 to index
      %swap3A_403 = tpu.vector_load %arg7[%swap3A_402] {strides = array<i32>} : memref<10000xf32, #tpu.memory_space<vmem>>, vector<16xf32>,
      tpu.vector_store %arg7[%swap3A_402], %broadcast_in_dim3A_399 {strides = array<i32>} : memref<10000xf32, #tpu.memory_space<vmem>>, vector<16xf32>,
      %scan3A_404 = arith.constant 17 : i32
      %scan3A_405 = arith.addi %scan3A_270, %scan3A_404 : i32
      %broadcast_in_dim3A_406 = arith.constant 0.000000e+00 : f32
      %broadcast_in_dim3A_407 = vector.broadcast %broadcast_in_dim3A_406 : f32 to vector<16xf32>
      %mul3A_408 = arith.constant 16 : i32
      %mul3A_409 = arith.muli %scan3A_405, %mul3A_408 : i32
      %swap3A_410 = arith.index_cast %mul3A_409 : i32 to index
      %swap3A_411 = tpu.vector_load %arg7[%swap3A_410] {strides = array<i32>} : memref<10000xf32, #tpu.memory_space<vmem>>, vector<16xf32>,
      tpu.vector_store %arg7[%swap3A_410], %broadcast_in_dim3A_407 {strides = array<i32>} : memref<10000xf32, #tpu.memory_space<vmem>>, vector<16xf32>,
      %scan3A_412 = arith.constant 18 : i32
      %scan3A_413 = arith.addi %scan3A_270, %scan3A_412 : i32
      %broadcast_in_dim3A_414 = arith.constant 0.000000e+00 : f32
      %broadcast_in_dim3A_415 = vector.broadcast %broadcast_in_dim3A_414 : f32 to vector<16xf32>
      %mul3A_416 = arith.constant 16 : i32
      %mul3A_417 = arith.muli %scan3A_413, %mul3A_416 : i32
      %swap3A_418 = arith.index_cast %mul3A_417 : i32 to index
      %swap3A_419 = tpu.vector_load %arg7[%swap3A_418] {strides = array<i32>} : memref<10000xf32, #tpu.memory_space<vmem>>, vector<16xf32>,
      tpu.vector_store %arg7[%swap3A_418], %broadcast_in_dim3A_415 {strides = array<i32>} : memref<10000xf32, #tpu.memory_space<vmem>>, vector<16xf32>,
      %scan3A_420 = arith.constant 19 : i32
      %scan3A_421 = arith.addi %scan3A_270, %scan3A_420 : i32
      %broadcast_in_dim3A_422 = arith.constant 0.000000e+00 : f32
      %broadcast_in_dim3A_423 = vector.broadcast %broadcast_in_dim3A_422 : f32 to vector<16xf32>
      %mul3A_424 = arith.constant 16 : i32
      %mul3A_425 = arith.muli %scan3A_421, %mul3A_424 : i32
      %swap3A_426 = arith.index_cast %mul3A_425 : i32 to index
      %swap3A_427 = tpu.vector_load %arg7[%swap3A_426] {strides = array<i32>} : memref<10000xf32, #tpu.memory_space<vmem>>, vector<16xf32>,
      tpu.vector_store %arg7[%swap3A_426], %broadcast_in_dim3A_423 {strides = array<i32>} : memref<10000xf32, #tpu.memory_space<vmem>>, vector<16xf32>,
      %scan3A_428 = arith.constant 20 : i32
      %scan3A_429 = arith.addi %scan3A_270, %scan3A_428 : i32
      %broadcast_in_dim3A_430 = arith.constant 0.000000e+00 : f32
      %broadcast_in_dim3A_431 = vector.broadcast %broadcast_in_dim3A_430 : f32 to vector<16xf32>
      %mul3A_432 = arith.constant 16 : i32
      %mul3A_433 = arith.muli %scan3A_429, %mul3A_432 : i32
      %swap3A_434 = arith.index_cast %mul3A_433 : i32 to index
      %swap3A_435 = tpu.vector_load %arg7[%swap3A_434] {strides = array<i32>} : memref<10000xf32, #tpu.memory_space<vmem>>, vector<16xf32>,
      tpu.vector_store %arg7[%swap3A_434], %broadcast_in_dim3A_431 {strides = array<i32>} : memref<10000xf32, #tpu.memory_space<vmem>>, vector<16xf32>,
      %scan3A_436 = arith.constant 21 : i32
      %scan3A_437 = arith.addi %scan3A_270, %scan3A_436 : i32
      %broadcast_in_dim3A_438 = arith.constant 0.000000e+00 : f32
      %broadcast_in_dim3A_439 = vector.broadcast %broadcast_in_dim3A_438 : f32 to vector<16xf32>
      %mul3A_440 = arith.constant 16 : i32
      %mul3A_441 = arith.muli %scan3A_437, %mul3A_440 : i32
      %swap3A_442 = arith.index_cast %mul3A_441 : i32 to index
      %swap3A_443 = tpu.vector_load %arg7[%swap3A_442] {strides = array<i32>} : memref<10000xf32, #tpu.memory_space<vmem>>, vector<16xf32>,
      tpu.vector_store %arg7[%swap3A_442], %broadcast_in_dim3A_439 {strides = array<i32>} : memref<10000xf32, #tpu.memory_space<vmem>>, vector<16xf32>,
      %scan3A_444 = arith.constant 22 : i32
      %scan3A_445 = arith.addi %scan3A_270, %scan3A_444 : i32
      %broadcast_in_dim3A_446 = arith.constant 0.000000e+00 : f32
      %broadcast_in_dim3A_447 = vector.broadcast %broadcast_in_dim3A_446 : f32 to vector<16xf32>
      %mul3A_448 = arith.constant 16 : i32
      %mul3A_449 = arith.muli %scan3A_445, %mul3A_448 : i32
      %swap3A_450 = arith.index_cast %mul3A_449 : i32 to index
      %swap3A_451 = tpu.vector_load %arg7[%swap3A_450] {strides = array<i32>} : memref<10000xf32, #tpu.memory_space<vmem>>, vector<16xf32>,
      tpu.vector_store %arg7[%swap3A_450], %broadcast_in_dim3A_447 {strides = array<i32>} : memref<10000xf32, #tpu.memory_space<vmem>>, vector<16xf32>,
      %scan3A_452 = arith.constant 23 : i32
      %scan3A_453 = arith.addi %scan3A_270, %scan3A_452 : i32
      %broadcast_in_dim3A_454 = arith.constant 0.000000e+00 : f32
      %broadcast_in_dim3A_455 = vector.broadcast %broadcast_in_dim3A_454 : f32 to vector<16xf32>
      %mul3A_456 = arith.constant 16 : i32
      %mul3A_457 = arith.muli %scan3A_453, %mul3A_456 : i32
      %swap3A_458 = arith.index_cast %mul3A_457 : i32 to index
      %swap3A_459 = tpu.vector_load %arg7[%swap3A_458] {strides = array<i32>} : memref<10000xf32, #tpu.memory_space<vmem>>, vector<16xf32>,
      tpu.vector_store %arg7[%swap3A_458], %broadcast_in_dim3A_455 {strides = array<i32>} : memref<10000xf32, #tpu.memory_space<vmem>>, vector<16xf32>,
      %scan3A_460 = arith.constant 24 : i32
      %scan3A_461 = arith.addi %scan3A_270, %scan3A_460 : i32
      %broadcast_in_dim3A_462 = arith.constant 0.000000e+00 : f32
      %broadcast_in_dim3A_463 = vector.broadcast %broadcast_in_dim3A_462 : f32 to vector<16xf32>
      %mul3A_464 = arith.constant 16 : i32
      %mul3A_465 = arith.muli %scan3A_461, %mul3A_464 : i32
      %swap3A_466 = arith.index_cast %mul3A_465 : i32 to index
      %swap3A_467 = tpu.vector_load %arg7[%swap3A_466] {strides = array<i32>} : memref<10000xf32, #tpu.memory_space<vmem>>, vector<16xf32>,
      tpu.vector_store %arg7[%swap3A_466], %broadcast_in_dim3A_463 {strides = array<i32>} : memref<10000xf32, #tpu.memory_space<vmem>>, vector<16xf32>,
    }
    %scan3A_98 = arith.constant 625 : i32
    %dma_wait3A = arith.constant 0 : i32
    %dma_wait3A_99 = arith.constant 0 : i32
    %dma_wait3A_100 = tpu.memref_slice %arg8[%dma_wait3A_99] : memref<768xi32, #tpu.memory_space<vmem>> -> memref<128xi32, #tpu.memory_space<vmem>>
    %dma_wait3A_101 = arith.constant 0 : i32
    %dma_wait3A_102 = tpu.memref_slice %arg4[%add3A, %dma_wait3A_101] : memref<64x128xi32, #tpu.memory_space<hbm>> -> memref<1x128xi32, #tpu.memory_space<hbm>>
    %dma_wait3A_103 = tpu.memref_squeeze %dma_wait3A_102 : memref<1x128xi32, #tpu.memory_space<hbm>> -> memref<128xi32, #tpu.memory_space<hbm>>
    %dma_wait3A_104 = tpu.memref_slice %arg9[%dma_wait3A] : memref<3x!tpu.dma_semaphore, #tpu.memory_space<semaphore_mem>> -> memref<1x!tpu.dma_semaphore, #tpu.memory_space<semaphore_mem>>
    %dma_wait3A_105 = tpu.memref_squeeze %dma_wait3A_104 : memref<1x!tpu.dma_semaphore, #tpu.memory_space<semaphore_mem>> -> memref<!tpu.dma_semaphore, #tpu.memory_space<semaphore_mem>>
    %dma_wait3A_106 = arith.constant 0 : i32
    %dma_wait3A_107 = tpu.memref_slice %arg8[%dma_wait3A_106] : memref<768xi32, #tpu.memory_space<vmem>> -> memref<128xi32, #tpu.memory_space<vmem>>
    %dma_wait3A_108 = arith.constant 0 : i32
    %dma_wait3A_109 = tpu.memref_slice %arg4[%add3A, %dma_wait3A_108] : memref<64x128xi32, #tpu.memory_space<hbm>> -> memref<1x128xi32, #tpu.memory_space<hbm>>
    %dma_wait3A_110 = tpu.memref_squeeze %dma_wait3A_109 : memref<1x128xi32, #tpu.memory_space<hbm>> -> memref<128xi32, #tpu.memory_space<hbm>>
    tpu.wait_dma2 semaphore(%dma_wait3A_105 : memref<!tpu.dma_semaphore, #tpu.memory_space<semaphore_mem>>) src(%dma_wait3A_110 : memref<128xi32, #tpu.memory_space<hbm>>) dst(%dma_wait3A_107 : memref<128xi32, #tpu.memory_space<vmem>>)
    %scan3A_111 = arith.constant 0 : i32
    %scan3A_112 = arith.constant 0 : i32
    %scan3A_113 = arith.constant 8 : i32
    %scan3A_114 = arith.addi %scan3A_112, %scan3A_113 : i32
    %scan3A_115 = arith.constant 1 : i32
    scf.for %scan3A_270 = %scan3A_112 to %scan3A_114 step %scan3A_115  : i32 {
      %mul3A_271 = arith.constant 16 : i32
      %mul3A_272 = arith.muli %scan3A_270, %mul3A_271 : i32
      %add3A_273 = arith.constant 0 : i32
      %add3A_274 = arith.addi %add3A_273, %mul3A_272 : i32
      %get3A = arith.index_cast %add3A_274 : i32 to index
      %get3A_275 = tpu.vector_load %arg8[%get3A] {strides = array<i32>} : memref<768xi32, #tpu.memory_space<vmem>>, vector<16xi32>,
      %eq3A_276 = arith.constant 0 : i32
      %eq3A_277 = vector.broadcast %eq3A_276 : i32 to vector<16xi32>
      %eq3A_278 = arith.cmpi eq, %iota3A, %eq3A_277 : vector<16xi32>
      tpu.vector_store_idx %arg6[%get3A_275], %broadcast_in_dim3A_1 masked %eq3A_278 {add = true} : memref<10000xf32, #tpu.memory_space<vmem>>[vector<16xi32>], vector<16xf32>, vector<16xi1>
      %eq3A_279 = arith.constant 1 : i32
      %eq3A_280 = vector.broadcast %eq3A_279 : i32 to vector<16xi32>
      %eq3A_281 = arith.cmpi eq, %iota3A, %eq3A_280 : vector<16xi32>
      tpu.vector_store_idx %arg6[%get3A_275], %broadcast_in_dim3A_1 masked %eq3A_281 {add = true} : memref<10000xf32, #tpu.memory_space<vmem>>[vector<16xi32>], vector<16xf32>, vector<16xi1>
      %eq3A_282 = arith.constant 2 : i32
      %eq3A_283 = vector.broadcast %eq3A_282 : i32 to vector<16xi32>
      %eq3A_284 = arith.cmpi eq, %iota3A, %eq3A_283 : vector<16xi32>
      tpu.vector_store_idx %arg6[%get3A_275], %broadcast_in_dim3A_1 masked %eq3A_284 {add = true} : memref<10000xf32, #tpu.memory_space<vmem>>[vector<16xi32>], vector<16xf32>, vector<16xi1>
      %eq3A_285 = arith.constant 3 : i32
      %eq3A_286 = vector.broadcast %eq3A_285 : i32 to vector<16xi32>
      %eq3A_287 = arith.cmpi eq, %iota3A, %eq3A_286 : vector<16xi32>
      tpu.vector_store_idx %arg6[%get3A_275], %broadcast_in_dim3A_1 masked %eq3A_287 {add = true} : memref<10000xf32, #tpu.memory_space<vmem>>[vector<16xi32>], vector<16xf32>, vector<16xi1>
      %eq3A_288 = arith.constant 4 : i32
      %eq3A_289 = vector.broadcast %eq3A_288 : i32 to vector<16xi32>
      %eq3A_290 = arith.cmpi eq, %iota3A, %eq3A_289 : vector<16xi32>
      tpu.vector_store_idx %arg6[%get3A_275], %broadcast_in_dim3A_1 masked %eq3A_290 {add = true} : memref<10000xf32, #tpu.memory_space<vmem>>[vector<16xi32>], vector<16xf32>, vector<16xi1>
      %eq3A_291 = arith.constant 5 : i32
      %eq3A_292 = vector.broadcast %eq3A_291 : i32 to vector<16xi32>
      %eq3A_293 = arith.cmpi eq, %iota3A, %eq3A_292 : vector<16xi32>
      tpu.vector_store_idx %arg6[%get3A_275], %broadcast_in_dim3A_1 masked %eq3A_293 {add = true} : memref<10000xf32, #tpu.memory_space<vmem>>[vector<16xi32>], vector<16xf32>, vector<16xi1>
      %eq3A_294 = arith.constant 6 : i32
      %eq3A_295 = vector.broadcast %eq3A_294 : i32 to vector<16xi32>
      %eq3A_296 = arith.cmpi eq, %iota3A, %eq3A_295 : vector<16xi32>
      tpu.vector_store_idx %arg6[%get3A_275], %broadcast_in_dim3A_1 masked %eq3A_296 {add = true} : memref<10000xf32, #tpu.memory_space<vmem>>[vector<16xi32>], vector<16xf32>, vector<16xi1>
      %eq3A_297 = arith.constant 7 : i32
      %eq3A_298 = vector.broadcast %eq3A_297 : i32 to vector<16xi32>
      %eq3A_299 = arith.cmpi eq, %iota3A, %eq3A_298 : vector<16xi32>
      tpu.vector_store_idx %arg6[%get3A_275], %broadcast_in_dim3A_1 masked %eq3A_299 {add = true} : memref<10000xf32, #tpu.memory_space<vmem>>[vector<16xi32>], vector<16xf32>, vector<16xi1>
      %eq3A_300 = arith.constant 8 : i32
      %eq3A_301 = vector.broadcast %eq3A_300 : i32 to vector<16xi32>
      %eq3A_302 = arith.cmpi eq, %iota3A, %eq3A_301 : vector<16xi32>
      tpu.vector_store_idx %arg6[%get3A_275], %broadcast_in_dim3A_1 masked %eq3A_302 {add = true} : memref<10000xf32, #tpu.memory_space<vmem>>[vector<16xi32>], vector<16xf32>, vector<16xi1>
      %eq3A_303 = arith.constant 9 : i32
      %eq3A_304 = vector.broadcast %eq3A_303 : i32 to vector<16xi32>
      %eq3A_305 = arith.cmpi eq, %iota3A, %eq3A_304 : vector<16xi32>
      tpu.vector_store_idx %arg6[%get3A_275], %broadcast_in_dim3A_1 masked %eq3A_305 {add = true} : memref<10000xf32, #tpu.memory_space<vmem>>[vector<16xi32>], vector<16xf32>, vector<16xi1>
      %eq3A_306 = arith.constant 10 : i32
      %eq3A_307 = vector.broadcast %eq3A_306 : i32 to vector<16xi32>
      %eq3A_308 = arith.cmpi eq, %iota3A, %eq3A_307 : vector<16xi32>
      tpu.vector_store_idx %arg6[%get3A_275], %broadcast_in_dim3A_1 masked %eq3A_308 {add = true} : memref<10000xf32, #tpu.memory_space<vmem>>[vector<16xi32>], vector<16xf32>, vector<16xi1>
      %eq3A_309 = arith.constant 11 : i32
      %eq3A_310 = vector.broadcast %eq3A_309 : i32 to vector<16xi32>
      %eq3A_311 = arith.cmpi eq, %iota3A, %eq3A_310 : vector<16xi32>
      tpu.vector_store_idx %arg6[%get3A_275], %broadcast_in_dim3A_1 masked %eq3A_311 {add = true} : memref<10000xf32, #tpu.memory_space<vmem>>[vector<16xi32>], vector<16xf32>, vector<16xi1>
      %eq3A_312 = arith.constant 12 : i32
      %eq3A_313 = vector.broadcast %eq3A_312 : i32 to vector<16xi32>
      %eq3A_314 = arith.cmpi eq, %iota3A, %eq3A_313 : vector<16xi32>
      tpu.vector_store_idx %arg6[%get3A_275], %broadcast_in_dim3A_1 masked %eq3A_314 {add = true} : memref<10000xf32, #tpu.memory_space<vmem>>[vector<16xi32>], vector<16xf32>, vector<16xi1>
      %eq3A_315 = arith.constant 13 : i32
      %eq3A_316 = vector.broadcast %eq3A_315 : i32 to vector<16xi32>
      %eq3A_317 = arith.cmpi eq, %iota3A, %eq3A_316 : vector<16xi32>
      tpu.vector_store_idx %arg6[%get3A_275], %broadcast_in_dim3A_1 masked %eq3A_317 {add = true} : memref<10000xf32, #tpu.memory_space<vmem>>[vector<16xi32>], vector<16xf32>, vector<16xi1>
      %eq3A_318 = arith.constant 14 : i32
      %eq3A_319 = vector.broadcast %eq3A_318 : i32 to vector<16xi32>
      %eq3A_320 = arith.cmpi eq, %iota3A, %eq3A_319 : vector<16xi32>
      tpu.vector_store_idx %arg6[%get3A_275], %broadcast_in_dim3A_1 masked %eq3A_320 {add = true} : memref<10000xf32, #tpu.memory_space<vmem>>[vector<16xi32>], vector<16xf32>, vector<16xi1>
      %eq3A_321 = arith.constant 15 : i32
      %eq3A_322 = vector.broadcast %eq3A_321 : i32 to vector<16xi32>
      %eq3A_323 = arith.cmpi eq, %iota3A, %eq3A_322 : vector<16xi32>
      tpu.vector_store_idx %arg6[%get3A_275], %broadcast_in_dim3A_1 masked %eq3A_323 {add = true} : memref<10000xf32, #tpu.memory_space<vmem>>[vector<16xi32>], vector<16xf32>, vector<16xi1>
    }
    %scan3A_116 = arith.constant 8 : i32
    %dma_start3A_117 = arith.constant 0 : i32
    %dma_start3A_118 = arith.constant 0 : i32
    %dma_start3A_119 = tpu.memref_slice %arg5[%add3A, %dma_start3A_118] : memref<80x10000xf32, #tpu.memory_space<hbm>> -> memref<1x10000xf32, #tpu.memory_space<hbm>>
    %dma_start3A_120 = tpu.memref_squeeze %dma_start3A_119 : memref<1x10000xf32, #tpu.memory_space<hbm>> -> memref<10000xf32, #tpu.memory_space<hbm>>
    %dma_start3A_121 = tpu.memref_slice %arg10[%dma_start3A_117] : memref<2x!tpu.dma_semaphore, #tpu.memory_space<semaphore_mem>> -> memref<1x!tpu.dma_semaphore, #tpu.memory_space<semaphore_mem>>
    %dma_start3A_122 = tpu.memref_squeeze %dma_start3A_121 : memref<1x!tpu.dma_semaphore, #tpu.memory_space<semaphore_mem>> -> memref<!tpu.dma_semaphore, #tpu.memory_space<semaphore_mem>>
    %dma_start3A_123 = arith.constant 0 : i32
    %dma_start3A_124 = tpu.memref_slice %arg5[%add3A, %dma_start3A_123] : memref<80x10000xf32, #tpu.memory_space<hbm>> -> memref<1x10000xf32, #tpu.memory_space<hbm>>
    %dma_start3A_125 = tpu.memref_squeeze %dma_start3A_124 : memref<1x10000xf32, #tpu.memory_space<hbm>> -> memref<10000xf32, #tpu.memory_space<hbm>>
    tpu.enqueue_dma source(%arg6 : memref<10000xf32, #tpu.memory_space<vmem>>) target(%dma_start3A_125 : memref<10000xf32, #tpu.memory_space<hbm>>) target_semaphore(%dma_start3A_122 : memref<!tpu.dma_semaphore, #tpu.memory_space<semaphore_mem>>)
    %dma_wait3A_126 = arith.constant 1 : i32
    %dma_wait3A_127 = arith.constant 128 : i32
    %dma_wait3A_128 = tpu.memref_slice %arg8[%dma_wait3A_127] : memref<768xi32, #tpu.memory_space<vmem>> -> memref<128xi32, #tpu.memory_space<vmem>>
    %dma_wait3A_129 = arith.constant 0 : i32
    %dma_wait3A_130 = tpu.memref_slice %arg4[%add3A_17, %dma_wait3A_129] : memref<64x128xi32, #tpu.memory_space<hbm>> -> memref<1x128xi32, #tpu.memory_space<hbm>>
    %dma_wait3A_131 = tpu.memref_squeeze %dma_wait3A_130 : memref<1x128xi32, #tpu.memory_space<hbm>> -> memref<128xi32, #tpu.memory_space<hbm>>
    %dma_wait3A_132 = tpu.memref_slice %arg9[%dma_wait3A_126] : memref<3x!tpu.dma_semaphore, #tpu.memory_space<semaphore_mem>> -> memref<1x!tpu.dma_semaphore, #tpu.memory_space<semaphore_mem>>
    %dma_wait3A_133 = tpu.memref_squeeze %dma_wait3A_132 : memref<1x!tpu.dma_semaphore, #tpu.memory_space<semaphore_mem>> -> memref<!tpu.dma_semaphore, #tpu.memory_space<semaphore_mem>>
    %dma_wait3A_134 = arith.constant 128 : i32
    %dma_wait3A_135 = tpu.memref_slice %arg8[%dma_wait3A_134] : memref<768xi32, #tpu.memory_space<vmem>> -> memref<128xi32, #tpu.memory_space<vmem>>
    %dma_wait3A_136 = arith.constant 0 : i32
    %dma_wait3A_137 = tpu.memref_slice %arg4[%add3A_17, %dma_wait3A_136] : memref<64x128xi32, #tpu.memory_space<hbm>> -> memref<1x128xi32, #tpu.memory_space<hbm>>
    %dma_wait3A_138 = tpu.memref_squeeze %dma_wait3A_137 : memref<1x128xi32, #tpu.memory_space<hbm>> -> memref<128xi32, #tpu.memory_space<hbm>>
    tpu.wait_dma2 semaphore(%dma_wait3A_133 : memref<!tpu.dma_semaphore, #tpu.memory_space<semaphore_mem>>) src(%dma_wait3A_138 : memref<128xi32, #tpu.memory_space<hbm>>) dst(%dma_wait3A_135 : memref<128xi32, #tpu.memory_space<vmem>>)
    %scan3A_139 = arith.constant 0 : i32
    %scan3A_140 = arith.constant 0 : i32
    %scan3A_141 = arith.constant 8 : i32
    %scan3A_142 = arith.addi %scan3A_140, %scan3A_141 : i32
    %scan3A_143 = arith.constant 1 : i32
    scf.for %scan3A_270 = %scan3A_140 to %scan3A_142 step %scan3A_143  : i32 {
      %mul3A_271 = arith.constant 16 : i32
      %mul3A_272 = arith.muli %scan3A_270, %mul3A_271 : i32
      %add3A_273 = arith.constant 128 : i32
      %add3A_274 = arith.addi %add3A_273, %mul3A_272 : i32
      %get3A = arith.index_cast %add3A_274 : i32 to index
      %get3A_275 = tpu.vector_load %arg8[%get3A] {strides = array<i32>} : memref<768xi32, #tpu.memory_space<vmem>>, vector<16xi32>,
      %eq3A_276 = arith.constant 0 : i32
      %eq3A_277 = vector.broadcast %eq3A_276 : i32 to vector<16xi32>
      %eq3A_278 = arith.cmpi eq, %iota3A, %eq3A_277 : vector<16xi32>
      tpu.vector_store_idx %arg7[%get3A_275], %broadcast_in_dim3A_1 masked %eq3A_278 {add = true} : memref<10000xf32, #tpu.memory_space<vmem>>[vector<16xi32>], vector<16xf32>, vector<16xi1>
      %eq3A_279 = arith.constant 1 : i32
      %eq3A_280 = vector.broadcast %eq3A_279 : i32 to vector<16xi32>
      %eq3A_281 = arith.cmpi eq, %iota3A, %eq3A_280 : vector<16xi32>
      tpu.vector_store_idx %arg7[%get3A_275], %broadcast_in_dim3A_1 masked %eq3A_281 {add = true} : memref<10000xf32, #tpu.memory_space<vmem>>[vector<16xi32>], vector<16xf32>, vector<16xi1>
      %eq3A_282 = arith.constant 2 : i32
      %eq3A_283 = vector.broadcast %eq3A_282 : i32 to vector<16xi32>
      %eq3A_284 = arith.cmpi eq, %iota3A, %eq3A_283 : vector<16xi32>
      tpu.vector_store_idx %arg7[%get3A_275], %broadcast_in_dim3A_1 masked %eq3A_284 {add = true} : memref<10000xf32, #tpu.memory_space<vmem>>[vector<16xi32>], vector<16xf32>, vector<16xi1>
      %eq3A_285 = arith.constant 3 : i32
      %eq3A_286 = vector.broadcast %eq3A_285 : i32 to vector<16xi32>
      %eq3A_287 = arith.cmpi eq, %iota3A, %eq3A_286 : vector<16xi32>
      tpu.vector_store_idx %arg7[%get3A_275], %broadcast_in_dim3A_1 masked %eq3A_287 {add = true} : memref<10000xf32, #tpu.memory_space<vmem>>[vector<16xi32>], vector<16xf32>, vector<16xi1>
      %eq3A_288 = arith.constant 4 : i32
      %eq3A_289 = vector.broadcast %eq3A_288 : i32 to vector<16xi32>
      %eq3A_290 = arith.cmpi eq, %iota3A, %eq3A_289 : vector<16xi32>
      tpu.vector_store_idx %arg7[%get3A_275], %broadcast_in_dim3A_1 masked %eq3A_290 {add = true} : memref<10000xf32, #tpu.memory_space<vmem>>[vector<16xi32>], vector<16xf32>, vector<16xi1>
      %eq3A_291 = arith.constant 5 : i32
      %eq3A_292 = vector.broadcast %eq3A_291 : i32 to vector<16xi32>
      %eq3A_293 = arith.cmpi eq, %iota3A, %eq3A_292 : vector<16xi32>
      tpu.vector_store_idx %arg7[%get3A_275], %broadcast_in_dim3A_1 masked %eq3A_293 {add = true} : memref<10000xf32, #tpu.memory_space<vmem>>[vector<16xi32>], vector<16xf32>, vector<16xi1>
      %eq3A_294 = arith.constant 6 : i32
      %eq3A_295 = vector.broadcast %eq3A_294 : i32 to vector<16xi32>
      %eq3A_296 = arith.cmpi eq, %iota3A, %eq3A_295 : vector<16xi32>
      tpu.vector_store_idx %arg7[%get3A_275], %broadcast_in_dim3A_1 masked %eq3A_296 {add = true} : memref<10000xf32, #tpu.memory_space<vmem>>[vector<16xi32>], vector<16xf32>, vector<16xi1>
      %eq3A_297 = arith.constant 7 : i32
      %eq3A_298 = vector.broadcast %eq3A_297 : i32 to vector<16xi32>
      %eq3A_299 = arith.cmpi eq, %iota3A, %eq3A_298 : vector<16xi32>
      tpu.vector_store_idx %arg7[%get3A_275], %broadcast_in_dim3A_1 masked %eq3A_299 {add = true} : memref<10000xf32, #tpu.memory_space<vmem>>[vector<16xi32>], vector<16xf32>, vector<16xi1>
      %eq3A_300 = arith.constant 8 : i32
      %eq3A_301 = vector.broadcast %eq3A_300 : i32 to vector<16xi32>
      %eq3A_302 = arith.cmpi eq, %iota3A, %eq3A_301 : vector<16xi32>
      tpu.vector_store_idx %arg7[%get3A_275], %broadcast_in_dim3A_1 masked %eq3A_302 {add = true} : memref<10000xf32, #tpu.memory_space<vmem>>[vector<16xi32>], vector<16xf32>, vector<16xi1>
      %eq3A_303 = arith.constant 9 : i32
      %eq3A_304 = vector.broadcast %eq3A_303 : i32 to vector<16xi32>
      %eq3A_305 = arith.cmpi eq, %iota3A, %eq3A_304 : vector<16xi32>
      tpu.vector_store_idx %arg7[%get3A_275], %broadcast_in_dim3A_1 masked %eq3A_305 {add = true} : memref<10000xf32, #tpu.memory_space<vmem>>[vector<16xi32>], vector<16xf32>, vector<16xi1>
      %eq3A_306 = arith.constant 10 : i32
      %eq3A_307 = vector.broadcast %eq3A_306 : i32 to vector<16xi32>
      %eq3A_308 = arith.cmpi eq, %iota3A, %eq3A_307 : vector<16xi32>
      tpu.vector_store_idx %arg7[%get3A_275], %broadcast_in_dim3A_1 masked %eq3A_308 {add = true} : memref<10000xf32, #tpu.memory_space<vmem>>[vector<16xi32>], vector<16xf32>, vector<16xi1>
      %eq3A_309 = arith.constant 11 : i32
      %eq3A_310 = vector.broadcast %eq3A_309 : i32 to vector<16xi32>
      %eq3A_311 = arith.cmpi eq, %iota3A, %eq3A_310 : vector<16xi32>
      tpu.vector_store_idx %arg7[%get3A_275], %broadcast_in_dim3A_1 masked %eq3A_311 {add = true} : memref<10000xf32, #tpu.memory_space<vmem>>[vector<16xi32>], vector<16xf32>, vector<16xi1>
      %eq3A_312 = arith.constant 12 : i32
      %eq3A_313 = vector.broadcast %eq3A_312 : i32 to vector<16xi32>
      %eq3A_314 = arith.cmpi eq, %iota3A, %eq3A_313 : vector<16xi32>
      tpu.vector_store_idx %arg7[%get3A_275], %broadcast_in_dim3A_1 masked %eq3A_314 {add = true} : memref<10000xf32, #tpu.memory_space<vmem>>[vector<16xi32>], vector<16xf32>, vector<16xi1>
      %eq3A_315 = arith.constant 13 : i32
      %eq3A_316 = vector.broadcast %eq3A_315 : i32 to vector<16xi32>
      %eq3A_317 = arith.cmpi eq, %iota3A, %eq3A_316 : vector<16xi32>
      tpu.vector_store_idx %arg7[%get3A_275], %broadcast_in_dim3A_1 masked %eq3A_317 {add = true} : memref<10000xf32, #tpu.memory_space<vmem>>[vector<16xi32>], vector<16xf32>, vector<16xi1>
      %eq3A_318 = arith.constant 14 : i32
      %eq3A_319 = vector.broadcast %eq3A_318 : i32 to vector<16xi32>
      %eq3A_320 = arith.cmpi eq, %iota3A, %eq3A_319 : vector<16xi32>
      tpu.vector_store_idx %arg7[%get3A_275], %broadcast_in_dim3A_1 masked %eq3A_320 {add = true} : memref<10000xf32, #tpu.memory_space<vmem>>[vector<16xi32>], vector<16xf32>, vector<16xi1>
      %eq3A_321 = arith.constant 15 : i32
      %eq3A_322 = vector.broadcast %eq3A_321 : i32 to vector<16xi32>
      %eq3A_323 = arith.cmpi eq, %iota3A, %eq3A_322 : vector<16xi32>
      tpu.vector_store_idx %arg7[%get3A_275], %broadcast_in_dim3A_1 masked %eq3A_323 {add = true} : memref<10000xf32, #tpu.memory_space<vmem>>[vector<16xi32>], vector<16xf32>, vector<16xi1>
    }
    %scan3A_144 = arith.constant 8 : i32
    %add3A_145 = arith.constant 32 : i32
    %add3A_146 = arith.addi %add3A, %add3A_145 : i32
    %dma_start3A_147 = arith.constant 1 : i32
    %dma_start3A_148 = arith.constant 0 : i32
    %dma_start3A_149 = tpu.memref_slice %arg5[%add3A_146, %dma_start3A_148] : memref<80x10000xf32, #tpu.memory_space<hbm>> -> memref<1x10000xf32, #tpu.memory_space<hbm>>
    %dma_start3A_150 = tpu.memref_squeeze %dma_start3A_149 : memref<1x10000xf32, #tpu.memory_space<hbm>> -> memref<10000xf32, #tpu.memory_space<hbm>>
    %dma_start3A_151 = tpu.memref_slice %arg10[%dma_start3A_147] : memref<2x!tpu.dma_semaphore, #tpu.memory_space<semaphore_mem>> -> memref<1x!tpu.dma_semaphore, #tpu.memory_space<semaphore_mem>>
    %dma_start3A_152 = tpu.memref_squeeze %dma_start3A_151 : memref<1x!tpu.dma_semaphore, #tpu.memory_space<semaphore_mem>> -> memref<!tpu.dma_semaphore, #tpu.memory_space<semaphore_mem>>
    %dma_start3A_153 = arith.constant 0 : i32
    %dma_start3A_154 = tpu.memref_slice %arg5[%add3A_146, %dma_start3A_153] : memref<80x10000xf32, #tpu.memory_space<hbm>> -> memref<1x10000xf32, #tpu.memory_space<hbm>>
    %dma_start3A_155 = tpu.memref_squeeze %dma_start3A_154 : memref<1x10000xf32, #tpu.memory_space<hbm>> -> memref<10000xf32, #tpu.memory_space<hbm>>
    tpu.enqueue_dma source(%arg7 : memref<10000xf32, #tpu.memory_space<vmem>>) target(%dma_start3A_155 : memref<10000xf32, #tpu.memory_space<hbm>>) target_semaphore(%dma_start3A_152 : memref<!tpu.dma_semaphore, #tpu.memory_space<semaphore_mem>>)
    %eq3A_156 = arith.constant 16 : i32
    %eq3A_157 = arith.cmpi eq, %add3A, %eq3A_156 : i32
    %convert_element_type3A_158 = arith.extui %eq3A_157 : i1 to i32
    %cond3A_159 = arith.constant 0 : i32
    %cond3A_160 = arith.constant 0 : i32
    %cond3A_161 = arith.cmpi ne, %convert_element_type3A_158, %cond3A_160 : i32
    scf.if %cond3A_161 {
      %dma_wait3A_270 = arith.constant 0 : i32
      %dma_wait3A_271 = tpu.memref_slice %arg5[%add3A, %dma_wait3A_270] : memref<80x10000xf32, #tpu.memory_space<hbm>> -> memref<1x10000xf32, #tpu.memory_space<hbm>>
      %dma_wait3A_272 = tpu.memref_squeeze %dma_wait3A_271 : memref<1x10000xf32, #tpu.memory_space<hbm>> -> memref<10000xf32, #tpu.memory_space<hbm>>
      %dma_wait3A_273 = tpu.memref_slice %arg10[%cond3A_159] : memref<2x!tpu.dma_semaphore, #tpu.memory_space<semaphore_mem>> -> memref<1x!tpu.dma_semaphore, #tpu.memory_space<semaphore_mem>>
      %dma_wait3A_274 = tpu.memref_squeeze %dma_wait3A_273 : memref<1x!tpu.dma_semaphore, #tpu.memory_space<semaphore_mem>> -> memref<!tpu.dma_semaphore, #tpu.memory_space<semaphore_mem>>
      %dma_wait3A_275 = arith.constant 0 : i32
      %dma_wait3A_276 = tpu.memref_slice %arg5[%add3A, %dma_wait3A_275] : memref<80x10000xf32, #tpu.memory_space<hbm>> -> memref<1x10000xf32, #tpu.memory_space<hbm>>
      %dma_wait3A_277 = tpu.memref_squeeze %dma_wait3A_276 : memref<1x10000xf32, #tpu.memory_space<hbm>> -> memref<10000xf32, #tpu.memory_space<hbm>>
      tpu.wait_dma2 semaphore(%dma_wait3A_274 : memref<!tpu.dma_semaphore, #tpu.memory_space<semaphore_mem>>) src(%arg6 : memref<10000xf32, #tpu.memory_space<vmem>>) dst(%dma_wait3A_277 : memref<10000xf32, #tpu.memory_space<hbm>>)
      %scan3A_278 = arith.constant 0 : i32
      %scan3A_279 = arith.constant 0 : i32
      %scan3A_280 = arith.constant 8 : i32
      %scan3A_281 = arith.addi %scan3A_279, %scan3A_280 : i32
      %scan3A_282 = arith.constant 1 : i32
      scf.for %scan3A_311 = %scan3A_279 to %scan3A_281 step %scan3A_282  : i32 {
        %mul3A_312 = arith.constant 16 : i32
        %mul3A_313 = arith.muli %scan3A_311, %mul3A_312 : i32
        %add3A_314 = arith.constant 0 : i32
        %add3A_315 = arith.addi %add3A_314, %mul3A_313 : i32
        %get3A = arith.index_cast %add3A_315 : i32 to index
        %get3A_316 = tpu.vector_load %arg8[%get3A] {strides = array<i32>} : memref<768xi32, #tpu.memory_space<vmem>>, vector<16xi32>,
        tpu.vector_store_idx %arg6[%get3A_316], %broadcast_in_dim3A_3 : memref<10000xf32, #tpu.memory_space<vmem>>[vector<16xi32>], vector<16xf32>,
      }
      %scan3A_283 = arith.constant 8 : i32
      %dma_wait3A_284 = arith.constant 2 : i32
      %dma_wait3A_285 = arith.constant 256 : i32
      %dma_wait3A_286 = tpu.memref_slice %arg8[%dma_wait3A_285] : memref<768xi32, #tpu.memory_space<vmem>> -> memref<128xi32, #tpu.memory_space<vmem>>
      %dma_wait3A_287 = arith.constant 0 : i32
      %dma_wait3A_288 = tpu.memref_slice %arg2[%dma_wait3A_287] : memref<512xi32, #tpu.memory_space<hbm>> -> memref<128xi32, #tpu.memory_space<hbm>>
      %dma_wait3A_289 = tpu.memref_slice %arg9[%dma_wait3A_284] : memref<3x!tpu.dma_semaphore, #tpu.memory_space<semaphore_mem>> -> memref<1x!tpu.dma_semaphore, #tpu.memory_space<semaphore_mem>>
      %dma_wait3A_290 = tpu.memref_squeeze %dma_wait3A_289 : memref<1x!tpu.dma_semaphore, #tpu.memory_space<semaphore_mem>> -> memref<!tpu.dma_semaphore, #tpu.memory_space<semaphore_mem>>
      %dma_wait3A_291 = arith.constant 256 : i32
      %dma_wait3A_292 = tpu.memref_slice %arg8[%dma_wait3A_291] : memref<768xi32, #tpu.memory_space<vmem>> -> memref<128xi32, #tpu.memory_space<vmem>>
      %dma_wait3A_293 = arith.constant 0 : i32
      %dma_wait3A_294 = tpu.memref_slice %arg2[%dma_wait3A_293] : memref<512xi32, #tpu.memory_space<hbm>> -> memref<128xi32, #tpu.memory_space<hbm>>
      tpu.wait_dma2 semaphore(%dma_wait3A_290 : memref<!tpu.dma_semaphore, #tpu.memory_space<semaphore_mem>>) src(%dma_wait3A_294 : memref<128xi32, #tpu.memory_space<hbm>>) dst(%dma_wait3A_292 : memref<128xi32, #tpu.memory_space<vmem>>)
      %scan3A_295 = arith.constant 0 : i32
      %scan3A_296 = arith.constant 0 : i32
      %scan3A_297 = arith.constant 8 : i32
      %scan3A_298 = arith.addi %scan3A_296, %scan3A_297 : i32
      %scan3A_299 = arith.constant 1 : i32
      scf.for %scan3A_311 = %scan3A_296 to %scan3A_298 step %scan3A_299  : i32 {
        %mul3A_312 = arith.constant 16 : i32
        %mul3A_313 = arith.muli %scan3A_311, %mul3A_312 : i32
        %add3A_314 = arith.constant 256 : i32
        %add3A_315 = arith.addi %add3A_314, %mul3A_313 : i32
        %get3A = arith.index_cast %add3A_315 : i32 to index
        %get3A_316 = tpu.vector_load %arg8[%get3A] {strides = array<i32>} : memref<768xi32, #tpu.memory_space<vmem>>, vector<16xi32>,
        %eq3A_317 = arith.constant 0 : i32
        %eq3A_318 = vector.broadcast %eq3A_317 : i32 to vector<16xi32>
        %eq3A_319 = arith.cmpi eq, %iota3A, %eq3A_318 : vector<16xi32>
        tpu.vector_store_idx %arg6[%get3A_316], %broadcast_in_dim3A_1 masked %eq3A_319 {add = true} : memref<10000xf32, #tpu.memory_space<vmem>>[vector<16xi32>], vector<16xf32>, vector<16xi1>
        %eq3A_320 = arith.constant 1 : i32
        %eq3A_321 = vector.broadcast %eq3A_320 : i32 to vector<16xi32>
        %eq3A_322 = arith.cmpi eq, %iota3A, %eq3A_321 : vector<16xi32>
        tpu.vector_store_idx %arg6[%get3A_316], %broadcast_in_dim3A_1 masked %eq3A_322 {add = true} : memref<10000xf32, #tpu.memory_space<vmem>>[vector<16xi32>], vector<16xf32>, vector<16xi1>
        %eq3A_323 = arith.constant 2 : i32
        %eq3A_324 = vector.broadcast %eq3A_323 : i32 to vector<16xi32>
        %eq3A_325 = arith.cmpi eq, %iota3A, %eq3A_324 : vector<16xi32>
        tpu.vector_store_idx %arg6[%get3A_316], %broadcast_in_dim3A_1 masked %eq3A_325 {add = true} : memref<10000xf32, #tpu.memory_space<vmem>>[vector<16xi32>], vector<16xf32>, vector<16xi1>
        %eq3A_326 = arith.constant 3 : i32
        %eq3A_327 = vector.broadcast %eq3A_326 : i32 to vector<16xi32>
        %eq3A_328 = arith.cmpi eq, %iota3A, %eq3A_327 : vector<16xi32>
        tpu.vector_store_idx %arg6[%get3A_316], %broadcast_in_dim3A_1 masked %eq3A_328 {add = true} : memref<10000xf32, #tpu.memory_space<vmem>>[vector<16xi32>], vector<16xf32>, vector<16xi1>
        %eq3A_329 = arith.constant 4 : i32
        %eq3A_330 = vector.broadcast %eq3A_329 : i32 to vector<16xi32>
        %eq3A_331 = arith.cmpi eq, %iota3A, %eq3A_330 : vector<16xi32>
        tpu.vector_store_idx %arg6[%get3A_316], %broadcast_in_dim3A_1 masked %eq3A_331 {add = true} : memref<10000xf32, #tpu.memory_space<vmem>>[vector<16xi32>], vector<16xf32>, vector<16xi1>
        %eq3A_332 = arith.constant 5 : i32
        %eq3A_333 = vector.broadcast %eq3A_332 : i32 to vector<16xi32>
        %eq3A_334 = arith.cmpi eq, %iota3A, %eq3A_333 : vector<16xi32>
        tpu.vector_store_idx %arg6[%get3A_316], %broadcast_in_dim3A_1 masked %eq3A_334 {add = true} : memref<10000xf32, #tpu.memory_space<vmem>>[vector<16xi32>], vector<16xf32>, vector<16xi1>
        %eq3A_335 = arith.constant 6 : i32
        %eq3A_336 = vector.broadcast %eq3A_335 : i32 to vector<16xi32>
        %eq3A_337 = arith.cmpi eq, %iota3A, %eq3A_336 : vector<16xi32>
        tpu.vector_store_idx %arg6[%get3A_316], %broadcast_in_dim3A_1 masked %eq3A_337 {add = true} : memref<10000xf32, #tpu.memory_space<vmem>>[vector<16xi32>], vector<16xf32>, vector<16xi1>
        %eq3A_338 = arith.constant 7 : i32
        %eq3A_339 = vector.broadcast %eq3A_338 : i32 to vector<16xi32>
        %eq3A_340 = arith.cmpi eq, %iota3A, %eq3A_339 : vector<16xi32>
        tpu.vector_store_idx %arg6[%get3A_316], %broadcast_in_dim3A_1 masked %eq3A_340 {add = true} : memref<10000xf32, #tpu.memory_space<vmem>>[vector<16xi32>], vector<16xf32>, vector<16xi1>
        %eq3A_341 = arith.constant 8 : i32
        %eq3A_342 = vector.broadcast %eq3A_341 : i32 to vector<16xi32>
        %eq3A_343 = arith.cmpi eq, %iota3A, %eq3A_342 : vector<16xi32>
        tpu.vector_store_idx %arg6[%get3A_316], %broadcast_in_dim3A_1 masked %eq3A_343 {add = true} : memref<10000xf32, #tpu.memory_space<vmem>>[vector<16xi32>], vector<16xf32>, vector<16xi1>
        %eq3A_344 = arith.constant 9 : i32
        %eq3A_345 = vector.broadcast %eq3A_344 : i32 to vector<16xi32>
        %eq3A_346 = arith.cmpi eq, %iota3A, %eq3A_345 : vector<16xi32>
        tpu.vector_store_idx %arg6[%get3A_316], %broadcast_in_dim3A_1 masked %eq3A_346 {add = true} : memref<10000xf32, #tpu.memory_space<vmem>>[vector<16xi32>], vector<16xf32>, vector<16xi1>
        %eq3A_347 = arith.constant 10 : i32
        %eq3A_348 = vector.broadcast %eq3A_347 : i32 to vector<16xi32>
        %eq3A_349 = arith.cmpi eq, %iota3A, %eq3A_348 : vector<16xi32>
        tpu.vector_store_idx %arg6[%get3A_316], %broadcast_in_dim3A_1 masked %eq3A_349 {add = true} : memref<10000xf32, #tpu.memory_space<vmem>>[vector<16xi32>], vector<16xf32>, vector<16xi1>
        %eq3A_350 = arith.constant 11 : i32
        %eq3A_351 = vector.broadcast %eq3A_350 : i32 to vector<16xi32>
        %eq3A_352 = arith.cmpi eq, %iota3A, %eq3A_351 : vector<16xi32>
        tpu.vector_store_idx %arg6[%get3A_316], %broadcast_in_dim3A_1 masked %eq3A_352 {add = true} : memref<10000xf32, #tpu.memory_space<vmem>>[vector<16xi32>], vector<16xf32>, vector<16xi1>
        %eq3A_353 = arith.constant 12 : i32
        %eq3A_354 = vector.broadcast %eq3A_353 : i32 to vector<16xi32>
        %eq3A_355 = arith.cmpi eq, %iota3A, %eq3A_354 : vector<16xi32>
        tpu.vector_store_idx %arg6[%get3A_316], %broadcast_in_dim3A_1 masked %eq3A_355 {add = true} : memref<10000xf32, #tpu.memory_space<vmem>>[vector<16xi32>], vector<16xf32>, vector<16xi1>
        %eq3A_356 = arith.constant 13 : i32
        %eq3A_357 = vector.broadcast %eq3A_356 : i32 to vector<16xi32>
        %eq3A_358 = arith.cmpi eq, %iota3A, %eq3A_357 : vector<16xi32>
        tpu.vector_store_idx %arg6[%get3A_316], %broadcast_in_dim3A_1 masked %eq3A_358 {add = true} : memref<10000xf32, #tpu.memory_space<vmem>>[vector<16xi32>], vector<16xf32>, vector<16xi1>
        %eq3A_359 = arith.constant 14 : i32
        %eq3A_360 = vector.broadcast %eq3A_359 : i32 to vector<16xi32>
        %eq3A_361 = arith.cmpi eq, %iota3A, %eq3A_360 : vector<16xi32>
        tpu.vector_store_idx %arg6[%get3A_316], %broadcast_in_dim3A_1 masked %eq3A_361 {add = true} : memref<10000xf32, #tpu.memory_space<vmem>>[vector<16xi32>], vector<16xf32>, vector<16xi1>
        %eq3A_362 = arith.constant 15 : i32
        %eq3A_363 = vector.broadcast %eq3A_362 : i32 to vector<16xi32>
        %eq3A_364 = arith.cmpi eq, %iota3A, %eq3A_363 : vector<16xi32>
        tpu.vector_store_idx %arg6[%get3A_316], %broadcast_in_dim3A_1 masked %eq3A_364 {add = true} : memref<10000xf32, #tpu.memory_space<vmem>>[vector<16xi32>], vector<16xf32>, vector<16xi1>
      }
      %scan3A_300 = arith.constant 8 : i32
      %dma_start3A_301 = arith.constant 64 : i32
      %dma_start3A_302 = arith.constant 0 : i32
      %dma_start3A_303 = arith.constant 0 : i32
      %dma_start3A_304 = tpu.memref_slice %arg5[%dma_start3A_301, %dma_start3A_303] : memref<80x10000xf32, #tpu.memory_space<hbm>> -> memref<1x10000xf32, #tpu.memory_space<hbm>>
      %dma_start3A_305 = tpu.memref_squeeze %dma_start3A_304 : memref<1x10000xf32, #tpu.memory_space<hbm>> -> memref<10000xf32, #tpu.memory_space<hbm>>
      %dma_start3A_306 = tpu.memref_slice %arg10[%dma_start3A_302] : memref<2x!tpu.dma_semaphore, #tpu.memory_space<semaphore_mem>> -> memref<1x!tpu.dma_semaphore, #tpu.memory_space<semaphore_mem>>
      %dma_start3A_307 = tpu.memref_squeeze %dma_start3A_306 : memref<1x!tpu.dma_semaphore, #tpu.memory_space<semaphore_mem>> -> memref<!tpu.dma_semaphore, #tpu.memory_space<semaphore_mem>>
      %dma_start3A_308 = arith.constant 0 : i32
      %dma_start3A_309 = tpu.memref_slice %arg5[%dma_start3A_301, %dma_start3A_308] : memref<80x10000xf32, #tpu.memory_space<hbm>> -> memref<1x10000xf32, #tpu.memory_space<hbm>>
      %dma_start3A_310 = tpu.memref_squeeze %dma_start3A_309 : memref<1x10000xf32, #tpu.memory_space<hbm>> -> memref<10000xf32, #tpu.memory_space<hbm>>
      tpu.enqueue_dma source(%arg6 : memref<10000xf32, #tpu.memory_space<vmem>>) target(%dma_start3A_310 : memref<10000xf32, #tpu.memory_space<hbm>>) target_semaphore(%dma_start3A_307 : memref<!tpu.dma_semaphore, #tpu.memory_space<semaphore_mem>>)
    } else {
    }
    %eq3A_162 = arith.constant 17 : i32
    %eq3A_163 = arith.cmpi eq, %add3A, %eq3A_162 : i32
    %convert_element_type3A_164 = arith.extui %eq3A_163 : i1 to i32
    %cond3A_165 = arith.constant 0 : i32
    %cond3A_166 = arith.constant 0 : i32
    %cond3A_167 = arith.cmpi ne, %convert_element_type3A_164, %cond3A_166 : i32
    scf.if %cond3A_167 {
      %dma_wait3A_270 = arith.constant 0 : i32
      %dma_wait3A_271 = tpu.memref_slice %arg5[%add3A, %dma_wait3A_270] : memref<80x10000xf32, #tpu.memory_space<hbm>> -> memref<1x10000xf32, #tpu.memory_space<hbm>>
      %dma_wait3A_272 = tpu.memref_squeeze %dma_wait3A_271 : memref<1x10000xf32, #tpu.memory_space<hbm>> -> memref<10000xf32, #tpu.memory_space<hbm>>
      %dma_wait3A_273 = tpu.memref_slice %arg10[%cond3A_165] : memref<2x!tpu.dma_semaphore, #tpu.memory_space<semaphore_mem>> -> memref<1x!tpu.dma_semaphore, #tpu.memory_space<semaphore_mem>>
      %dma_wait3A_274 = tpu.memref_squeeze %dma_wait3A_273 : memref<1x!tpu.dma_semaphore, #tpu.memory_space<semaphore_mem>> -> memref<!tpu.dma_semaphore, #tpu.memory_space<semaphore_mem>>
      %dma_wait3A_275 = arith.constant 0 : i32
      %dma_wait3A_276 = tpu.memref_slice %arg5[%add3A, %dma_wait3A_275] : memref<80x10000xf32, #tpu.memory_space<hbm>> -> memref<1x10000xf32, #tpu.memory_space<hbm>>
      %dma_wait3A_277 = tpu.memref_squeeze %dma_wait3A_276 : memref<1x10000xf32, #tpu.memory_space<hbm>> -> memref<10000xf32, #tpu.memory_space<hbm>>
      tpu.wait_dma2 semaphore(%dma_wait3A_274 : memref<!tpu.dma_semaphore, #tpu.memory_space<semaphore_mem>>) src(%arg6 : memref<10000xf32, #tpu.memory_space<vmem>>) dst(%dma_wait3A_277 : memref<10000xf32, #tpu.memory_space<hbm>>)
      %scan3A_278 = arith.constant 0 : i32
      %scan3A_279 = arith.constant 0 : i32
      %scan3A_280 = arith.constant 8 : i32
      %scan3A_281 = arith.addi %scan3A_279, %scan3A_280 : i32
      %scan3A_282 = arith.constant 1 : i32
      scf.for %scan3A_311 = %scan3A_279 to %scan3A_281 step %scan3A_282  : i32 {
        %mul3A_312 = arith.constant 16 : i32
        %mul3A_313 = arith.muli %scan3A_311, %mul3A_312 : i32
        %add3A_314 = arith.constant 0 : i32
        %add3A_315 = arith.addi %add3A_314, %mul3A_313 : i32
        %get3A = arith.index_cast %add3A_315 : i32 to index
        %get3A_316 = tpu.vector_load %arg8[%get3A] {strides = array<i32>} : memref<768xi32, #tpu.memory_space<vmem>>, vector<16xi32>,
        tpu.vector_store_idx %arg6[%get3A_316], %broadcast_in_dim3A_3 : memref<10000xf32, #tpu.memory_space<vmem>>[vector<16xi32>], vector<16xf32>,
      }
      %scan3A_283 = arith.constant 8 : i32
      %dma_wait3A_284 = arith.constant 2 : i32
      %dma_wait3A_285 = arith.constant 256 : i32
      %dma_wait3A_286 = tpu.memref_slice %arg8[%dma_wait3A_285] : memref<768xi32, #tpu.memory_space<vmem>> -> memref<128xi32, #tpu.memory_space<vmem>>
      %dma_wait3A_287 = arith.constant 128 : i32
      %dma_wait3A_288 = tpu.memref_slice %arg2[%dma_wait3A_287] : memref<512xi32, #tpu.memory_space<hbm>> -> memref<128xi32, #tpu.memory_space<hbm>>
      %dma_wait3A_289 = tpu.memref_slice %arg9[%dma_wait3A_284] : memref<3x!tpu.dma_semaphore, #tpu.memory_space<semaphore_mem>> -> memref<1x!tpu.dma_semaphore, #tpu.memory_space<semaphore_mem>>
      %dma_wait3A_290 = tpu.memref_squeeze %dma_wait3A_289 : memref<1x!tpu.dma_semaphore, #tpu.memory_space<semaphore_mem>> -> memref<!tpu.dma_semaphore, #tpu.memory_space<semaphore_mem>>
      %dma_wait3A_291 = arith.constant 256 : i32
      %dma_wait3A_292 = tpu.memref_slice %arg8[%dma_wait3A_291] : memref<768xi32, #tpu.memory_space<vmem>> -> memref<128xi32, #tpu.memory_space<vmem>>
      %dma_wait3A_293 = arith.constant 128 : i32
      %dma_wait3A_294 = tpu.memref_slice %arg2[%dma_wait3A_293] : memref<512xi32, #tpu.memory_space<hbm>> -> memref<128xi32, #tpu.memory_space<hbm>>
      tpu.wait_dma2 semaphore(%dma_wait3A_290 : memref<!tpu.dma_semaphore, #tpu.memory_space<semaphore_mem>>) src(%dma_wait3A_294 : memref<128xi32, #tpu.memory_space<hbm>>) dst(%dma_wait3A_292 : memref<128xi32, #tpu.memory_space<vmem>>)
      %scan3A_295 = arith.constant 0 : i32
      %scan3A_296 = arith.constant 0 : i32
      %scan3A_297 = arith.constant 8 : i32
      %scan3A_298 = arith.addi %scan3A_296, %scan3A_297 : i32
      %scan3A_299 = arith.constant 1 : i32
      scf.for %scan3A_311 = %scan3A_296 to %scan3A_298 step %scan3A_299  : i32 {
        %mul3A_312 = arith.constant 16 : i32
        %mul3A_313 = arith.muli %scan3A_311, %mul3A_312 : i32
        %add3A_314 = arith.constant 256 : i32
        %add3A_315 = arith.addi %add3A_314, %mul3A_313 : i32
        %get3A = arith.index_cast %add3A_315 : i32 to index
        %get3A_316 = tpu.vector_load %arg8[%get3A] {strides = array<i32>} : memref<768xi32, #tpu.memory_space<vmem>>, vector<16xi32>,
        %eq3A_317 = arith.constant 0 : i32
        %eq3A_318 = vector.broadcast %eq3A_317 : i32 to vector<16xi32>
        %eq3A_319 = arith.cmpi eq, %iota3A, %eq3A_318 : vector<16xi32>
        tpu.vector_store_idx %arg6[%get3A_316], %broadcast_in_dim3A_1 masked %eq3A_319 {add = true} : memref<10000xf32, #tpu.memory_space<vmem>>[vector<16xi32>], vector<16xf32>, vector<16xi1>
        %eq3A_320 = arith.constant 1 : i32
        %eq3A_321 = vector.broadcast %eq3A_320 : i32 to vector<16xi32>
        %eq3A_322 = arith.cmpi eq, %iota3A, %eq3A_321 : vector<16xi32>
        tpu.vector_store_idx %arg6[%get3A_316], %broadcast_in_dim3A_1 masked %eq3A_322 {add = true} : memref<10000xf32, #tpu.memory_space<vmem>>[vector<16xi32>], vector<16xf32>, vector<16xi1>
        %eq3A_323 = arith.constant 2 : i32
        %eq3A_324 = vector.broadcast %eq3A_323 : i32 to vector<16xi32>
        %eq3A_325 = arith.cmpi eq, %iota3A, %eq3A_324 : vector<16xi32>
        tpu.vector_store_idx %arg6[%get3A_316], %broadcast_in_dim3A_1 masked %eq3A_325 {add = true} : memref<10000xf32, #tpu.memory_space<vmem>>[vector<16xi32>], vector<16xf32>, vector<16xi1>
        %eq3A_326 = arith.constant 3 : i32
        %eq3A_327 = vector.broadcast %eq3A_326 : i32 to vector<16xi32>
        %eq3A_328 = arith.cmpi eq, %iota3A, %eq3A_327 : vector<16xi32>
        tpu.vector_store_idx %arg6[%get3A_316], %broadcast_in_dim3A_1 masked %eq3A_328 {add = true} : memref<10000xf32, #tpu.memory_space<vmem>>[vector<16xi32>], vector<16xf32>, vector<16xi1>
        %eq3A_329 = arith.constant 4 : i32
        %eq3A_330 = vector.broadcast %eq3A_329 : i32 to vector<16xi32>
        %eq3A_331 = arith.cmpi eq, %iota3A, %eq3A_330 : vector<16xi32>
        tpu.vector_store_idx %arg6[%get3A_316], %broadcast_in_dim3A_1 masked %eq3A_331 {add = true} : memref<10000xf32, #tpu.memory_space<vmem>>[vector<16xi32>], vector<16xf32>, vector<16xi1>
        %eq3A_332 = arith.constant 5 : i32
        %eq3A_333 = vector.broadcast %eq3A_332 : i32 to vector<16xi32>
        %eq3A_334 = arith.cmpi eq, %iota3A, %eq3A_333 : vector<16xi32>
        tpu.vector_store_idx %arg6[%get3A_316], %broadcast_in_dim3A_1 masked %eq3A_334 {add = true} : memref<10000xf32, #tpu.memory_space<vmem>>[vector<16xi32>], vector<16xf32>, vector<16xi1>
        %eq3A_335 = arith.constant 6 : i32
        %eq3A_336 = vector.broadcast %eq3A_335 : i32 to vector<16xi32>
        %eq3A_337 = arith.cmpi eq, %iota3A, %eq3A_336 : vector<16xi32>
        tpu.vector_store_idx %arg6[%get3A_316], %broadcast_in_dim3A_1 masked %eq3A_337 {add = true} : memref<10000xf32, #tpu.memory_space<vmem>>[vector<16xi32>], vector<16xf32>, vector<16xi1>
        %eq3A_338 = arith.constant 7 : i32
        %eq3A_339 = vector.broadcast %eq3A_338 : i32 to vector<16xi32>
        %eq3A_340 = arith.cmpi eq, %iota3A, %eq3A_339 : vector<16xi32>
        tpu.vector_store_idx %arg6[%get3A_316], %broadcast_in_dim3A_1 masked %eq3A_340 {add = true} : memref<10000xf32, #tpu.memory_space<vmem>>[vector<16xi32>], vector<16xf32>, vector<16xi1>
        %eq3A_341 = arith.constant 8 : i32
        %eq3A_342 = vector.broadcast %eq3A_341 : i32 to vector<16xi32>
        %eq3A_343 = arith.cmpi eq, %iota3A, %eq3A_342 : vector<16xi32>
        tpu.vector_store_idx %arg6[%get3A_316], %broadcast_in_dim3A_1 masked %eq3A_343 {add = true} : memref<10000xf32, #tpu.memory_space<vmem>>[vector<16xi32>], vector<16xf32>, vector<16xi1>
        %eq3A_344 = arith.constant 9 : i32
        %eq3A_345 = vector.broadcast %eq3A_344 : i32 to vector<16xi32>
        %eq3A_346 = arith.cmpi eq, %iota3A, %eq3A_345 : vector<16xi32>
        tpu.vector_store_idx %arg6[%get3A_316], %broadcast_in_dim3A_1 masked %eq3A_346 {add = true} : memref<10000xf32, #tpu.memory_space<vmem>>[vector<16xi32>], vector<16xf32>, vector<16xi1>
        %eq3A_347 = arith.constant 10 : i32
        %eq3A_348 = vector.broadcast %eq3A_347 : i32 to vector<16xi32>
        %eq3A_349 = arith.cmpi eq, %iota3A, %eq3A_348 : vector<16xi32>
        tpu.vector_store_idx %arg6[%get3A_316], %broadcast_in_dim3A_1 masked %eq3A_349 {add = true} : memref<10000xf32, #tpu.memory_space<vmem>>[vector<16xi32>], vector<16xf32>, vector<16xi1>
        %eq3A_350 = arith.constant 11 : i32
        %eq3A_351 = vector.broadcast %eq3A_350 : i32 to vector<16xi32>
        %eq3A_352 = arith.cmpi eq, %iota3A, %eq3A_351 : vector<16xi32>
        tpu.vector_store_idx %arg6[%get3A_316], %broadcast_in_dim3A_1 masked %eq3A_352 {add = true} : memref<10000xf32, #tpu.memory_space<vmem>>[vector<16xi32>], vector<16xf32>, vector<16xi1>
        %eq3A_353 = arith.constant 12 : i32
        %eq3A_354 = vector.broadcast %eq3A_353 : i32 to vector<16xi32>
        %eq3A_355 = arith.cmpi eq, %iota3A, %eq3A_354 : vector<16xi32>
        tpu.vector_store_idx %arg6[%get3A_316], %broadcast_in_dim3A_1 masked %eq3A_355 {add = true} : memref<10000xf32, #tpu.memory_space<vmem>>[vector<16xi32>], vector<16xf32>, vector<16xi1>
        %eq3A_356 = arith.constant 13 : i32
        %eq3A_357 = vector.broadcast %eq3A_356 : i32 to vector<16xi32>
        %eq3A_358 = arith.cmpi eq, %iota3A, %eq3A_357 : vector<16xi32>
        tpu.vector_store_idx %arg6[%get3A_316], %broadcast_in_dim3A_1 masked %eq3A_358 {add = true} : memref<10000xf32, #tpu.memory_space<vmem>>[vector<16xi32>], vector<16xf32>, vector<16xi1>
        %eq3A_359 = arith.constant 14 : i32
        %eq3A_360 = vector.broadcast %eq3A_359 : i32 to vector<16xi32>
        %eq3A_361 = arith.cmpi eq, %iota3A, %eq3A_360 : vector<16xi32>
        tpu.vector_store_idx %arg6[%get3A_316], %broadcast_in_dim3A_1 masked %eq3A_361 {add = true} : memref<10000xf32, #tpu.memory_space<vmem>>[vector<16xi32>], vector<16xf32>, vector<16xi1>
        %eq3A_362 = arith.constant 15 : i32
        %eq3A_363 = vector.broadcast %eq3A_362 : i32 to vector<16xi32>
        %eq3A_364 = arith.cmpi eq, %iota3A, %eq3A_363 : vector<16xi32>
        tpu.vector_store_idx %arg6[%get3A_316], %broadcast_in_dim3A_1 masked %eq3A_364 {add = true} : memref<10000xf32, #tpu.memory_space<vmem>>[vector<16xi32>], vector<16xf32>, vector<16xi1>
      }
      %scan3A_300 = arith.constant 8 : i32
      %dma_start3A_301 = arith.constant 65 : i32
      %dma_start3A_302 = arith.constant 0 : i32
      %dma_start3A_303 = arith.constant 0 : i32
      %dma_start3A_304 = tpu.memref_slice %arg5[%dma_start3A_301, %dma_start3A_303] : memref<80x10000xf32, #tpu.memory_space<hbm>> -> memref<1x10000xf32, #tpu.memory_space<hbm>>
      %dma_start3A_305 = tpu.memref_squeeze %dma_start3A_304 : memref<1x10000xf32, #tpu.memory_space<hbm>> -> memref<10000xf32, #tpu.memory_space<hbm>>
      %dma_start3A_306 = tpu.memref_slice %arg10[%dma_start3A_302] : memref<2x!tpu.dma_semaphore, #tpu.memory_space<semaphore_mem>> -> memref<1x!tpu.dma_semaphore, #tpu.memory_space<semaphore_mem>>
      %dma_start3A_307 = tpu.memref_squeeze %dma_start3A_306 : memref<1x!tpu.dma_semaphore, #tpu.memory_space<semaphore_mem>> -> memref<!tpu.dma_semaphore, #tpu.memory_space<semaphore_mem>>
      %dma_start3A_308 = arith.constant 0 : i32
      %dma_start3A_309 = tpu.memref_slice %arg5[%dma_start3A_301, %dma_start3A_308] : memref<80x10000xf32, #tpu.memory_space<hbm>> -> memref<1x10000xf32, #tpu.memory_space<hbm>>
      %dma_start3A_310 = tpu.memref_squeeze %dma_start3A_309 : memref<1x10000xf32, #tpu.memory_space<hbm>> -> memref<10000xf32, #tpu.memory_space<hbm>>
      tpu.enqueue_dma source(%arg6 : memref<10000xf32, #tpu.memory_space<vmem>>) target(%dma_start3A_310 : memref<10000xf32, #tpu.memory_space<hbm>>) target_semaphore(%dma_start3A_307 : memref<!tpu.dma_semaphore, #tpu.memory_space<semaphore_mem>>)
    } else {
    }
    %eq3A_168 = arith.constant 18 : i32
    %eq3A_169 = arith.cmpi eq, %add3A, %eq3A_168 : i32
    %convert_element_type3A_170 = arith.extui %eq3A_169 : i1 to i32
    %cond3A_171 = arith.constant 0 : i32
    %cond3A_172 = arith.constant 0 : i32
    %cond3A_173 = arith.cmpi ne, %convert_element_type3A_170, %cond3A_172 : i32
    scf.if %cond3A_173 {
      %dma_wait3A_270 = arith.constant 0 : i32
      %dma_wait3A_271 = tpu.memref_slice %arg5[%add3A, %dma_wait3A_270] : memref<80x10000xf32, #tpu.memory_space<hbm>> -> memref<1x10000xf32, #tpu.memory_space<hbm>>
      %dma_wait3A_272 = tpu.memref_squeeze %dma_wait3A_271 : memref<1x10000xf32, #tpu.memory_space<hbm>> -> memref<10000xf32, #tpu.memory_space<hbm>>
      %dma_wait3A_273 = tpu.memref_slice %arg10[%cond3A_171] : memref<2x!tpu.dma_semaphore, #tpu.memory_space<semaphore_mem>> -> memref<1x!tpu.dma_semaphore, #tpu.memory_space<semaphore_mem>>
      %dma_wait3A_274 = tpu.memref_squeeze %dma_wait3A_273 : memref<1x!tpu.dma_semaphore, #tpu.memory_space<semaphore_mem>> -> memref<!tpu.dma_semaphore, #tpu.memory_space<semaphore_mem>>
      %dma_wait3A_275 = arith.constant 0 : i32
      %dma_wait3A_276 = tpu.memref_slice %arg5[%add3A, %dma_wait3A_275] : memref<80x10000xf32, #tpu.memory_space<hbm>> -> memref<1x10000xf32, #tpu.memory_space<hbm>>
      %dma_wait3A_277 = tpu.memref_squeeze %dma_wait3A_276 : memref<1x10000xf32, #tpu.memory_space<hbm>> -> memref<10000xf32, #tpu.memory_space<hbm>>
      tpu.wait_dma2 semaphore(%dma_wait3A_274 : memref<!tpu.dma_semaphore, #tpu.memory_space<semaphore_mem>>) src(%arg6 : memref<10000xf32, #tpu.memory_space<vmem>>) dst(%dma_wait3A_277 : memref<10000xf32, #tpu.memory_space<hbm>>)
      %scan3A_278 = arith.constant 0 : i32
      %scan3A_279 = arith.constant 0 : i32
      %scan3A_280 = arith.constant 8 : i32
      %scan3A_281 = arith.addi %scan3A_279, %scan3A_280 : i32
      %scan3A_282 = arith.constant 1 : i32
      scf.for %scan3A_311 = %scan3A_279 to %scan3A_281 step %scan3A_282  : i32 {
        %mul3A_312 = arith.constant 16 : i32
        %mul3A_313 = arith.muli %scan3A_311, %mul3A_312 : i32
        %add3A_314 = arith.constant 0 : i32
        %add3A_315 = arith.addi %add3A_314, %mul3A_313 : i32
        %get3A = arith.index_cast %add3A_315 : i32 to index
        %get3A_316 = tpu.vector_load %arg8[%get3A] {strides = array<i32>} : memref<768xi32, #tpu.memory_space<vmem>>, vector<16xi32>,
        tpu.vector_store_idx %arg6[%get3A_316], %broadcast_in_dim3A_3 : memref<10000xf32, #tpu.memory_space<vmem>>[vector<16xi32>], vector<16xf32>,
      }
      %scan3A_283 = arith.constant 8 : i32
      %dma_wait3A_284 = arith.constant 2 : i32
      %dma_wait3A_285 = arith.constant 256 : i32
      %dma_wait3A_286 = tpu.memref_slice %arg8[%dma_wait3A_285] : memref<768xi32, #tpu.memory_space<vmem>> -> memref<128xi32, #tpu.memory_space<vmem>>
      %dma_wait3A_287 = arith.constant 256 : i32
      %dma_wait3A_288 = tpu.memref_slice %arg2[%dma_wait3A_287] : memref<512xi32, #tpu.memory_space<hbm>> -> memref<128xi32, #tpu.memory_space<hbm>>
      %dma_wait3A_289 = tpu.memref_slice %arg9[%dma_wait3A_284] : memref<3x!tpu.dma_semaphore, #tpu.memory_space<semaphore_mem>> -> memref<1x!tpu.dma_semaphore, #tpu.memory_space<semaphore_mem>>
      %dma_wait3A_290 = tpu.memref_squeeze %dma_wait3A_289 : memref<1x!tpu.dma_semaphore, #tpu.memory_space<semaphore_mem>> -> memref<!tpu.dma_semaphore, #tpu.memory_space<semaphore_mem>>
      %dma_wait3A_291 = arith.constant 256 : i32
      %dma_wait3A_292 = tpu.memref_slice %arg8[%dma_wait3A_291] : memref<768xi32, #tpu.memory_space<vmem>> -> memref<128xi32, #tpu.memory_space<vmem>>
      %dma_wait3A_293 = arith.constant 256 : i32
      %dma_wait3A_294 = tpu.memref_slice %arg2[%dma_wait3A_293] : memref<512xi32, #tpu.memory_space<hbm>> -> memref<128xi32, #tpu.memory_space<hbm>>
      tpu.wait_dma2 semaphore(%dma_wait3A_290 : memref<!tpu.dma_semaphore, #tpu.memory_space<semaphore_mem>>) src(%dma_wait3A_294 : memref<128xi32, #tpu.memory_space<hbm>>) dst(%dma_wait3A_292 : memref<128xi32, #tpu.memory_space<vmem>>)
      %scan3A_295 = arith.constant 0 : i32
      %scan3A_296 = arith.constant 0 : i32
      %scan3A_297 = arith.constant 8 : i32
      %scan3A_298 = arith.addi %scan3A_296, %scan3A_297 : i32
      %scan3A_299 = arith.constant 1 : i32
      scf.for %scan3A_311 = %scan3A_296 to %scan3A_298 step %scan3A_299  : i32 {
        %mul3A_312 = arith.constant 16 : i32
        %mul3A_313 = arith.muli %scan3A_311, %mul3A_312 : i32
        %add3A_314 = arith.constant 256 : i32
        %add3A_315 = arith.addi %add3A_314, %mul3A_313 : i32
        %get3A = arith.index_cast %add3A_315 : i32 to index
        %get3A_316 = tpu.vector_load %arg8[%get3A] {strides = array<i32>} : memref<768xi32, #tpu.memory_space<vmem>>, vector<16xi32>,
        %eq3A_317 = arith.constant 0 : i32
        %eq3A_318 = vector.broadcast %eq3A_317 : i32 to vector<16xi32>
        %eq3A_319 = arith.cmpi eq, %iota3A, %eq3A_318 : vector<16xi32>
        tpu.vector_store_idx %arg6[%get3A_316], %broadcast_in_dim3A_1 masked %eq3A_319 {add = true} : memref<10000xf32, #tpu.memory_space<vmem>>[vector<16xi32>], vector<16xf32>, vector<16xi1>
        %eq3A_320 = arith.constant 1 : i32
        %eq3A_321 = vector.broadcast %eq3A_320 : i32 to vector<16xi32>
        %eq3A_322 = arith.cmpi eq, %iota3A, %eq3A_321 : vector<16xi32>
        tpu.vector_store_idx %arg6[%get3A_316], %broadcast_in_dim3A_1 masked %eq3A_322 {add = true} : memref<10000xf32, #tpu.memory_space<vmem>>[vector<16xi32>], vector<16xf32>, vector<16xi1>
        %eq3A_323 = arith.constant 2 : i32
        %eq3A_324 = vector.broadcast %eq3A_323 : i32 to vector<16xi32>
        %eq3A_325 = arith.cmpi eq, %iota3A, %eq3A_324 : vector<16xi32>
        tpu.vector_store_idx %arg6[%get3A_316], %broadcast_in_dim3A_1 masked %eq3A_325 {add = true} : memref<10000xf32, #tpu.memory_space<vmem>>[vector<16xi32>], vector<16xf32>, vector<16xi1>
        %eq3A_326 = arith.constant 3 : i32
        %eq3A_327 = vector.broadcast %eq3A_326 : i32 to vector<16xi32>
        %eq3A_328 = arith.cmpi eq, %iota3A, %eq3A_327 : vector<16xi32>
        tpu.vector_store_idx %arg6[%get3A_316], %broadcast_in_dim3A_1 masked %eq3A_328 {add = true} : memref<10000xf32, #tpu.memory_space<vmem>>[vector<16xi32>], vector<16xf32>, vector<16xi1>
        %eq3A_329 = arith.constant 4 : i32
        %eq3A_330 = vector.broadcast %eq3A_329 : i32 to vector<16xi32>
        %eq3A_331 = arith.cmpi eq, %iota3A, %eq3A_330 : vector<16xi32>
        tpu.vector_store_idx %arg6[%get3A_316], %broadcast_in_dim3A_1 masked %eq3A_331 {add = true} : memref<10000xf32, #tpu.memory_space<vmem>>[vector<16xi32>], vector<16xf32>, vector<16xi1>
        %eq3A_332 = arith.constant 5 : i32
        %eq3A_333 = vector.broadcast %eq3A_332 : i32 to vector<16xi32>
        %eq3A_334 = arith.cmpi eq, %iota3A, %eq3A_333 : vector<16xi32>
        tpu.vector_store_idx %arg6[%get3A_316], %broadcast_in_dim3A_1 masked %eq3A_334 {add = true} : memref<10000xf32, #tpu.memory_space<vmem>>[vector<16xi32>], vector<16xf32>, vector<16xi1>
        %eq3A_335 = arith.constant 6 : i32
        %eq3A_336 = vector.broadcast %eq3A_335 : i32 to vector<16xi32>
        %eq3A_337 = arith.cmpi eq, %iota3A, %eq3A_336 : vector<16xi32>
        tpu.vector_store_idx %arg6[%get3A_316], %broadcast_in_dim3A_1 masked %eq3A_337 {add = true} : memref<10000xf32, #tpu.memory_space<vmem>>[vector<16xi32>], vector<16xf32>, vector<16xi1>
        %eq3A_338 = arith.constant 7 : i32
        %eq3A_339 = vector.broadcast %eq3A_338 : i32 to vector<16xi32>
        %eq3A_340 = arith.cmpi eq, %iota3A, %eq3A_339 : vector<16xi32>
        tpu.vector_store_idx %arg6[%get3A_316], %broadcast_in_dim3A_1 masked %eq3A_340 {add = true} : memref<10000xf32, #tpu.memory_space<vmem>>[vector<16xi32>], vector<16xf32>, vector<16xi1>
        %eq3A_341 = arith.constant 8 : i32
        %eq3A_342 = vector.broadcast %eq3A_341 : i32 to vector<16xi32>
        %eq3A_343 = arith.cmpi eq, %iota3A, %eq3A_342 : vector<16xi32>
        tpu.vector_store_idx %arg6[%get3A_316], %broadcast_in_dim3A_1 masked %eq3A_343 {add = true} : memref<10000xf32, #tpu.memory_space<vmem>>[vector<16xi32>], vector<16xf32>, vector<16xi1>
        %eq3A_344 = arith.constant 9 : i32
        %eq3A_345 = vector.broadcast %eq3A_344 : i32 to vector<16xi32>
        %eq3A_346 = arith.cmpi eq, %iota3A, %eq3A_345 : vector<16xi32>
        tpu.vector_store_idx %arg6[%get3A_316], %broadcast_in_dim3A_1 masked %eq3A_346 {add = true} : memref<10000xf32, #tpu.memory_space<vmem>>[vector<16xi32>], vector<16xf32>, vector<16xi1>
        %eq3A_347 = arith.constant 10 : i32
        %eq3A_348 = vector.broadcast %eq3A_347 : i32 to vector<16xi32>
        %eq3A_349 = arith.cmpi eq, %iota3A, %eq3A_348 : vector<16xi32>
        tpu.vector_store_idx %arg6[%get3A_316], %broadcast_in_dim3A_1 masked %eq3A_349 {add = true} : memref<10000xf32, #tpu.memory_space<vmem>>[vector<16xi32>], vector<16xf32>, vector<16xi1>
        %eq3A_350 = arith.constant 11 : i32
        %eq3A_351 = vector.broadcast %eq3A_350 : i32 to vector<16xi32>
        %eq3A_352 = arith.cmpi eq, %iota3A, %eq3A_351 : vector<16xi32>
        tpu.vector_store_idx %arg6[%get3A_316], %broadcast_in_dim3A_1 masked %eq3A_352 {add = true} : memref<10000xf32, #tpu.memory_space<vmem>>[vector<16xi32>], vector<16xf32>, vector<16xi1>
        %eq3A_353 = arith.constant 12 : i32
        %eq3A_354 = vector.broadcast %eq3A_353 : i32 to vector<16xi32>
        %eq3A_355 = arith.cmpi eq, %iota3A, %eq3A_354 : vector<16xi32>
        tpu.vector_store_idx %arg6[%get3A_316], %broadcast_in_dim3A_1 masked %eq3A_355 {add = true} : memref<10000xf32, #tpu.memory_space<vmem>>[vector<16xi32>], vector<16xf32>, vector<16xi1>
        %eq3A_356 = arith.constant 13 : i32
        %eq3A_357 = vector.broadcast %eq3A_356 : i32 to vector<16xi32>
        %eq3A_358 = arith.cmpi eq, %iota3A, %eq3A_357 : vector<16xi32>
        tpu.vector_store_idx %arg6[%get3A_316], %broadcast_in_dim3A_1 masked %eq3A_358 {add = true} : memref<10000xf32, #tpu.memory_space<vmem>>[vector<16xi32>], vector<16xf32>, vector<16xi1>
        %eq3A_359 = arith.constant 14 : i32
        %eq3A_360 = vector.broadcast %eq3A_359 : i32 to vector<16xi32>
        %eq3A_361 = arith.cmpi eq, %iota3A, %eq3A_360 : vector<16xi32>
        tpu.vector_store_idx %arg6[%get3A_316], %broadcast_in_dim3A_1 masked %eq3A_361 {add = true} : memref<10000xf32, #tpu.memory_space<vmem>>[vector<16xi32>], vector<16xf32>, vector<16xi1>
        %eq3A_362 = arith.constant 15 : i32
        %eq3A_363 = vector.broadcast %eq3A_362 : i32 to vector<16xi32>
        %eq3A_364 = arith.cmpi eq, %iota3A, %eq3A_363 : vector<16xi32>
        tpu.vector_store_idx %arg6[%get3A_316], %broadcast_in_dim3A_1 masked %eq3A_364 {add = true} : memref<10000xf32, #tpu.memory_space<vmem>>[vector<16xi32>], vector<16xf32>, vector<16xi1>
      }
      %scan3A_300 = arith.constant 8 : i32
      %dma_start3A_301 = arith.constant 66 : i32
      %dma_start3A_302 = arith.constant 0 : i32
      %dma_start3A_303 = arith.constant 0 : i32
      %dma_start3A_304 = tpu.memref_slice %arg5[%dma_start3A_301, %dma_start3A_303] : memref<80x10000xf32, #tpu.memory_space<hbm>> -> memref<1x10000xf32, #tpu.memory_space<hbm>>
      %dma_start3A_305 = tpu.memref_squeeze %dma_start3A_304 : memref<1x10000xf32, #tpu.memory_space<hbm>> -> memref<10000xf32, #tpu.memory_space<hbm>>
      %dma_start3A_306 = tpu.memref_slice %arg10[%dma_start3A_302] : memref<2x!tpu.dma_semaphore, #tpu.memory_space<semaphore_mem>> -> memref<1x!tpu.dma_semaphore, #tpu.memory_space<semaphore_mem>>
      %dma_start3A_307 = tpu.memref_squeeze %dma_start3A_306 : memref<1x!tpu.dma_semaphore, #tpu.memory_space<semaphore_mem>> -> memref<!tpu.dma_semaphore, #tpu.memory_space<semaphore_mem>>
      %dma_start3A_308 = arith.constant 0 : i32
      %dma_start3A_309 = tpu.memref_slice %arg5[%dma_start3A_301, %dma_start3A_308] : memref<80x10000xf32, #tpu.memory_space<hbm>> -> memref<1x10000xf32, #tpu.memory_space<hbm>>
      %dma_start3A_310 = tpu.memref_squeeze %dma_start3A_309 : memref<1x10000xf32, #tpu.memory_space<hbm>> -> memref<10000xf32, #tpu.memory_space<hbm>>
      tpu.enqueue_dma source(%arg6 : memref<10000xf32, #tpu.memory_space<vmem>>) target(%dma_start3A_310 : memref<10000xf32, #tpu.memory_space<hbm>>) target_semaphore(%dma_start3A_307 : memref<!tpu.dma_semaphore, #tpu.memory_space<semaphore_mem>>)
    } else {
    }
    %eq3A_174 = arith.constant 19 : i32
    %eq3A_175 = arith.cmpi eq, %add3A, %eq3A_174 : i32
    %convert_element_type3A_176 = arith.extui %eq3A_175 : i1 to i32
    %cond3A_177 = arith.constant 0 : i32
    %cond3A_178 = arith.constant 0 : i32
    %cond3A_179 = arith.cmpi ne, %convert_element_type3A_176, %cond3A_178 : i32
    scf.if %cond3A_179 {
      %dma_wait3A_270 = arith.constant 0 : i32
      %dma_wait3A_271 = tpu.memref_slice %arg5[%add3A, %dma_wait3A_270] : memref<80x10000xf32, #tpu.memory_space<hbm>> -> memref<1x10000xf32, #tpu.memory_space<hbm>>
      %dma_wait3A_272 = tpu.memref_squeeze %dma_wait3A_271 : memref<1x10000xf32, #tpu.memory_space<hbm>> -> memref<10000xf32, #tpu.memory_space<hbm>>
      %dma_wait3A_273 = tpu.memref_slice %arg10[%cond3A_177] : memref<2x!tpu.dma_semaphore, #tpu.memory_space<semaphore_mem>> -> memref<1x!tpu.dma_semaphore, #tpu.memory_space<semaphore_mem>>
      %dma_wait3A_274 = tpu.memref_squeeze %dma_wait3A_273 : memref<1x!tpu.dma_semaphore, #tpu.memory_space<semaphore_mem>> -> memref<!tpu.dma_semaphore, #tpu.memory_space<semaphore_mem>>
      %dma_wait3A_275 = arith.constant 0 : i32
      %dma_wait3A_276 = tpu.memref_slice %arg5[%add3A, %dma_wait3A_275] : memref<80x10000xf32, #tpu.memory_space<hbm>> -> memref<1x10000xf32, #tpu.memory_space<hbm>>
      %dma_wait3A_277 = tpu.memref_squeeze %dma_wait3A_276 : memref<1x10000xf32, #tpu.memory_space<hbm>> -> memref<10000xf32, #tpu.memory_space<hbm>>
      tpu.wait_dma2 semaphore(%dma_wait3A_274 : memref<!tpu.dma_semaphore, #tpu.memory_space<semaphore_mem>>) src(%arg6 : memref<10000xf32, #tpu.memory_space<vmem>>) dst(%dma_wait3A_277 : memref<10000xf32, #tpu.memory_space<hbm>>)
      %scan3A_278 = arith.constant 0 : i32
      %scan3A_279 = arith.constant 0 : i32
      %scan3A_280 = arith.constant 8 : i32
      %scan3A_281 = arith.addi %scan3A_279, %scan3A_280 : i32
      %scan3A_282 = arith.constant 1 : i32
      scf.for %scan3A_311 = %scan3A_279 to %scan3A_281 step %scan3A_282  : i32 {
        %mul3A_312 = arith.constant 16 : i32
        %mul3A_313 = arith.muli %scan3A_311, %mul3A_312 : i32
        %add3A_314 = arith.constant 0 : i32
        %add3A_315 = arith.addi %add3A_314, %mul3A_313 : i32
        %get3A = arith.index_cast %add3A_315 : i32 to index
        %get3A_316 = tpu.vector_load %arg8[%get3A] {strides = array<i32>} : memref<768xi32, #tpu.memory_space<vmem>>, vector<16xi32>,
        tpu.vector_store_idx %arg6[%get3A_316], %broadcast_in_dim3A_3 : memref<10000xf32, #tpu.memory_space<vmem>>[vector<16xi32>], vector<16xf32>,
      }
      %scan3A_283 = arith.constant 8 : i32
      %dma_wait3A_284 = arith.constant 2 : i32
      %dma_wait3A_285 = arith.constant 256 : i32
      %dma_wait3A_286 = tpu.memref_slice %arg8[%dma_wait3A_285] : memref<768xi32, #tpu.memory_space<vmem>> -> memref<128xi32, #tpu.memory_space<vmem>>
      %dma_wait3A_287 = arith.constant 384 : i32
      %dma_wait3A_288 = tpu.memref_slice %arg2[%dma_wait3A_287] : memref<512xi32, #tpu.memory_space<hbm>> -> memref<128xi32, #tpu.memory_space<hbm>>
      %dma_wait3A_289 = tpu.memref_slice %arg9[%dma_wait3A_284] : memref<3x!tpu.dma_semaphore, #tpu.memory_space<semaphore_mem>> -> memref<1x!tpu.dma_semaphore, #tpu.memory_space<semaphore_mem>>
      %dma_wait3A_290 = tpu.memref_squeeze %dma_wait3A_289 : memref<1x!tpu.dma_semaphore, #tpu.memory_space<semaphore_mem>> -> memref<!tpu.dma_semaphore, #tpu.memory_space<semaphore_mem>>
      %dma_wait3A_291 = arith.constant 256 : i32
      %dma_wait3A_292 = tpu.memref_slice %arg8[%dma_wait3A_291] : memref<768xi32, #tpu.memory_space<vmem>> -> memref<128xi32, #tpu.memory_space<vmem>>
      %dma_wait3A_293 = arith.constant 384 : i32
      %dma_wait3A_294 = tpu.memref_slice %arg2[%dma_wait3A_293] : memref<512xi32, #tpu.memory_space<hbm>> -> memref<128xi32, #tpu.memory_space<hbm>>
      tpu.wait_dma2 semaphore(%dma_wait3A_290 : memref<!tpu.dma_semaphore, #tpu.memory_space<semaphore_mem>>) src(%dma_wait3A_294 : memref<128xi32, #tpu.memory_space<hbm>>) dst(%dma_wait3A_292 : memref<128xi32, #tpu.memory_space<vmem>>)
      %scan3A_295 = arith.constant 0 : i32
      %scan3A_296 = arith.constant 0 : i32
      %scan3A_297 = arith.constant 8 : i32
      %scan3A_298 = arith.addi %scan3A_296, %scan3A_297 : i32
      %scan3A_299 = arith.constant 1 : i32
      scf.for %scan3A_311 = %scan3A_296 to %scan3A_298 step %scan3A_299  : i32 {
        %mul3A_312 = arith.constant 16 : i32
        %mul3A_313 = arith.muli %scan3A_311, %mul3A_312 : i32
        %add3A_314 = arith.constant 256 : i32
        %add3A_315 = arith.addi %add3A_314, %mul3A_313 : i32
        %get3A = arith.index_cast %add3A_315 : i32 to index
        %get3A_316 = tpu.vector_load %arg8[%get3A] {strides = array<i32>} : memref<768xi32, #tpu.memory_space<vmem>>, vector<16xi32>,
        %eq3A_317 = arith.constant 0 : i32
        %eq3A_318 = vector.broadcast %eq3A_317 : i32 to vector<16xi32>
        %eq3A_319 = arith.cmpi eq, %iota3A, %eq3A_318 : vector<16xi32>
        tpu.vector_store_idx %arg6[%get3A_316], %broadcast_in_dim3A_1 masked %eq3A_319 {add = true} : memref<10000xf32, #tpu.memory_space<vmem>>[vector<16xi32>], vector<16xf32>, vector<16xi1>
        %eq3A_320 = arith.constant 1 : i32
        %eq3A_321 = vector.broadcast %eq3A_320 : i32 to vector<16xi32>
        %eq3A_322 = arith.cmpi eq, %iota3A, %eq3A_321 : vector<16xi32>
        tpu.vector_store_idx %arg6[%get3A_316], %broadcast_in_dim3A_1 masked %eq3A_322 {add = true} : memref<10000xf32, #tpu.memory_space<vmem>>[vector<16xi32>], vector<16xf32>, vector<16xi1>
        %eq3A_323 = arith.constant 2 : i32
        %eq3A_324 = vector.broadcast %eq3A_323 : i32 to vector<16xi32>
        %eq3A_325 = arith.cmpi eq, %iota3A, %eq3A_324 : vector<16xi32>
        tpu.vector_store_idx %arg6[%get3A_316], %broadcast_in_dim3A_1 masked %eq3A_325 {add = true} : memref<10000xf32, #tpu.memory_space<vmem>>[vector<16xi32>], vector<16xf32>, vector<16xi1>
        %eq3A_326 = arith.constant 3 : i32
        %eq3A_327 = vector.broadcast %eq3A_326 : i32 to vector<16xi32>
        %eq3A_328 = arith.cmpi eq, %iota3A, %eq3A_327 : vector<16xi32>
        tpu.vector_store_idx %arg6[%get3A_316], %broadcast_in_dim3A_1 masked %eq3A_328 {add = true} : memref<10000xf32, #tpu.memory_space<vmem>>[vector<16xi32>], vector<16xf32>, vector<16xi1>
        %eq3A_329 = arith.constant 4 : i32
        %eq3A_330 = vector.broadcast %eq3A_329 : i32 to vector<16xi32>
        %eq3A_331 = arith.cmpi eq, %iota3A, %eq3A_330 : vector<16xi32>
        tpu.vector_store_idx %arg6[%get3A_316], %broadcast_in_dim3A_1 masked %eq3A_331 {add = true} : memref<10000xf32, #tpu.memory_space<vmem>>[vector<16xi32>], vector<16xf32>, vector<16xi1>
        %eq3A_332 = arith.constant 5 : i32
        %eq3A_333 = vector.broadcast %eq3A_332 : i32 to vector<16xi32>
        %eq3A_334 = arith.cmpi eq, %iota3A, %eq3A_333 : vector<16xi32>
        tpu.vector_store_idx %arg6[%get3A_316], %broadcast_in_dim3A_1 masked %eq3A_334 {add = true} : memref<10000xf32, #tpu.memory_space<vmem>>[vector<16xi32>], vector<16xf32>, vector<16xi1>
        %eq3A_335 = arith.constant 6 : i32
        %eq3A_336 = vector.broadcast %eq3A_335 : i32 to vector<16xi32>
        %eq3A_337 = arith.cmpi eq, %iota3A, %eq3A_336 : vector<16xi32>
        tpu.vector_store_idx %arg6[%get3A_316], %broadcast_in_dim3A_1 masked %eq3A_337 {add = true} : memref<10000xf32, #tpu.memory_space<vmem>>[vector<16xi32>], vector<16xf32>, vector<16xi1>
        %eq3A_338 = arith.constant 7 : i32
        %eq3A_339 = vector.broadcast %eq3A_338 : i32 to vector<16xi32>
        %eq3A_340 = arith.cmpi eq, %iota3A, %eq3A_339 : vector<16xi32>
        tpu.vector_store_idx %arg6[%get3A_316], %broadcast_in_dim3A_1 masked %eq3A_340 {add = true} : memref<10000xf32, #tpu.memory_space<vmem>>[vector<16xi32>], vector<16xf32>, vector<16xi1>
        %eq3A_341 = arith.constant 8 : i32
        %eq3A_342 = vector.broadcast %eq3A_341 : i32 to vector<16xi32>
        %eq3A_343 = arith.cmpi eq, %iota3A, %eq3A_342 : vector<16xi32>
        tpu.vector_store_idx %arg6[%get3A_316], %broadcast_in_dim3A_1 masked %eq3A_343 {add = true} : memref<10000xf32, #tpu.memory_space<vmem>>[vector<16xi32>], vector<16xf32>, vector<16xi1>
        %eq3A_344 = arith.constant 9 : i32
        %eq3A_345 = vector.broadcast %eq3A_344 : i32 to vector<16xi32>
        %eq3A_346 = arith.cmpi eq, %iota3A, %eq3A_345 : vector<16xi32>
        tpu.vector_store_idx %arg6[%get3A_316], %broadcast_in_dim3A_1 masked %eq3A_346 {add = true} : memref<10000xf32, #tpu.memory_space<vmem>>[vector<16xi32>], vector<16xf32>, vector<16xi1>
        %eq3A_347 = arith.constant 10 : i32
        %eq3A_348 = vector.broadcast %eq3A_347 : i32 to vector<16xi32>
        %eq3A_349 = arith.cmpi eq, %iota3A, %eq3A_348 : vector<16xi32>
        tpu.vector_store_idx %arg6[%get3A_316], %broadcast_in_dim3A_1 masked %eq3A_349 {add = true} : memref<10000xf32, #tpu.memory_space<vmem>>[vector<16xi32>], vector<16xf32>, vector<16xi1>
        %eq3A_350 = arith.constant 11 : i32
        %eq3A_351 = vector.broadcast %eq3A_350 : i32 to vector<16xi32>
        %eq3A_352 = arith.cmpi eq, %iota3A, %eq3A_351 : vector<16xi32>
        tpu.vector_store_idx %arg6[%get3A_316], %broadcast_in_dim3A_1 masked %eq3A_352 {add = true} : memref<10000xf32, #tpu.memory_space<vmem>>[vector<16xi32>], vector<16xf32>, vector<16xi1>
        %eq3A_353 = arith.constant 12 : i32
        %eq3A_354 = vector.broadcast %eq3A_353 : i32 to vector<16xi32>
        %eq3A_355 = arith.cmpi eq, %iota3A, %eq3A_354 : vector<16xi32>
        tpu.vector_store_idx %arg6[%get3A_316], %broadcast_in_dim3A_1 masked %eq3A_355 {add = true} : memref<10000xf32, #tpu.memory_space<vmem>>[vector<16xi32>], vector<16xf32>, vector<16xi1>
        %eq3A_356 = arith.constant 13 : i32
        %eq3A_357 = vector.broadcast %eq3A_356 : i32 to vector<16xi32>
        %eq3A_358 = arith.cmpi eq, %iota3A, %eq3A_357 : vector<16xi32>
        tpu.vector_store_idx %arg6[%get3A_316], %broadcast_in_dim3A_1 masked %eq3A_358 {add = true} : memref<10000xf32, #tpu.memory_space<vmem>>[vector<16xi32>], vector<16xf32>, vector<16xi1>
        %eq3A_359 = arith.constant 14 : i32
        %eq3A_360 = vector.broadcast %eq3A_359 : i32 to vector<16xi32>
        %eq3A_361 = arith.cmpi eq, %iota3A, %eq3A_360 : vector<16xi32>
        tpu.vector_store_idx %arg6[%get3A_316], %broadcast_in_dim3A_1 masked %eq3A_361 {add = true} : memref<10000xf32, #tpu.memory_space<vmem>>[vector<16xi32>], vector<16xf32>, vector<16xi1>
        %eq3A_362 = arith.constant 15 : i32
        %eq3A_363 = vector.broadcast %eq3A_362 : i32 to vector<16xi32>
        %eq3A_364 = arith.cmpi eq, %iota3A, %eq3A_363 : vector<16xi32>
        tpu.vector_store_idx %arg6[%get3A_316], %broadcast_in_dim3A_1 masked %eq3A_364 {add = true} : memref<10000xf32, #tpu.memory_space<vmem>>[vector<16xi32>], vector<16xf32>, vector<16xi1>
      }
      %scan3A_300 = arith.constant 8 : i32
      %dma_start3A_301 = arith.constant 67 : i32
      %dma_start3A_302 = arith.constant 0 : i32
      %dma_start3A_303 = arith.constant 0 : i32
      %dma_start3A_304 = tpu.memref_slice %arg5[%dma_start3A_301, %dma_start3A_303] : memref<80x10000xf32, #tpu.memory_space<hbm>> -> memref<1x10000xf32, #tpu.memory_space<hbm>>
      %dma_start3A_305 = tpu.memref_squeeze %dma_start3A_304 : memref<1x10000xf32, #tpu.memory_space<hbm>> -> memref<10000xf32, #tpu.memory_space<hbm>>
      %dma_start3A_306 = tpu.memref_slice %arg10[%dma_start3A_302] : memref<2x!tpu.dma_semaphore, #tpu.memory_space<semaphore_mem>> -> memref<1x!tpu.dma_semaphore, #tpu.memory_space<semaphore_mem>>
      %dma_start3A_307 = tpu.memref_squeeze %dma_start3A_306 : memref<1x!tpu.dma_semaphore, #tpu.memory_space<semaphore_mem>> -> memref<!tpu.dma_semaphore, #tpu.memory_space<semaphore_mem>>
      %dma_start3A_308 = arith.constant 0 : i32
      %dma_start3A_309 = tpu.memref_slice %arg5[%dma_start3A_301, %dma_start3A_308] : memref<80x10000xf32, #tpu.memory_space<hbm>> -> memref<1x10000xf32, #tpu.memory_space<hbm>>
      %dma_start3A_310 = tpu.memref_squeeze %dma_start3A_309 : memref<1x10000xf32, #tpu.memory_space<hbm>> -> memref<10000xf32, #tpu.memory_space<hbm>>
      tpu.enqueue_dma source(%arg6 : memref<10000xf32, #tpu.memory_space<vmem>>) target(%dma_start3A_310 : memref<10000xf32, #tpu.memory_space<hbm>>) target_semaphore(%dma_start3A_307 : memref<!tpu.dma_semaphore, #tpu.memory_space<semaphore_mem>>)
    } else {
    }
    %eq3A_180 = arith.constant 20 : i32
    %eq3A_181 = arith.cmpi eq, %add3A, %eq3A_180 : i32
    %convert_element_type3A_182 = arith.extui %eq3A_181 : i1 to i32
    %cond3A_183 = arith.constant 0 : i32
    %cond3A_184 = arith.constant 0 : i32
    %cond3A_185 = arith.cmpi ne, %convert_element_type3A_182, %cond3A_184 : i32
    scf.if %cond3A_185 {
      %dma_wait3A_270 = arith.constant 0 : i32
      %dma_wait3A_271 = tpu.memref_slice %arg5[%add3A, %dma_wait3A_270] : memref<80x10000xf32, #tpu.memory_space<hbm>> -> memref<1x10000xf32, #tpu.memory_space<hbm>>
      %dma_wait3A_272 = tpu.memref_squeeze %dma_wait3A_271 : memref<1x10000xf32, #tpu.memory_space<hbm>> -> memref<10000xf32, #tpu.memory_space<hbm>>
      %dma_wait3A_273 = tpu.memref_slice %arg10[%cond3A_183] : memref<2x!tpu.dma_semaphore, #tpu.memory_space<semaphore_mem>> -> memref<1x!tpu.dma_semaphore, #tpu.memory_space<semaphore_mem>>
      %dma_wait3A_274 = tpu.memref_squeeze %dma_wait3A_273 : memref<1x!tpu.dma_semaphore, #tpu.memory_space<semaphore_mem>> -> memref<!tpu.dma_semaphore, #tpu.memory_space<semaphore_mem>>
      %dma_wait3A_275 = arith.constant 0 : i32
      %dma_wait3A_276 = tpu.memref_slice %arg5[%add3A, %dma_wait3A_275] : memref<80x10000xf32, #tpu.memory_space<hbm>> -> memref<1x10000xf32, #tpu.memory_space<hbm>>
      %dma_wait3A_277 = tpu.memref_squeeze %dma_wait3A_276 : memref<1x10000xf32, #tpu.memory_space<hbm>> -> memref<10000xf32, #tpu.memory_space<hbm>>
      tpu.wait_dma2 semaphore(%dma_wait3A_274 : memref<!tpu.dma_semaphore, #tpu.memory_space<semaphore_mem>>) src(%arg6 : memref<10000xf32, #tpu.memory_space<vmem>>) dst(%dma_wait3A_277 : memref<10000xf32, #tpu.memory_space<hbm>>)
      %scan3A_278 = arith.constant 0 : i32
      %scan3A_279 = arith.constant 0 : i32
      %scan3A_280 = arith.constant 8 : i32
      %scan3A_281 = arith.addi %scan3A_279, %scan3A_280 : i32
      %scan3A_282 = arith.constant 1 : i32
      scf.for %scan3A_311 = %scan3A_279 to %scan3A_281 step %scan3A_282  : i32 {
        %mul3A_312 = arith.constant 16 : i32
        %mul3A_313 = arith.muli %scan3A_311, %mul3A_312 : i32
        %add3A_314 = arith.constant 0 : i32
        %add3A_315 = arith.addi %add3A_314, %mul3A_313 : i32
        %get3A = arith.index_cast %add3A_315 : i32 to index
        %get3A_316 = tpu.vector_load %arg8[%get3A] {strides = array<i32>} : memref<768xi32, #tpu.memory_space<vmem>>, vector<16xi32>,
        tpu.vector_store_idx %arg6[%get3A_316], %broadcast_in_dim3A_3 : memref<10000xf32, #tpu.memory_space<vmem>>[vector<16xi32>], vector<16xf32>,
      }
      %scan3A_283 = arith.constant 8 : i32
      %dma_wait3A_284 = arith.constant 2 : i32
      %dma_wait3A_285 = arith.constant 256 : i32
      %dma_wait3A_286 = tpu.memref_slice %arg8[%dma_wait3A_285] : memref<768xi32, #tpu.memory_space<vmem>> -> memref<512xi32, #tpu.memory_space<vmem>>
      %dma_wait3A_287 = arith.constant 0 : i32
      %dma_wait3A_288 = tpu.memref_slice %arg3[%dma_wait3A_287] : memref<4096xi32, #tpu.memory_space<hbm>> -> memref<512xi32, #tpu.memory_space<hbm>>
      %dma_wait3A_289 = tpu.memref_slice %arg9[%dma_wait3A_284] : memref<3x!tpu.dma_semaphore, #tpu.memory_space<semaphore_mem>> -> memref<1x!tpu.dma_semaphore, #tpu.memory_space<semaphore_mem>>
      %dma_wait3A_290 = tpu.memref_squeeze %dma_wait3A_289 : memref<1x!tpu.dma_semaphore, #tpu.memory_space<semaphore_mem>> -> memref<!tpu.dma_semaphore, #tpu.memory_space<semaphore_mem>>
      %dma_wait3A_291 = arith.constant 256 : i32
      %dma_wait3A_292 = tpu.memref_slice %arg8[%dma_wait3A_291] : memref<768xi32, #tpu.memory_space<vmem>> -> memref<512xi32, #tpu.memory_space<vmem>>
      %dma_wait3A_293 = arith.constant 0 : i32
      %dma_wait3A_294 = tpu.memref_slice %arg3[%dma_wait3A_293] : memref<4096xi32, #tpu.memory_space<hbm>> -> memref<512xi32, #tpu.memory_space<hbm>>
      tpu.wait_dma2 semaphore(%dma_wait3A_290 : memref<!tpu.dma_semaphore, #tpu.memory_space<semaphore_mem>>) src(%dma_wait3A_294 : memref<512xi32, #tpu.memory_space<hbm>>) dst(%dma_wait3A_292 : memref<512xi32, #tpu.memory_space<vmem>>)
      %scan3A_295 = arith.constant 0 : i32
      %scan3A_296 = arith.constant 0 : i32
      %scan3A_297 = arith.constant 32 : i32
      %scan3A_298 = arith.addi %scan3A_296, %scan3A_297 : i32
      %scan3A_299 = arith.constant 1 : i32
      scf.for %scan3A_311 = %scan3A_296 to %scan3A_298 step %scan3A_299  : i32 {
        %mul3A_312 = arith.constant 16 : i32
        %mul3A_313 = arith.muli %scan3A_311, %mul3A_312 : i32
        %add3A_314 = arith.constant 256 : i32
        %add3A_315 = arith.addi %add3A_314, %mul3A_313 : i32
        %get3A = arith.index_cast %add3A_315 : i32 to index
        %get3A_316 = tpu.vector_load %arg8[%get3A] {strides = array<i32>} : memref<768xi32, #tpu.memory_space<vmem>>, vector<16xi32>,
        %eq3A_317 = arith.constant 0 : i32
        %eq3A_318 = vector.broadcast %eq3A_317 : i32 to vector<16xi32>
        %eq3A_319 = arith.cmpi eq, %iota3A, %eq3A_318 : vector<16xi32>
        tpu.vector_store_idx %arg6[%get3A_316], %broadcast_in_dim3A_1 masked %eq3A_319 {add = true} : memref<10000xf32, #tpu.memory_space<vmem>>[vector<16xi32>], vector<16xf32>, vector<16xi1>
        %eq3A_320 = arith.constant 1 : i32
        %eq3A_321 = vector.broadcast %eq3A_320 : i32 to vector<16xi32>
        %eq3A_322 = arith.cmpi eq, %iota3A, %eq3A_321 : vector<16xi32>
        tpu.vector_store_idx %arg6[%get3A_316], %broadcast_in_dim3A_1 masked %eq3A_322 {add = true} : memref<10000xf32, #tpu.memory_space<vmem>>[vector<16xi32>], vector<16xf32>, vector<16xi1>
        %eq3A_323 = arith.constant 2 : i32
        %eq3A_324 = vector.broadcast %eq3A_323 : i32 to vector<16xi32>
        %eq3A_325 = arith.cmpi eq, %iota3A, %eq3A_324 : vector<16xi32>
        tpu.vector_store_idx %arg6[%get3A_316], %broadcast_in_dim3A_1 masked %eq3A_325 {add = true} : memref<10000xf32, #tpu.memory_space<vmem>>[vector<16xi32>], vector<16xf32>, vector<16xi1>
        %eq3A_326 = arith.constant 3 : i32
        %eq3A_327 = vector.broadcast %eq3A_326 : i32 to vector<16xi32>
        %eq3A_328 = arith.cmpi eq, %iota3A, %eq3A_327 : vector<16xi32>
        tpu.vector_store_idx %arg6[%get3A_316], %broadcast_in_dim3A_1 masked %eq3A_328 {add = true} : memref<10000xf32, #tpu.memory_space<vmem>>[vector<16xi32>], vector<16xf32>, vector<16xi1>
        %eq3A_329 = arith.constant 4 : i32
        %eq3A_330 = vector.broadcast %eq3A_329 : i32 to vector<16xi32>
        %eq3A_331 = arith.cmpi eq, %iota3A, %eq3A_330 : vector<16xi32>
        tpu.vector_store_idx %arg6[%get3A_316], %broadcast_in_dim3A_1 masked %eq3A_331 {add = true} : memref<10000xf32, #tpu.memory_space<vmem>>[vector<16xi32>], vector<16xf32>, vector<16xi1>
        %eq3A_332 = arith.constant 5 : i32
        %eq3A_333 = vector.broadcast %eq3A_332 : i32 to vector<16xi32>
        %eq3A_334 = arith.cmpi eq, %iota3A, %eq3A_333 : vector<16xi32>
        tpu.vector_store_idx %arg6[%get3A_316], %broadcast_in_dim3A_1 masked %eq3A_334 {add = true} : memref<10000xf32, #tpu.memory_space<vmem>>[vector<16xi32>], vector<16xf32>, vector<16xi1>
        %eq3A_335 = arith.constant 6 : i32
        %eq3A_336 = vector.broadcast %eq3A_335 : i32 to vector<16xi32>
        %eq3A_337 = arith.cmpi eq, %iota3A, %eq3A_336 : vector<16xi32>
        tpu.vector_store_idx %arg6[%get3A_316], %broadcast_in_dim3A_1 masked %eq3A_337 {add = true} : memref<10000xf32, #tpu.memory_space<vmem>>[vector<16xi32>], vector<16xf32>, vector<16xi1>
        %eq3A_338 = arith.constant 7 : i32
        %eq3A_339 = vector.broadcast %eq3A_338 : i32 to vector<16xi32>
        %eq3A_340 = arith.cmpi eq, %iota3A, %eq3A_339 : vector<16xi32>
        tpu.vector_store_idx %arg6[%get3A_316], %broadcast_in_dim3A_1 masked %eq3A_340 {add = true} : memref<10000xf32, #tpu.memory_space<vmem>>[vector<16xi32>], vector<16xf32>, vector<16xi1>
        %eq3A_341 = arith.constant 8 : i32
        %eq3A_342 = vector.broadcast %eq3A_341 : i32 to vector<16xi32>
        %eq3A_343 = arith.cmpi eq, %iota3A, %eq3A_342 : vector<16xi32>
        tpu.vector_store_idx %arg6[%get3A_316], %broadcast_in_dim3A_1 masked %eq3A_343 {add = true} : memref<10000xf32, #tpu.memory_space<vmem>>[vector<16xi32>], vector<16xf32>, vector<16xi1>
        %eq3A_344 = arith.constant 9 : i32
        %eq3A_345 = vector.broadcast %eq3A_344 : i32 to vector<16xi32>
        %eq3A_346 = arith.cmpi eq, %iota3A, %eq3A_345 : vector<16xi32>
        tpu.vector_store_idx %arg6[%get3A_316], %broadcast_in_dim3A_1 masked %eq3A_346 {add = true} : memref<10000xf32, #tpu.memory_space<vmem>>[vector<16xi32>], vector<16xf32>, vector<16xi1>
        %eq3A_347 = arith.constant 10 : i32
        %eq3A_348 = vector.broadcast %eq3A_347 : i32 to vector<16xi32>
        %eq3A_349 = arith.cmpi eq, %iota3A, %eq3A_348 : vector<16xi32>
        tpu.vector_store_idx %arg6[%get3A_316], %broadcast_in_dim3A_1 masked %eq3A_349 {add = true} : memref<10000xf32, #tpu.memory_space<vmem>>[vector<16xi32>], vector<16xf32>, vector<16xi1>
        %eq3A_350 = arith.constant 11 : i32
        %eq3A_351 = vector.broadcast %eq3A_350 : i32 to vector<16xi32>
        %eq3A_352 = arith.cmpi eq, %iota3A, %eq3A_351 : vector<16xi32>
        tpu.vector_store_idx %arg6[%get3A_316], %broadcast_in_dim3A_1 masked %eq3A_352 {add = true} : memref<10000xf32, #tpu.memory_space<vmem>>[vector<16xi32>], vector<16xf32>, vector<16xi1>
        %eq3A_353 = arith.constant 12 : i32
        %eq3A_354 = vector.broadcast %eq3A_353 : i32 to vector<16xi32>
        %eq3A_355 = arith.cmpi eq, %iota3A, %eq3A_354 : vector<16xi32>
        tpu.vector_store_idx %arg6[%get3A_316], %broadcast_in_dim3A_1 masked %eq3A_355 {add = true} : memref<10000xf32, #tpu.memory_space<vmem>>[vector<16xi32>], vector<16xf32>, vector<16xi1>
        %eq3A_356 = arith.constant 13 : i32
        %eq3A_357 = vector.broadcast %eq3A_356 : i32 to vector<16xi32>
        %eq3A_358 = arith.cmpi eq, %iota3A, %eq3A_357 : vector<16xi32>
        tpu.vector_store_idx %arg6[%get3A_316], %broadcast_in_dim3A_1 masked %eq3A_358 {add = true} : memref<10000xf32, #tpu.memory_space<vmem>>[vector<16xi32>], vector<16xf32>, vector<16xi1>
        %eq3A_359 = arith.constant 14 : i32
        %eq3A_360 = vector.broadcast %eq3A_359 : i32 to vector<16xi32>
        %eq3A_361 = arith.cmpi eq, %iota3A, %eq3A_360 : vector<16xi32>
        tpu.vector_store_idx %arg6[%get3A_316], %broadcast_in_dim3A_1 masked %eq3A_361 {add = true} : memref<10000xf32, #tpu.memory_space<vmem>>[vector<16xi32>], vector<16xf32>, vector<16xi1>
        %eq3A_362 = arith.constant 15 : i32
        %eq3A_363 = vector.broadcast %eq3A_362 : i32 to vector<16xi32>
        %eq3A_364 = arith.cmpi eq, %iota3A, %eq3A_363 : vector<16xi32>
        tpu.vector_store_idx %arg6[%get3A_316], %broadcast_in_dim3A_1 masked %eq3A_364 {add = true} : memref<10000xf32, #tpu.memory_space<vmem>>[vector<16xi32>], vector<16xf32>, vector<16xi1>
      }
      %scan3A_300 = arith.constant 32 : i32
      %dma_start3A_301 = arith.constant 68 : i32
      %dma_start3A_302 = arith.constant 0 : i32
      %dma_start3A_303 = arith.constant 0 : i32
      %dma_start3A_304 = tpu.memref_slice %arg5[%dma_start3A_301, %dma_start3A_303] : memref<80x10000xf32, #tpu.memory_space<hbm>> -> memref<1x10000xf32, #tpu.memory_space<hbm>>
      %dma_start3A_305 = tpu.memref_squeeze %dma_start3A_304 : memref<1x10000xf32, #tpu.memory_space<hbm>> -> memref<10000xf32, #tpu.memory_space<hbm>>
      %dma_start3A_306 = tpu.memref_slice %arg10[%dma_start3A_302] : memref<2x!tpu.dma_semaphore, #tpu.memory_space<semaphore_mem>> -> memref<1x!tpu.dma_semaphore, #tpu.memory_space<semaphore_mem>>
      %dma_start3A_307 = tpu.memref_squeeze %dma_start3A_306 : memref<1x!tpu.dma_semaphore, #tpu.memory_space<semaphore_mem>> -> memref<!tpu.dma_semaphore, #tpu.memory_space<semaphore_mem>>
      %dma_start3A_308 = arith.constant 0 : i32
      %dma_start3A_309 = tpu.memref_slice %arg5[%dma_start3A_301, %dma_start3A_308] : memref<80x10000xf32, #tpu.memory_space<hbm>> -> memref<1x10000xf32, #tpu.memory_space<hbm>>
      %dma_start3A_310 = tpu.memref_squeeze %dma_start3A_309 : memref<1x10000xf32, #tpu.memory_space<hbm>> -> memref<10000xf32, #tpu.memory_space<hbm>>
      tpu.enqueue_dma source(%arg6 : memref<10000xf32, #tpu.memory_space<vmem>>) target(%dma_start3A_310 : memref<10000xf32, #tpu.memory_space<hbm>>) target_semaphore(%dma_start3A_307 : memref<!tpu.dma_semaphore, #tpu.memory_space<semaphore_mem>>)
    } else {
    }
    %eq3A_186 = arith.constant 21 : i32
    %eq3A_187 = arith.cmpi eq, %add3A, %eq3A_186 : i32
    %convert_element_type3A_188 = arith.extui %eq3A_187 : i1 to i32
    %cond3A_189 = arith.constant 0 : i32
    %cond3A_190 = arith.constant 0 : i32
    %cond3A_191 = arith.cmpi ne, %convert_element_type3A_188, %cond3A_190 : i32
    scf.if %cond3A_191 {
      %dma_wait3A_270 = arith.constant 0 : i32
      %dma_wait3A_271 = tpu.memref_slice %arg5[%add3A, %dma_wait3A_270] : memref<80x10000xf32, #tpu.memory_space<hbm>> -> memref<1x10000xf32, #tpu.memory_space<hbm>>
      %dma_wait3A_272 = tpu.memref_squeeze %dma_wait3A_271 : memref<1x10000xf32, #tpu.memory_space<hbm>> -> memref<10000xf32, #tpu.memory_space<hbm>>
      %dma_wait3A_273 = tpu.memref_slice %arg10[%cond3A_189] : memref<2x!tpu.dma_semaphore, #tpu.memory_space<semaphore_mem>> -> memref<1x!tpu.dma_semaphore, #tpu.memory_space<semaphore_mem>>
      %dma_wait3A_274 = tpu.memref_squeeze %dma_wait3A_273 : memref<1x!tpu.dma_semaphore, #tpu.memory_space<semaphore_mem>> -> memref<!tpu.dma_semaphore, #tpu.memory_space<semaphore_mem>>
      %dma_wait3A_275 = arith.constant 0 : i32
      %dma_wait3A_276 = tpu.memref_slice %arg5[%add3A, %dma_wait3A_275] : memref<80x10000xf32, #tpu.memory_space<hbm>> -> memref<1x10000xf32, #tpu.memory_space<hbm>>
      %dma_wait3A_277 = tpu.memref_squeeze %dma_wait3A_276 : memref<1x10000xf32, #tpu.memory_space<hbm>> -> memref<10000xf32, #tpu.memory_space<hbm>>
      tpu.wait_dma2 semaphore(%dma_wait3A_274 : memref<!tpu.dma_semaphore, #tpu.memory_space<semaphore_mem>>) src(%arg6 : memref<10000xf32, #tpu.memory_space<vmem>>) dst(%dma_wait3A_277 : memref<10000xf32, #tpu.memory_space<hbm>>)
      %scan3A_278 = arith.constant 0 : i32
      %scan3A_279 = arith.constant 0 : i32
      %scan3A_280 = arith.constant 8 : i32
      %scan3A_281 = arith.addi %scan3A_279, %scan3A_280 : i32
      %scan3A_282 = arith.constant 1 : i32
      scf.for %scan3A_311 = %scan3A_279 to %scan3A_281 step %scan3A_282  : i32 {
        %mul3A_312 = arith.constant 16 : i32
        %mul3A_313 = arith.muli %scan3A_311, %mul3A_312 : i32
        %add3A_314 = arith.constant 0 : i32
        %add3A_315 = arith.addi %add3A_314, %mul3A_313 : i32
        %get3A = arith.index_cast %add3A_315 : i32 to index
        %get3A_316 = tpu.vector_load %arg8[%get3A] {strides = array<i32>} : memref<768xi32, #tpu.memory_space<vmem>>, vector<16xi32>,
        tpu.vector_store_idx %arg6[%get3A_316], %broadcast_in_dim3A_3 : memref<10000xf32, #tpu.memory_space<vmem>>[vector<16xi32>], vector<16xf32>,
      }
      %scan3A_283 = arith.constant 8 : i32
      %dma_wait3A_284 = arith.constant 2 : i32
      %dma_wait3A_285 = arith.constant 256 : i32
      %dma_wait3A_286 = tpu.memref_slice %arg8[%dma_wait3A_285] : memref<768xi32, #tpu.memory_space<vmem>> -> memref<512xi32, #tpu.memory_space<vmem>>
      %dma_wait3A_287 = arith.constant 512 : i32
      %dma_wait3A_288 = tpu.memref_slice %arg3[%dma_wait3A_287] : memref<4096xi32, #tpu.memory_space<hbm>> -> memref<512xi32, #tpu.memory_space<hbm>>
      %dma_wait3A_289 = tpu.memref_slice %arg9[%dma_wait3A_284] : memref<3x!tpu.dma_semaphore, #tpu.memory_space<semaphore_mem>> -> memref<1x!tpu.dma_semaphore, #tpu.memory_space<semaphore_mem>>
      %dma_wait3A_290 = tpu.memref_squeeze %dma_wait3A_289 : memref<1x!tpu.dma_semaphore, #tpu.memory_space<semaphore_mem>> -> memref<!tpu.dma_semaphore, #tpu.memory_space<semaphore_mem>>
      %dma_wait3A_291 = arith.constant 256 : i32
      %dma_wait3A_292 = tpu.memref_slice %arg8[%dma_wait3A_291] : memref<768xi32, #tpu.memory_space<vmem>> -> memref<512xi32, #tpu.memory_space<vmem>>
      %dma_wait3A_293 = arith.constant 512 : i32
      %dma_wait3A_294 = tpu.memref_slice %arg3[%dma_wait3A_293] : memref<4096xi32, #tpu.memory_space<hbm>> -> memref<512xi32, #tpu.memory_space<hbm>>
      tpu.wait_dma2 semaphore(%dma_wait3A_290 : memref<!tpu.dma_semaphore, #tpu.memory_space<semaphore_mem>>) src(%dma_wait3A_294 : memref<512xi32, #tpu.memory_space<hbm>>) dst(%dma_wait3A_292 : memref<512xi32, #tpu.memory_space<vmem>>)
      %scan3A_295 = arith.constant 0 : i32
      %scan3A_296 = arith.constant 0 : i32
      %scan3A_297 = arith.constant 32 : i32
      %scan3A_298 = arith.addi %scan3A_296, %scan3A_297 : i32
      %scan3A_299 = arith.constant 1 : i32
      scf.for %scan3A_311 = %scan3A_296 to %scan3A_298 step %scan3A_299  : i32 {
        %mul3A_312 = arith.constant 16 : i32
        %mul3A_313 = arith.muli %scan3A_311, %mul3A_312 : i32
        %add3A_314 = arith.constant 256 : i32
        %add3A_315 = arith.addi %add3A_314, %mul3A_313 : i32
        %get3A = arith.index_cast %add3A_315 : i32 to index
        %get3A_316 = tpu.vector_load %arg8[%get3A] {strides = array<i32>} : memref<768xi32, #tpu.memory_space<vmem>>, vector<16xi32>,
        %eq3A_317 = arith.constant 0 : i32
        %eq3A_318 = vector.broadcast %eq3A_317 : i32 to vector<16xi32>
        %eq3A_319 = arith.cmpi eq, %iota3A, %eq3A_318 : vector<16xi32>
        tpu.vector_store_idx %arg6[%get3A_316], %broadcast_in_dim3A_1 masked %eq3A_319 {add = true} : memref<10000xf32, #tpu.memory_space<vmem>>[vector<16xi32>], vector<16xf32>, vector<16xi1>
        %eq3A_320 = arith.constant 1 : i32
        %eq3A_321 = vector.broadcast %eq3A_320 : i32 to vector<16xi32>
        %eq3A_322 = arith.cmpi eq, %iota3A, %eq3A_321 : vector<16xi32>
        tpu.vector_store_idx %arg6[%get3A_316], %broadcast_in_dim3A_1 masked %eq3A_322 {add = true} : memref<10000xf32, #tpu.memory_space<vmem>>[vector<16xi32>], vector<16xf32>, vector<16xi1>
        %eq3A_323 = arith.constant 2 : i32
        %eq3A_324 = vector.broadcast %eq3A_323 : i32 to vector<16xi32>
        %eq3A_325 = arith.cmpi eq, %iota3A, %eq3A_324 : vector<16xi32>
        tpu.vector_store_idx %arg6[%get3A_316], %broadcast_in_dim3A_1 masked %eq3A_325 {add = true} : memref<10000xf32, #tpu.memory_space<vmem>>[vector<16xi32>], vector<16xf32>, vector<16xi1>
        %eq3A_326 = arith.constant 3 : i32
        %eq3A_327 = vector.broadcast %eq3A_326 : i32 to vector<16xi32>
        %eq3A_328 = arith.cmpi eq, %iota3A, %eq3A_327 : vector<16xi32>
        tpu.vector_store_idx %arg6[%get3A_316], %broadcast_in_dim3A_1 masked %eq3A_328 {add = true} : memref<10000xf32, #tpu.memory_space<vmem>>[vector<16xi32>], vector<16xf32>, vector<16xi1>
        %eq3A_329 = arith.constant 4 : i32
        %eq3A_330 = vector.broadcast %eq3A_329 : i32 to vector<16xi32>
        %eq3A_331 = arith.cmpi eq, %iota3A, %eq3A_330 : vector<16xi32>
        tpu.vector_store_idx %arg6[%get3A_316], %broadcast_in_dim3A_1 masked %eq3A_331 {add = true} : memref<10000xf32, #tpu.memory_space<vmem>>[vector<16xi32>], vector<16xf32>, vector<16xi1>
        %eq3A_332 = arith.constant 5 : i32
        %eq3A_333 = vector.broadcast %eq3A_332 : i32 to vector<16xi32>
        %eq3A_334 = arith.cmpi eq, %iota3A, %eq3A_333 : vector<16xi32>
        tpu.vector_store_idx %arg6[%get3A_316], %broadcast_in_dim3A_1 masked %eq3A_334 {add = true} : memref<10000xf32, #tpu.memory_space<vmem>>[vector<16xi32>], vector<16xf32>, vector<16xi1>
        %eq3A_335 = arith.constant 6 : i32
        %eq3A_336 = vector.broadcast %eq3A_335 : i32 to vector<16xi32>
        %eq3A_337 = arith.cmpi eq, %iota3A, %eq3A_336 : vector<16xi32>
        tpu.vector_store_idx %arg6[%get3A_316], %broadcast_in_dim3A_1 masked %eq3A_337 {add = true} : memref<10000xf32, #tpu.memory_space<vmem>>[vector<16xi32>], vector<16xf32>, vector<16xi1>
        %eq3A_338 = arith.constant 7 : i32
        %eq3A_339 = vector.broadcast %eq3A_338 : i32 to vector<16xi32>
        %eq3A_340 = arith.cmpi eq, %iota3A, %eq3A_339 : vector<16xi32>
        tpu.vector_store_idx %arg6[%get3A_316], %broadcast_in_dim3A_1 masked %eq3A_340 {add = true} : memref<10000xf32, #tpu.memory_space<vmem>>[vector<16xi32>], vector<16xf32>, vector<16xi1>
        %eq3A_341 = arith.constant 8 : i32
        %eq3A_342 = vector.broadcast %eq3A_341 : i32 to vector<16xi32>
        %eq3A_343 = arith.cmpi eq, %iota3A, %eq3A_342 : vector<16xi32>
        tpu.vector_store_idx %arg6[%get3A_316], %broadcast_in_dim3A_1 masked %eq3A_343 {add = true} : memref<10000xf32, #tpu.memory_space<vmem>>[vector<16xi32>], vector<16xf32>, vector<16xi1>
        %eq3A_344 = arith.constant 9 : i32
        %eq3A_345 = vector.broadcast %eq3A_344 : i32 to vector<16xi32>
        %eq3A_346 = arith.cmpi eq, %iota3A, %eq3A_345 : vector<16xi32>
        tpu.vector_store_idx %arg6[%get3A_316], %broadcast_in_dim3A_1 masked %eq3A_346 {add = true} : memref<10000xf32, #tpu.memory_space<vmem>>[vector<16xi32>], vector<16xf32>, vector<16xi1>
        %eq3A_347 = arith.constant 10 : i32
        %eq3A_348 = vector.broadcast %eq3A_347 : i32 to vector<16xi32>
        %eq3A_349 = arith.cmpi eq, %iota3A, %eq3A_348 : vector<16xi32>
        tpu.vector_store_idx %arg6[%get3A_316], %broadcast_in_dim3A_1 masked %eq3A_349 {add = true} : memref<10000xf32, #tpu.memory_space<vmem>>[vector<16xi32>], vector<16xf32>, vector<16xi1>
        %eq3A_350 = arith.constant 11 : i32
        %eq3A_351 = vector.broadcast %eq3A_350 : i32 to vector<16xi32>
        %eq3A_352 = arith.cmpi eq, %iota3A, %eq3A_351 : vector<16xi32>
        tpu.vector_store_idx %arg6[%get3A_316], %broadcast_in_dim3A_1 masked %eq3A_352 {add = true} : memref<10000xf32, #tpu.memory_space<vmem>>[vector<16xi32>], vector<16xf32>, vector<16xi1>
        %eq3A_353 = arith.constant 12 : i32
        %eq3A_354 = vector.broadcast %eq3A_353 : i32 to vector<16xi32>
        %eq3A_355 = arith.cmpi eq, %iota3A, %eq3A_354 : vector<16xi32>
        tpu.vector_store_idx %arg6[%get3A_316], %broadcast_in_dim3A_1 masked %eq3A_355 {add = true} : memref<10000xf32, #tpu.memory_space<vmem>>[vector<16xi32>], vector<16xf32>, vector<16xi1>
        %eq3A_356 = arith.constant 13 : i32
        %eq3A_357 = vector.broadcast %eq3A_356 : i32 to vector<16xi32>
        %eq3A_358 = arith.cmpi eq, %iota3A, %eq3A_357 : vector<16xi32>
        tpu.vector_store_idx %arg6[%get3A_316], %broadcast_in_dim3A_1 masked %eq3A_358 {add = true} : memref<10000xf32, #tpu.memory_space<vmem>>[vector<16xi32>], vector<16xf32>, vector<16xi1>
        %eq3A_359 = arith.constant 14 : i32
        %eq3A_360 = vector.broadcast %eq3A_359 : i32 to vector<16xi32>
        %eq3A_361 = arith.cmpi eq, %iota3A, %eq3A_360 : vector<16xi32>
        tpu.vector_store_idx %arg6[%get3A_316], %broadcast_in_dim3A_1 masked %eq3A_361 {add = true} : memref<10000xf32, #tpu.memory_space<vmem>>[vector<16xi32>], vector<16xf32>, vector<16xi1>
        %eq3A_362 = arith.constant 15 : i32
        %eq3A_363 = vector.broadcast %eq3A_362 : i32 to vector<16xi32>
        %eq3A_364 = arith.cmpi eq, %iota3A, %eq3A_363 : vector<16xi32>
        tpu.vector_store_idx %arg6[%get3A_316], %broadcast_in_dim3A_1 masked %eq3A_364 {add = true} : memref<10000xf32, #tpu.memory_space<vmem>>[vector<16xi32>], vector<16xf32>, vector<16xi1>
      }
      %scan3A_300 = arith.constant 32 : i32
      %dma_start3A_301 = arith.constant 69 : i32
      %dma_start3A_302 = arith.constant 0 : i32
      %dma_start3A_303 = arith.constant 0 : i32
      %dma_start3A_304 = tpu.memref_slice %arg5[%dma_start3A_301, %dma_start3A_303] : memref<80x10000xf32, #tpu.memory_space<hbm>> -> memref<1x10000xf32, #tpu.memory_space<hbm>>
      %dma_start3A_305 = tpu.memref_squeeze %dma_start3A_304 : memref<1x10000xf32, #tpu.memory_space<hbm>> -> memref<10000xf32, #tpu.memory_space<hbm>>
      %dma_start3A_306 = tpu.memref_slice %arg10[%dma_start3A_302] : memref<2x!tpu.dma_semaphore, #tpu.memory_space<semaphore_mem>> -> memref<1x!tpu.dma_semaphore, #tpu.memory_space<semaphore_mem>>
      %dma_start3A_307 = tpu.memref_squeeze %dma_start3A_306 : memref<1x!tpu.dma_semaphore, #tpu.memory_space<semaphore_mem>> -> memref<!tpu.dma_semaphore, #tpu.memory_space<semaphore_mem>>
      %dma_start3A_308 = arith.constant 0 : i32
      %dma_start3A_309 = tpu.memref_slice %arg5[%dma_start3A_301, %dma_start3A_308] : memref<80x10000xf32, #tpu.memory_space<hbm>> -> memref<1x10000xf32, #tpu.memory_space<hbm>>
      %dma_start3A_310 = tpu.memref_squeeze %dma_start3A_309 : memref<1x10000xf32, #tpu.memory_space<hbm>> -> memref<10000xf32, #tpu.memory_space<hbm>>
      tpu.enqueue_dma source(%arg6 : memref<10000xf32, #tpu.memory_space<vmem>>) target(%dma_start3A_310 : memref<10000xf32, #tpu.memory_space<hbm>>) target_semaphore(%dma_start3A_307 : memref<!tpu.dma_semaphore, #tpu.memory_space<semaphore_mem>>)
    } else {
    }
    %eq3A_192 = arith.constant 22 : i32
    %eq3A_193 = arith.cmpi eq, %add3A, %eq3A_192 : i32
    %convert_element_type3A_194 = arith.extui %eq3A_193 : i1 to i32
    %cond3A_195 = arith.constant 0 : i32
    %cond3A_196 = arith.constant 0 : i32
    %cond3A_197 = arith.cmpi ne, %convert_element_type3A_194, %cond3A_196 : i32
    scf.if %cond3A_197 {
      %dma_wait3A_270 = arith.constant 0 : i32
      %dma_wait3A_271 = tpu.memref_slice %arg5[%add3A, %dma_wait3A_270] : memref<80x10000xf32, #tpu.memory_space<hbm>> -> memref<1x10000xf32, #tpu.memory_space<hbm>>
      %dma_wait3A_272 = tpu.memref_squeeze %dma_wait3A_271 : memref<1x10000xf32, #tpu.memory_space<hbm>> -> memref<10000xf32, #tpu.memory_space<hbm>>
      %dma_wait3A_273 = tpu.memref_slice %arg10[%cond3A_195] : memref<2x!tpu.dma_semaphore, #tpu.memory_space<semaphore_mem>> -> memref<1x!tpu.dma_semaphore, #tpu.memory_space<semaphore_mem>>
      %dma_wait3A_274 = tpu.memref_squeeze %dma_wait3A_273 : memref<1x!tpu.dma_semaphore, #tpu.memory_space<semaphore_mem>> -> memref<!tpu.dma_semaphore, #tpu.memory_space<semaphore_mem>>
      %dma_wait3A_275 = arith.constant 0 : i32
      %dma_wait3A_276 = tpu.memref_slice %arg5[%add3A, %dma_wait3A_275] : memref<80x10000xf32, #tpu.memory_space<hbm>> -> memref<1x10000xf32, #tpu.memory_space<hbm>>
      %dma_wait3A_277 = tpu.memref_squeeze %dma_wait3A_276 : memref<1x10000xf32, #tpu.memory_space<hbm>> -> memref<10000xf32, #tpu.memory_space<hbm>>
      tpu.wait_dma2 semaphore(%dma_wait3A_274 : memref<!tpu.dma_semaphore, #tpu.memory_space<semaphore_mem>>) src(%arg6 : memref<10000xf32, #tpu.memory_space<vmem>>) dst(%dma_wait3A_277 : memref<10000xf32, #tpu.memory_space<hbm>>)
      %scan3A_278 = arith.constant 0 : i32
      %scan3A_279 = arith.constant 0 : i32
      %scan3A_280 = arith.constant 8 : i32
      %scan3A_281 = arith.addi %scan3A_279, %scan3A_280 : i32
      %scan3A_282 = arith.constant 1 : i32
      scf.for %scan3A_311 = %scan3A_279 to %scan3A_281 step %scan3A_282  : i32 {
        %mul3A_312 = arith.constant 16 : i32
        %mul3A_313 = arith.muli %scan3A_311, %mul3A_312 : i32
        %add3A_314 = arith.constant 0 : i32
        %add3A_315 = arith.addi %add3A_314, %mul3A_313 : i32
        %get3A = arith.index_cast %add3A_315 : i32 to index
        %get3A_316 = tpu.vector_load %arg8[%get3A] {strides = array<i32>} : memref<768xi32, #tpu.memory_space<vmem>>, vector<16xi32>,
        tpu.vector_store_idx %arg6[%get3A_316], %broadcast_in_dim3A_3 : memref<10000xf32, #tpu.memory_space<vmem>>[vector<16xi32>], vector<16xf32>,
      }
      %scan3A_283 = arith.constant 8 : i32
      %dma_wait3A_284 = arith.constant 2 : i32
      %dma_wait3A_285 = arith.constant 256 : i32
      %dma_wait3A_286 = tpu.memref_slice %arg8[%dma_wait3A_285] : memref<768xi32, #tpu.memory_space<vmem>> -> memref<512xi32, #tpu.memory_space<vmem>>
      %dma_wait3A_287 = arith.constant 1024 : i32
      %dma_wait3A_288 = tpu.memref_slice %arg3[%dma_wait3A_287] : memref<4096xi32, #tpu.memory_space<hbm>> -> memref<512xi32, #tpu.memory_space<hbm>>
      %dma_wait3A_289 = tpu.memref_slice %arg9[%dma_wait3A_284] : memref<3x!tpu.dma_semaphore, #tpu.memory_space<semaphore_mem>> -> memref<1x!tpu.dma_semaphore, #tpu.memory_space<semaphore_mem>>
      %dma_wait3A_290 = tpu.memref_squeeze %dma_wait3A_289 : memref<1x!tpu.dma_semaphore, #tpu.memory_space<semaphore_mem>> -> memref<!tpu.dma_semaphore, #tpu.memory_space<semaphore_mem>>
      %dma_wait3A_291 = arith.constant 256 : i32
      %dma_wait3A_292 = tpu.memref_slice %arg8[%dma_wait3A_291] : memref<768xi32, #tpu.memory_space<vmem>> -> memref<512xi32, #tpu.memory_space<vmem>>
      %dma_wait3A_293 = arith.constant 1024 : i32
      %dma_wait3A_294 = tpu.memref_slice %arg3[%dma_wait3A_293] : memref<4096xi32, #tpu.memory_space<hbm>> -> memref<512xi32, #tpu.memory_space<hbm>>
      tpu.wait_dma2 semaphore(%dma_wait3A_290 : memref<!tpu.dma_semaphore, #tpu.memory_space<semaphore_mem>>) src(%dma_wait3A_294 : memref<512xi32, #tpu.memory_space<hbm>>) dst(%dma_wait3A_292 : memref<512xi32, #tpu.memory_space<vmem>>)
      %scan3A_295 = arith.constant 0 : i32
      %scan3A_296 = arith.constant 0 : i32
      %scan3A_297 = arith.constant 32 : i32
      %scan3A_298 = arith.addi %scan3A_296, %scan3A_297 : i32
      %scan3A_299 = arith.constant 1 : i32
      scf.for %scan3A_311 = %scan3A_296 to %scan3A_298 step %scan3A_299  : i32 {
        %mul3A_312 = arith.constant 16 : i32
        %mul3A_313 = arith.muli %scan3A_311, %mul3A_312 : i32
        %add3A_314 = arith.constant 256 : i32
        %add3A_315 = arith.addi %add3A_314, %mul3A_313 : i32
        %get3A = arith.index_cast %add3A_315 : i32 to index
        %get3A_316 = tpu.vector_load %arg8[%get3A] {strides = array<i32>} : memref<768xi32, #tpu.memory_space<vmem>>, vector<16xi32>,
        %eq3A_317 = arith.constant 0 : i32
        %eq3A_318 = vector.broadcast %eq3A_317 : i32 to vector<16xi32>
        %eq3A_319 = arith.cmpi eq, %iota3A, %eq3A_318 : vector<16xi32>
        tpu.vector_store_idx %arg6[%get3A_316], %broadcast_in_dim3A_1 masked %eq3A_319 {add = true} : memref<10000xf32, #tpu.memory_space<vmem>>[vector<16xi32>], vector<16xf32>, vector<16xi1>
        %eq3A_320 = arith.constant 1 : i32
        %eq3A_321 = vector.broadcast %eq3A_320 : i32 to vector<16xi32>
        %eq3A_322 = arith.cmpi eq, %iota3A, %eq3A_321 : vector<16xi32>
        tpu.vector_store_idx %arg6[%get3A_316], %broadcast_in_dim3A_1 masked %eq3A_322 {add = true} : memref<10000xf32, #tpu.memory_space<vmem>>[vector<16xi32>], vector<16xf32>, vector<16xi1>
        %eq3A_323 = arith.constant 2 : i32
        %eq3A_324 = vector.broadcast %eq3A_323 : i32 to vector<16xi32>
        %eq3A_325 = arith.cmpi eq, %iota3A, %eq3A_324 : vector<16xi32>
        tpu.vector_store_idx %arg6[%get3A_316], %broadcast_in_dim3A_1 masked %eq3A_325 {add = true} : memref<10000xf32, #tpu.memory_space<vmem>>[vector<16xi32>], vector<16xf32>, vector<16xi1>
        %eq3A_326 = arith.constant 3 : i32
        %eq3A_327 = vector.broadcast %eq3A_326 : i32 to vector<16xi32>
        %eq3A_328 = arith.cmpi eq, %iota3A, %eq3A_327 : vector<16xi32>
        tpu.vector_store_idx %arg6[%get3A_316], %broadcast_in_dim3A_1 masked %eq3A_328 {add = true} : memref<10000xf32, #tpu.memory_space<vmem>>[vector<16xi32>], vector<16xf32>, vector<16xi1>
        %eq3A_329 = arith.constant 4 : i32
        %eq3A_330 = vector.broadcast %eq3A_329 : i32 to vector<16xi32>
        %eq3A_331 = arith.cmpi eq, %iota3A, %eq3A_330 : vector<16xi32>
        tpu.vector_store_idx %arg6[%get3A_316], %broadcast_in_dim3A_1 masked %eq3A_331 {add = true} : memref<10000xf32, #tpu.memory_space<vmem>>[vector<16xi32>], vector<16xf32>, vector<16xi1>
        %eq3A_332 = arith.constant 5 : i32
        %eq3A_333 = vector.broadcast %eq3A_332 : i32 to vector<16xi32>
        %eq3A_334 = arith.cmpi eq, %iota3A, %eq3A_333 : vector<16xi32>
        tpu.vector_store_idx %arg6[%get3A_316], %broadcast_in_dim3A_1 masked %eq3A_334 {add = true} : memref<10000xf32, #tpu.memory_space<vmem>>[vector<16xi32>], vector<16xf32>, vector<16xi1>
        %eq3A_335 = arith.constant 6 : i32
        %eq3A_336 = vector.broadcast %eq3A_335 : i32 to vector<16xi32>
        %eq3A_337 = arith.cmpi eq, %iota3A, %eq3A_336 : vector<16xi32>
        tpu.vector_store_idx %arg6[%get3A_316], %broadcast_in_dim3A_1 masked %eq3A_337 {add = true} : memref<10000xf32, #tpu.memory_space<vmem>>[vector<16xi32>], vector<16xf32>, vector<16xi1>
        %eq3A_338 = arith.constant 7 : i32
        %eq3A_339 = vector.broadcast %eq3A_338 : i32 to vector<16xi32>
        %eq3A_340 = arith.cmpi eq, %iota3A, %eq3A_339 : vector<16xi32>
        tpu.vector_store_idx %arg6[%get3A_316], %broadcast_in_dim3A_1 masked %eq3A_340 {add = true} : memref<10000xf32, #tpu.memory_space<vmem>>[vector<16xi32>], vector<16xf32>, vector<16xi1>
        %eq3A_341 = arith.constant 8 : i32
        %eq3A_342 = vector.broadcast %eq3A_341 : i32 to vector<16xi32>
        %eq3A_343 = arith.cmpi eq, %iota3A, %eq3A_342 : vector<16xi32>
        tpu.vector_store_idx %arg6[%get3A_316], %broadcast_in_dim3A_1 masked %eq3A_343 {add = true} : memref<10000xf32, #tpu.memory_space<vmem>>[vector<16xi32>], vector<16xf32>, vector<16xi1>
        %eq3A_344 = arith.constant 9 : i32
        %eq3A_345 = vector.broadcast %eq3A_344 : i32 to vector<16xi32>
        %eq3A_346 = arith.cmpi eq, %iota3A, %eq3A_345 : vector<16xi32>
        tpu.vector_store_idx %arg6[%get3A_316], %broadcast_in_dim3A_1 masked %eq3A_346 {add = true} : memref<10000xf32, #tpu.memory_space<vmem>>[vector<16xi32>], vector<16xf32>, vector<16xi1>
        %eq3A_347 = arith.constant 10 : i32
        %eq3A_348 = vector.broadcast %eq3A_347 : i32 to vector<16xi32>
        %eq3A_349 = arith.cmpi eq, %iota3A, %eq3A_348 : vector<16xi32>
        tpu.vector_store_idx %arg6[%get3A_316], %broadcast_in_dim3A_1 masked %eq3A_349 {add = true} : memref<10000xf32, #tpu.memory_space<vmem>>[vector<16xi32>], vector<16xf32>, vector<16xi1>
        %eq3A_350 = arith.constant 11 : i32
        %eq3A_351 = vector.broadcast %eq3A_350 : i32 to vector<16xi32>
        %eq3A_352 = arith.cmpi eq, %iota3A, %eq3A_351 : vector<16xi32>
        tpu.vector_store_idx %arg6[%get3A_316], %broadcast_in_dim3A_1 masked %eq3A_352 {add = true} : memref<10000xf32, #tpu.memory_space<vmem>>[vector<16xi32>], vector<16xf32>, vector<16xi1>
        %eq3A_353 = arith.constant 12 : i32
        %eq3A_354 = vector.broadcast %eq3A_353 : i32 to vector<16xi32>
        %eq3A_355 = arith.cmpi eq, %iota3A, %eq3A_354 : vector<16xi32>
        tpu.vector_store_idx %arg6[%get3A_316], %broadcast_in_dim3A_1 masked %eq3A_355 {add = true} : memref<10000xf32, #tpu.memory_space<vmem>>[vector<16xi32>], vector<16xf32>, vector<16xi1>
        %eq3A_356 = arith.constant 13 : i32
        %eq3A_357 = vector.broadcast %eq3A_356 : i32 to vector<16xi32>
        %eq3A_358 = arith.cmpi eq, %iota3A, %eq3A_357 : vector<16xi32>
        tpu.vector_store_idx %arg6[%get3A_316], %broadcast_in_dim3A_1 masked %eq3A_358 {add = true} : memref<10000xf32, #tpu.memory_space<vmem>>[vector<16xi32>], vector<16xf32>, vector<16xi1>
        %eq3A_359 = arith.constant 14 : i32
        %eq3A_360 = vector.broadcast %eq3A_359 : i32 to vector<16xi32>
        %eq3A_361 = arith.cmpi eq, %iota3A, %eq3A_360 : vector<16xi32>
        tpu.vector_store_idx %arg6[%get3A_316], %broadcast_in_dim3A_1 masked %eq3A_361 {add = true} : memref<10000xf32, #tpu.memory_space<vmem>>[vector<16xi32>], vector<16xf32>, vector<16xi1>
        %eq3A_362 = arith.constant 15 : i32
        %eq3A_363 = vector.broadcast %eq3A_362 : i32 to vector<16xi32>
        %eq3A_364 = arith.cmpi eq, %iota3A, %eq3A_363 : vector<16xi32>
        tpu.vector_store_idx %arg6[%get3A_316], %broadcast_in_dim3A_1 masked %eq3A_364 {add = true} : memref<10000xf32, #tpu.memory_space<vmem>>[vector<16xi32>], vector<16xf32>, vector<16xi1>
      }
      %scan3A_300 = arith.constant 32 : i32
      %dma_start3A_301 = arith.constant 70 : i32
      %dma_start3A_302 = arith.constant 0 : i32
      %dma_start3A_303 = arith.constant 0 : i32
      %dma_start3A_304 = tpu.memref_slice %arg5[%dma_start3A_301, %dma_start3A_303] : memref<80x10000xf32, #tpu.memory_space<hbm>> -> memref<1x10000xf32, #tpu.memory_space<hbm>>
      %dma_start3A_305 = tpu.memref_squeeze %dma_start3A_304 : memref<1x10000xf32, #tpu.memory_space<hbm>> -> memref<10000xf32, #tpu.memory_space<hbm>>
      %dma_start3A_306 = tpu.memref_slice %arg10[%dma_start3A_302] : memref<2x!tpu.dma_semaphore, #tpu.memory_space<semaphore_mem>> -> memref<1x!tpu.dma_semaphore, #tpu.memory_space<semaphore_mem>>
      %dma_start3A_307 = tpu.memref_squeeze %dma_start3A_306 : memref<1x!tpu.dma_semaphore, #tpu.memory_space<semaphore_mem>> -> memref<!tpu.dma_semaphore, #tpu.memory_space<semaphore_mem>>
      %dma_start3A_308 = arith.constant 0 : i32
      %dma_start3A_309 = tpu.memref_slice %arg5[%dma_start3A_301, %dma_start3A_308] : memref<80x10000xf32, #tpu.memory_space<hbm>> -> memref<1x10000xf32, #tpu.memory_space<hbm>>
      %dma_start3A_310 = tpu.memref_squeeze %dma_start3A_309 : memref<1x10000xf32, #tpu.memory_space<hbm>> -> memref<10000xf32, #tpu.memory_space<hbm>>
      tpu.enqueue_dma source(%arg6 : memref<10000xf32, #tpu.memory_space<vmem>>) target(%dma_start3A_310 : memref<10000xf32, #tpu.memory_space<hbm>>) target_semaphore(%dma_start3A_307 : memref<!tpu.dma_semaphore, #tpu.memory_space<semaphore_mem>>)
    } else {
    }
    %eq3A_198 = arith.constant 23 : i32
    %eq3A_199 = arith.cmpi eq, %add3A, %eq3A_198 : i32
    %convert_element_type3A_200 = arith.extui %eq3A_199 : i1 to i32
    %cond3A_201 = arith.constant 0 : i32
    %cond3A_202 = arith.constant 0 : i32
    %cond3A_203 = arith.cmpi ne, %convert_element_type3A_200, %cond3A_202 : i32
    scf.if %cond3A_203 {
      %dma_wait3A_270 = arith.constant 0 : i32
      %dma_wait3A_271 = tpu.memref_slice %arg5[%add3A, %dma_wait3A_270] : memref<80x10000xf32, #tpu.memory_space<hbm>> -> memref<1x10000xf32, #tpu.memory_space<hbm>>
      %dma_wait3A_272 = tpu.memref_squeeze %dma_wait3A_271 : memref<1x10000xf32, #tpu.memory_space<hbm>> -> memref<10000xf32, #tpu.memory_space<hbm>>
      %dma_wait3A_273 = tpu.memref_slice %arg10[%cond3A_201] : memref<2x!tpu.dma_semaphore, #tpu.memory_space<semaphore_mem>> -> memref<1x!tpu.dma_semaphore, #tpu.memory_space<semaphore_mem>>
      %dma_wait3A_274 = tpu.memref_squeeze %dma_wait3A_273 : memref<1x!tpu.dma_semaphore, #tpu.memory_space<semaphore_mem>> -> memref<!tpu.dma_semaphore, #tpu.memory_space<semaphore_mem>>
      %dma_wait3A_275 = arith.constant 0 : i32
      %dma_wait3A_276 = tpu.memref_slice %arg5[%add3A, %dma_wait3A_275] : memref<80x10000xf32, #tpu.memory_space<hbm>> -> memref<1x10000xf32, #tpu.memory_space<hbm>>
      %dma_wait3A_277 = tpu.memref_squeeze %dma_wait3A_276 : memref<1x10000xf32, #tpu.memory_space<hbm>> -> memref<10000xf32, #tpu.memory_space<hbm>>
      tpu.wait_dma2 semaphore(%dma_wait3A_274 : memref<!tpu.dma_semaphore, #tpu.memory_space<semaphore_mem>>) src(%arg6 : memref<10000xf32, #tpu.memory_space<vmem>>) dst(%dma_wait3A_277 : memref<10000xf32, #tpu.memory_space<hbm>>)
      %scan3A_278 = arith.constant 0 : i32
      %scan3A_279 = arith.constant 0 : i32
      %scan3A_280 = arith.constant 8 : i32
      %scan3A_281 = arith.addi %scan3A_279, %scan3A_280 : i32
      %scan3A_282 = arith.constant 1 : i32
      scf.for %scan3A_311 = %scan3A_279 to %scan3A_281 step %scan3A_282  : i32 {
        %mul3A_312 = arith.constant 16 : i32
        %mul3A_313 = arith.muli %scan3A_311, %mul3A_312 : i32
        %add3A_314 = arith.constant 0 : i32
        %add3A_315 = arith.addi %add3A_314, %mul3A_313 : i32
        %get3A = arith.index_cast %add3A_315 : i32 to index
        %get3A_316 = tpu.vector_load %arg8[%get3A] {strides = array<i32>} : memref<768xi32, #tpu.memory_space<vmem>>, vector<16xi32>,
        tpu.vector_store_idx %arg6[%get3A_316], %broadcast_in_dim3A_3 : memref<10000xf32, #tpu.memory_space<vmem>>[vector<16xi32>], vector<16xf32>,
      }
      %scan3A_283 = arith.constant 8 : i32
      %dma_wait3A_284 = arith.constant 2 : i32
      %dma_wait3A_285 = arith.constant 256 : i32
      %dma_wait3A_286 = tpu.memref_slice %arg8[%dma_wait3A_285] : memref<768xi32, #tpu.memory_space<vmem>> -> memref<512xi32, #tpu.memory_space<vmem>>
      %dma_wait3A_287 = arith.constant 1536 : i32
      %dma_wait3A_288 = tpu.memref_slice %arg3[%dma_wait3A_287] : memref<4096xi32, #tpu.memory_space<hbm>> -> memref<512xi32, #tpu.memory_space<hbm>>
      %dma_wait3A_289 = tpu.memref_slice %arg9[%dma_wait3A_284] : memref<3x!tpu.dma_semaphore, #tpu.memory_space<semaphore_mem>> -> memref<1x!tpu.dma_semaphore, #tpu.memory_space<semaphore_mem>>
      %dma_wait3A_290 = tpu.memref_squeeze %dma_wait3A_289 : memref<1x!tpu.dma_semaphore, #tpu.memory_space<semaphore_mem>> -> memref<!tpu.dma_semaphore, #tpu.memory_space<semaphore_mem>>
      %dma_wait3A_291 = arith.constant 256 : i32
      %dma_wait3A_292 = tpu.memref_slice %arg8[%dma_wait3A_291] : memref<768xi32, #tpu.memory_space<vmem>> -> memref<512xi32, #tpu.memory_space<vmem>>
      %dma_wait3A_293 = arith.constant 1536 : i32
      %dma_wait3A_294 = tpu.memref_slice %arg3[%dma_wait3A_293] : memref<4096xi32, #tpu.memory_space<hbm>> -> memref<512xi32, #tpu.memory_space<hbm>>
      tpu.wait_dma2 semaphore(%dma_wait3A_290 : memref<!tpu.dma_semaphore, #tpu.memory_space<semaphore_mem>>) src(%dma_wait3A_294 : memref<512xi32, #tpu.memory_space<hbm>>) dst(%dma_wait3A_292 : memref<512xi32, #tpu.memory_space<vmem>>)
      %scan3A_295 = arith.constant 0 : i32
      %scan3A_296 = arith.constant 0 : i32
      %scan3A_297 = arith.constant 32 : i32
      %scan3A_298 = arith.addi %scan3A_296, %scan3A_297 : i32
      %scan3A_299 = arith.constant 1 : i32
      scf.for %scan3A_311 = %scan3A_296 to %scan3A_298 step %scan3A_299  : i32 {
        %mul3A_312 = arith.constant 16 : i32
        %mul3A_313 = arith.muli %scan3A_311, %mul3A_312 : i32
        %add3A_314 = arith.constant 256 : i32
        %add3A_315 = arith.addi %add3A_314, %mul3A_313 : i32
        %get3A = arith.index_cast %add3A_315 : i32 to index
        %get3A_316 = tpu.vector_load %arg8[%get3A] {strides = array<i32>} : memref<768xi32, #tpu.memory_space<vmem>>, vector<16xi32>,
        %eq3A_317 = arith.constant 0 : i32
        %eq3A_318 = vector.broadcast %eq3A_317 : i32 to vector<16xi32>
        %eq3A_319 = arith.cmpi eq, %iota3A, %eq3A_318 : vector<16xi32>
        tpu.vector_store_idx %arg6[%get3A_316], %broadcast_in_dim3A_1 masked %eq3A_319 {add = true} : memref<10000xf32, #tpu.memory_space<vmem>>[vector<16xi32>], vector<16xf32>, vector<16xi1>
        %eq3A_320 = arith.constant 1 : i32
        %eq3A_321 = vector.broadcast %eq3A_320 : i32 to vector<16xi32>
        %eq3A_322 = arith.cmpi eq, %iota3A, %eq3A_321 : vector<16xi32>
        tpu.vector_store_idx %arg6[%get3A_316], %broadcast_in_dim3A_1 masked %eq3A_322 {add = true} : memref<10000xf32, #tpu.memory_space<vmem>>[vector<16xi32>], vector<16xf32>, vector<16xi1>
        %eq3A_323 = arith.constant 2 : i32
        %eq3A_324 = vector.broadcast %eq3A_323 : i32 to vector<16xi32>
        %eq3A_325 = arith.cmpi eq, %iota3A, %eq3A_324 : vector<16xi32>
        tpu.vector_store_idx %arg6[%get3A_316], %broadcast_in_dim3A_1 masked %eq3A_325 {add = true} : memref<10000xf32, #tpu.memory_space<vmem>>[vector<16xi32>], vector<16xf32>, vector<16xi1>
        %eq3A_326 = arith.constant 3 : i32
        %eq3A_327 = vector.broadcast %eq3A_326 : i32 to vector<16xi32>
        %eq3A_328 = arith.cmpi eq, %iota3A, %eq3A_327 : vector<16xi32>
        tpu.vector_store_idx %arg6[%get3A_316], %broadcast_in_dim3A_1 masked %eq3A_328 {add = true} : memref<10000xf32, #tpu.memory_space<vmem>>[vector<16xi32>], vector<16xf32>, vector<16xi1>
        %eq3A_329 = arith.constant 4 : i32
        %eq3A_330 = vector.broadcast %eq3A_329 : i32 to vector<16xi32>
        %eq3A_331 = arith.cmpi eq, %iota3A, %eq3A_330 : vector<16xi32>
        tpu.vector_store_idx %arg6[%get3A_316], %broadcast_in_dim3A_1 masked %eq3A_331 {add = true} : memref<10000xf32, #tpu.memory_space<vmem>>[vector<16xi32>], vector<16xf32>, vector<16xi1>
        %eq3A_332 = arith.constant 5 : i32
        %eq3A_333 = vector.broadcast %eq3A_332 : i32 to vector<16xi32>
        %eq3A_334 = arith.cmpi eq, %iota3A, %eq3A_333 : vector<16xi32>
        tpu.vector_store_idx %arg6[%get3A_316], %broadcast_in_dim3A_1 masked %eq3A_334 {add = true} : memref<10000xf32, #tpu.memory_space<vmem>>[vector<16xi32>], vector<16xf32>, vector<16xi1>
        %eq3A_335 = arith.constant 6 : i32
        %eq3A_336 = vector.broadcast %eq3A_335 : i32 to vector<16xi32>
        %eq3A_337 = arith.cmpi eq, %iota3A, %eq3A_336 : vector<16xi32>
        tpu.vector_store_idx %arg6[%get3A_316], %broadcast_in_dim3A_1 masked %eq3A_337 {add = true} : memref<10000xf32, #tpu.memory_space<vmem>>[vector<16xi32>], vector<16xf32>, vector<16xi1>
        %eq3A_338 = arith.constant 7 : i32
        %eq3A_339 = vector.broadcast %eq3A_338 : i32 to vector<16xi32>
        %eq3A_340 = arith.cmpi eq, %iota3A, %eq3A_339 : vector<16xi32>
        tpu.vector_store_idx %arg6[%get3A_316], %broadcast_in_dim3A_1 masked %eq3A_340 {add = true} : memref<10000xf32, #tpu.memory_space<vmem>>[vector<16xi32>], vector<16xf32>, vector<16xi1>
        %eq3A_341 = arith.constant 8 : i32
        %eq3A_342 = vector.broadcast %eq3A_341 : i32 to vector<16xi32>
        %eq3A_343 = arith.cmpi eq, %iota3A, %eq3A_342 : vector<16xi32>
        tpu.vector_store_idx %arg6[%get3A_316], %broadcast_in_dim3A_1 masked %eq3A_343 {add = true} : memref<10000xf32, #tpu.memory_space<vmem>>[vector<16xi32>], vector<16xf32>, vector<16xi1>
        %eq3A_344 = arith.constant 9 : i32
        %eq3A_345 = vector.broadcast %eq3A_344 : i32 to vector<16xi32>
        %eq3A_346 = arith.cmpi eq, %iota3A, %eq3A_345 : vector<16xi32>
        tpu.vector_store_idx %arg6[%get3A_316], %broadcast_in_dim3A_1 masked %eq3A_346 {add = true} : memref<10000xf32, #tpu.memory_space<vmem>>[vector<16xi32>], vector<16xf32>, vector<16xi1>
        %eq3A_347 = arith.constant 10 : i32
        %eq3A_348 = vector.broadcast %eq3A_347 : i32 to vector<16xi32>
        %eq3A_349 = arith.cmpi eq, %iota3A, %eq3A_348 : vector<16xi32>
        tpu.vector_store_idx %arg6[%get3A_316], %broadcast_in_dim3A_1 masked %eq3A_349 {add = true} : memref<10000xf32, #tpu.memory_space<vmem>>[vector<16xi32>], vector<16xf32>, vector<16xi1>
        %eq3A_350 = arith.constant 11 : i32
        %eq3A_351 = vector.broadcast %eq3A_350 : i32 to vector<16xi32>
        %eq3A_352 = arith.cmpi eq, %iota3A, %eq3A_351 : vector<16xi32>
        tpu.vector_store_idx %arg6[%get3A_316], %broadcast_in_dim3A_1 masked %eq3A_352 {add = true} : memref<10000xf32, #tpu.memory_space<vmem>>[vector<16xi32>], vector<16xf32>, vector<16xi1>
        %eq3A_353 = arith.constant 12 : i32
        %eq3A_354 = vector.broadcast %eq3A_353 : i32 to vector<16xi32>
        %eq3A_355 = arith.cmpi eq, %iota3A, %eq3A_354 : vector<16xi32>
        tpu.vector_store_idx %arg6[%get3A_316], %broadcast_in_dim3A_1 masked %eq3A_355 {add = true} : memref<10000xf32, #tpu.memory_space<vmem>>[vector<16xi32>], vector<16xf32>, vector<16xi1>
        %eq3A_356 = arith.constant 13 : i32
        %eq3A_357 = vector.broadcast %eq3A_356 : i32 to vector<16xi32>
        %eq3A_358 = arith.cmpi eq, %iota3A, %eq3A_357 : vector<16xi32>
        tpu.vector_store_idx %arg6[%get3A_316], %broadcast_in_dim3A_1 masked %eq3A_358 {add = true} : memref<10000xf32, #tpu.memory_space<vmem>>[vector<16xi32>], vector<16xf32>, vector<16xi1>
        %eq3A_359 = arith.constant 14 : i32
        %eq3A_360 = vector.broadcast %eq3A_359 : i32 to vector<16xi32>
        %eq3A_361 = arith.cmpi eq, %iota3A, %eq3A_360 : vector<16xi32>
        tpu.vector_store_idx %arg6[%get3A_316], %broadcast_in_dim3A_1 masked %eq3A_361 {add = true} : memref<10000xf32, #tpu.memory_space<vmem>>[vector<16xi32>], vector<16xf32>, vector<16xi1>
        %eq3A_362 = arith.constant 15 : i32
        %eq3A_363 = vector.broadcast %eq3A_362 : i32 to vector<16xi32>
        %eq3A_364 = arith.cmpi eq, %iota3A, %eq3A_363 : vector<16xi32>
        tpu.vector_store_idx %arg6[%get3A_316], %broadcast_in_dim3A_1 masked %eq3A_364 {add = true} : memref<10000xf32, #tpu.memory_space<vmem>>[vector<16xi32>], vector<16xf32>, vector<16xi1>
      }
      %scan3A_300 = arith.constant 32 : i32
      %dma_start3A_301 = arith.constant 71 : i32
      %dma_start3A_302 = arith.constant 0 : i32
      %dma_start3A_303 = arith.constant 0 : i32
      %dma_start3A_304 = tpu.memref_slice %arg5[%dma_start3A_301, %dma_start3A_303] : memref<80x10000xf32, #tpu.memory_space<hbm>> -> memref<1x10000xf32, #tpu.memory_space<hbm>>
      %dma_start3A_305 = tpu.memref_squeeze %dma_start3A_304 : memref<1x10000xf32, #tpu.memory_space<hbm>> -> memref<10000xf32, #tpu.memory_space<hbm>>
      %dma_start3A_306 = tpu.memref_slice %arg10[%dma_start3A_302] : memref<2x!tpu.dma_semaphore, #tpu.memory_space<semaphore_mem>> -> memref<1x!tpu.dma_semaphore, #tpu.memory_space<semaphore_mem>>
      %dma_start3A_307 = tpu.memref_squeeze %dma_start3A_306 : memref<1x!tpu.dma_semaphore, #tpu.memory_space<semaphore_mem>> -> memref<!tpu.dma_semaphore, #tpu.memory_space<semaphore_mem>>
      %dma_start3A_308 = arith.constant 0 : i32
      %dma_start3A_309 = tpu.memref_slice %arg5[%dma_start3A_301, %dma_start3A_308] : memref<80x10000xf32, #tpu.memory_space<hbm>> -> memref<1x10000xf32, #tpu.memory_space<hbm>>
      %dma_start3A_310 = tpu.memref_squeeze %dma_start3A_309 : memref<1x10000xf32, #tpu.memory_space<hbm>> -> memref<10000xf32, #tpu.memory_space<hbm>>
      tpu.enqueue_dma source(%arg6 : memref<10000xf32, #tpu.memory_space<vmem>>) target(%dma_start3A_310 : memref<10000xf32, #tpu.memory_space<hbm>>) target_semaphore(%dma_start3A_307 : memref<!tpu.dma_semaphore, #tpu.memory_space<semaphore_mem>>)
    } else {
    }
    %eq3A_204 = arith.constant 24 : i32
    %eq3A_205 = arith.cmpi eq, %add3A, %eq3A_204 : i32
    %convert_element_type3A_206 = arith.extui %eq3A_205 : i1 to i32
    %cond3A_207 = arith.constant 0 : i32
    %cond3A_208 = arith.constant 0 : i32
    %cond3A_209 = arith.cmpi ne, %convert_element_type3A_206, %cond3A_208 : i32
    scf.if %cond3A_209 {
      %dma_wait3A_270 = arith.constant 0 : i32
      %dma_wait3A_271 = tpu.memref_slice %arg5[%add3A, %dma_wait3A_270] : memref<80x10000xf32, #tpu.memory_space<hbm>> -> memref<1x10000xf32, #tpu.memory_space<hbm>>
      %dma_wait3A_272 = tpu.memref_squeeze %dma_wait3A_271 : memref<1x10000xf32, #tpu.memory_space<hbm>> -> memref<10000xf32, #tpu.memory_space<hbm>>
      %dma_wait3A_273 = tpu.memref_slice %arg10[%cond3A_207] : memref<2x!tpu.dma_semaphore, #tpu.memory_space<semaphore_mem>> -> memref<1x!tpu.dma_semaphore, #tpu.memory_space<semaphore_mem>>
      %dma_wait3A_274 = tpu.memref_squeeze %dma_wait3A_273 : memref<1x!tpu.dma_semaphore, #tpu.memory_space<semaphore_mem>> -> memref<!tpu.dma_semaphore, #tpu.memory_space<semaphore_mem>>
      %dma_wait3A_275 = arith.constant 0 : i32
      %dma_wait3A_276 = tpu.memref_slice %arg5[%add3A, %dma_wait3A_275] : memref<80x10000xf32, #tpu.memory_space<hbm>> -> memref<1x10000xf32, #tpu.memory_space<hbm>>
      %dma_wait3A_277 = tpu.memref_squeeze %dma_wait3A_276 : memref<1x10000xf32, #tpu.memory_space<hbm>> -> memref<10000xf32, #tpu.memory_space<hbm>>
      tpu.wait_dma2 semaphore(%dma_wait3A_274 : memref<!tpu.dma_semaphore, #tpu.memory_space<semaphore_mem>>) src(%arg6 : memref<10000xf32, #tpu.memory_space<vmem>>) dst(%dma_wait3A_277 : memref<10000xf32, #tpu.memory_space<hbm>>)
      %scan3A_278 = arith.constant 0 : i32
      %scan3A_279 = arith.constant 0 : i32
      %scan3A_280 = arith.constant 8 : i32
      %scan3A_281 = arith.addi %scan3A_279, %scan3A_280 : i32
      %scan3A_282 = arith.constant 1 : i32
      scf.for %scan3A_311 = %scan3A_279 to %scan3A_281 step %scan3A_282  : i32 {
        %mul3A_312 = arith.constant 16 : i32
        %mul3A_313 = arith.muli %scan3A_311, %mul3A_312 : i32
        %add3A_314 = arith.constant 0 : i32
        %add3A_315 = arith.addi %add3A_314, %mul3A_313 : i32
        %get3A = arith.index_cast %add3A_315 : i32 to index
        %get3A_316 = tpu.vector_load %arg8[%get3A] {strides = array<i32>} : memref<768xi32, #tpu.memory_space<vmem>>, vector<16xi32>,
        tpu.vector_store_idx %arg6[%get3A_316], %broadcast_in_dim3A_3 : memref<10000xf32, #tpu.memory_space<vmem>>[vector<16xi32>], vector<16xf32>,
      }
      %scan3A_283 = arith.constant 8 : i32
      %dma_wait3A_284 = arith.constant 2 : i32
      %dma_wait3A_285 = arith.constant 256 : i32
      %dma_wait3A_286 = tpu.memref_slice %arg8[%dma_wait3A_285] : memref<768xi32, #tpu.memory_space<vmem>> -> memref<512xi32, #tpu.memory_space<vmem>>
      %dma_wait3A_287 = arith.constant 2048 : i32
      %dma_wait3A_288 = tpu.memref_slice %arg3[%dma_wait3A_287] : memref<4096xi32, #tpu.memory_space<hbm>> -> memref<512xi32, #tpu.memory_space<hbm>>
      %dma_wait3A_289 = tpu.memref_slice %arg9[%dma_wait3A_284] : memref<3x!tpu.dma_semaphore, #tpu.memory_space<semaphore_mem>> -> memref<1x!tpu.dma_semaphore, #tpu.memory_space<semaphore_mem>>
      %dma_wait3A_290 = tpu.memref_squeeze %dma_wait3A_289 : memref<1x!tpu.dma_semaphore, #tpu.memory_space<semaphore_mem>> -> memref<!tpu.dma_semaphore, #tpu.memory_space<semaphore_mem>>
      %dma_wait3A_291 = arith.constant 256 : i32
      %dma_wait3A_292 = tpu.memref_slice %arg8[%dma_wait3A_291] : memref<768xi32, #tpu.memory_space<vmem>> -> memref<512xi32, #tpu.memory_space<vmem>>
      %dma_wait3A_293 = arith.constant 2048 : i32
      %dma_wait3A_294 = tpu.memref_slice %arg3[%dma_wait3A_293] : memref<4096xi32, #tpu.memory_space<hbm>> -> memref<512xi32, #tpu.memory_space<hbm>>
      tpu.wait_dma2 semaphore(%dma_wait3A_290 : memref<!tpu.dma_semaphore, #tpu.memory_space<semaphore_mem>>) src(%dma_wait3A_294 : memref<512xi32, #tpu.memory_space<hbm>>) dst(%dma_wait3A_292 : memref<512xi32, #tpu.memory_space<vmem>>)
      %scan3A_295 = arith.constant 0 : i32
      %scan3A_296 = arith.constant 0 : i32
      %scan3A_297 = arith.constant 32 : i32
      %scan3A_298 = arith.addi %scan3A_296, %scan3A_297 : i32
      %scan3A_299 = arith.constant 1 : i32
      scf.for %scan3A_311 = %scan3A_296 to %scan3A_298 step %scan3A_299  : i32 {
        %mul3A_312 = arith.constant 16 : i32
        %mul3A_313 = arith.muli %scan3A_311, %mul3A_312 : i32
        %add3A_314 = arith.constant 256 : i32
        %add3A_315 = arith.addi %add3A_314, %mul3A_313 : i32
        %get3A = arith.index_cast %add3A_315 : i32 to index
        %get3A_316 = tpu.vector_load %arg8[%get3A] {strides = array<i32>} : memref<768xi32, #tpu.memory_space<vmem>>, vector<16xi32>,
        %eq3A_317 = arith.constant 0 : i32
        %eq3A_318 = vector.broadcast %eq3A_317 : i32 to vector<16xi32>
        %eq3A_319 = arith.cmpi eq, %iota3A, %eq3A_318 : vector<16xi32>
        tpu.vector_store_idx %arg6[%get3A_316], %broadcast_in_dim3A_1 masked %eq3A_319 {add = true} : memref<10000xf32, #tpu.memory_space<vmem>>[vector<16xi32>], vector<16xf32>, vector<16xi1>
        %eq3A_320 = arith.constant 1 : i32
        %eq3A_321 = vector.broadcast %eq3A_320 : i32 to vector<16xi32>
        %eq3A_322 = arith.cmpi eq, %iota3A, %eq3A_321 : vector<16xi32>
        tpu.vector_store_idx %arg6[%get3A_316], %broadcast_in_dim3A_1 masked %eq3A_322 {add = true} : memref<10000xf32, #tpu.memory_space<vmem>>[vector<16xi32>], vector<16xf32>, vector<16xi1>
        %eq3A_323 = arith.constant 2 : i32
        %eq3A_324 = vector.broadcast %eq3A_323 : i32 to vector<16xi32>
        %eq3A_325 = arith.cmpi eq, %iota3A, %eq3A_324 : vector<16xi32>
        tpu.vector_store_idx %arg6[%get3A_316], %broadcast_in_dim3A_1 masked %eq3A_325 {add = true} : memref<10000xf32, #tpu.memory_space<vmem>>[vector<16xi32>], vector<16xf32>, vector<16xi1>
        %eq3A_326 = arith.constant 3 : i32
        %eq3A_327 = vector.broadcast %eq3A_326 : i32 to vector<16xi32>
        %eq3A_328 = arith.cmpi eq, %iota3A, %eq3A_327 : vector<16xi32>
        tpu.vector_store_idx %arg6[%get3A_316], %broadcast_in_dim3A_1 masked %eq3A_328 {add = true} : memref<10000xf32, #tpu.memory_space<vmem>>[vector<16xi32>], vector<16xf32>, vector<16xi1>
        %eq3A_329 = arith.constant 4 : i32
        %eq3A_330 = vector.broadcast %eq3A_329 : i32 to vector<16xi32>
        %eq3A_331 = arith.cmpi eq, %iota3A, %eq3A_330 : vector<16xi32>
        tpu.vector_store_idx %arg6[%get3A_316], %broadcast_in_dim3A_1 masked %eq3A_331 {add = true} : memref<10000xf32, #tpu.memory_space<vmem>>[vector<16xi32>], vector<16xf32>, vector<16xi1>
        %eq3A_332 = arith.constant 5 : i32
        %eq3A_333 = vector.broadcast %eq3A_332 : i32 to vector<16xi32>
        %eq3A_334 = arith.cmpi eq, %iota3A, %eq3A_333 : vector<16xi32>
        tpu.vector_store_idx %arg6[%get3A_316], %broadcast_in_dim3A_1 masked %eq3A_334 {add = true} : memref<10000xf32, #tpu.memory_space<vmem>>[vector<16xi32>], vector<16xf32>, vector<16xi1>
        %eq3A_335 = arith.constant 6 : i32
        %eq3A_336 = vector.broadcast %eq3A_335 : i32 to vector<16xi32>
        %eq3A_337 = arith.cmpi eq, %iota3A, %eq3A_336 : vector<16xi32>
        tpu.vector_store_idx %arg6[%get3A_316], %broadcast_in_dim3A_1 masked %eq3A_337 {add = true} : memref<10000xf32, #tpu.memory_space<vmem>>[vector<16xi32>], vector<16xf32>, vector<16xi1>
        %eq3A_338 = arith.constant 7 : i32
        %eq3A_339 = vector.broadcast %eq3A_338 : i32 to vector<16xi32>
        %eq3A_340 = arith.cmpi eq, %iota3A, %eq3A_339 : vector<16xi32>
        tpu.vector_store_idx %arg6[%get3A_316], %broadcast_in_dim3A_1 masked %eq3A_340 {add = true} : memref<10000xf32, #tpu.memory_space<vmem>>[vector<16xi32>], vector<16xf32>, vector<16xi1>
        %eq3A_341 = arith.constant 8 : i32
        %eq3A_342 = vector.broadcast %eq3A_341 : i32 to vector<16xi32>
        %eq3A_343 = arith.cmpi eq, %iota3A, %eq3A_342 : vector<16xi32>
        tpu.vector_store_idx %arg6[%get3A_316], %broadcast_in_dim3A_1 masked %eq3A_343 {add = true} : memref<10000xf32, #tpu.memory_space<vmem>>[vector<16xi32>], vector<16xf32>, vector<16xi1>
        %eq3A_344 = arith.constant 9 : i32
        %eq3A_345 = vector.broadcast %eq3A_344 : i32 to vector<16xi32>
        %eq3A_346 = arith.cmpi eq, %iota3A, %eq3A_345 : vector<16xi32>
        tpu.vector_store_idx %arg6[%get3A_316], %broadcast_in_dim3A_1 masked %eq3A_346 {add = true} : memref<10000xf32, #tpu.memory_space<vmem>>[vector<16xi32>], vector<16xf32>, vector<16xi1>
        %eq3A_347 = arith.constant 10 : i32
        %eq3A_348 = vector.broadcast %eq3A_347 : i32 to vector<16xi32>
        %eq3A_349 = arith.cmpi eq, %iota3A, %eq3A_348 : vector<16xi32>
        tpu.vector_store_idx %arg6[%get3A_316], %broadcast_in_dim3A_1 masked %eq3A_349 {add = true} : memref<10000xf32, #tpu.memory_space<vmem>>[vector<16xi32>], vector<16xf32>, vector<16xi1>
        %eq3A_350 = arith.constant 11 : i32
        %eq3A_351 = vector.broadcast %eq3A_350 : i32 to vector<16xi32>
        %eq3A_352 = arith.cmpi eq, %iota3A, %eq3A_351 : vector<16xi32>
        tpu.vector_store_idx %arg6[%get3A_316], %broadcast_in_dim3A_1 masked %eq3A_352 {add = true} : memref<10000xf32, #tpu.memory_space<vmem>>[vector<16xi32>], vector<16xf32>, vector<16xi1>
        %eq3A_353 = arith.constant 12 : i32
        %eq3A_354 = vector.broadcast %eq3A_353 : i32 to vector<16xi32>
        %eq3A_355 = arith.cmpi eq, %iota3A, %eq3A_354 : vector<16xi32>
        tpu.vector_store_idx %arg6[%get3A_316], %broadcast_in_dim3A_1 masked %eq3A_355 {add = true} : memref<10000xf32, #tpu.memory_space<vmem>>[vector<16xi32>], vector<16xf32>, vector<16xi1>
        %eq3A_356 = arith.constant 13 : i32
        %eq3A_357 = vector.broadcast %eq3A_356 : i32 to vector<16xi32>
        %eq3A_358 = arith.cmpi eq, %iota3A, %eq3A_357 : vector<16xi32>
        tpu.vector_store_idx %arg6[%get3A_316], %broadcast_in_dim3A_1 masked %eq3A_358 {add = true} : memref<10000xf32, #tpu.memory_space<vmem>>[vector<16xi32>], vector<16xf32>, vector<16xi1>
        %eq3A_359 = arith.constant 14 : i32
        %eq3A_360 = vector.broadcast %eq3A_359 : i32 to vector<16xi32>
        %eq3A_361 = arith.cmpi eq, %iota3A, %eq3A_360 : vector<16xi32>
        tpu.vector_store_idx %arg6[%get3A_316], %broadcast_in_dim3A_1 masked %eq3A_361 {add = true} : memref<10000xf32, #tpu.memory_space<vmem>>[vector<16xi32>], vector<16xf32>, vector<16xi1>
        %eq3A_362 = arith.constant 15 : i32
        %eq3A_363 = vector.broadcast %eq3A_362 : i32 to vector<16xi32>
        %eq3A_364 = arith.cmpi eq, %iota3A, %eq3A_363 : vector<16xi32>
        tpu.vector_store_idx %arg6[%get3A_316], %broadcast_in_dim3A_1 masked %eq3A_364 {add = true} : memref<10000xf32, #tpu.memory_space<vmem>>[vector<16xi32>], vector<16xf32>, vector<16xi1>
      }
      %scan3A_300 = arith.constant 32 : i32
      %dma_start3A_301 = arith.constant 72 : i32
      %dma_start3A_302 = arith.constant 0 : i32
      %dma_start3A_303 = arith.constant 0 : i32
      %dma_start3A_304 = tpu.memref_slice %arg5[%dma_start3A_301, %dma_start3A_303] : memref<80x10000xf32, #tpu.memory_space<hbm>> -> memref<1x10000xf32, #tpu.memory_space<hbm>>
      %dma_start3A_305 = tpu.memref_squeeze %dma_start3A_304 : memref<1x10000xf32, #tpu.memory_space<hbm>> -> memref<10000xf32, #tpu.memory_space<hbm>>
      %dma_start3A_306 = tpu.memref_slice %arg10[%dma_start3A_302] : memref<2x!tpu.dma_semaphore, #tpu.memory_space<semaphore_mem>> -> memref<1x!tpu.dma_semaphore, #tpu.memory_space<semaphore_mem>>
      %dma_start3A_307 = tpu.memref_squeeze %dma_start3A_306 : memref<1x!tpu.dma_semaphore, #tpu.memory_space<semaphore_mem>> -> memref<!tpu.dma_semaphore, #tpu.memory_space<semaphore_mem>>
      %dma_start3A_308 = arith.constant 0 : i32
      %dma_start3A_309 = tpu.memref_slice %arg5[%dma_start3A_301, %dma_start3A_308] : memref<80x10000xf32, #tpu.memory_space<hbm>> -> memref<1x10000xf32, #tpu.memory_space<hbm>>
      %dma_start3A_310 = tpu.memref_squeeze %dma_start3A_309 : memref<1x10000xf32, #tpu.memory_space<hbm>> -> memref<10000xf32, #tpu.memory_space<hbm>>
      tpu.enqueue_dma source(%arg6 : memref<10000xf32, #tpu.memory_space<vmem>>) target(%dma_start3A_310 : memref<10000xf32, #tpu.memory_space<hbm>>) target_semaphore(%dma_start3A_307 : memref<!tpu.dma_semaphore, #tpu.memory_space<semaphore_mem>>)
    } else {
    }
    %eq3A_210 = arith.constant 25 : i32
    %eq3A_211 = arith.cmpi eq, %add3A, %eq3A_210 : i32
    %convert_element_type3A_212 = arith.extui %eq3A_211 : i1 to i32
    %cond3A_213 = arith.constant 0 : i32
    %cond3A_214 = arith.constant 0 : i32
    %cond3A_215 = arith.cmpi ne, %convert_element_type3A_212, %cond3A_214 : i32
    scf.if %cond3A_215 {
      %dma_wait3A_270 = arith.constant 0 : i32
      %dma_wait3A_271 = tpu.memref_slice %arg5[%add3A, %dma_wait3A_270] : memref<80x10000xf32, #tpu.memory_space<hbm>> -> memref<1x10000xf32, #tpu.memory_space<hbm>>
      %dma_wait3A_272 = tpu.memref_squeeze %dma_wait3A_271 : memref<1x10000xf32, #tpu.memory_space<hbm>> -> memref<10000xf32, #tpu.memory_space<hbm>>
      %dma_wait3A_273 = tpu.memref_slice %arg10[%cond3A_213] : memref<2x!tpu.dma_semaphore, #tpu.memory_space<semaphore_mem>> -> memref<1x!tpu.dma_semaphore, #tpu.memory_space<semaphore_mem>>
      %dma_wait3A_274 = tpu.memref_squeeze %dma_wait3A_273 : memref<1x!tpu.dma_semaphore, #tpu.memory_space<semaphore_mem>> -> memref<!tpu.dma_semaphore, #tpu.memory_space<semaphore_mem>>
      %dma_wait3A_275 = arith.constant 0 : i32
      %dma_wait3A_276 = tpu.memref_slice %arg5[%add3A, %dma_wait3A_275] : memref<80x10000xf32, #tpu.memory_space<hbm>> -> memref<1x10000xf32, #tpu.memory_space<hbm>>
      %dma_wait3A_277 = tpu.memref_squeeze %dma_wait3A_276 : memref<1x10000xf32, #tpu.memory_space<hbm>> -> memref<10000xf32, #tpu.memory_space<hbm>>
      tpu.wait_dma2 semaphore(%dma_wait3A_274 : memref<!tpu.dma_semaphore, #tpu.memory_space<semaphore_mem>>) src(%arg6 : memref<10000xf32, #tpu.memory_space<vmem>>) dst(%dma_wait3A_277 : memref<10000xf32, #tpu.memory_space<hbm>>)
      %scan3A_278 = arith.constant 0 : i32
      %scan3A_279 = arith.constant 0 : i32
      %scan3A_280 = arith.constant 8 : i32
      %scan3A_281 = arith.addi %scan3A_279, %scan3A_280 : i32
      %scan3A_282 = arith.constant 1 : i32
      scf.for %scan3A_311 = %scan3A_279 to %scan3A_281 step %scan3A_282  : i32 {
        %mul3A_312 = arith.constant 16 : i32
        %mul3A_313 = arith.muli %scan3A_311, %mul3A_312 : i32
        %add3A_314 = arith.constant 0 : i32
        %add3A_315 = arith.addi %add3A_314, %mul3A_313 : i32
        %get3A = arith.index_cast %add3A_315 : i32 to index
        %get3A_316 = tpu.vector_load %arg8[%get3A] {strides = array<i32>} : memref<768xi32, #tpu.memory_space<vmem>>, vector<16xi32>,
        tpu.vector_store_idx %arg6[%get3A_316], %broadcast_in_dim3A_3 : memref<10000xf32, #tpu.memory_space<vmem>>[vector<16xi32>], vector<16xf32>,
      }
      %scan3A_283 = arith.constant 8 : i32
      %dma_wait3A_284 = arith.constant 2 : i32
      %dma_wait3A_285 = arith.constant 256 : i32
      %dma_wait3A_286 = tpu.memref_slice %arg8[%dma_wait3A_285] : memref<768xi32, #tpu.memory_space<vmem>> -> memref<512xi32, #tpu.memory_space<vmem>>
      %dma_wait3A_287 = arith.constant 2560 : i32
      %dma_wait3A_288 = tpu.memref_slice %arg3[%dma_wait3A_287] : memref<4096xi32, #tpu.memory_space<hbm>> -> memref<512xi32, #tpu.memory_space<hbm>>
      %dma_wait3A_289 = tpu.memref_slice %arg9[%dma_wait3A_284] : memref<3x!tpu.dma_semaphore, #tpu.memory_space<semaphore_mem>> -> memref<1x!tpu.dma_semaphore, #tpu.memory_space<semaphore_mem>>
      %dma_wait3A_290 = tpu.memref_squeeze %dma_wait3A_289 : memref<1x!tpu.dma_semaphore, #tpu.memory_space<semaphore_mem>> -> memref<!tpu.dma_semaphore, #tpu.memory_space<semaphore_mem>>
      %dma_wait3A_291 = arith.constant 256 : i32
      %dma_wait3A_292 = tpu.memref_slice %arg8[%dma_wait3A_291] : memref<768xi32, #tpu.memory_space<vmem>> -> memref<512xi32, #tpu.memory_space<vmem>>
      %dma_wait3A_293 = arith.constant 2560 : i32
      %dma_wait3A_294 = tpu.memref_slice %arg3[%dma_wait3A_293] : memref<4096xi32, #tpu.memory_space<hbm>> -> memref<512xi32, #tpu.memory_space<hbm>>
      tpu.wait_dma2 semaphore(%dma_wait3A_290 : memref<!tpu.dma_semaphore, #tpu.memory_space<semaphore_mem>>) src(%dma_wait3A_294 : memref<512xi32, #tpu.memory_space<hbm>>) dst(%dma_wait3A_292 : memref<512xi32, #tpu.memory_space<vmem>>)
      %scan3A_295 = arith.constant 0 : i32
      %scan3A_296 = arith.constant 0 : i32
      %scan3A_297 = arith.constant 32 : i32
      %scan3A_298 = arith.addi %scan3A_296, %scan3A_297 : i32
      %scan3A_299 = arith.constant 1 : i32
      scf.for %scan3A_311 = %scan3A_296 to %scan3A_298 step %scan3A_299  : i32 {
        %mul3A_312 = arith.constant 16 : i32
        %mul3A_313 = arith.muli %scan3A_311, %mul3A_312 : i32
        %add3A_314 = arith.constant 256 : i32
        %add3A_315 = arith.addi %add3A_314, %mul3A_313 : i32
        %get3A = arith.index_cast %add3A_315 : i32 to index
        %get3A_316 = tpu.vector_load %arg8[%get3A] {strides = array<i32>} : memref<768xi32, #tpu.memory_space<vmem>>, vector<16xi32>,
        %eq3A_317 = arith.constant 0 : i32
        %eq3A_318 = vector.broadcast %eq3A_317 : i32 to vector<16xi32>
        %eq3A_319 = arith.cmpi eq, %iota3A, %eq3A_318 : vector<16xi32>
        tpu.vector_store_idx %arg6[%get3A_316], %broadcast_in_dim3A_1 masked %eq3A_319 {add = true} : memref<10000xf32, #tpu.memory_space<vmem>>[vector<16xi32>], vector<16xf32>, vector<16xi1>
        %eq3A_320 = arith.constant 1 : i32
        %eq3A_321 = vector.broadcast %eq3A_320 : i32 to vector<16xi32>
        %eq3A_322 = arith.cmpi eq, %iota3A, %eq3A_321 : vector<16xi32>
        tpu.vector_store_idx %arg6[%get3A_316], %broadcast_in_dim3A_1 masked %eq3A_322 {add = true} : memref<10000xf32, #tpu.memory_space<vmem>>[vector<16xi32>], vector<16xf32>, vector<16xi1>
        %eq3A_323 = arith.constant 2 : i32
        %eq3A_324 = vector.broadcast %eq3A_323 : i32 to vector<16xi32>
        %eq3A_325 = arith.cmpi eq, %iota3A, %eq3A_324 : vector<16xi32>
        tpu.vector_store_idx %arg6[%get3A_316], %broadcast_in_dim3A_1 masked %eq3A_325 {add = true} : memref<10000xf32, #tpu.memory_space<vmem>>[vector<16xi32>], vector<16xf32>, vector<16xi1>
        %eq3A_326 = arith.constant 3 : i32
        %eq3A_327 = vector.broadcast %eq3A_326 : i32 to vector<16xi32>
        %eq3A_328 = arith.cmpi eq, %iota3A, %eq3A_327 : vector<16xi32>
        tpu.vector_store_idx %arg6[%get3A_316], %broadcast_in_dim3A_1 masked %eq3A_328 {add = true} : memref<10000xf32, #tpu.memory_space<vmem>>[vector<16xi32>], vector<16xf32>, vector<16xi1>
        %eq3A_329 = arith.constant 4 : i32
        %eq3A_330 = vector.broadcast %eq3A_329 : i32 to vector<16xi32>
        %eq3A_331 = arith.cmpi eq, %iota3A, %eq3A_330 : vector<16xi32>
        tpu.vector_store_idx %arg6[%get3A_316], %broadcast_in_dim3A_1 masked %eq3A_331 {add = true} : memref<10000xf32, #tpu.memory_space<vmem>>[vector<16xi32>], vector<16xf32>, vector<16xi1>
        %eq3A_332 = arith.constant 5 : i32
        %eq3A_333 = vector.broadcast %eq3A_332 : i32 to vector<16xi32>
        %eq3A_334 = arith.cmpi eq, %iota3A, %eq3A_333 : vector<16xi32>
        tpu.vector_store_idx %arg6[%get3A_316], %broadcast_in_dim3A_1 masked %eq3A_334 {add = true} : memref<10000xf32, #tpu.memory_space<vmem>>[vector<16xi32>], vector<16xf32>, vector<16xi1>
        %eq3A_335 = arith.constant 6 : i32
        %eq3A_336 = vector.broadcast %eq3A_335 : i32 to vector<16xi32>
        %eq3A_337 = arith.cmpi eq, %iota3A, %eq3A_336 : vector<16xi32>
        tpu.vector_store_idx %arg6[%get3A_316], %broadcast_in_dim3A_1 masked %eq3A_337 {add = true} : memref<10000xf32, #tpu.memory_space<vmem>>[vector<16xi32>], vector<16xf32>, vector<16xi1>
        %eq3A_338 = arith.constant 7 : i32
        %eq3A_339 = vector.broadcast %eq3A_338 : i32 to vector<16xi32>
        %eq3A_340 = arith.cmpi eq, %iota3A, %eq3A_339 : vector<16xi32>
        tpu.vector_store_idx %arg6[%get3A_316], %broadcast_in_dim3A_1 masked %eq3A_340 {add = true} : memref<10000xf32, #tpu.memory_space<vmem>>[vector<16xi32>], vector<16xf32>, vector<16xi1>
        %eq3A_341 = arith.constant 8 : i32
        %eq3A_342 = vector.broadcast %eq3A_341 : i32 to vector<16xi32>
        %eq3A_343 = arith.cmpi eq, %iota3A, %eq3A_342 : vector<16xi32>
        tpu.vector_store_idx %arg6[%get3A_316], %broadcast_in_dim3A_1 masked %eq3A_343 {add = true} : memref<10000xf32, #tpu.memory_space<vmem>>[vector<16xi32>], vector<16xf32>, vector<16xi1>
        %eq3A_344 = arith.constant 9 : i32
        %eq3A_345 = vector.broadcast %eq3A_344 : i32 to vector<16xi32>
        %eq3A_346 = arith.cmpi eq, %iota3A, %eq3A_345 : vector<16xi32>
        tpu.vector_store_idx %arg6[%get3A_316], %broadcast_in_dim3A_1 masked %eq3A_346 {add = true} : memref<10000xf32, #tpu.memory_space<vmem>>[vector<16xi32>], vector<16xf32>, vector<16xi1>
        %eq3A_347 = arith.constant 10 : i32
        %eq3A_348 = vector.broadcast %eq3A_347 : i32 to vector<16xi32>
        %eq3A_349 = arith.cmpi eq, %iota3A, %eq3A_348 : vector<16xi32>
        tpu.vector_store_idx %arg6[%get3A_316], %broadcast_in_dim3A_1 masked %eq3A_349 {add = true} : memref<10000xf32, #tpu.memory_space<vmem>>[vector<16xi32>], vector<16xf32>, vector<16xi1>
        %eq3A_350 = arith.constant 11 : i32
        %eq3A_351 = vector.broadcast %eq3A_350 : i32 to vector<16xi32>
        %eq3A_352 = arith.cmpi eq, %iota3A, %eq3A_351 : vector<16xi32>
        tpu.vector_store_idx %arg6[%get3A_316], %broadcast_in_dim3A_1 masked %eq3A_352 {add = true} : memref<10000xf32, #tpu.memory_space<vmem>>[vector<16xi32>], vector<16xf32>, vector<16xi1>
        %eq3A_353 = arith.constant 12 : i32
        %eq3A_354 = vector.broadcast %eq3A_353 : i32 to vector<16xi32>
        %eq3A_355 = arith.cmpi eq, %iota3A, %eq3A_354 : vector<16xi32>
        tpu.vector_store_idx %arg6[%get3A_316], %broadcast_in_dim3A_1 masked %eq3A_355 {add = true} : memref<10000xf32, #tpu.memory_space<vmem>>[vector<16xi32>], vector<16xf32>, vector<16xi1>
        %eq3A_356 = arith.constant 13 : i32
        %eq3A_357 = vector.broadcast %eq3A_356 : i32 to vector<16xi32>
        %eq3A_358 = arith.cmpi eq, %iota3A, %eq3A_357 : vector<16xi32>
        tpu.vector_store_idx %arg6[%get3A_316], %broadcast_in_dim3A_1 masked %eq3A_358 {add = true} : memref<10000xf32, #tpu.memory_space<vmem>>[vector<16xi32>], vector<16xf32>, vector<16xi1>
        %eq3A_359 = arith.constant 14 : i32
        %eq3A_360 = vector.broadcast %eq3A_359 : i32 to vector<16xi32>
        %eq3A_361 = arith.cmpi eq, %iota3A, %eq3A_360 : vector<16xi32>
        tpu.vector_store_idx %arg6[%get3A_316], %broadcast_in_dim3A_1 masked %eq3A_361 {add = true} : memref<10000xf32, #tpu.memory_space<vmem>>[vector<16xi32>], vector<16xf32>, vector<16xi1>
        %eq3A_362 = arith.constant 15 : i32
        %eq3A_363 = vector.broadcast %eq3A_362 : i32 to vector<16xi32>
        %eq3A_364 = arith.cmpi eq, %iota3A, %eq3A_363 : vector<16xi32>
        tpu.vector_store_idx %arg6[%get3A_316], %broadcast_in_dim3A_1 masked %eq3A_364 {add = true} : memref<10000xf32, #tpu.memory_space<vmem>>[vector<16xi32>], vector<16xf32>, vector<16xi1>
      }
      %scan3A_300 = arith.constant 32 : i32
      %dma_start3A_301 = arith.constant 73 : i32
      %dma_start3A_302 = arith.constant 0 : i32
      %dma_start3A_303 = arith.constant 0 : i32
      %dma_start3A_304 = tpu.memref_slice %arg5[%dma_start3A_301, %dma_start3A_303] : memref<80x10000xf32, #tpu.memory_space<hbm>> -> memref<1x10000xf32, #tpu.memory_space<hbm>>
      %dma_start3A_305 = tpu.memref_squeeze %dma_start3A_304 : memref<1x10000xf32, #tpu.memory_space<hbm>> -> memref<10000xf32, #tpu.memory_space<hbm>>
      %dma_start3A_306 = tpu.memref_slice %arg10[%dma_start3A_302] : memref<2x!tpu.dma_semaphore, #tpu.memory_space<semaphore_mem>> -> memref<1x!tpu.dma_semaphore, #tpu.memory_space<semaphore_mem>>
      %dma_start3A_307 = tpu.memref_squeeze %dma_start3A_306 : memref<1x!tpu.dma_semaphore, #tpu.memory_space<semaphore_mem>> -> memref<!tpu.dma_semaphore, #tpu.memory_space<semaphore_mem>>
      %dma_start3A_308 = arith.constant 0 : i32
      %dma_start3A_309 = tpu.memref_slice %arg5[%dma_start3A_301, %dma_start3A_308] : memref<80x10000xf32, #tpu.memory_space<hbm>> -> memref<1x10000xf32, #tpu.memory_space<hbm>>
      %dma_start3A_310 = tpu.memref_squeeze %dma_start3A_309 : memref<1x10000xf32, #tpu.memory_space<hbm>> -> memref<10000xf32, #tpu.memory_space<hbm>>
      tpu.enqueue_dma source(%arg6 : memref<10000xf32, #tpu.memory_space<vmem>>) target(%dma_start3A_310 : memref<10000xf32, #tpu.memory_space<hbm>>) target_semaphore(%dma_start3A_307 : memref<!tpu.dma_semaphore, #tpu.memory_space<semaphore_mem>>)
    } else {
    }
    %eq3A_216 = arith.constant 26 : i32
    %eq3A_217 = arith.cmpi eq, %add3A, %eq3A_216 : i32
    %convert_element_type3A_218 = arith.extui %eq3A_217 : i1 to i32
    %cond3A_219 = arith.constant 0 : i32
    %cond3A_220 = arith.constant 0 : i32
    %cond3A_221 = arith.cmpi ne, %convert_element_type3A_218, %cond3A_220 : i32
    scf.if %cond3A_221 {
      %dma_wait3A_270 = arith.constant 0 : i32
      %dma_wait3A_271 = tpu.memref_slice %arg5[%add3A, %dma_wait3A_270] : memref<80x10000xf32, #tpu.memory_space<hbm>> -> memref<1x10000xf32, #tpu.memory_space<hbm>>
      %dma_wait3A_272 = tpu.memref_squeeze %dma_wait3A_271 : memref<1x10000xf32, #tpu.memory_space<hbm>> -> memref<10000xf32, #tpu.memory_space<hbm>>
      %dma_wait3A_273 = tpu.memref_slice %arg10[%cond3A_219] : memref<2x!tpu.dma_semaphore, #tpu.memory_space<semaphore_mem>> -> memref<1x!tpu.dma_semaphore, #tpu.memory_space<semaphore_mem>>
      %dma_wait3A_274 = tpu.memref_squeeze %dma_wait3A_273 : memref<1x!tpu.dma_semaphore, #tpu.memory_space<semaphore_mem>> -> memref<!tpu.dma_semaphore, #tpu.memory_space<semaphore_mem>>
      %dma_wait3A_275 = arith.constant 0 : i32
      %dma_wait3A_276 = tpu.memref_slice %arg5[%add3A, %dma_wait3A_275] : memref<80x10000xf32, #tpu.memory_space<hbm>> -> memref<1x10000xf32, #tpu.memory_space<hbm>>
      %dma_wait3A_277 = tpu.memref_squeeze %dma_wait3A_276 : memref<1x10000xf32, #tpu.memory_space<hbm>> -> memref<10000xf32, #tpu.memory_space<hbm>>
      tpu.wait_dma2 semaphore(%dma_wait3A_274 : memref<!tpu.dma_semaphore, #tpu.memory_space<semaphore_mem>>) src(%arg6 : memref<10000xf32, #tpu.memory_space<vmem>>) dst(%dma_wait3A_277 : memref<10000xf32, #tpu.memory_space<hbm>>)
      %scan3A_278 = arith.constant 0 : i32
      %scan3A_279 = arith.constant 0 : i32
      %scan3A_280 = arith.constant 8 : i32
      %scan3A_281 = arith.addi %scan3A_279, %scan3A_280 : i32
      %scan3A_282 = arith.constant 1 : i32
      scf.for %scan3A_311 = %scan3A_279 to %scan3A_281 step %scan3A_282  : i32 {
        %mul3A_312 = arith.constant 16 : i32
        %mul3A_313 = arith.muli %scan3A_311, %mul3A_312 : i32
        %add3A_314 = arith.constant 0 : i32
        %add3A_315 = arith.addi %add3A_314, %mul3A_313 : i32
        %get3A = arith.index_cast %add3A_315 : i32 to index
        %get3A_316 = tpu.vector_load %arg8[%get3A] {strides = array<i32>} : memref<768xi32, #tpu.memory_space<vmem>>, vector<16xi32>,
        tpu.vector_store_idx %arg6[%get3A_316], %broadcast_in_dim3A_3 : memref<10000xf32, #tpu.memory_space<vmem>>[vector<16xi32>], vector<16xf32>,
      }
      %scan3A_283 = arith.constant 8 : i32
      %dma_wait3A_284 = arith.constant 2 : i32
      %dma_wait3A_285 = arith.constant 256 : i32
      %dma_wait3A_286 = tpu.memref_slice %arg8[%dma_wait3A_285] : memref<768xi32, #tpu.memory_space<vmem>> -> memref<512xi32, #tpu.memory_space<vmem>>
      %dma_wait3A_287 = arith.constant 3072 : i32
      %dma_wait3A_288 = tpu.memref_slice %arg3[%dma_wait3A_287] : memref<4096xi32, #tpu.memory_space<hbm>> -> memref<512xi32, #tpu.memory_space<hbm>>
      %dma_wait3A_289 = tpu.memref_slice %arg9[%dma_wait3A_284] : memref<3x!tpu.dma_semaphore, #tpu.memory_space<semaphore_mem>> -> memref<1x!tpu.dma_semaphore, #tpu.memory_space<semaphore_mem>>
      %dma_wait3A_290 = tpu.memref_squeeze %dma_wait3A_289 : memref<1x!tpu.dma_semaphore, #tpu.memory_space<semaphore_mem>> -> memref<!tpu.dma_semaphore, #tpu.memory_space<semaphore_mem>>
      %dma_wait3A_291 = arith.constant 256 : i32
      %dma_wait3A_292 = tpu.memref_slice %arg8[%dma_wait3A_291] : memref<768xi32, #tpu.memory_space<vmem>> -> memref<512xi32, #tpu.memory_space<vmem>>
      %dma_wait3A_293 = arith.constant 3072 : i32
      %dma_wait3A_294 = tpu.memref_slice %arg3[%dma_wait3A_293] : memref<4096xi32, #tpu.memory_space<hbm>> -> memref<512xi32, #tpu.memory_space<hbm>>
      tpu.wait_dma2 semaphore(%dma_wait3A_290 : memref<!tpu.dma_semaphore, #tpu.memory_space<semaphore_mem>>) src(%dma_wait3A_294 : memref<512xi32, #tpu.memory_space<hbm>>) dst(%dma_wait3A_292 : memref<512xi32, #tpu.memory_space<vmem>>)
      %scan3A_295 = arith.constant 0 : i32
      %scan3A_296 = arith.constant 0 : i32
      %scan3A_297 = arith.constant 32 : i32
      %scan3A_298 = arith.addi %scan3A_296, %scan3A_297 : i32
      %scan3A_299 = arith.constant 1 : i32
      scf.for %scan3A_311 = %scan3A_296 to %scan3A_298 step %scan3A_299  : i32 {
        %mul3A_312 = arith.constant 16 : i32
        %mul3A_313 = arith.muli %scan3A_311, %mul3A_312 : i32
        %add3A_314 = arith.constant 256 : i32
        %add3A_315 = arith.addi %add3A_314, %mul3A_313 : i32
        %get3A = arith.index_cast %add3A_315 : i32 to index
        %get3A_316 = tpu.vector_load %arg8[%get3A] {strides = array<i32>} : memref<768xi32, #tpu.memory_space<vmem>>, vector<16xi32>,
        %eq3A_317 = arith.constant 0 : i32
        %eq3A_318 = vector.broadcast %eq3A_317 : i32 to vector<16xi32>
        %eq3A_319 = arith.cmpi eq, %iota3A, %eq3A_318 : vector<16xi32>
        tpu.vector_store_idx %arg6[%get3A_316], %broadcast_in_dim3A_1 masked %eq3A_319 {add = true} : memref<10000xf32, #tpu.memory_space<vmem>>[vector<16xi32>], vector<16xf32>, vector<16xi1>
        %eq3A_320 = arith.constant 1 : i32
        %eq3A_321 = vector.broadcast %eq3A_320 : i32 to vector<16xi32>
        %eq3A_322 = arith.cmpi eq, %iota3A, %eq3A_321 : vector<16xi32>
        tpu.vector_store_idx %arg6[%get3A_316], %broadcast_in_dim3A_1 masked %eq3A_322 {add = true} : memref<10000xf32, #tpu.memory_space<vmem>>[vector<16xi32>], vector<16xf32>, vector<16xi1>
        %eq3A_323 = arith.constant 2 : i32
        %eq3A_324 = vector.broadcast %eq3A_323 : i32 to vector<16xi32>
        %eq3A_325 = arith.cmpi eq, %iota3A, %eq3A_324 : vector<16xi32>
        tpu.vector_store_idx %arg6[%get3A_316], %broadcast_in_dim3A_1 masked %eq3A_325 {add = true} : memref<10000xf32, #tpu.memory_space<vmem>>[vector<16xi32>], vector<16xf32>, vector<16xi1>
        %eq3A_326 = arith.constant 3 : i32
        %eq3A_327 = vector.broadcast %eq3A_326 : i32 to vector<16xi32>
        %eq3A_328 = arith.cmpi eq, %iota3A, %eq3A_327 : vector<16xi32>
        tpu.vector_store_idx %arg6[%get3A_316], %broadcast_in_dim3A_1 masked %eq3A_328 {add = true} : memref<10000xf32, #tpu.memory_space<vmem>>[vector<16xi32>], vector<16xf32>, vector<16xi1>
        %eq3A_329 = arith.constant 4 : i32
        %eq3A_330 = vector.broadcast %eq3A_329 : i32 to vector<16xi32>
        %eq3A_331 = arith.cmpi eq, %iota3A, %eq3A_330 : vector<16xi32>
        tpu.vector_store_idx %arg6[%get3A_316], %broadcast_in_dim3A_1 masked %eq3A_331 {add = true} : memref<10000xf32, #tpu.memory_space<vmem>>[vector<16xi32>], vector<16xf32>, vector<16xi1>
        %eq3A_332 = arith.constant 5 : i32
        %eq3A_333 = vector.broadcast %eq3A_332 : i32 to vector<16xi32>
        %eq3A_334 = arith.cmpi eq, %iota3A, %eq3A_333 : vector<16xi32>
        tpu.vector_store_idx %arg6[%get3A_316], %broadcast_in_dim3A_1 masked %eq3A_334 {add = true} : memref<10000xf32, #tpu.memory_space<vmem>>[vector<16xi32>], vector<16xf32>, vector<16xi1>
        %eq3A_335 = arith.constant 6 : i32
        %eq3A_336 = vector.broadcast %eq3A_335 : i32 to vector<16xi32>
        %eq3A_337 = arith.cmpi eq, %iota3A, %eq3A_336 : vector<16xi32>
        tpu.vector_store_idx %arg6[%get3A_316], %broadcast_in_dim3A_1 masked %eq3A_337 {add = true} : memref<10000xf32, #tpu.memory_space<vmem>>[vector<16xi32>], vector<16xf32>, vector<16xi1>
        %eq3A_338 = arith.constant 7 : i32
        %eq3A_339 = vector.broadcast %eq3A_338 : i32 to vector<16xi32>
        %eq3A_340 = arith.cmpi eq, %iota3A, %eq3A_339 : vector<16xi32>
        tpu.vector_store_idx %arg6[%get3A_316], %broadcast_in_dim3A_1 masked %eq3A_340 {add = true} : memref<10000xf32, #tpu.memory_space<vmem>>[vector<16xi32>], vector<16xf32>, vector<16xi1>
        %eq3A_341 = arith.constant 8 : i32
        %eq3A_342 = vector.broadcast %eq3A_341 : i32 to vector<16xi32>
        %eq3A_343 = arith.cmpi eq, %iota3A, %eq3A_342 : vector<16xi32>
        tpu.vector_store_idx %arg6[%get3A_316], %broadcast_in_dim3A_1 masked %eq3A_343 {add = true} : memref<10000xf32, #tpu.memory_space<vmem>>[vector<16xi32>], vector<16xf32>, vector<16xi1>
        %eq3A_344 = arith.constant 9 : i32
        %eq3A_345 = vector.broadcast %eq3A_344 : i32 to vector<16xi32>
        %eq3A_346 = arith.cmpi eq, %iota3A, %eq3A_345 : vector<16xi32>
        tpu.vector_store_idx %arg6[%get3A_316], %broadcast_in_dim3A_1 masked %eq3A_346 {add = true} : memref<10000xf32, #tpu.memory_space<vmem>>[vector<16xi32>], vector<16xf32>, vector<16xi1>
        %eq3A_347 = arith.constant 10 : i32
        %eq3A_348 = vector.broadcast %eq3A_347 : i32 to vector<16xi32>
        %eq3A_349 = arith.cmpi eq, %iota3A, %eq3A_348 : vector<16xi32>
        tpu.vector_store_idx %arg6[%get3A_316], %broadcast_in_dim3A_1 masked %eq3A_349 {add = true} : memref<10000xf32, #tpu.memory_space<vmem>>[vector<16xi32>], vector<16xf32>, vector<16xi1>
        %eq3A_350 = arith.constant 11 : i32
        %eq3A_351 = vector.broadcast %eq3A_350 : i32 to vector<16xi32>
        %eq3A_352 = arith.cmpi eq, %iota3A, %eq3A_351 : vector<16xi32>
        tpu.vector_store_idx %arg6[%get3A_316], %broadcast_in_dim3A_1 masked %eq3A_352 {add = true} : memref<10000xf32, #tpu.memory_space<vmem>>[vector<16xi32>], vector<16xf32>, vector<16xi1>
        %eq3A_353 = arith.constant 12 : i32
        %eq3A_354 = vector.broadcast %eq3A_353 : i32 to vector<16xi32>
        %eq3A_355 = arith.cmpi eq, %iota3A, %eq3A_354 : vector<16xi32>
        tpu.vector_store_idx %arg6[%get3A_316], %broadcast_in_dim3A_1 masked %eq3A_355 {add = true} : memref<10000xf32, #tpu.memory_space<vmem>>[vector<16xi32>], vector<16xf32>, vector<16xi1>
        %eq3A_356 = arith.constant 13 : i32
        %eq3A_357 = vector.broadcast %eq3A_356 : i32 to vector<16xi32>
        %eq3A_358 = arith.cmpi eq, %iota3A, %eq3A_357 : vector<16xi32>
        tpu.vector_store_idx %arg6[%get3A_316], %broadcast_in_dim3A_1 masked %eq3A_358 {add = true} : memref<10000xf32, #tpu.memory_space<vmem>>[vector<16xi32>], vector<16xf32>, vector<16xi1>
        %eq3A_359 = arith.constant 14 : i32
        %eq3A_360 = vector.broadcast %eq3A_359 : i32 to vector<16xi32>
        %eq3A_361 = arith.cmpi eq, %iota3A, %eq3A_360 : vector<16xi32>
        tpu.vector_store_idx %arg6[%get3A_316], %broadcast_in_dim3A_1 masked %eq3A_361 {add = true} : memref<10000xf32, #tpu.memory_space<vmem>>[vector<16xi32>], vector<16xf32>, vector<16xi1>
        %eq3A_362 = arith.constant 15 : i32
        %eq3A_363 = vector.broadcast %eq3A_362 : i32 to vector<16xi32>
        %eq3A_364 = arith.cmpi eq, %iota3A, %eq3A_363 : vector<16xi32>
        tpu.vector_store_idx %arg6[%get3A_316], %broadcast_in_dim3A_1 masked %eq3A_364 {add = true} : memref<10000xf32, #tpu.memory_space<vmem>>[vector<16xi32>], vector<16xf32>, vector<16xi1>
      }
      %scan3A_300 = arith.constant 32 : i32
      %dma_start3A_301 = arith.constant 74 : i32
      %dma_start3A_302 = arith.constant 0 : i32
      %dma_start3A_303 = arith.constant 0 : i32
      %dma_start3A_304 = tpu.memref_slice %arg5[%dma_start3A_301, %dma_start3A_303] : memref<80x10000xf32, #tpu.memory_space<hbm>> -> memref<1x10000xf32, #tpu.memory_space<hbm>>
      %dma_start3A_305 = tpu.memref_squeeze %dma_start3A_304 : memref<1x10000xf32, #tpu.memory_space<hbm>> -> memref<10000xf32, #tpu.memory_space<hbm>>
      %dma_start3A_306 = tpu.memref_slice %arg10[%dma_start3A_302] : memref<2x!tpu.dma_semaphore, #tpu.memory_space<semaphore_mem>> -> memref<1x!tpu.dma_semaphore, #tpu.memory_space<semaphore_mem>>
      %dma_start3A_307 = tpu.memref_squeeze %dma_start3A_306 : memref<1x!tpu.dma_semaphore, #tpu.memory_space<semaphore_mem>> -> memref<!tpu.dma_semaphore, #tpu.memory_space<semaphore_mem>>
      %dma_start3A_308 = arith.constant 0 : i32
      %dma_start3A_309 = tpu.memref_slice %arg5[%dma_start3A_301, %dma_start3A_308] : memref<80x10000xf32, #tpu.memory_space<hbm>> -> memref<1x10000xf32, #tpu.memory_space<hbm>>
      %dma_start3A_310 = tpu.memref_squeeze %dma_start3A_309 : memref<1x10000xf32, #tpu.memory_space<hbm>> -> memref<10000xf32, #tpu.memory_space<hbm>>
      tpu.enqueue_dma source(%arg6 : memref<10000xf32, #tpu.memory_space<vmem>>) target(%dma_start3A_310 : memref<10000xf32, #tpu.memory_space<hbm>>) target_semaphore(%dma_start3A_307 : memref<!tpu.dma_semaphore, #tpu.memory_space<semaphore_mem>>)
    } else {
    }
    %eq3A_222 = arith.constant 27 : i32
    %eq3A_223 = arith.cmpi eq, %add3A, %eq3A_222 : i32
    %convert_element_type3A_224 = arith.extui %eq3A_223 : i1 to i32
    %cond3A_225 = arith.constant 0 : i32
    %cond3A_226 = arith.constant 0 : i32
    %cond3A_227 = arith.cmpi ne, %convert_element_type3A_224, %cond3A_226 : i32
    scf.if %cond3A_227 {
      %dma_wait3A_270 = arith.constant 0 : i32
      %dma_wait3A_271 = tpu.memref_slice %arg5[%add3A, %dma_wait3A_270] : memref<80x10000xf32, #tpu.memory_space<hbm>> -> memref<1x10000xf32, #tpu.memory_space<hbm>>
      %dma_wait3A_272 = tpu.memref_squeeze %dma_wait3A_271 : memref<1x10000xf32, #tpu.memory_space<hbm>> -> memref<10000xf32, #tpu.memory_space<hbm>>
      %dma_wait3A_273 = tpu.memref_slice %arg10[%cond3A_225] : memref<2x!tpu.dma_semaphore, #tpu.memory_space<semaphore_mem>> -> memref<1x!tpu.dma_semaphore, #tpu.memory_space<semaphore_mem>>
      %dma_wait3A_274 = tpu.memref_squeeze %dma_wait3A_273 : memref<1x!tpu.dma_semaphore, #tpu.memory_space<semaphore_mem>> -> memref<!tpu.dma_semaphore, #tpu.memory_space<semaphore_mem>>
      %dma_wait3A_275 = arith.constant 0 : i32
      %dma_wait3A_276 = tpu.memref_slice %arg5[%add3A, %dma_wait3A_275] : memref<80x10000xf32, #tpu.memory_space<hbm>> -> memref<1x10000xf32, #tpu.memory_space<hbm>>
      %dma_wait3A_277 = tpu.memref_squeeze %dma_wait3A_276 : memref<1x10000xf32, #tpu.memory_space<hbm>> -> memref<10000xf32, #tpu.memory_space<hbm>>
      tpu.wait_dma2 semaphore(%dma_wait3A_274 : memref<!tpu.dma_semaphore, #tpu.memory_space<semaphore_mem>>) src(%arg6 : memref<10000xf32, #tpu.memory_space<vmem>>) dst(%dma_wait3A_277 : memref<10000xf32, #tpu.memory_space<hbm>>)
      %scan3A_278 = arith.constant 0 : i32
      %scan3A_279 = arith.constant 0 : i32
      %scan3A_280 = arith.constant 8 : i32
      %scan3A_281 = arith.addi %scan3A_279, %scan3A_280 : i32
      %scan3A_282 = arith.constant 1 : i32
      scf.for %scan3A_311 = %scan3A_279 to %scan3A_281 step %scan3A_282  : i32 {
        %mul3A_312 = arith.constant 16 : i32
        %mul3A_313 = arith.muli %scan3A_311, %mul3A_312 : i32
        %add3A_314 = arith.constant 0 : i32
        %add3A_315 = arith.addi %add3A_314, %mul3A_313 : i32
        %get3A = arith.index_cast %add3A_315 : i32 to index
        %get3A_316 = tpu.vector_load %arg8[%get3A] {strides = array<i32>} : memref<768xi32, #tpu.memory_space<vmem>>, vector<16xi32>,
        tpu.vector_store_idx %arg6[%get3A_316], %broadcast_in_dim3A_3 : memref<10000xf32, #tpu.memory_space<vmem>>[vector<16xi32>], vector<16xf32>,
      }
      %scan3A_283 = arith.constant 8 : i32
      %dma_wait3A_284 = arith.constant 2 : i32
      %dma_wait3A_285 = arith.constant 256 : i32
      %dma_wait3A_286 = tpu.memref_slice %arg8[%dma_wait3A_285] : memref<768xi32, #tpu.memory_space<vmem>> -> memref<512xi32, #tpu.memory_space<vmem>>
      %dma_wait3A_287 = arith.constant 3584 : i32
      %dma_wait3A_288 = tpu.memref_slice %arg3[%dma_wait3A_287] : memref<4096xi32, #tpu.memory_space<hbm>> -> memref<512xi32, #tpu.memory_space<hbm>>
      %dma_wait3A_289 = tpu.memref_slice %arg9[%dma_wait3A_284] : memref<3x!tpu.dma_semaphore, #tpu.memory_space<semaphore_mem>> -> memref<1x!tpu.dma_semaphore, #tpu.memory_space<semaphore_mem>>
      %dma_wait3A_290 = tpu.memref_squeeze %dma_wait3A_289 : memref<1x!tpu.dma_semaphore, #tpu.memory_space<semaphore_mem>> -> memref<!tpu.dma_semaphore, #tpu.memory_space<semaphore_mem>>
      %dma_wait3A_291 = arith.constant 256 : i32
      %dma_wait3A_292 = tpu.memref_slice %arg8[%dma_wait3A_291] : memref<768xi32, #tpu.memory_space<vmem>> -> memref<512xi32, #tpu.memory_space<vmem>>
      %dma_wait3A_293 = arith.constant 3584 : i32
      %dma_wait3A_294 = tpu.memref_slice %arg3[%dma_wait3A_293] : memref<4096xi32, #tpu.memory_space<hbm>> -> memref<512xi32, #tpu.memory_space<hbm>>
      tpu.wait_dma2 semaphore(%dma_wait3A_290 : memref<!tpu.dma_semaphore, #tpu.memory_space<semaphore_mem>>) src(%dma_wait3A_294 : memref<512xi32, #tpu.memory_space<hbm>>) dst(%dma_wait3A_292 : memref<512xi32, #tpu.memory_space<vmem>>)
      %scan3A_295 = arith.constant 0 : i32
      %scan3A_296 = arith.constant 0 : i32
      %scan3A_297 = arith.constant 32 : i32
      %scan3A_298 = arith.addi %scan3A_296, %scan3A_297 : i32
      %scan3A_299 = arith.constant 1 : i32
      scf.for %scan3A_311 = %scan3A_296 to %scan3A_298 step %scan3A_299  : i32 {
        %mul3A_312 = arith.constant 16 : i32
        %mul3A_313 = arith.muli %scan3A_311, %mul3A_312 : i32
        %add3A_314 = arith.constant 256 : i32
        %add3A_315 = arith.addi %add3A_314, %mul3A_313 : i32
        %get3A = arith.index_cast %add3A_315 : i32 to index
        %get3A_316 = tpu.vector_load %arg8[%get3A] {strides = array<i32>} : memref<768xi32, #tpu.memory_space<vmem>>, vector<16xi32>,
        %eq3A_317 = arith.constant 0 : i32
        %eq3A_318 = vector.broadcast %eq3A_317 : i32 to vector<16xi32>
        %eq3A_319 = arith.cmpi eq, %iota3A, %eq3A_318 : vector<16xi32>
        tpu.vector_store_idx %arg6[%get3A_316], %broadcast_in_dim3A_1 masked %eq3A_319 {add = true} : memref<10000xf32, #tpu.memory_space<vmem>>[vector<16xi32>], vector<16xf32>, vector<16xi1>
        %eq3A_320 = arith.constant 1 : i32
        %eq3A_321 = vector.broadcast %eq3A_320 : i32 to vector<16xi32>
        %eq3A_322 = arith.cmpi eq, %iota3A, %eq3A_321 : vector<16xi32>
        tpu.vector_store_idx %arg6[%get3A_316], %broadcast_in_dim3A_1 masked %eq3A_322 {add = true} : memref<10000xf32, #tpu.memory_space<vmem>>[vector<16xi32>], vector<16xf32>, vector<16xi1>
        %eq3A_323 = arith.constant 2 : i32
        %eq3A_324 = vector.broadcast %eq3A_323 : i32 to vector<16xi32>
        %eq3A_325 = arith.cmpi eq, %iota3A, %eq3A_324 : vector<16xi32>
        tpu.vector_store_idx %arg6[%get3A_316], %broadcast_in_dim3A_1 masked %eq3A_325 {add = true} : memref<10000xf32, #tpu.memory_space<vmem>>[vector<16xi32>], vector<16xf32>, vector<16xi1>
        %eq3A_326 = arith.constant 3 : i32
        %eq3A_327 = vector.broadcast %eq3A_326 : i32 to vector<16xi32>
        %eq3A_328 = arith.cmpi eq, %iota3A, %eq3A_327 : vector<16xi32>
        tpu.vector_store_idx %arg6[%get3A_316], %broadcast_in_dim3A_1 masked %eq3A_328 {add = true} : memref<10000xf32, #tpu.memory_space<vmem>>[vector<16xi32>], vector<16xf32>, vector<16xi1>
        %eq3A_329 = arith.constant 4 : i32
        %eq3A_330 = vector.broadcast %eq3A_329 : i32 to vector<16xi32>
        %eq3A_331 = arith.cmpi eq, %iota3A, %eq3A_330 : vector<16xi32>
        tpu.vector_store_idx %arg6[%get3A_316], %broadcast_in_dim3A_1 masked %eq3A_331 {add = true} : memref<10000xf32, #tpu.memory_space<vmem>>[vector<16xi32>], vector<16xf32>, vector<16xi1>
        %eq3A_332 = arith.constant 5 : i32
        %eq3A_333 = vector.broadcast %eq3A_332 : i32 to vector<16xi32>
        %eq3A_334 = arith.cmpi eq, %iota3A, %eq3A_333 : vector<16xi32>
        tpu.vector_store_idx %arg6[%get3A_316], %broadcast_in_dim3A_1 masked %eq3A_334 {add = true} : memref<10000xf32, #tpu.memory_space<vmem>>[vector<16xi32>], vector<16xf32>, vector<16xi1>
        %eq3A_335 = arith.constant 6 : i32
        %eq3A_336 = vector.broadcast %eq3A_335 : i32 to vector<16xi32>
        %eq3A_337 = arith.cmpi eq, %iota3A, %eq3A_336 : vector<16xi32>
        tpu.vector_store_idx %arg6[%get3A_316], %broadcast_in_dim3A_1 masked %eq3A_337 {add = true} : memref<10000xf32, #tpu.memory_space<vmem>>[vector<16xi32>], vector<16xf32>, vector<16xi1>
        %eq3A_338 = arith.constant 7 : i32
        %eq3A_339 = vector.broadcast %eq3A_338 : i32 to vector<16xi32>
        %eq3A_340 = arith.cmpi eq, %iota3A, %eq3A_339 : vector<16xi32>
        tpu.vector_store_idx %arg6[%get3A_316], %broadcast_in_dim3A_1 masked %eq3A_340 {add = true} : memref<10000xf32, #tpu.memory_space<vmem>>[vector<16xi32>], vector<16xf32>, vector<16xi1>
        %eq3A_341 = arith.constant 8 : i32
        %eq3A_342 = vector.broadcast %eq3A_341 : i32 to vector<16xi32>
        %eq3A_343 = arith.cmpi eq, %iota3A, %eq3A_342 : vector<16xi32>
        tpu.vector_store_idx %arg6[%get3A_316], %broadcast_in_dim3A_1 masked %eq3A_343 {add = true} : memref<10000xf32, #tpu.memory_space<vmem>>[vector<16xi32>], vector<16xf32>, vector<16xi1>
        %eq3A_344 = arith.constant 9 : i32
        %eq3A_345 = vector.broadcast %eq3A_344 : i32 to vector<16xi32>
        %eq3A_346 = arith.cmpi eq, %iota3A, %eq3A_345 : vector<16xi32>
        tpu.vector_store_idx %arg6[%get3A_316], %broadcast_in_dim3A_1 masked %eq3A_346 {add = true} : memref<10000xf32, #tpu.memory_space<vmem>>[vector<16xi32>], vector<16xf32>, vector<16xi1>
        %eq3A_347 = arith.constant 10 : i32
        %eq3A_348 = vector.broadcast %eq3A_347 : i32 to vector<16xi32>
        %eq3A_349 = arith.cmpi eq, %iota3A, %eq3A_348 : vector<16xi32>
        tpu.vector_store_idx %arg6[%get3A_316], %broadcast_in_dim3A_1 masked %eq3A_349 {add = true} : memref<10000xf32, #tpu.memory_space<vmem>>[vector<16xi32>], vector<16xf32>, vector<16xi1>
        %eq3A_350 = arith.constant 11 : i32
        %eq3A_351 = vector.broadcast %eq3A_350 : i32 to vector<16xi32>
        %eq3A_352 = arith.cmpi eq, %iota3A, %eq3A_351 : vector<16xi32>
        tpu.vector_store_idx %arg6[%get3A_316], %broadcast_in_dim3A_1 masked %eq3A_352 {add = true} : memref<10000xf32, #tpu.memory_space<vmem>>[vector<16xi32>], vector<16xf32>, vector<16xi1>
        %eq3A_353 = arith.constant 12 : i32
        %eq3A_354 = vector.broadcast %eq3A_353 : i32 to vector<16xi32>
        %eq3A_355 = arith.cmpi eq, %iota3A, %eq3A_354 : vector<16xi32>
        tpu.vector_store_idx %arg6[%get3A_316], %broadcast_in_dim3A_1 masked %eq3A_355 {add = true} : memref<10000xf32, #tpu.memory_space<vmem>>[vector<16xi32>], vector<16xf32>, vector<16xi1>
        %eq3A_356 = arith.constant 13 : i32
        %eq3A_357 = vector.broadcast %eq3A_356 : i32 to vector<16xi32>
        %eq3A_358 = arith.cmpi eq, %iota3A, %eq3A_357 : vector<16xi32>
        tpu.vector_store_idx %arg6[%get3A_316], %broadcast_in_dim3A_1 masked %eq3A_358 {add = true} : memref<10000xf32, #tpu.memory_space<vmem>>[vector<16xi32>], vector<16xf32>, vector<16xi1>
        %eq3A_359 = arith.constant 14 : i32
        %eq3A_360 = vector.broadcast %eq3A_359 : i32 to vector<16xi32>
        %eq3A_361 = arith.cmpi eq, %iota3A, %eq3A_360 : vector<16xi32>
        tpu.vector_store_idx %arg6[%get3A_316], %broadcast_in_dim3A_1 masked %eq3A_361 {add = true} : memref<10000xf32, #tpu.memory_space<vmem>>[vector<16xi32>], vector<16xf32>, vector<16xi1>
        %eq3A_362 = arith.constant 15 : i32
        %eq3A_363 = vector.broadcast %eq3A_362 : i32 to vector<16xi32>
        %eq3A_364 = arith.cmpi eq, %iota3A, %eq3A_363 : vector<16xi32>
        tpu.vector_store_idx %arg6[%get3A_316], %broadcast_in_dim3A_1 masked %eq3A_364 {add = true} : memref<10000xf32, #tpu.memory_space<vmem>>[vector<16xi32>], vector<16xf32>, vector<16xi1>
      }
      %scan3A_300 = arith.constant 32 : i32
      %dma_start3A_301 = arith.constant 75 : i32
      %dma_start3A_302 = arith.constant 0 : i32
      %dma_start3A_303 = arith.constant 0 : i32
      %dma_start3A_304 = tpu.memref_slice %arg5[%dma_start3A_301, %dma_start3A_303] : memref<80x10000xf32, #tpu.memory_space<hbm>> -> memref<1x10000xf32, #tpu.memory_space<hbm>>
      %dma_start3A_305 = tpu.memref_squeeze %dma_start3A_304 : memref<1x10000xf32, #tpu.memory_space<hbm>> -> memref<10000xf32, #tpu.memory_space<hbm>>
      %dma_start3A_306 = tpu.memref_slice %arg10[%dma_start3A_302] : memref<2x!tpu.dma_semaphore, #tpu.memory_space<semaphore_mem>> -> memref<1x!tpu.dma_semaphore, #tpu.memory_space<semaphore_mem>>
      %dma_start3A_307 = tpu.memref_squeeze %dma_start3A_306 : memref<1x!tpu.dma_semaphore, #tpu.memory_space<semaphore_mem>> -> memref<!tpu.dma_semaphore, #tpu.memory_space<semaphore_mem>>
      %dma_start3A_308 = arith.constant 0 : i32
      %dma_start3A_309 = tpu.memref_slice %arg5[%dma_start3A_301, %dma_start3A_308] : memref<80x10000xf32, #tpu.memory_space<hbm>> -> memref<1x10000xf32, #tpu.memory_space<hbm>>
      %dma_start3A_310 = tpu.memref_squeeze %dma_start3A_309 : memref<1x10000xf32, #tpu.memory_space<hbm>> -> memref<10000xf32, #tpu.memory_space<hbm>>
      tpu.enqueue_dma source(%arg6 : memref<10000xf32, #tpu.memory_space<vmem>>) target(%dma_start3A_310 : memref<10000xf32, #tpu.memory_space<hbm>>) target_semaphore(%dma_start3A_307 : memref<!tpu.dma_semaphore, #tpu.memory_space<semaphore_mem>>)
    } else {
    }
    %eq3A_228 = arith.constant 28 : i32
    %eq3A_229 = arith.cmpi eq, %add3A, %eq3A_228 : i32
    %convert_element_type3A_230 = arith.extui %eq3A_229 : i1 to i32
    %cond3A_231 = arith.constant 0 : i32
    %cond3A_232 = arith.constant 0 : i32
    %cond3A_233 = arith.cmpi ne, %convert_element_type3A_230, %cond3A_232 : i32
    scf.if %cond3A_233 {
      %dma_wait3A_270 = arith.constant 0 : i32
      %dma_wait3A_271 = tpu.memref_slice %arg5[%add3A, %dma_wait3A_270] : memref<80x10000xf32, #tpu.memory_space<hbm>> -> memref<1x10000xf32, #tpu.memory_space<hbm>>
      %dma_wait3A_272 = tpu.memref_squeeze %dma_wait3A_271 : memref<1x10000xf32, #tpu.memory_space<hbm>> -> memref<10000xf32, #tpu.memory_space<hbm>>
      %dma_wait3A_273 = tpu.memref_slice %arg10[%cond3A_231] : memref<2x!tpu.dma_semaphore, #tpu.memory_space<semaphore_mem>> -> memref<1x!tpu.dma_semaphore, #tpu.memory_space<semaphore_mem>>
      %dma_wait3A_274 = tpu.memref_squeeze %dma_wait3A_273 : memref<1x!tpu.dma_semaphore, #tpu.memory_space<semaphore_mem>> -> memref<!tpu.dma_semaphore, #tpu.memory_space<semaphore_mem>>
      %dma_wait3A_275 = arith.constant 0 : i32
      %dma_wait3A_276 = tpu.memref_slice %arg5[%add3A, %dma_wait3A_275] : memref<80x10000xf32, #tpu.memory_space<hbm>> -> memref<1x10000xf32, #tpu.memory_space<hbm>>
      %dma_wait3A_277 = tpu.memref_squeeze %dma_wait3A_276 : memref<1x10000xf32, #tpu.memory_space<hbm>> -> memref<10000xf32, #tpu.memory_space<hbm>>
      tpu.wait_dma2 semaphore(%dma_wait3A_274 : memref<!tpu.dma_semaphore, #tpu.memory_space<semaphore_mem>>) src(%arg6 : memref<10000xf32, #tpu.memory_space<vmem>>) dst(%dma_wait3A_277 : memref<10000xf32, #tpu.memory_space<hbm>>)
      %scan3A_278 = arith.constant 0 : i32
      %scan3A_279 = arith.constant 0 : i32
      %scan3A_280 = arith.constant 8 : i32
      %scan3A_281 = arith.addi %scan3A_279, %scan3A_280 : i32
      %scan3A_282 = arith.constant 1 : i32
      scf.for %scan3A_294 = %scan3A_279 to %scan3A_281 step %scan3A_282  : i32 {
        %mul3A_295 = arith.constant 16 : i32
        %mul3A_296 = arith.muli %scan3A_294, %mul3A_295 : i32
        %add3A_297 = arith.constant 0 : i32
        %add3A_298 = arith.addi %add3A_297, %mul3A_296 : i32
        %get3A = arith.index_cast %add3A_298 : i32 to index
        %get3A_299 = tpu.vector_load %arg8[%get3A] {strides = array<i32>} : memref<768xi32, #tpu.memory_space<vmem>>, vector<16xi32>,
        tpu.vector_store_idx %arg6[%get3A_299], %broadcast_in_dim3A_3 : memref<10000xf32, #tpu.memory_space<vmem>>[vector<16xi32>], vector<16xf32>,
      }
      %scan3A_283 = arith.constant 8 : i32
      %dma_start3A_284 = arith.constant 76 : i32
      %dma_start3A_285 = arith.constant 0 : i32
      %dma_start3A_286 = arith.constant 0 : i32
      %dma_start3A_287 = tpu.memref_slice %arg5[%dma_start3A_284, %dma_start3A_286] : memref<80x10000xf32, #tpu.memory_space<hbm>> -> memref<1x10000xf32, #tpu.memory_space<hbm>>
      %dma_start3A_288 = tpu.memref_squeeze %dma_start3A_287 : memref<1x10000xf32, #tpu.memory_space<hbm>> -> memref<10000xf32, #tpu.memory_space<hbm>>
      %dma_start3A_289 = tpu.memref_slice %arg10[%dma_start3A_285] : memref<2x!tpu.dma_semaphore, #tpu.memory_space<semaphore_mem>> -> memref<1x!tpu.dma_semaphore, #tpu.memory_space<semaphore_mem>>
      %dma_start3A_290 = tpu.memref_squeeze %dma_start3A_289 : memref<1x!tpu.dma_semaphore, #tpu.memory_space<semaphore_mem>> -> memref<!tpu.dma_semaphore, #tpu.memory_space<semaphore_mem>>
      %dma_start3A_291 = arith.constant 0 : i32
      %dma_start3A_292 = tpu.memref_slice %arg5[%dma_start3A_284, %dma_start3A_291] : memref<80x10000xf32, #tpu.memory_space<hbm>> -> memref<1x10000xf32, #tpu.memory_space<hbm>>
      %dma_start3A_293 = tpu.memref_squeeze %dma_start3A_292 : memref<1x10000xf32, #tpu.memory_space<hbm>> -> memref<10000xf32, #tpu.memory_space<hbm>>
      tpu.enqueue_dma source(%arg6 : memref<10000xf32, #tpu.memory_space<vmem>>) target(%dma_start3A_293 : memref<10000xf32, #tpu.memory_space<hbm>>) target_semaphore(%dma_start3A_290 : memref<!tpu.dma_semaphore, #tpu.memory_space<semaphore_mem>>)
    } else {
    }
    %eq3A_234 = arith.constant 29 : i32
    %eq3A_235 = arith.cmpi eq, %add3A, %eq3A_234 : i32
    %convert_element_type3A_236 = arith.extui %eq3A_235 : i1 to i32
    %cond3A_237 = arith.constant 0 : i32
    %cond3A_238 = arith.constant 0 : i32
    %cond3A_239 = arith.cmpi ne, %convert_element_type3A_236, %cond3A_238 : i32
    scf.if %cond3A_239 {
      %dma_wait3A_270 = arith.constant 0 : i32
      %dma_wait3A_271 = tpu.memref_slice %arg5[%add3A, %dma_wait3A_270] : memref<80x10000xf32, #tpu.memory_space<hbm>> -> memref<1x10000xf32, #tpu.memory_space<hbm>>
      %dma_wait3A_272 = tpu.memref_squeeze %dma_wait3A_271 : memref<1x10000xf32, #tpu.memory_space<hbm>> -> memref<10000xf32, #tpu.memory_space<hbm>>
      %dma_wait3A_273 = tpu.memref_slice %arg10[%cond3A_237] : memref<2x!tpu.dma_semaphore, #tpu.memory_space<semaphore_mem>> -> memref<1x!tpu.dma_semaphore, #tpu.memory_space<semaphore_mem>>
      %dma_wait3A_274 = tpu.memref_squeeze %dma_wait3A_273 : memref<1x!tpu.dma_semaphore, #tpu.memory_space<semaphore_mem>> -> memref<!tpu.dma_semaphore, #tpu.memory_space<semaphore_mem>>
      %dma_wait3A_275 = arith.constant 0 : i32
      %dma_wait3A_276 = tpu.memref_slice %arg5[%add3A, %dma_wait3A_275] : memref<80x10000xf32, #tpu.memory_space<hbm>> -> memref<1x10000xf32, #tpu.memory_space<hbm>>
      %dma_wait3A_277 = tpu.memref_squeeze %dma_wait3A_276 : memref<1x10000xf32, #tpu.memory_space<hbm>> -> memref<10000xf32, #tpu.memory_space<hbm>>
      tpu.wait_dma2 semaphore(%dma_wait3A_274 : memref<!tpu.dma_semaphore, #tpu.memory_space<semaphore_mem>>) src(%arg6 : memref<10000xf32, #tpu.memory_space<vmem>>) dst(%dma_wait3A_277 : memref<10000xf32, #tpu.memory_space<hbm>>)
      %scan3A_278 = arith.constant 0 : i32
      %scan3A_279 = arith.constant 0 : i32
      %scan3A_280 = arith.constant 8 : i32
      %scan3A_281 = arith.addi %scan3A_279, %scan3A_280 : i32
      %scan3A_282 = arith.constant 1 : i32
      scf.for %scan3A_294 = %scan3A_279 to %scan3A_281 step %scan3A_282  : i32 {
        %mul3A_295 = arith.constant 16 : i32
        %mul3A_296 = arith.muli %scan3A_294, %mul3A_295 : i32
        %add3A_297 = arith.constant 0 : i32
        %add3A_298 = arith.addi %add3A_297, %mul3A_296 : i32
        %get3A = arith.index_cast %add3A_298 : i32 to index
        %get3A_299 = tpu.vector_load %arg8[%get3A] {strides = array<i32>} : memref<768xi32, #tpu.memory_space<vmem>>, vector<16xi32>,
        tpu.vector_store_idx %arg6[%get3A_299], %broadcast_in_dim3A_3 : memref<10000xf32, #tpu.memory_space<vmem>>[vector<16xi32>], vector<16xf32>,
      }
      %scan3A_283 = arith.constant 8 : i32
      %dma_start3A_284 = arith.constant 77 : i32
      %dma_start3A_285 = arith.constant 0 : i32
      %dma_start3A_286 = arith.constant 0 : i32
      %dma_start3A_287 = tpu.memref_slice %arg5[%dma_start3A_284, %dma_start3A_286] : memref<80x10000xf32, #tpu.memory_space<hbm>> -> memref<1x10000xf32, #tpu.memory_space<hbm>>
      %dma_start3A_288 = tpu.memref_squeeze %dma_start3A_287 : memref<1x10000xf32, #tpu.memory_space<hbm>> -> memref<10000xf32, #tpu.memory_space<hbm>>
      %dma_start3A_289 = tpu.memref_slice %arg10[%dma_start3A_285] : memref<2x!tpu.dma_semaphore, #tpu.memory_space<semaphore_mem>> -> memref<1x!tpu.dma_semaphore, #tpu.memory_space<semaphore_mem>>
      %dma_start3A_290 = tpu.memref_squeeze %dma_start3A_289 : memref<1x!tpu.dma_semaphore, #tpu.memory_space<semaphore_mem>> -> memref<!tpu.dma_semaphore, #tpu.memory_space<semaphore_mem>>
      %dma_start3A_291 = arith.constant 0 : i32
      %dma_start3A_292 = tpu.memref_slice %arg5[%dma_start3A_284, %dma_start3A_291] : memref<80x10000xf32, #tpu.memory_space<hbm>> -> memref<1x10000xf32, #tpu.memory_space<hbm>>
      %dma_start3A_293 = tpu.memref_squeeze %dma_start3A_292 : memref<1x10000xf32, #tpu.memory_space<hbm>> -> memref<10000xf32, #tpu.memory_space<hbm>>
      tpu.enqueue_dma source(%arg6 : memref<10000xf32, #tpu.memory_space<vmem>>) target(%dma_start3A_293 : memref<10000xf32, #tpu.memory_space<hbm>>) target_semaphore(%dma_start3A_290 : memref<!tpu.dma_semaphore, #tpu.memory_space<semaphore_mem>>)
    } else {
    }
    %eq3A_240 = arith.constant 30 : i32
    %eq3A_241 = arith.cmpi eq, %add3A, %eq3A_240 : i32
    %convert_element_type3A_242 = arith.extui %eq3A_241 : i1 to i32
    %cond3A_243 = arith.constant 0 : i32
    %cond3A_244 = arith.constant 0 : i32
    %cond3A_245 = arith.cmpi ne, %convert_element_type3A_242, %cond3A_244 : i32
    scf.if %cond3A_245 {
      %dma_wait3A_270 = arith.constant 0 : i32
      %dma_wait3A_271 = tpu.memref_slice %arg5[%add3A, %dma_wait3A_270] : memref<80x10000xf32, #tpu.memory_space<hbm>> -> memref<1x10000xf32, #tpu.memory_space<hbm>>
      %dma_wait3A_272 = tpu.memref_squeeze %dma_wait3A_271 : memref<1x10000xf32, #tpu.memory_space<hbm>> -> memref<10000xf32, #tpu.memory_space<hbm>>
      %dma_wait3A_273 = tpu.memref_slice %arg10[%cond3A_243] : memref<2x!tpu.dma_semaphore, #tpu.memory_space<semaphore_mem>> -> memref<1x!tpu.dma_semaphore, #tpu.memory_space<semaphore_mem>>
      %dma_wait3A_274 = tpu.memref_squeeze %dma_wait3A_273 : memref<1x!tpu.dma_semaphore, #tpu.memory_space<semaphore_mem>> -> memref<!tpu.dma_semaphore, #tpu.memory_space<semaphore_mem>>
      %dma_wait3A_275 = arith.constant 0 : i32
      %dma_wait3A_276 = tpu.memref_slice %arg5[%add3A, %dma_wait3A_275] : memref<80x10000xf32, #tpu.memory_space<hbm>> -> memref<1x10000xf32, #tpu.memory_space<hbm>>
      %dma_wait3A_277 = tpu.memref_squeeze %dma_wait3A_276 : memref<1x10000xf32, #tpu.memory_space<hbm>> -> memref<10000xf32, #tpu.memory_space<hbm>>
      tpu.wait_dma2 semaphore(%dma_wait3A_274 : memref<!tpu.dma_semaphore, #tpu.memory_space<semaphore_mem>>) src(%arg6 : memref<10000xf32, #tpu.memory_space<vmem>>) dst(%dma_wait3A_277 : memref<10000xf32, #tpu.memory_space<hbm>>)
      %scan3A_278 = arith.constant 0 : i32
      %scan3A_279 = arith.constant 0 : i32
      %scan3A_280 = arith.constant 8 : i32
      %scan3A_281 = arith.addi %scan3A_279, %scan3A_280 : i32
      %scan3A_282 = arith.constant 1 : i32
      scf.for %scan3A_294 = %scan3A_279 to %scan3A_281 step %scan3A_282  : i32 {
        %mul3A_295 = arith.constant 16 : i32
        %mul3A_296 = arith.muli %scan3A_294, %mul3A_295 : i32
        %add3A_297 = arith.constant 0 : i32
        %add3A_298 = arith.addi %add3A_297, %mul3A_296 : i32
        %get3A = arith.index_cast %add3A_298 : i32 to index
        %get3A_299 = tpu.vector_load %arg8[%get3A] {strides = array<i32>} : memref<768xi32, #tpu.memory_space<vmem>>, vector<16xi32>,
        tpu.vector_store_idx %arg6[%get3A_299], %broadcast_in_dim3A_3 : memref<10000xf32, #tpu.memory_space<vmem>>[vector<16xi32>], vector<16xf32>,
      }
      %scan3A_283 = arith.constant 8 : i32
      %dma_start3A_284 = arith.constant 78 : i32
      %dma_start3A_285 = arith.constant 0 : i32
      %dma_start3A_286 = arith.constant 0 : i32
      %dma_start3A_287 = tpu.memref_slice %arg5[%dma_start3A_284, %dma_start3A_286] : memref<80x10000xf32, #tpu.memory_space<hbm>> -> memref<1x10000xf32, #tpu.memory_space<hbm>>
      %dma_start3A_288 = tpu.memref_squeeze %dma_start3A_287 : memref<1x10000xf32, #tpu.memory_space<hbm>> -> memref<10000xf32, #tpu.memory_space<hbm>>
      %dma_start3A_289 = tpu.memref_slice %arg10[%dma_start3A_285] : memref<2x!tpu.dma_semaphore, #tpu.memory_space<semaphore_mem>> -> memref<1x!tpu.dma_semaphore, #tpu.memory_space<semaphore_mem>>
      %dma_start3A_290 = tpu.memref_squeeze %dma_start3A_289 : memref<1x!tpu.dma_semaphore, #tpu.memory_space<semaphore_mem>> -> memref<!tpu.dma_semaphore, #tpu.memory_space<semaphore_mem>>
      %dma_start3A_291 = arith.constant 0 : i32
      %dma_start3A_292 = tpu.memref_slice %arg5[%dma_start3A_284, %dma_start3A_291] : memref<80x10000xf32, #tpu.memory_space<hbm>> -> memref<1x10000xf32, #tpu.memory_space<hbm>>
      %dma_start3A_293 = tpu.memref_squeeze %dma_start3A_292 : memref<1x10000xf32, #tpu.memory_space<hbm>> -> memref<10000xf32, #tpu.memory_space<hbm>>
      tpu.enqueue_dma source(%arg6 : memref<10000xf32, #tpu.memory_space<vmem>>) target(%dma_start3A_293 : memref<10000xf32, #tpu.memory_space<hbm>>) target_semaphore(%dma_start3A_290 : memref<!tpu.dma_semaphore, #tpu.memory_space<semaphore_mem>>)
    } else {
    }
    %eq3A_246 = arith.constant 31 : i32
    %eq3A_247 = arith.cmpi eq, %add3A, %eq3A_246 : i32
    %convert_element_type3A_248 = arith.extui %eq3A_247 : i1 to i32
    %cond3A_249 = arith.constant 0 : i32
    %cond3A_250 = arith.constant 0 : i32
    %cond3A_251 = arith.cmpi ne, %convert_element_type3A_248, %cond3A_250 : i32
    scf.if %cond3A_251 {
      %dma_wait3A_270 = arith.constant 0 : i32
      %dma_wait3A_271 = tpu.memref_slice %arg5[%add3A, %dma_wait3A_270] : memref<80x10000xf32, #tpu.memory_space<hbm>> -> memref<1x10000xf32, #tpu.memory_space<hbm>>
      %dma_wait3A_272 = tpu.memref_squeeze %dma_wait3A_271 : memref<1x10000xf32, #tpu.memory_space<hbm>> -> memref<10000xf32, #tpu.memory_space<hbm>>
      %dma_wait3A_273 = tpu.memref_slice %arg10[%cond3A_249] : memref<2x!tpu.dma_semaphore, #tpu.memory_space<semaphore_mem>> -> memref<1x!tpu.dma_semaphore, #tpu.memory_space<semaphore_mem>>
      %dma_wait3A_274 = tpu.memref_squeeze %dma_wait3A_273 : memref<1x!tpu.dma_semaphore, #tpu.memory_space<semaphore_mem>> -> memref<!tpu.dma_semaphore, #tpu.memory_space<semaphore_mem>>
      %dma_wait3A_275 = arith.constant 0 : i32
      %dma_wait3A_276 = tpu.memref_slice %arg5[%add3A, %dma_wait3A_275] : memref<80x10000xf32, #tpu.memory_space<hbm>> -> memref<1x10000xf32, #tpu.memory_space<hbm>>
      %dma_wait3A_277 = tpu.memref_squeeze %dma_wait3A_276 : memref<1x10000xf32, #tpu.memory_space<hbm>> -> memref<10000xf32, #tpu.memory_space<hbm>>
      tpu.wait_dma2 semaphore(%dma_wait3A_274 : memref<!tpu.dma_semaphore, #tpu.memory_space<semaphore_mem>>) src(%arg6 : memref<10000xf32, #tpu.memory_space<vmem>>) dst(%dma_wait3A_277 : memref<10000xf32, #tpu.memory_space<hbm>>)
      %scan3A_278 = arith.constant 0 : i32
      %scan3A_279 = arith.constant 0 : i32
      %scan3A_280 = arith.constant 8 : i32
      %scan3A_281 = arith.addi %scan3A_279, %scan3A_280 : i32
      %scan3A_282 = arith.constant 1 : i32
      scf.for %scan3A_294 = %scan3A_279 to %scan3A_281 step %scan3A_282  : i32 {
        %mul3A_295 = arith.constant 16 : i32
        %mul3A_296 = arith.muli %scan3A_294, %mul3A_295 : i32
        %add3A_297 = arith.constant 0 : i32
        %add3A_298 = arith.addi %add3A_297, %mul3A_296 : i32
        %get3A = arith.index_cast %add3A_298 : i32 to index
        %get3A_299 = tpu.vector_load %arg8[%get3A] {strides = array<i32>} : memref<768xi32, #tpu.memory_space<vmem>>, vector<16xi32>,
        tpu.vector_store_idx %arg6[%get3A_299], %broadcast_in_dim3A_3 : memref<10000xf32, #tpu.memory_space<vmem>>[vector<16xi32>], vector<16xf32>,
      }
      %scan3A_283 = arith.constant 8 : i32
      %dma_start3A_284 = arith.constant 79 : i32
      %dma_start3A_285 = arith.constant 0 : i32
      %dma_start3A_286 = arith.constant 0 : i32
      %dma_start3A_287 = tpu.memref_slice %arg5[%dma_start3A_284, %dma_start3A_286] : memref<80x10000xf32, #tpu.memory_space<hbm>> -> memref<1x10000xf32, #tpu.memory_space<hbm>>
      %dma_start3A_288 = tpu.memref_squeeze %dma_start3A_287 : memref<1x10000xf32, #tpu.memory_space<hbm>> -> memref<10000xf32, #tpu.memory_space<hbm>>
      %dma_start3A_289 = tpu.memref_slice %arg10[%dma_start3A_285] : memref<2x!tpu.dma_semaphore, #tpu.memory_space<semaphore_mem>> -> memref<1x!tpu.dma_semaphore, #tpu.memory_space<semaphore_mem>>
      %dma_start3A_290 = tpu.memref_squeeze %dma_start3A_289 : memref<1x!tpu.dma_semaphore, #tpu.memory_space<semaphore_mem>> -> memref<!tpu.dma_semaphore, #tpu.memory_space<semaphore_mem>>
      %dma_start3A_291 = arith.constant 0 : i32
      %dma_start3A_292 = tpu.memref_slice %arg5[%dma_start3A_284, %dma_start3A_291] : memref<80x10000xf32, #tpu.memory_space<hbm>> -> memref<1x10000xf32, #tpu.memory_space<hbm>>
      %dma_start3A_293 = tpu.memref_squeeze %dma_start3A_292 : memref<1x10000xf32, #tpu.memory_space<hbm>> -> memref<10000xf32, #tpu.memory_space<hbm>>
      tpu.enqueue_dma source(%arg6 : memref<10000xf32, #tpu.memory_space<vmem>>) target(%dma_start3A_293 : memref<10000xf32, #tpu.memory_space<hbm>>) target_semaphore(%dma_start3A_290 : memref<!tpu.dma_semaphore, #tpu.memory_space<semaphore_mem>>)
    } else {
    }
    %dma_wait3A_252 = arith.constant 0 : i32
    %dma_wait3A_253 = arith.constant 0 : i32
    %dma_wait3A_254 = tpu.memref_slice %arg5[%add3A, %dma_wait3A_253] : memref<80x10000xf32, #tpu.memory_space<hbm>> -> memref<1x10000xf32, #tpu.memory_space<hbm>>
    %dma_wait3A_255 = tpu.memref_squeeze %dma_wait3A_254 : memref<1x10000xf32, #tpu.memory_space<hbm>> -> memref<10000xf32, #tpu.memory_space<hbm>>
    %dma_wait3A_256 = tpu.memref_slice %arg10[%dma_wait3A_252] : memref<2x!tpu.dma_semaphore, #tpu.memory_space<semaphore_mem>> -> memref<1x!tpu.dma_semaphore, #tpu.memory_space<semaphore_mem>>
    %dma_wait3A_257 = tpu.memref_squeeze %dma_wait3A_256 : memref<1x!tpu.dma_semaphore, #tpu.memory_space<semaphore_mem>> -> memref<!tpu.dma_semaphore, #tpu.memory_space<semaphore_mem>>
    %dma_wait3A_258 = arith.constant 0 : i32
    %dma_wait3A_259 = tpu.memref_slice %arg5[%add3A, %dma_wait3A_258] : memref<80x10000xf32, #tpu.memory_space<hbm>> -> memref<1x10000xf32, #tpu.memory_space<hbm>>
    %dma_wait3A_260 = tpu.memref_squeeze %dma_wait3A_259 : memref<1x10000xf32, #tpu.memory_space<hbm>> -> memref<10000xf32, #tpu.memory_space<hbm>>
    tpu.wait_dma2 semaphore(%dma_wait3A_257 : memref<!tpu.dma_semaphore, #tpu.memory_space<semaphore_mem>>) src(%arg6 : memref<10000xf32, #tpu.memory_space<vmem>>) dst(%dma_wait3A_260 : memref<10000xf32, #tpu.memory_space<hbm>>)
    %dma_wait3A_261 = arith.constant 1 : i32
    %dma_wait3A_262 = arith.constant 0 : i32
    %dma_wait3A_263 = tpu.memref_slice %arg5[%add3A, %dma_wait3A_262] : memref<80x10000xf32, #tpu.memory_space<hbm>> -> memref<1x10000xf32, #tpu.memory_space<hbm>>
    %dma_wait3A_264 = tpu.memref_squeeze %dma_wait3A_263 : memref<1x10000xf32, #tpu.memory_space<hbm>> -> memref<10000xf32, #tpu.memory_space<hbm>>
    %dma_wait3A_265 = tpu.memref_slice %arg10[%dma_wait3A_261] : memref<2x!tpu.dma_semaphore, #tpu.memory_space<semaphore_mem>> -> memref<1x!tpu.dma_semaphore, #tpu.memory_space<semaphore_mem>>
    %dma_wait3A_266 = tpu.memref_squeeze %dma_wait3A_265 : memref<1x!tpu.dma_semaphore, #tpu.memory_space<semaphore_mem>> -> memref<!tpu.dma_semaphore, #tpu.memory_space<semaphore_mem>>
    %dma_wait3A_267 = arith.constant 0 : i32
    %dma_wait3A_268 = tpu.memref_slice %arg5[%add3A, %dma_wait3A_267] : memref<80x10000xf32, #tpu.memory_space<hbm>> -> memref<1x10000xf32, #tpu.memory_space<hbm>>
    %dma_wait3A_269 = tpu.memref_squeeze %dma_wait3A_268 : memref<1x10000xf32, #tpu.memory_space<hbm>> -> memref<10000xf32, #tpu.memory_space<hbm>>
    tpu.wait_dma2 semaphore(%dma_wait3A_266 : memref<!tpu.dma_semaphore, #tpu.memory_space<semaphore_mem>>) src(%arg7 : memref<10000xf32, #tpu.memory_space<vmem>>) dst(%dma_wait3A_269 : memref<10000xf32, #tpu.memory_space<hbm>>)
    return
  }
}

</mosaic_0001>

<sc_bundles>
// kernel: kernel.3.cloned.1.call-start
scs
__scs_entry_jumppad:
0x0: {  	(pc) =	sbr.rel $0x88, $3  }
0x1: {  	(tag) =	ssettag $0x0;
	lr =	simm.s32 $0x1  }
0x2: {  	[smem:$0x3F9E] =	sst lr;
	_ =	strace $0xD0000000  }
0x3: {  	_ = 	snop  }
0x4: {  	_ = 	snop  }
0x5: {  	_ = 	snop  }
0x6: {  	_ = 	snop  }
0x7: {  	_ = 	snop  }
__scs_overlays_trampoline_lowered:
0x8: {  	[smem:$0x3FAD] =	sst s0  }
0x9: {  	[smem:$0x3FAE] =	sst s1  }
0xa: {  	[smem:$0x3FAF] =	sst s2  }
0xb: {  	[smem:$0x3FB0] =	sst s3  }
0xc: {  	[smem:$0x3FB1] =	sst s4  }
0xd: {  	[smem:$0x3FB2] =	sst s5  }
0xe: {  	[smem:$0x3FB3] =	sst s6  }
0xf: {  	[smem:$0x3FB4] =	sst s7  }
0x10: {  	[smem:$0x3FB5] =	sst s8  }
0x11: {  	[smem:$0x3FB6] =	sst s9;
	s0 =	simm.s32 @!p0 $0x0  }
0x12: {  	s1 =	sld [smem:$0x3F9C];
	s0 =	simm.s32 @p0 $0x1  }
0x13: {  	[smem:$0x3FB7] =	sst s0;
	s0 =	simm.s32 @!p1 $0x0  }
0x14: {  	s2 =	sld [smem:$0x3F9B];
	s0 =	simm.s32 @p1 $0x1  }
0x15: {  	[smem:$0x3FB8] =	sst s0;
	s0 =	simm.s32 @!p2 $0x0  }
0x16: {  	s3 =	sld [smem:$0x3FDB];
	s0 =	simm.s32 @p2 $0x1  }
0x17: {  	s4 =	simm.s32 $0x1BF5;
	[smem:$0x3FBA] =	sst s0  }
0x18: {  	s0 =	sld [smem:$0x3F9D];
	_ =	swait.ge [sflag:s4], $0x0  }
0x19: {  	s7 =	sld [smem:$0x3F9E]  }
0x1a: {  	s8 =	sadd.s32 $0xFFFFE003, lr  }
0x1b: {  	s9 =	sadd.s32 $0xFFFFFEF7, lr;
	s5 =	simm.s32 $0xFFFFFFFF;
	p2 =	slt.u32 s8, $0xFFFFF086  }
0x1c: {  	p1 =	slt.u32 s9, $0xF7A;
	s5 =	simm.s32 @!p2 $0x0  }
0x1d: {  	s5 =	simm.s32 @p1 $0x1;
	p0 =	seq.s32 s7, s2  }
0x1e: {  	s7 =	smul.u32 @!p0 $0xF7A, s2;
	p2 =	seq.s32 @!p0 s5, $0x0  }
0x1f: {  	s9 =	smul.u32 $0xF7A, s1;
	s8 =	simm.s32 @!p0 $0x1BF5;
	p2 =	por !p2, p0  }
0x20: {  	[sflag:s8] =	ssyncset.s32 @!p0 $0xFFFFF086;
	s6 =	sadd.s32 @!p0 s3, s7;
	s7 =	simm.s32 @!p0 $0x108  }
0x21: {  	s3 =	sadd.s32 s3, s9;
	s6 =	sadd.s32 @!p0 $0x88, s6;
	s7 =	simm.s32 @p2 $0x1082  }
0x22: {  	[simem:s7], [sflag:s8] =	dma.local @!p0 [hbm:s6], $0xF7A  }
0x23: {  	s9 =	sor.u32 $0xD0000000, s2;
	s6 =	simm.s32 $0x108;
	_ =	swait.ge @!p0 [sflag:s8], $0x0  }
0x24: {  	s3 =	sadd.s32 $0x88, s3;
	s6 =	simm.s32 @!p1 $0x1082;
	[sflag:s4] =	ssyncset.s32 $0xFFFFF086  }
0x25: {  	[simem:s6], [sflag:s4] =	dma.local [hbm:s3], $0xF7A  }
0x26: {  	[smem:$0x3F9E] =	sst s1;
	(tag) =	ssettag s2;
	_ =	strace s9  }
0x27: {  	s1 =	sld [smem:$0x3FAE]  }
0x28: {  	s2 =	sld [smem:$0x3FAF]  }
0x29: {  	s4 =	sld [smem:$0x3FB1]  }
0x2a: {  	p0 =	seq.s32 s5, $0x0;
	s5 =	sld [smem:$0x3FB2]  }
0x2b: {  	s6 =	sld [smem:$0x3FB3]  }
0x2c: {  	s7 =	sld [smem:$0x3FB4]  }
0x2d: {  	s3 =	simm.s32 $0x108;
	s8 =	sld [smem:$0x3FB5]  }
0x2e: {  	s3 =	simm.s32 @!p0 $0x1082;
	s9 =	sld [smem:$0x3FB6]  }
0x2f: {  	lr =	sadd.s32 s0, s3;
	s0 =	sld [smem:$0x3FAD]  }
0x30: {  	s3 =	sld [smem:$0x3FB0]  }
0x31: {  	[smem:$0x3FB9] =	sst s10  }
0x32: {  	s10 =	sld [smem:$0x3FB7];
	_ =	sdelay $0x3  }
0x33: {  	p0 =	seq.s32 s10, $0x1;
	s10 =	sld [smem:$0x3FB9];
	_ =	sdelay $0x3  }
0x34: {  	[smem:$0x3FB9] =	sst s10  }
0x35: {  	s10 =	sld [smem:$0x3FB8];
	_ =	sdelay $0x3  }
0x36: {  	p1 =	seq.s32 s10, $0x1;
	s10 =	sld [smem:$0x3FB9];
	_ =	sdelay $0x3  }
0x37: {  	[smem:$0x3FB9] =	sst s10  }
0x38: {  	s10 =	sld [smem:$0x3FBA]  }
0x39: {  	_ = 	snop;
	(pc) =	sbr.ind lr, $3  }
0x3a: {  	_ = 	snop  }
0x3b: {  	_ = 	snop  }
0x3c: {  	p2 =	seq.s32 s10, $0x1;
	s10 =	sld [smem:$0x3FB9]  }
0x3d: {  	_ =	shalt  }
0x3e: {  	_ =	shalt  }
0x3f: {  	_ =	shalt  }
0x40: {  	_ =	shalt  }
0x41: {  	_ =	shalt  }
0x42: {  	_ =	shalt  }
0x43: {  	_ =	shalt  }
0x44: {  	_ =	shalt  }
0x45: {  	_ =	shalt  }
0x46: {  	_ =	shalt  }
0x47: {  	_ =	shalt  }
0x48: {  	_ =	shalt  }
0x49: {  	_ =	shalt  }
0x4a: {  	_ =	shalt  }
0x4b: {  	_ =	shalt  }
0x4c: {  	_ =	shalt  }
0x4d: {  	_ =	shalt  }
0x4e: {  	_ =	shalt  }
0x4f: {  	_ =	shalt  }
0x50: {  	_ =	shalt  }
0x51: {  	_ =	shalt  }
0x52: {  	_ =	shalt  }
0x53: {  	_ =	shalt  }
0x54: {  	_ =	shalt  }
0x55: {  	_ =	shalt  }
0x56: {  	_ =	shalt  }
0x57: {  	_ =	shalt  }
0x58: {  	_ =	shalt  }
0x59: {  	_ =	shalt  }
0x5a: {  	_ =	shalt  }
0x5b: {  	_ =	shalt  }
0x5c: {  	_ =	shalt  }
0x5d: {  	_ =	shalt  }
0x5e: {  	_ =	shalt  }
0x5f: {  	_ =	shalt  }
0x60: {  	_ =	shalt  }
0x61: {  	_ =	shalt  }
0x62: {  	_ =	shalt  }
0x63: {  	_ =	shalt  }
0x64: {  	_ =	shalt  }
0x65: {  	_ =	shalt  }
0x66: {  	_ =	shalt  }
0x67: {  	_ =	shalt  }
0x68: {  	_ =	shalt  }
0x69: {  	_ =	shalt  }
0x6a: {  	_ =	shalt  }
0x6b: {  	_ =	shalt  }
0x6c: {  	_ =	shalt  }
0x6d: {  	_ =	shalt  }
0x6e: {  	_ =	shalt  }
0x6f: {  	_ =	shalt  }
0x70: {  	_ =	shalt  }
0x71: {  	_ =	shalt  }
0x72: {  	_ =	shalt  }
0x73: {  	_ =	shalt  }
0x74: {  	_ =	shalt  }
0x75: {  	_ =	shalt  }
0x76: {  	_ =	shalt  }
0x77: {  	_ =	shalt  }
0x78: {  	_ =	shalt  }
0x79: {  	_ =	shalt  }
0x7a: {  	_ =	shalt  }
0x7b: {  	_ =	shalt  }
0x7c: {  	_ =	shalt  }
0x7d: {  	_ =	shalt  }
0x7e: {  	_ =	shalt  }
0x7f: {  	_ =	shalt  }
0x80: {  	_ =	shalt  }
0x81: {  	_ =	shalt  }
0x82: {  	_ =	shalt  }
0x83: {  	_ =	shalt  }
0x84: {  	_ =	shalt  }
0x85: {  	_ =	shalt  }
0x86: {  	_ =	shalt  }
0x87: {  	_ =	shalt  }
.Lfunc_end0:
.L_simem_size_0:
called_computation_lowered:
.L_overlay_start_0:
0x88: {  	s2 =	sld [smem:$0x3FD9]  }
0x89: {  	s3 =	sld [smem:$0x3FFE];
	_ =	sdelay $0x1  }
0x8a: {  	s1 =	srdreg.scid  }
0x8b: {  	s0 =	sand.u32 $0x1, s1  }
0x8c: {  	s17 =	sshll.u32 s0, $0xA;
	s2 =	sadd.s32 s3, s2  }
0x8d: {  	s2 =	sadd.s32 s2, s17  }
0x8e: {  	[smem:$0x3FC5] =	sst s2  }
0x8f: {  	_ = 	snop  }
0x90: {  	s2 =	sld [smem:$0x3FC9]  }
0x91: {  	s18 =	sld [smem:$0x3FC8]  }
0x92: {  	s4 =	sld [smem:$0x3FC7];
	(tm) =	ssettm $0x1  }
0x93: {  	s5 =	sld [smem:$0x3FFB];
	_ =	sdelay $0x3  }
0x94: {  	_ =	strace s5  }
0x95: {  	s5 =	sld [smem:$0x3FFC];
	_ =	sdelay $0x3  }
0x96: {  	_ =	strace s5  }
0x97: {  	s5 =	sld [smem:$0x3FFD];
	_ =	sdelay $0x3  }
0x98: {  	_ =	strace s5  }
0x99: {  	_ =	strace $0x8FFFFFFF  }
0x9a: {  	s19 =	sld [smem:$0x3FDB];
	_ =	sdelay $0x1  }
0x9b: {  	s6 =	simm.s32 $_scs_section_size  }
0x9c: {  	s7 =	simm.s32 $_size__tile_overlayer_lowered;
	s8 =	simm.s32 $_tile_overlayer_lowered  }
0x9d: {  	s22 =	simm.s32 $0x1BFF;
	s21 =	sshll.u32 s8, $0x1;
	s5 =	sadd.s32 s6, s19  }
0x9e: {  	s9 =	simm.s32 $0x0;
	s20 =	sshll.u32 s7, $0x1;
	s7 =	sadd.s32 s21, s5  }
0x9f: {  	[timem:s9], [sflag:s22] =	dma.local [hbm:s7], s20  }
0xa0: {  	_ =	swait.ge [sflag:s22], s20  }
0xa1: {  	s6 =	ssub.s32 $0x0, s20;
	[sflag:s22] =	ssyncset.done $0x0  }
0xa2: {  	[sflag:s22] =	ssyncadd.s32 s6;
	_ =	sdelay $0x1  }
0xa3: {  	s23 =	simm.s32 $0x1B8B  }
0xa4: {  	_ =	swait.ge [sflag:s23], $0x1  }
0xa5: {  	[sflag:s23] =	ssyncset.done $0x0  }
0xa6: {  	s25 =	simm.s32 $0x1B8E;
	s24 =	sld [smem:$0x3FFE];
	[sflag:s23] =	ssyncadd.s32 $0xFFFFFFFF  }
0xa7: {  	s26 =	simm.s32 $execute0_lowered;
	[smem:$0x3FD2] =	sst s25  }
0xa8: {  	s7 =	sshll.u32 s26, $0x1;
	_ =	strace $0x80000046;
	[dreg:$0x1] =	wrdreg $0xFFFFFFFF  }
0xa9: {  	s28 =	simm.s32 $_size_execute0_lowered;
	s5 =	sadd.s32 s5, s7;
	[dreg:$0x0] =	wrdreg $0x0  }
0xaa: {  	s7 =	sshll.u32 s28, $0x1;
	[dreg:$0x2] =	wrdreg s5  }
0xab: {  	[dreg:$0x3] =	wrdreg s7  }
0xac: {  	[dreg:$0x4] =	wrdreg $0xC0  }
0xad: {  	_ =	task [dreg:s9], $0x5FFFF  }
0xae: {  	[dreg:$0x1] =	wrdreg $0xFFFFFFFF  }
0xaf: {  	[dreg:$0x0] =	wrdreg $0x60  }
0xb0: {  	[dreg:$0x2] =	wrdreg s2  }
0xb1: {  	[dreg:$0x3] =	wrdreg s18  }
0xb2: {  	[dreg:$0x4] =	wrdreg s4  }
0xb3: {  	[dreg:$0x5] =	wrdreg s24  }
0xb4: {  	[dreg:$0x6] =	wrdreg $0x9  }
0xb5: {  	_ =	task.clear_ibuf [dreg:s9], $0x7FFFF;
	_ =	strace $0x90000046  }
0xb6: {  	s29 =	simm.s32 $0x9;
	_ =	strace $0x80000048  }
0xb7: {  	_ =	swait.ge [sflag:s29], $0x1  }
0xb8: {  	[sflag:s29] =	ssyncadd.s32 $0xFFFFFFFF  }
0xb9: {  	_ =	strace $0x90000048  }
0xba: {  	_ =	sfence  }
0xbb: {  	s30 =	sld [smem:$0x0];
	_ =	sdelay $0x2  }
0xbc: {  	s31 =	sshll.u32 s1, $0xD;
	s1 =	sshrl.u32 s1, $0x2  }
0xbd: {  	s3 =	sand.u32 $0x4000, s31;
	s1 =	sadd.s32 s1, s30  }
0xbe: {  	s0 =	sor.u32 s3, s0;
	s1 =	sshll.u32 s1, $0x11  }
0xbf: {  	s0 =	sor.u32 s1, s0  }
0xc0: {  	s0 =	sadd.s32 $0x8F2B, s0  }
0xc1: {  	[sflag:s0] =	ssyncadd.remote.s32 $0x1  }
0xc2: {  	_ =	sfence.sel $0xFFFF  }
0xc3: {  	[dreg:$0x0] =	wrdreg $0xFFFFFFFF;
	(pc) =	sbr.abs _section_cstart, $3  }
0xc4: {  	[dreg:$0x1] =	wrdreg $0xFFFFFFFF  }
0xc5: {  	_ =	task.clear_ibuf [dreg:s9], $0x2FFFF;
	_ =	strace $0x9FFFFFFF  }
0xc6: {  	(tm) =	ssettm $0x7FFFFFFF  }
0xc7: {  	_ =	shalt  }
tec
execute0_lowered:
.L_overlay_start_1:
0x0: {  	(tag) =	ssettag $0x1  }
0x1: {  	s12 =	rddreg [dreg:$0x0]  }
0x2: {  	s13 =	rddreg [dreg:$0x1]  }
0x3: {  	s0 =	rddreg [dreg:$0x2]  }
0x4: {  	s1 =	rddreg [dreg:$0x3]  }
0x5: {  	s4 =	simm.s32 $0x0;
	s2 =	srdreg.scid;
	s6 =	stileid.u32  }
0x6: {  	s31 =	simm.s32 $0x1;
	s28 =	simm.s32 $0x3;
	[smem:$0x7FF] =	sst s4  }
0x7: {  	s2 =	sand.u32 $0x1, s2;
	s3 =	sshll.u32 s6, $0x1;
	s17 =	sadd.s32 $0x400, s1  }
0x8: {  	s6 =	sshrl.u32 s6, $0x2;
	s22 =	sadd.s32 $0x14000, s1;
	s23 =	sadd.s32 $0x14010, s1  }
0x9: {  	s24 =	sadd.s32 $0x14020, s1;
	_ =	strace $0x80000047;
	[dreg:$0x5] =	wrdreg s22  }
0xa: {  	s25 =	sadd.s32 $0x14030, s1;
	s26 =	sadd.s32 $0x14040, s1;
	[dreg:$0x6] =	wrdreg s23  }
0xb: {  	s15 =	sadd.s32 $0x14050, s1;
	s16 =	sadd.s32 $0x14060, s1;
	[dreg:$0x7] =	wrdreg s24  }
0xc: {  	s29 =	sadd.s32 $0x167D0, s1;
	s30 =	sadd.s32 $0x167F0, s1;
	[dreg:$0x8] =	wrdreg s25  }
0xd: {  	s14 =	sadd.s32 $0xC0, s13;
	s5 =	sor.u32 s2, s3;
	[dreg:$0x9] =	wrdreg s26  }
0xe: {  	s2 =	ssub.s32 $0x2, s2;
	s8 =	sshll.u32 s6, $0xA;
	[dreg:$0xa] =	wrdreg s29  }
0xf: {  	s9 =	sor.u32 $0x4, s6;
	s10 =	smul.u32 $0x13C00, s6;
	[dreg:$0xb] =	wrdreg s30  }
0x10: {  	s23 =	sadd.s32 $0x167E0, s1;
	s3 =	sadd.s32 $0x180, s13;
	[dreg:$0x11] =	wrdreg s14  }
0x11: {  	s22 =	sadd.s32 $0x80, s13;
	s24 =	sadd.s32 $0x40, s13;
	[dreg:$0xe] =	wrdreg s3  }
0x12: {  	s25 =	sadd.s32 $0x30, s12;
	s29 =	sadd.s32 $0x20, s12;
	[dreg:$0x12] =	wrdreg s22  }
0x13: {  	s30 =	sadd.s32 $0x10, s12;
	s7 =	sshll.u32 s5, $0x7;
	[dreg:$0x13] =	wrdreg s24  }
0x14: {  	s18 =	sshrl.u32 s2, $0x1;
	s11 =	smul.u32 $0x13C00, s9;
	[dreg:$0x14] =	wrdreg s25  }
0x15: {  	s19 =	sshll.u32 s9, $0xA;
	p4 =	seq.s32 s5, $0x10;
	[dreg:$0x15] =	wrdreg s29  }
0x16: {  	p5 =	seq.s32 s5, $0x13;
	[dreg:$0x16] =	wrdreg s30;
	s3 =	simm.s32 $0x400  }
0x17: {  	s24 =	simm.s32 $0x2780;
	s25 =	simm.s32 $0x5;
	s22 =	simm.s32 $0x0  }
0x18: {  	s7 =	sand.u32 $0x380, s7;
	p0 =	seq.s32 @!p4 s5, $0x11;
	p2 =	seq.s32 @!p5 s5, $0x14  }
0x19: {  	s8 =	sor.u32 s8, s7;
	s20 =	sor.u32 s10, s7;
	p1 =	por p0, p4  }
0x1a: {  	p3 =	por p2, p5;
	p6 =	por !p0, p4;
	s8 =	sshrl.u32 s8, $0x3  }
0x1b: {  	p1 =	seq.s32 @!p1 s5, $0x12;
	s6 =	sadd.s32 s0, s8;
	s8 =	sor.u32 s19, s7  }
0x1c: {  	s7 =	sor.u32 s11, s7;
	p0 =	por @!p4 !p1, p0;
	s8 =	sshrl.u32 s8, $0x3  }
0x1d: {  	s21 =	sshrl.u32 s7, $0x3;
	s7 =	sadd.s32 s0, s8;
	s0 =	simm.s32 @!p6 $0x0  }
0x1e: {  	p1 =	seq.s32 @!p3 s5, $0x15;
	p3 =	por p0, p4;
	s0 =	simm.s32 @p6 $0x1  }
0x1f: {  	s2 =	ssub.s32 s2, s18;
	[smem:$0x7F4] =	sst s0;
	s0 =	simm.s32 @!p3 $0x0  }
0x20: {  	s18 =	sadd.s32 $0x16780, s1;
	s26 =	smax.u32 s2, $0x1;
	s0 =	simm.s32 @p3 $0x1  }
0x21: {  	s2 =	sadd.s32 $0x1C0, s13;
	[smem:$0x7F5] =	sst s0;
	s0 =	simm.s32 @!p4 $0x0  }
0x22: {  	[dreg:$0xd] =	wrdreg s2;
	p0 =	por !p0, p4;
	s0 =	simm.s32 @p4 $0x1  }
0x23: {  	s10 =	sadd.s32 $0x140, s13;
	[smem:$0x7F6] =	sst s0;
	s0 =	simm.s32 @!p0 $0x0  }
0x24: {  	s0 =	simm.s32 @p0 $0x1;
	p0 =	por @!p5 !p1, p2;
	p1 =	por !p2, p5  }
0x25: {  	s9 =	sshrl.u32 s20, $0x3;
	[smem:$0x7F7] =	sst s0;
	s0 =	simm.s32 @!p1 $0x0  }
0x26: {  	[dreg:$0xf] =	wrdreg s10;
	s0 =	simm.s32 @p1 $0x1;
	p1 =	por p0, p5  }
0x27: {  	s11 =	sadd.s32 $0x100, s13;
	[smem:$0x7F8] =	sst s0;
	s0 =	simm.s32 @!p1 $0x0  }
0x28: {  	s20 =	sadd.s32 $0x167A0, s1;
	[dreg:$0x10] =	wrdreg s11;
	s0 =	simm.s32 @p1 $0x1  }
0x29: {  	s19 =	sadd.s32 $0x16790, s1;
	[smem:$0x7F9] =	sst s0;
	s0 =	simm.s32 @!p5 $0x0  }
0x2a: {  	s8 =	sadd.s32 s17, s9;
	p0 =	por !p0, p5;
	s0 =	simm.s32 @p5 $0x1  }
0x2b: {  	s9 =	sadd.s32 s17, s21;
	[smem:$0x7FA] =	sst s0;
	s0 =	simm.s32 @!p0 $0x0  }
0x2c: {  	v0 =	vimm.f32 $0.0e+00;
	v1 =	vimm.f32 $1.000000000e+00;
	s17 =	sadd.s32 $0x14070, s1;
	s0 =	simm.s32 @p0 $0x1;
	p0 =	sgt.s32 s5, $0x15  }
.Ltmp0:
0x2d: {  	vm0 =	vcmask $0x704;
	vm1 =	vcmask $0xB08;
	vm14 =	vcmask $0x3F3C;
	[smem:$0x7FB] =	sst s0;
	s0 =	simm.s32 @!p0 $0x0;
	(pc) =	sbr.rel .LBB2_1-.Ltmp0, $4  }
0x2e: {  	vm2 =	vcmask $0xF0C;
	vm3 =	vcmask $0x1310;
	vm4 =	vcmask $0x1714;
	s21 =	sadd.s32 $0x167B0, s1;
	s0 =	simm.s32 @p0 $0x1;
	p0 =	sgt.s32 s5, $0x12  }
0x2f: {  	vm5 =	vcmask $0x1B18;
	vm6 =	vcmask $0x1F1C;
	vm7 =	vcmask $0x2320;
	s1 =	sadd.s32 $0x167C0, s1;
	[smem:$0x7FC] =	sst s0;
	s0 =	simm.s32 @!p0 $0x0  }
0x30: {  	vm8 =	vcmask $0x2724;
	vm9 =	vcmask $0x2B28;
	vm10 =	vcmask $0x2F2C;
	s2 =	simm.s32 $0x4;
	[dreg:$0xc] =	wrdreg s1;
	s0 =	simm.s32 @p0 $0x1  }
0x31: {  	vm11 =	vcmask $0x3330;
	vm12 =	vcmask $0x3734;
	vm13 =	vcmask $0x3B38;
	s1 =	simm.s32 $0x2;
	[smem:$0x7FD] =	sst s0;
	s0 =	simm.s32 $0x80  }
.LBB2_58:
0x32: {  	_ =	swait.ge [sflag:s2], $0x2780  }
0x33: {  	[sflag:s2] =	ssyncset.done $0x0  }
0x34: {  	[sflag:s2] =	ssyncadd.s32 $0xFFFFD880  }
0x35: {  	v2 =	vld [tilespmem:$0x4F00];
	_ =	sdelay $0x7  }
0x36: {  	[tilespmem:v2+s4+$0x0] =	vst.idx.msk $0xffff, v0  }
0x37: {  	v2 =	vld [tilespmem:$0x4F10];
	_ =	sdelay $0x7  }
0x38: {  	[tilespmem:v2+s4+$0x0] =	vst.idx.msk $0xffff, v0  }
0x39: {  	v2 =	vld [tilespmem:$0x4F20];
	_ =	sdelay $0x7  }
0x3a: {  	[tilespmem:v2+s4+$0x0] =	vst.idx.msk $0xffff, v0  }
0x3b: {  	v2 =	vld [tilespmem:$0x4F30];
	_ =	sdelay $0x7  }
0x3c: {  	[tilespmem:v2+s4+$0x0] =	vst.idx.msk $0xffff, v0  }
0x3d: {  	v2 =	vld [tilespmem:$0x4F40];
	_ =	sdelay $0x7  }
0x3e: {  	[tilespmem:v2+s4+$0x0] =	vst.idx.msk $0xffff, v0  }
0x3f: {  	v2 =	vld [tilespmem:$0x4F50];
	_ =	sdelay $0x7  }
0x40: {  	[tilespmem:v2+s4+$0x0] =	vst.idx.msk $0xffff, v0  }
0x41: {  	v2 =	vld [tilespmem:$0x4F60];
	_ =	sdelay $0x7  }
0x42: {  	[tilespmem:v2+s4+$0x0] =	vst.idx.msk $0xffff, v0  }
0x43: {  	v2 =	vld [tilespmem:$0x4F70];
	_ =	sdelay $0x7  }
0x44: {  	[tilespmem:v2+s4+$0x0] =	vst.idx.msk $0xffff, v0  }
0x45: {  	[hbm4b:s10+s0] =	stream.strided.scatter [tilespmem:s4], [sflag:$0x4], $0x2780, s3, s0, $0x38;
	[tilespmem:$0x5200] =	vst v63  }
.LBB2_59:
0x46: {  	s22 =	sadd.s32 $0x1, s22  }
0x47: {  	_ =	swait.ge [sflag:s2], $0x2780;
	p0 =	sne.s32 s22, s26  }
.Ltmp1:
0x48: {  	[sflag:s2] =	ssyncset.done $0x0;
	(pc) =	sbr.rel @!p0 .LBB2_60-.Ltmp1, $4  }
0x49: {  	[sflag:s2] =	ssyncadd.s32 $0xFFFFD880  }
0x4a: {  	_ =	swait.ge [sflag:s25], $0x2780  }
0x4b: {  	[sflag:s25] =	ssyncset.done $0x0  }
0x4c: {  	[sflag:s25] =	ssyncadd.s32 $0xFFFFD880  }
.LBB2_1:
0x4d: {  	s30 =	sld [smem:$0x7FC];
	_ =	sdelay $0x2  }
0x4e: {  	p0 =	seq.s32 s30, $0x1  }
.Ltmp2:
0x4f: {  	_ = 	snop;
	(pc) =	sbr.rel @p0 .LBB2_5-.Ltmp2, $4  }
0x50: {  	s10 =	simm.s32 $0x4F00  }
0x51: {  	[tilespmem:s10], [sflag:$0x1] =	stream.linear.gather [hbm4b:s6+s4], $0x80, $0x38;
	[tilespmem:$0x5200] =	vst v63  }
0x52: {  	s29 =	simm.s32 $0x4F80  }
0x53: {  	[tilespmem:s29], [sflag:$0x2] =	stream.linear.gather [hbm4b:s7+s4], $0x80, $0x38;
	[tilespmem:$0x5200] =	vst v63  }
0x54: {  	s10 =	sld [smem:$0x7FD];
	_ =	sdelay $0x2  }
0x55: {  	p0 =	seq.s32 s10, $0x1  }
.Ltmp3:
0x56: {  	_ = 	snop;
	(pc) =	sbr.rel @p0 .LBB2_4-.Ltmp3, $1  }
0x57: {  	_ =	sdelay $0x3  }
0x58: {  	s10 =	sld [smem:$0x7F6]  }
0x59: {  	s14 =	sld [smem:$0x7F4]  }
0x5a: {  	s29 =	sld [smem:$0x7F5]  }
0x5b: {  	s30 =	sld [smem:$0x7F7]  }
0x5c: {  	s12 =	rddreg [dreg:$0x0]  }
0x5d: {  	p6 =	seq.s32 s10, $0x1;
	p5 =	seq.s32 s14, $0x1;
	p0 =	seq.s32 s29, $0x1  }
0x5e: {  	p1 =	seq.s32 s30, $0x1;
	s10 =	simm.s32 @p6 $0x0;
	s11 =	simm.s32 @p6 $0x5000  }
0x5f: {  	[tilespmem:s11], [sflag:$0x3] =	stream.linear.gather @p6 [hbm4b:s12+s10], $0x80, $0x38;
	[tilespmem:$0x5200] =	vst v63  }
0x60: {  	s10 =	simm.s32 @!p5 $0x0;
	s11 =	simm.s32 @!p5 $0x5000;
	s12 =	rddreg [dreg:$0x16]  }
0x61: {  	[tilespmem:s11], [sflag:$0x3] =	stream.linear.gather @!p5 [hbm4b:s12+s10], $0x80, $0x38;
	[tilespmem:$0x5200] =	vst v63  }
0x62: {  	s10 =	simm.s32 @!p0 $0x0;
	s11 =	simm.s32 @!p0 $0x5000;
	s12 =	rddreg [dreg:$0x15]  }
0x63: {  	[tilespmem:s11], [sflag:$0x3] =	stream.linear.gather @!p0 [hbm4b:s12+s10], $0x80, $0x38;
	[tilespmem:$0x5200] =	vst v63  }
0x64: {  	p3 =	por @!p0 $0x0, $0x0;
	p2 =	por @!p0 $0x1, $0x1;
	p0 =	por $0x0, $0x0  }
0x65: {  	p4 =	por @!p5 $0x0, $0x0;
	p3 =	por @!p1 p0, p0  }
0x66: {  	p2 =	por @!p1 p0, p0;
	p0 =	por @!p5 $0x1, $0x1;
	p1 =	por p3, p3  }
0x67: {  	p2 =	por @!p5 p4, p4;
	p1 =	por @!p5 p4, p4;
	p4 =	por @p6 $0x0, $0x0  }
0x68: {  	p3 =	por @!p5 p0, p0;
	p4 =	por @!p6 p1, p1  }
0x69: {  	p0 =	por @p6 $0x0, $0x0;
	p5 =	por @p6 $0x0, $0x0;
	s10 =	simm.s32 @!p4 $0x0  }
0x6a: {  	p0 =	por @!p6 p1, p1;
	p5 =	por @!p6 p2, p2;
	s10 =	simm.s32 @p4 $0x1  }
0x6b: {  	p4 =	por @p6 $0x0, $0x0;
	[smem:$0x7ED] =	sst s10;
	s10 =	simm.s32 @!p0 $0x0  }
0x6c: {  	p2 =	por @p6 $0x0, $0x0;
	p4 =	por @!p6 p1, p1;
	s10 =	simm.s32 @p0 $0x1  }
0x6d: {  	p0 =	por @p6 $0x0, $0x0;
	[smem:$0x7EE] =	sst s10;
	s10 =	simm.s32 @!p4 $0x0  }
0x6e: {  	p2 =	por @!p6 p1, p1;
	p0 =	por @!p6 p3, p3;
	s10 =	simm.s32 @p4 $0x1  }
0x6f: {  	p3 =	por @p6 $0x0, $0x0;
	[smem:$0x7EF] =	sst s10;
	s10 =	simm.s32 @!p2 $0x0  }
0x70: {  	p3 =	por @!p6 p1, p1;
	s10 =	simm.s32 @p2 $0x1  }
0x71: {  	[smem:$0x7F0] =	sst s10;
	s10 =	simm.s32 @!p3 $0x0  }
0x72: {  	s10 =	simm.s32 @p3 $0x1;
	p3 =	por @p6 $0x0, $0x0  }
0x73: {  	p3 =	por @!p6 p1, p1  }
0x74: {  	[smem:$0x7F1] =	sst s10;
	s10 =	simm.s32 @!p3 $0x0  }
.Ltmp4:
0x75: {  	s10 =	simm.s32 @p3 $0x1;
	p3 =	por @p6 $0x0, $0x0;
	(pc) =	sbr.rel .LBB2_8-.Ltmp4, $4  }
0x76: {  	p3 =	por @!p6 p1, p1  }
0x77: {  	[smem:$0x7F2] =	sst s10;
	s10 =	simm.s32 @!p3 $0x0  }
0x78: {  	p4 =	por @p6 $0x0, $0x0;
	p2 =	por @p6 $0x0, $0x0;
	s10 =	simm.s32 @p3 $0x1  }
0x79: {  	p4 =	por @!p6 p1, p1;
	p2 =	por @!p6 p1, p1;
	[smem:$0x7F3] =	sst s10  }
.LBB2_5:
0x7a: {  	p0 =	sgt.s32 s5, $0x18  }
.Ltmp5:
0x7b: {  	_ = 	snop;
	(pc) =	sbr.rel @p0 .LBB2_7-.Ltmp5, $1  }
0x7c: {  	_ =	sdelay $0x3  }
0x7d: {  	p1 =	seq.s32 s5, $0x16;
	s12 =	rddreg [dreg:$0x12]  }
0x7e: {  	s10 =	simm.s32 @p1 $0x0;
	s11 =	simm.s32 @p1 $0x5000;
	p2 =	seq.s32 @!p1 s5, $0x17  }
0x7f: {  	[tilespmem:s11], [sflag:$0x3] =	stream.linear.gather @p1 [hbm4b:s12+s10], $0x200, $0x38;
	[tilespmem:$0x5200] =	vst v63  }
0x80: {  	p0 =	por !p2, p1;
	s12 =	rddreg [dreg:$0x11];
	p3 =	por p2, p1  }
0x81: {  	s10 =	simm.s32 @!p0 $0x0;
	s11 =	simm.s32 @!p0 $0x5000;
	p3 =	seq.s32 @!p3 s5, $0x18  }
0x82: {  	[tilespmem:s11], [sflag:$0x3] =	stream.linear.gather @!p0 [hbm4b:s12+s10], $0x200, $0x38;
	[tilespmem:$0x5200] =	vst v63  }
0x83: {  	p2 =	por @!p1 !p3, p2  }
0x84: {  	s12 =	rddreg [dreg:$0x10];
	p3 =	por p2, p1  }
0x85: {  	p4 =	por !p2, p1;
	s10 =	simm.s32 @!p3 $0x0;
	s11 =	simm.s32 @!p3 $0x5000  }
0x86: {  	[tilespmem:s11], [sflag:$0x3] =	stream.linear.gather @!p3 [hbm4b:s12+s10], $0x200, $0x38;
	[tilespmem:$0x5200] =	vst v63  }
0x87: {  	p5 =	por @!p3 $0x0, $0x0;
	p2 =	por @!p3 $0x1, $0x1;
	p3 =	por $0x0, $0x0  }
0x88: {  	p5 =	por @!p4 p3, p3;
	p2 =	por @!p4 p3, p3;
	p3 =	por @!p0 $0x1, $0x1  }
0x89: {  	p6 =	por @!p0 $0x0, $0x0;
	p4 =	por p5, p5;
	p5 =	por @!p0 p3, p3  }
0x8a: {  	p2 =	por @!p0 p6, p6;
	p4 =	por @!p0 p6, p6;
	p0 =	por @p1 $0x0, $0x0  }
0x8b: {  	p0 =	por @!p1 p4, p4  }
0x8c: {  	p3 =	por @p1 $0x0, $0x0;
	s10 =	simm.s32 @!p0 $0x0  }
0x8d: {  	p3 =	por @!p1 p5, p5;
	s10 =	simm.s32 @p0 $0x1  }
0x8e: {  	[smem:$0x7ED] =	sst s10;
	s10 =	simm.s32 @!p3 $0x0  }
0x8f: {  	s10 =	simm.s32 @p3 $0x1;
	p3 =	por @p1 $0x0, $0x0  }
0x90: {  	p3 =	por @!p1 p2, p2  }
0x91: {  	p0 =	por @p1 $0x0, $0x0;
	[smem:$0x7EF] =	sst s10;
	s10 =	simm.s32 @!p3 $0x0  }
0x92: {  	p0 =	por @!p1 p4, p4;
	s10 =	simm.s32 @p3 $0x1  }
0x93: {  	p2 =	por @p1 $0x0, $0x0;
	[smem:$0x7F3] =	sst s10;
	s10 =	simm.s32 @!p0 $0x0  }
0x94: {  	p2 =	por @!p1 p4, p4;
	s10 =	simm.s32 @p0 $0x1  }
0x95: {  	p3 =	por @p1 $0x0, $0x0;
	[smem:$0x7EE] =	sst s10;
	s10 =	simm.s32 @!p2 $0x0  }
0x96: {  	p5 =	por @p1 $0x0, $0x0;
	p3 =	por @!p1 p4, p4;
	s10 =	simm.s32 @p2 $0x1  }
0x97: {  	p6 =	por @p1 $0x0, $0x0;
	[smem:$0x7F0] =	sst s10;
	s10 =	simm.s32 @!p3 $0x0  }
.Ltmp6:
0x98: {  	s10 =	simm.s32 @p3 $0x1;
	p3 =	por @p1 $0x1, $0x1;
	(pc) =	sbr.rel .LBB2_8-.Ltmp6, $4  }
0x99: {  	p5 =	por @!p1 p4, p4;
	p6 =	por @!p1 p4, p4;
	p3 =	por @!p1 p4, p4  }
0x9a: {  	p0 =	por @p1 $0x0, $0x0;
	[smem:$0x7F1] =	sst s10;
	s10 =	simm.s32 @!p3 $0x0  }
0x9b: {  	p0 =	por @!p1 p4, p4;
	p2 =	por @p1 $0x0, $0x0;
	s10 =	simm.s32 @p3 $0x1  }
0x9c: {  	p2 =	por @!p1 p4, p4;
	p4 =	por p6, p6;
	[smem:$0x7F2] =	sst s10  }
.LBB2_4:
0x9d: {  	s10 =	sld [smem:$0x7FA]  }
0x9e: {  	s12 =	rddreg [dreg:$0x14]  }
0x9f: {  	s14 =	sld [smem:$0x7F8]  }
0xa0: {  	s29 =	sld [smem:$0x7F9]  }
0xa1: {  	s30 =	sld [smem:$0x7FB]  }
0xa2: {  	p3 =	por $0x0, $0x0;
	p6 =	seq.s32 s10, $0x1;
	p5 =	seq.s32 s14, $0x1  }
0xa3: {  	p1 =	seq.s32 s29, $0x1;
	s10 =	simm.s32 @p6 $0x0;
	s11 =	simm.s32 @p6 $0x5000  }
0xa4: {  	[tilespmem:s11], [sflag:$0x3] =	stream.linear.gather @p6 [hbm4b:s12+s10], $0x80, $0x38;
	[tilespmem:$0x5200] =	vst v63  }
0xa5: {  	s10 =	simm.s32 @!p5 $0x0;
	s11 =	simm.s32 @!p5 $0x5000;
	s12 =	rddreg [dreg:$0x1]  }
0xa6: {  	[tilespmem:s11], [sflag:$0x3] =	stream.linear.gather @!p5 [hbm4b:s12+s10], $0x200, $0x38;
	[tilespmem:$0x5200] =	vst v63  }
0xa7: {  	s10 =	simm.s32 @!p1 $0x0;
	s11 =	simm.s32 @!p1 $0x5000;
	s12 =	rddreg [dreg:$0x13]  }
0xa8: {  	[tilespmem:s11], [sflag:$0x3] =	stream.linear.gather @!p1 [hbm4b:s12+s10], $0x200, $0x38;
	[tilespmem:$0x5200] =	vst v63  }
0xa9: {  	p0 =	por @!p1 $0x0, $0x0;
	p2 =	por @!p1 $0x1, $0x1;
	p1 =	seq.s32 s30, $0x1  }
0xaa: {  	p0 =	por @!p1 p3, p3  }
0xab: {  	p4 =	por @!p5 $0x0, $0x0;
	p2 =	por @!p1 p3, p3;
	p1 =	por p0, p0  }
0xac: {  	p3 =	por @p6 $0x0, $0x0;
	p1 =	por @!p5 p4, p4  }
0xad: {  	p3 =	por @!p6 p1, p1  }
0xae: {  	p2 =	por @!p5 p4, p4;
	s10 =	simm.s32 @!p3 $0x0  }
0xaf: {  	p4 =	por @!p5 $0x1, $0x1;
	s10 =	simm.s32 @p3 $0x1;
	p3 =	por @p6 $0x0, $0x0  }
0xb0: {  	p0 =	por @!p5 p4, p4;
	p3 =	por @!p6 p2, p2  }
0xb1: {  	p5 =	por @p6 $0x0, $0x0;
	[smem:$0x7ED] =	sst s10;
	s10 =	simm.s32 @!p3 $0x0  }
0xb2: {  	p5 =	por @!p6 p0, p0;
	s10 =	simm.s32 @p3 $0x1  }
0xb3: {  	p4 =	por @p6 $0x0, $0x0;
	[smem:$0x7F0] =	sst s10;
	s10 =	simm.s32 @!p5 $0x0  }
0xb4: {  	p4 =	por @!p6 p1, p1;
	s10 =	simm.s32 @p5 $0x1  }
0xb5: {  	p3 =	por @p6 $0x0, $0x0;
	[smem:$0x7F1] =	sst s10;
	s10 =	simm.s32 @!p4 $0x0  }
0xb6: {  	p3 =	por @!p6 p1, p1;
	s10 =	simm.s32 @p4 $0x1  }
0xb7: {  	[smem:$0x7EE] =	sst s10;
	s10 =	simm.s32 @!p3 $0x0  }
0xb8: {  	s10 =	simm.s32 @p3 $0x1;
	p3 =	por @p6 $0x0, $0x0  }
0xb9: {  	p3 =	por @!p6 p1, p1  }
0xba: {  	p0 =	por @p6 $0x0, $0x0;
	[smem:$0x7EF] =	sst s10;
	s10 =	simm.s32 @!p3 $0x0  }
.Ltmp7:
0xbb: {  	s10 =	simm.s32 @p3 $0x1;
	p3 =	por @p6 $0x0, $0x0;
	(pc) =	sbr.rel .LBB2_8-.Ltmp7, $4  }
0xbc: {  	p0 =	por @!p6 p1, p1;
	p2 =	por @p6 $0x1, $0x1;
	p3 =	por @!p6 p1, p1  }
0xbd: {  	p2 =	por @!p6 p1, p1;
	[smem:$0x7F2] =	sst s10;
	s10 =	simm.s32 @!p3 $0x0  }
0xbe: {  	p5 =	por @p6 $0x0, $0x0;
	p4 =	por @p6 $0x0, $0x0;
	s10 =	simm.s32 @p3 $0x1  }
0xbf: {  	p5 =	por @!p6 p1, p1;
	p4 =	por @!p6 p1, p1;
	[smem:$0x7F3] =	sst s10  }
.LBB2_7:
0xc0: {  	p1 =	seq.s32 s5, $0x19;
	s12 =	rddreg [dreg:$0xf]  }
0xc1: {  	s10 =	simm.s32 @p1 $0x0;
	s11 =	simm.s32 @p1 $0x5000;
	p2 =	seq.s32 @!p1 s5, $0x1A  }
0xc2: {  	[tilespmem:s11], [sflag:$0x3] =	stream.linear.gather @p1 [hbm4b:s12+s10], $0x200, $0x38;
	[tilespmem:$0x5200] =	vst v63  }
0xc3: {  	p0 =	por !p2, p1;
	s12 =	rddreg [dreg:$0xe];
	p3 =	por p2, p1  }
0xc4: {  	s10 =	simm.s32 @!p0 $0x0;
	s11 =	simm.s32 @!p0 $0x5000;
	p3 =	seq.s32 @!p3 s5, $0x1B  }
0xc5: {  	[tilespmem:s11], [sflag:$0x3] =	stream.linear.gather @!p0 [hbm4b:s12+s10], $0x200, $0x38;
	[tilespmem:$0x5200] =	vst v63  }
0xc6: {  	p2 =	por @!p1 !p3, p2  }
0xc7: {  	s12 =	rddreg [dreg:$0xd];
	p4 =	por p2, p1  }
0xc8: {  	p2 =	por !p2, p1;
	s10 =	simm.s32 @!p4 $0x0;
	s11 =	simm.s32 @!p4 $0x5000  }
0xc9: {  	[tilespmem:s11], [sflag:$0x3] =	stream.linear.gather @!p4 [hbm4b:s12+s10], $0x200, $0x38;
	[tilespmem:$0x5200] =	vst v63  }
0xca: {  	p3 =	por @!p4 $0x0, $0x0;
	p5 =	por @!p4 $0x1, $0x1;
	p4 =	por $0x0, $0x0  }
0xcb: {  	p3 =	por @!p2 p4, p4  }
0xcc: {  	p6 =	por @!p0 $0x0, $0x0;
	p5 =	por @!p2 p4, p4;
	p4 =	por p3, p3  }
0xcd: {  	p5 =	por @!p0 p6, p6;
	p4 =	por @!p0 p6, p6;
	p6 =	por @!p0 $0x1, $0x1  }
0xce: {  	p3 =	por @!p0 p6, p6;
	p0 =	por @p1 $0x0, $0x0  }
0xcf: {  	p0 =	por @!p1 p5, p5  }
0xd0: {  	p2 =	por @p1 $0x1, $0x1;
	s10 =	simm.s32 @!p0 $0x0  }
0xd1: {  	p2 =	por @!p1 p4, p4;
	s10 =	simm.s32 @p0 $0x1  }
0xd2: {  	p0 =	por @p1 $0x0, $0x0;
	[smem:$0x7ED] =	sst s10;
	s10 =	simm.s32 @!p2 $0x0  }
0xd3: {  	p0 =	por @!p1 p4, p4;
	s10 =	simm.s32 @p2 $0x1  }
0xd4: {  	[smem:$0x7EE] =	sst s10;
	s10 =	simm.s32 @!p0 $0x0  }
0xd5: {  	s10 =	simm.s32 @p0 $0x1;
	p0 =	por @p1 $0x0, $0x0  }
0xd6: {  	p0 =	por @!p1 p4, p4  }
0xd7: {  	p6 =	por @p1 $0x0, $0x0;
	[smem:$0x7EF] =	sst s10;
	s10 =	simm.s32 @!p0 $0x0  }
0xd8: {  	p6 =	por @!p1 p4, p4;
	s10 =	simm.s32 @p0 $0x1  }
0xd9: {  	[smem:$0x7F0] =	sst s10;
	s10 =	simm.s32 @!p6 $0x0  }
0xda: {  	s10 =	simm.s32 @p6 $0x1;
	p6 =	por @p1 $0x0, $0x0  }
0xdb: {  	p6 =	por @!p1 p4, p4  }
0xdc: {  	p5 =	por @p1 $0x0, $0x0;
	[smem:$0x7F1] =	sst s10;
	s10 =	simm.s32 @!p6 $0x0  }
0xdd: {  	p2 =	por @p1 $0x0, $0x0;
	s10 =	simm.s32 @p6 $0x1;
	p6 =	por @p1 $0x0, $0x0  }
0xde: {  	p5 =	por @!p1 p4, p4;
	p2 =	por @!p1 p4, p4;
	p6 =	por @!p1 p4, p4  }
0xdf: {  	p0 =	por @p1 $0x0, $0x0;
	[smem:$0x7F2] =	sst s10;
	s10 =	simm.s32 @!p6 $0x0  }
0xe0: {  	p0 =	por @!p1 p4, p4;
	p4 =	por @p1 $0x0, $0x0;
	s10 =	simm.s32 @p6 $0x1  }
0xe1: {  	p4 =	por @!p1 p3, p3;
	[smem:$0x7F3] =	sst s10  }
.LBB2_8:
0xe2: {  	s10 =	simm.s32 $0xC0  }
0xe3: {  	[tilespmem:s10+$0xFFFFFF40] =	vst v0  }
0xe4: {  	[tilespmem:s10+$0xFFFFFFB0] =	vst v0  }
0xe5: {  	[tilespmem:s10+$0xFFFFFFA0] =	vst v0  }
0xe6: {  	[tilespmem:s10+$0xFFFFFF90] =	vst v0  }
0xe7: {  	[tilespmem:s10+$0xFFFFFF80] =	vst v0  }
0xe8: {  	[tilespmem:s10+$0xFFFFFF70] =	vst v0  }
0xe9: {  	s30 =	simm.s32 $0x0;
	[tilespmem:s10+$0xFFFFFF60] =	vst v0  }
0xea: {  	[tilespmem:s10+$0xFFFFFF50] =	vst v0;
	s12 =	sand.u32 $0x3FF0, s30  }
0xeb: {  	[tilespmem:s12+$0x80] =	vst v0  }
0xec: {  	[tilespmem:s10+$0x30] =	vst v0  }
0xed: {  	s11 =	simm.s32 $0x0;
	[tilespmem:s10+$0x20] =	vst v0  }
0xee: {  	s29 =	simm.s32 $0x2840;
	s13 =	simm.s32 $0x0;
	s14 =	simm.s32 $0xC0;
	[tilespmem:s10+$0x10] =	vst v0  }
.LBB2_9:
0xef: {  	s11 =	sadd.s32 $0x19, s11;
	[tilespmem:s10+$0x0] =	vst v0;
	s13 =	sadd.s32 $0x190, s13;
	s14 =	sadd.s32 $0x190, s14  }
0xf0: {  	p1 =	slt.u32 s11, $0x258;
	[tilespmem:s10+$0xFFFFFFF0] =	vst v0  }
0xf1: {  	[tilespmem:s10+$0xFFFFFFD0] =	vst v0  }
0xf2: {  	[tilespmem:s10+$0xFFFFFFE0] =	vst v0  }
0xf3: {  	[tilespmem:s12+$0x100] =	vst v0  }
0xf4: {  	[tilespmem:s10+$0x50] =	vst v0  }
0xf5: {  	[tilespmem:s10+$0xB0] =	vst v0  }
0xf6: {  	[tilespmem:s10+$0xA0] =	vst v0  }
0xf7: {  	[tilespmem:s10+$0x90] =	vst v0  }
0xf8: {  	[tilespmem:s10+$0x80] =	vst v0  }
0xf9: {  	[tilespmem:s10+$0x60] =	vst v0  }
0xfa: {  	[tilespmem:s10+$0x70] =	vst v0;
	s10 =	smov.u32 s14  }
0xfb: {  	[tilespmem:s12+$0x180] =	vst v0  }
0xfc: {  	[tilespmem:s14+$0xFFFFFF40] =	vst v0  }
0xfd: {  	[tilespmem:s14+$0xFFFFFFB0] =	vst v0  }
0xfe: {  	[tilespmem:s14+$0xFFFFFFA0] =	vst v0  }
0xff: {  	[tilespmem:s14+$0xFFFFFF90] =	vst v0  }
0x100: {  	[tilespmem:s14+$0xFFFFFF80] =	vst v0  }
0x101: {  	[tilespmem:s14+$0xFFFFFF70] =	vst v0  }
0x102: {  	[tilespmem:s14+$0xFFFFFF60] =	vst v0  }
.Ltmp8:
0x103: {  	s12 =	sand.u32 $0x3FF0, s13;
	[tilespmem:s14+$0xFFFFFF50] =	vst v0;
	(pc) =	sbr.rel @p1 .LBB2_9-.Ltmp8, $4  }
0x104: {  	[tilespmem:s12+$0x80] =	vst v0  }
0x105: {  	[tilespmem:s14+$0x30] =	vst v0  }
0x106: {  	[tilespmem:s14+$0x20] =	vst v0  }
0x107: {  	[tilespmem:s14+$0x10] =	vst v0  }
0x108: {  	[tilespmem:s10+$0x0] =	vst v0  }
0x109: {  	[tilespmem:s10+$0xFFFFFFF0] =	vst v0  }
0x10a: {  	[tilespmem:s10+$0xFFFFFFD0] =	vst v0  }
0x10b: {  	[tilespmem:s10+$0xFFFFFFE0] =	vst v0  }
0x10c: {  	[tilespmem:s12+$0x100] =	vst v0  }
0x10d: {  	[tilespmem:s10+$0x50] =	vst v0  }
0x10e: {  	[tilespmem:s10+$0xB0] =	vst v0  }
0x10f: {  	[tilespmem:s10+$0xA0] =	vst v0  }
0x110: {  	[tilespmem:s10+$0x90] =	vst v0  }
0x111: {  	[tilespmem:s10+$0x80] =	vst v0  }
0x112: {  	[tilespmem:s10+$0x60] =	vst v0  }
0x113: {  	[tilespmem:s10+$0x70] =	vst v0  }
0x114: {  	[tilespmem:s12+$0x180] =	vst v0  }
0x115: {  	[tilespmem:s29+$0xFFFFFF40] =	vst v0  }
0x116: {  	[tilespmem:s29+$0xFFFFFFB0] =	vst v0  }
0x117: {  	[tilespmem:s29+$0xFFFFFFA0] =	vst v0  }
0x118: {  	[tilespmem:s29+$0xFFFFFF90] =	vst v0  }
0x119: {  	[tilespmem:s29+$0xFFFFFF80] =	vst v0  }
0x11a: {  	[tilespmem:s29+$0xFFFFFF70] =	vst v0  }
0x11b: {  	[tilespmem:s29+$0xFFFFFF60] =	vst v0  }
0x11c: {  	s10 =	sand.u32 $0x3FF0, s30;
	[tilespmem:s29+$0xFFFFFF50] =	vst v0  }
0x11d: {  	[tilespmem:s10+$0x2800] =	vst v0  }
0x11e: {  	[tilespmem:s29+$0x30] =	vst v0  }
0x11f: {  	[tilespmem:s29+$0x20] =	vst v0  }
0x120: {  	s11 =	simm.s32 $0x0;
	s12 =	simm.s32 $0x2840;
	[tilespmem:s29+$0x10] =	vst v0  }
.LBB2_11:
0x121: {  	s11 =	sadd.s32 $0x19, s11;
	[tilespmem:s29+$0x0] =	vst v0;
	s30 =	sadd.s32 $0x190, s30;
	s12 =	sadd.s32 $0x190, s12  }
0x122: {  	p1 =	slt.u32 s11, $0x258;
	[tilespmem:s29+$0xFFFFFFF0] =	vst v0  }
0x123: {  	[tilespmem:s29+$0xFFFFFFD0] =	vst v0  }
0x124: {  	[tilespmem:s29+$0xFFFFFFE0] =	vst v0  }
0x125: {  	[tilespmem:s10+$0x2880] =	vst v0  }
0x126: {  	[tilespmem:s29+$0x50] =	vst v0  }
0x127: {  	[tilespmem:s29+$0xB0] =	vst v0  }
0x128: {  	[tilespmem:s29+$0xA0] =	vst v0  }
0x129: {  	[tilespmem:s29+$0x90] =	vst v0  }
0x12a: {  	[tilespmem:s29+$0x80] =	vst v0  }
0x12b: {  	[tilespmem:s29+$0x60] =	vst v0  }
0x12c: {  	[tilespmem:s29+$0x70] =	vst v0;
	s29 =	smov.u32 s12  }
0x12d: {  	[tilespmem:s10+$0x2900] =	vst v0  }
0x12e: {  	[tilespmem:s12+$0xFFFFFF40] =	vst v0  }
0x12f: {  	[tilespmem:s12+$0xFFFFFFB0] =	vst v0  }
0x130: {  	[tilespmem:s12+$0xFFFFFFA0] =	vst v0  }
0x131: {  	[tilespmem:s12+$0xFFFFFF90] =	vst v0  }
0x132: {  	[tilespmem:s12+$0xFFFFFF80] =	vst v0  }
0x133: {  	[tilespmem:s12+$0xFFFFFF70] =	vst v0  }
0x134: {  	[tilespmem:s12+$0xFFFFFF60] =	vst v0  }
.Ltmp9:
0x135: {  	s10 =	sand.u32 $0x3FF0, s30;
	[tilespmem:s12+$0xFFFFFF50] =	vst v0;
	(pc) =	sbr.rel @p1 .LBB2_11-.Ltmp9, $4  }
0x136: {  	[tilespmem:s10+$0x2800] =	vst v0  }
0x137: {  	[tilespmem:s12+$0x30] =	vst v0  }
0x138: {  	[tilespmem:s12+$0x20] =	vst v0  }
0x139: {  	[tilespmem:s12+$0x10] =	vst v0  }
0x13a: {  	[tilespmem:s29+$0x0] =	vst v0  }
0x13b: {  	[tilespmem:s29+$0xFFFFFFF0] =	vst v0  }
0x13c: {  	[tilespmem:s29+$0xFFFFFFD0] =	vst v0  }
0x13d: {  	[tilespmem:s29+$0xFFFFFFE0] =	vst v0  }
0x13e: {  	[tilespmem:s10+$0x2880] =	vst v0  }
0x13f: {  	[tilespmem:s29+$0x50] =	vst v0  }
0x140: {  	[tilespmem:s29+$0xB0] =	vst v0  }
0x141: {  	[tilespmem:s29+$0xA0] =	vst v0  }
0x142: {  	[tilespmem:s29+$0x90] =	vst v0  }
0x143: {  	[tilespmem:s29+$0x80] =	vst v0  }
0x144: {  	[tilespmem:s29+$0x60] =	vst v0  }
0x145: {  	[tilespmem:s29+$0x70] =	vst v0  }
0x146: {  	[tilespmem:s10+$0x2900] =	vst v0  }
0x147: {  	_ =	swait.ge [sflag:s31], $0x80  }
0x148: {  	[sflag:s31] =	ssyncset.done $0x0  }
0x149: {  	[sflag:s31] =	ssyncadd.s32 $0xFFFFFF80  }
0x14a: {  	v2 =	vld [tilespmem:$0x4F00];
	_ =	sdelay $0x7  }
0x14b: {  	[tilespmem:v2+s4+$0x0] =	vst.idx.add.f32.msk $0x1, v1  }
0x14c: {  	[tilespmem:v2+s4+$0x0] =	vst.idx.add.f32.msk vm0, v1  }
0x14d: {  	[tilespmem:v2+s4+$0x0] =	vst.idx.add.f32.msk vm1, v1  }
0x14e: {  	[tilespmem:v2+s4+$0x0] =	vst.idx.add.f32.msk vm2, v1  }
0x14f: {  	[tilespmem:v2+s4+$0x0] =	vst.idx.add.f32.msk vm3, v1  }
0x150: {  	[tilespmem:v2+s4+$0x0] =	vst.idx.add.f32.msk vm4, v1  }
0x151: {  	[tilespmem:v2+s4+$0x0] =	vst.idx.add.f32.msk vm5, v1  }
0x152: {  	[tilespmem:v2+s4+$0x0] =	vst.idx.add.f32.msk vm6, v1  }
0x153: {  	[tilespmem:v2+s4+$0x0] =	vst.idx.add.f32.msk vm7, v1  }
0x154: {  	[tilespmem:v2+s4+$0x0] =	vst.idx.add.f32.msk vm8, v1  }
0x155: {  	[tilespmem:v2+s4+$0x0] =	vst.idx.add.f32.msk vm9, v1  }
0x156: {  	[tilespmem:v2+s4+$0x0] =	vst.idx.add.f32.msk vm10, v1  }
0x157: {  	[tilespmem:v2+s4+$0x0] =	vst.idx.add.f32.msk vm11, v1  }
0x158: {  	[tilespmem:v2+s4+$0x0] =	vst.idx.add.f32.msk vm12, v1  }
0x159: {  	[tilespmem:v2+s4+$0x0] =	vst.idx.add.f32.msk vm13, v1  }
0x15a: {  	[tilespmem:v2+s4+$0x0] =	vst.idx.add.f32.msk vm14, v1  }
0x15b: {  	v2 =	vld [tilespmem:$0x4F10];
	_ =	sdelay $0x7  }
0x15c: {  	[tilespmem:v2+s4+$0x0] =	vst.idx.add.f32.msk $0x1, v1  }
0x15d: {  	[tilespmem:v2+s4+$0x0] =	vst.idx.add.f32.msk vm0, v1  }
0x15e: {  	[tilespmem:v2+s4+$0x0] =	vst.idx.add.f32.msk vm1, v1  }
0x15f: {  	[tilespmem:v2+s4+$0x0] =	vst.idx.add.f32.msk vm2, v1  }
0x160: {  	[tilespmem:v2+s4+$0x0] =	vst.idx.add.f32.msk vm3, v1  }
0x161: {  	[tilespmem:v2+s4+$0x0] =	vst.idx.add.f32.msk vm4, v1  }
0x162: {  	[tilespmem:v2+s4+$0x0] =	vst.idx.add.f32.msk vm5, v1  }
0x163: {  	[tilespmem:v2+s4+$0x0] =	vst.idx.add.f32.msk vm6, v1  }
0x164: {  	[tilespmem:v2+s4+$0x0] =	vst.idx.add.f32.msk vm7, v1  }
0x165: {  	[tilespmem:v2+s4+$0x0] =	vst.idx.add.f32.msk vm8, v1  }
0x166: {  	[tilespmem:v2+s4+$0x0] =	vst.idx.add.f32.msk vm9, v1  }
0x167: {  	[tilespmem:v2+s4+$0x0] =	vst.idx.add.f32.msk vm10, v1  }
0x168: {  	[tilespmem:v2+s4+$0x0] =	vst.idx.add.f32.msk vm11, v1  }
0x169: {  	[tilespmem:v2+s4+$0x0] =	vst.idx.add.f32.msk vm12, v1  }
0x16a: {  	[tilespmem:v2+s4+$0x0] =	vst.idx.add.f32.msk vm13, v1  }
0x16b: {  	[tilespmem:v2+s4+$0x0] =	vst.idx.add.f32.msk vm14, v1  }
0x16c: {  	v2 =	vld [tilespmem:$0x4F20];
	_ =	sdelay $0x7  }
0x16d: {  	[tilespmem:v2+s4+$0x0] =	vst.idx.add.f32.msk $0x1, v1  }
0x16e: {  	[tilespmem:v2+s4+$0x0] =	vst.idx.add.f32.msk vm0, v1  }
0x16f: {  	[tilespmem:v2+s4+$0x0] =	vst.idx.add.f32.msk vm1, v1  }
0x170: {  	[tilespmem:v2+s4+$0x0] =	vst.idx.add.f32.msk vm2, v1  }
0x171: {  	[tilespmem:v2+s4+$0x0] =	vst.idx.add.f32.msk vm3, v1  }
0x172: {  	[tilespmem:v2+s4+$0x0] =	vst.idx.add.f32.msk vm4, v1  }
0x173: {  	[tilespmem:v2+s4+$0x0] =	vst.idx.add.f32.msk vm5, v1  }
0x174: {  	[tilespmem:v2+s4+$0x0] =	vst.idx.add.f32.msk vm6, v1  }
0x175: {  	[tilespmem:v2+s4+$0x0] =	vst.idx.add.f32.msk vm7, v1  }
0x176: {  	[tilespmem:v2+s4+$0x0] =	vst.idx.add.f32.msk vm8, v1  }
0x177: {  	[tilespmem:v2+s4+$0x0] =	vst.idx.add.f32.msk vm9, v1  }
0x178: {  	[tilespmem:v2+s4+$0x0] =	vst.idx.add.f32.msk vm10, v1  }
0x179: {  	[tilespmem:v2+s4+$0x0] =	vst.idx.add.f32.msk vm11, v1  }
0x17a: {  	[tilespmem:v2+s4+$0x0] =	vst.idx.add.f32.msk vm12, v1  }
0x17b: {  	[tilespmem:v2+s4+$0x0] =	vst.idx.add.f32.msk vm13, v1  }
0x17c: {  	[tilespmem:v2+s4+$0x0] =	vst.idx.add.f32.msk vm14, v1  }
0x17d: {  	v2 =	vld [tilespmem:$0x4F30];
	_ =	sdelay $0x7  }
0x17e: {  	[tilespmem:v2+s4+$0x0] =	vst.idx.add.f32.msk $0x1, v1  }
0x17f: {  	[tilespmem:v2+s4+$0x0] =	vst.idx.add.f32.msk vm0, v1  }
0x180: {  	[tilespmem:v2+s4+$0x0] =	vst.idx.add.f32.msk vm1, v1  }
0x181: {  	[tilespmem:v2+s4+$0x0] =	vst.idx.add.f32.msk vm2, v1  }
0x182: {  	[tilespmem:v2+s4+$0x0] =	vst.idx.add.f32.msk vm3, v1  }
0x183: {  	[tilespmem:v2+s4+$0x0] =	vst.idx.add.f32.msk vm4, v1  }
0x184: {  	[tilespmem:v2+s4+$0x0] =	vst.idx.add.f32.msk vm5, v1  }
0x185: {  	[tilespmem:v2+s4+$0x0] =	vst.idx.add.f32.msk vm6, v1  }
0x186: {  	[tilespmem:v2+s4+$0x0] =	vst.idx.add.f32.msk vm7, v1  }
0x187: {  	[tilespmem:v2+s4+$0x0] =	vst.idx.add.f32.msk vm8, v1  }
0x188: {  	[tilespmem:v2+s4+$0x0] =	vst.idx.add.f32.msk vm9, v1  }
0x189: {  	[tilespmem:v2+s4+$0x0] =	vst.idx.add.f32.msk vm10, v1  }
0x18a: {  	[tilespmem:v2+s4+$0x0] =	vst.idx.add.f32.msk vm11, v1  }
0x18b: {  	[tilespmem:v2+s4+$0x0] =	vst.idx.add.f32.msk vm12, v1  }
0x18c: {  	[tilespmem:v2+s4+$0x0] =	vst.idx.add.f32.msk vm13, v1  }
0x18d: {  	[tilespmem:v2+s4+$0x0] =	vst.idx.add.f32.msk vm14, v1  }
0x18e: {  	v2 =	vld [tilespmem:$0x4F40];
	_ =	sdelay $0x7  }
0x18f: {  	[tilespmem:v2+s4+$0x0] =	vst.idx.add.f32.msk $0x1, v1  }
0x190: {  	[tilespmem:v2+s4+$0x0] =	vst.idx.add.f32.msk vm0, v1  }
0x191: {  	[tilespmem:v2+s4+$0x0] =	vst.idx.add.f32.msk vm1, v1  }
0x192: {  	[tilespmem:v2+s4+$0x0] =	vst.idx.add.f32.msk vm2, v1  }
0x193: {  	[tilespmem:v2+s4+$0x0] =	vst.idx.add.f32.msk vm3, v1  }
0x194: {  	[tilespmem:v2+s4+$0x0] =	vst.idx.add.f32.msk vm4, v1  }
0x195: {  	[tilespmem:v2+s4+$0x0] =	vst.idx.add.f32.msk vm5, v1  }
0x196: {  	[tilespmem:v2+s4+$0x0] =	vst.idx.add.f32.msk vm6, v1  }
0x197: {  	[tilespmem:v2+s4+$0x0] =	vst.idx.add.f32.msk vm7, v1  }
0x198: {  	[tilespmem:v2+s4+$0x0] =	vst.idx.add.f32.msk vm8, v1  }
0x199: {  	[tilespmem:v2+s4+$0x0] =	vst.idx.add.f32.msk vm9, v1  }
0x19a: {  	[tilespmem:v2+s4+$0x0] =	vst.idx.add.f32.msk vm10, v1  }
0x19b: {  	[tilespmem:v2+s4+$0x0] =	vst.idx.add.f32.msk vm11, v1  }
0x19c: {  	[tilespmem:v2+s4+$0x0] =	vst.idx.add.f32.msk vm12, v1  }
0x19d: {  	[tilespmem:v2+s4+$0x0] =	vst.idx.add.f32.msk vm13, v1  }
0x19e: {  	[tilespmem:v2+s4+$0x0] =	vst.idx.add.f32.msk vm14, v1  }
0x19f: {  	v2 =	vld [tilespmem:$0x4F50];
	_ =	sdelay $0x7  }
0x1a0: {  	[tilespmem:v2+s4+$0x0] =	vst.idx.add.f32.msk $0x1, v1  }
0x1a1: {  	[tilespmem:v2+s4+$0x0] =	vst.idx.add.f32.msk vm0, v1  }
0x1a2: {  	[tilespmem:v2+s4+$0x0] =	vst.idx.add.f32.msk vm1, v1  }
0x1a3: {  	[tilespmem:v2+s4+$0x0] =	vst.idx.add.f32.msk vm2, v1  }
0x1a4: {  	[tilespmem:v2+s4+$0x0] =	vst.idx.add.f32.msk vm3, v1  }
0x1a5: {  	[tilespmem:v2+s4+$0x0] =	vst.idx.add.f32.msk vm4, v1  }
0x1a6: {  	[tilespmem:v2+s4+$0x0] =	vst.idx.add.f32.msk vm5, v1  }
0x1a7: {  	[tilespmem:v2+s4+$0x0] =	vst.idx.add.f32.msk vm6, v1  }
0x1a8: {  	[tilespmem:v2+s4+$0x0] =	vst.idx.add.f32.msk vm7, v1  }
0x1a9: {  	[tilespmem:v2+s4+$0x0] =	vst.idx.add.f32.msk vm8, v1  }
0x1aa: {  	[tilespmem:v2+s4+$0x0] =	vst.idx.add.f32.msk vm9, v1  }
0x1ab: {  	[tilespmem:v2+s4+$0x0] =	vst.idx.add.f32.msk vm10, v1  }
0x1ac: {  	[tilespmem:v2+s4+$0x0] =	vst.idx.add.f32.msk vm11, v1  }
0x1ad: {  	[tilespmem:v2+s4+$0x0] =	vst.idx.add.f32.msk vm12, v1  }
0x1ae: {  	[tilespmem:v2+s4+$0x0] =	vst.idx.add.f32.msk vm13, v1  }
0x1af: {  	[tilespmem:v2+s4+$0x0] =	vst.idx.add.f32.msk vm14, v1  }
0x1b0: {  	v2 =	vld [tilespmem:$0x4F60];
	_ =	sdelay $0x7  }
0x1b1: {  	[tilespmem:v2+s4+$0x0] =	vst.idx.add.f32.msk $0x1, v1  }
0x1b2: {  	[tilespmem:v2+s4+$0x0] =	vst.idx.add.f32.msk vm0, v1  }
0x1b3: {  	[tilespmem:v2+s4+$0x0] =	vst.idx.add.f32.msk vm1, v1  }
0x1b4: {  	[tilespmem:v2+s4+$0x0] =	vst.idx.add.f32.msk vm2, v1  }
0x1b5: {  	[tilespmem:v2+s4+$0x0] =	vst.idx.add.f32.msk vm3, v1  }
0x1b6: {  	[tilespmem:v2+s4+$0x0] =	vst.idx.add.f32.msk vm4, v1  }
0x1b7: {  	[tilespmem:v2+s4+$0x0] =	vst.idx.add.f32.msk vm5, v1  }
0x1b8: {  	[tilespmem:v2+s4+$0x0] =	vst.idx.add.f32.msk vm6, v1  }
0x1b9: {  	[tilespmem:v2+s4+$0x0] =	vst.idx.add.f32.msk vm7, v1  }
0x1ba: {  	[tilespmem:v2+s4+$0x0] =	vst.idx.add.f32.msk vm8, v1  }
0x1bb: {  	[tilespmem:v2+s4+$0x0] =	vst.idx.add.f32.msk vm9, v1  }
0x1bc: {  	[tilespmem:v2+s4+$0x0] =	vst.idx.add.f32.msk vm10, v1  }
0x1bd: {  	[tilespmem:v2+s4+$0x0] =	vst.idx.add.f32.msk vm11, v1  }
0x1be: {  	[tilespmem:v2+s4+$0x0] =	vst.idx.add.f32.msk vm12, v1  }
0x1bf: {  	[tilespmem:v2+s4+$0x0] =	vst.idx.add.f32.msk vm13, v1  }
0x1c0: {  	[tilespmem:v2+s4+$0x0] =	vst.idx.add.f32.msk vm14, v1  }
0x1c1: {  	v2 =	vld [tilespmem:$0x4F70];
	_ =	sdelay $0x7  }
0x1c2: {  	[tilespmem:v2+s4+$0x0] =	vst.idx.add.f32.msk $0x1, v1  }
0x1c3: {  	[tilespmem:v2+s4+$0x0] =	vst.idx.add.f32.msk vm0, v1  }
0x1c4: {  	[tilespmem:v2+s4+$0x0] =	vst.idx.add.f32.msk vm1, v1  }
0x1c5: {  	[tilespmem:v2+s4+$0x0] =	vst.idx.add.f32.msk vm2, v1  }
0x1c6: {  	[tilespmem:v2+s4+$0x0] =	vst.idx.add.f32.msk vm3, v1  }
0x1c7: {  	[tilespmem:v2+s4+$0x0] =	vst.idx.add.f32.msk vm4, v1  }
0x1c8: {  	[tilespmem:v2+s4+$0x0] =	vst.idx.add.f32.msk vm5, v1  }
0x1c9: {  	[tilespmem:v2+s4+$0x0] =	vst.idx.add.f32.msk vm6, v1  }
0x1ca: {  	[tilespmem:v2+s4+$0x0] =	vst.idx.add.f32.msk vm7, v1  }
0x1cb: {  	[tilespmem:v2+s4+$0x0] =	vst.idx.add.f32.msk vm8, v1  }
0x1cc: {  	[tilespmem:v2+s4+$0x0] =	vst.idx.add.f32.msk vm9, v1  }
0x1cd: {  	[tilespmem:v2+s4+$0x0] =	vst.idx.add.f32.msk vm10, v1  }
0x1ce: {  	[tilespmem:v2+s4+$0x0] =	vst.idx.add.f32.msk vm11, v1  }
0x1cf: {  	[tilespmem:v2+s4+$0x0] =	vst.idx.add.f32.msk vm12, v1  }
0x1d0: {  	[tilespmem:v2+s4+$0x0] =	vst.idx.add.f32.msk vm13, v1  }
0x1d1: {  	[tilespmem:v2+s4+$0x0] =	vst.idx.add.f32.msk vm14, v1  }
0x1d2: {  	[hbm4b:s8+s0] =	stream.strided.scatter [tilespmem:s4], [sflag:$0x4], $0x2780, s3, s0, $0x38;
	[tilespmem:$0x5200] =	vst v63  }
0x1d3: {  	_ =	swait.ge [sflag:s1], $0x80  }
0x1d4: {  	[sflag:s1] =	ssyncset.done $0x0  }
0x1d5: {  	[sflag:s1] =	ssyncadd.s32 $0xFFFFFF80  }
0x1d6: {  	v2 =	vld [tilespmem:$0x4F80];
	_ =	sdelay $0x7  }
0x1d7: {  	[tilespmem:v2+s24+$0x0] =	vst.idx.add.f32.msk $0x1, v1  }
0x1d8: {  	[tilespmem:v2+s24+$0x0] =	vst.idx.add.f32.msk vm0, v1  }
0x1d9: {  	[tilespmem:v2+s24+$0x0] =	vst.idx.add.f32.msk vm1, v1  }
0x1da: {  	[tilespmem:v2+s24+$0x0] =	vst.idx.add.f32.msk vm2, v1  }
0x1db: {  	[tilespmem:v2+s24+$0x0] =	vst.idx.add.f32.msk vm3, v1  }
0x1dc: {  	[tilespmem:v2+s24+$0x0] =	vst.idx.add.f32.msk vm4, v1  }
0x1dd: {  	[tilespmem:v2+s24+$0x0] =	vst.idx.add.f32.msk vm5, v1  }
0x1de: {  	[tilespmem:v2+s24+$0x0] =	vst.idx.add.f32.msk vm6, v1  }
0x1df: {  	[tilespmem:v2+s24+$0x0] =	vst.idx.add.f32.msk vm7, v1  }
0x1e0: {  	[tilespmem:v2+s24+$0x0] =	vst.idx.add.f32.msk vm8, v1  }
0x1e1: {  	[tilespmem:v2+s24+$0x0] =	vst.idx.add.f32.msk vm9, v1  }
0x1e2: {  	[tilespmem:v2+s24+$0x0] =	vst.idx.add.f32.msk vm10, v1  }
0x1e3: {  	[tilespmem:v2+s24+$0x0] =	vst.idx.add.f32.msk vm11, v1  }
0x1e4: {  	[tilespmem:v2+s24+$0x0] =	vst.idx.add.f32.msk vm12, v1  }
0x1e5: {  	[tilespmem:v2+s24+$0x0] =	vst.idx.add.f32.msk vm13, v1  }
0x1e6: {  	[tilespmem:v2+s24+$0x0] =	vst.idx.add.f32.msk vm14, v1  }
0x1e7: {  	v2 =	vld [tilespmem:$0x4F90];
	_ =	sdelay $0x7  }
0x1e8: {  	[tilespmem:v2+s24+$0x0] =	vst.idx.add.f32.msk $0x1, v1  }
0x1e9: {  	[tilespmem:v2+s24+$0x0] =	vst.idx.add.f32.msk vm0, v1  }
0x1ea: {  	[tilespmem:v2+s24+$0x0] =	vst.idx.add.f32.msk vm1, v1  }
0x1eb: {  	[tilespmem:v2+s24+$0x0] =	vst.idx.add.f32.msk vm2, v1  }
0x1ec: {  	[tilespmem:v2+s24+$0x0] =	vst.idx.add.f32.msk vm3, v1  }
0x1ed: {  	[tilespmem:v2+s24+$0x0] =	vst.idx.add.f32.msk vm4, v1  }
0x1ee: {  	[tilespmem:v2+s24+$0x0] =	vst.idx.add.f32.msk vm5, v1  }
0x1ef: {  	[tilespmem:v2+s24+$0x0] =	vst.idx.add.f32.msk vm6, v1  }
0x1f0: {  	[tilespmem:v2+s24+$0x0] =	vst.idx.add.f32.msk vm7, v1  }
0x1f1: {  	[tilespmem:v2+s24+$0x0] =	vst.idx.add.f32.msk vm8, v1  }
0x1f2: {  	[tilespmem:v2+s24+$0x0] =	vst.idx.add.f32.msk vm9, v1  }
0x1f3: {  	[tilespmem:v2+s24+$0x0] =	vst.idx.add.f32.msk vm10, v1  }
0x1f4: {  	[tilespmem:v2+s24+$0x0] =	vst.idx.add.f32.msk vm11, v1  }
0x1f5: {  	[tilespmem:v2+s24+$0x0] =	vst.idx.add.f32.msk vm12, v1  }
0x1f6: {  	[tilespmem:v2+s24+$0x0] =	vst.idx.add.f32.msk vm13, v1  }
0x1f7: {  	[tilespmem:v2+s24+$0x0] =	vst.idx.add.f32.msk vm14, v1  }
0x1f8: {  	v2 =	vld [tilespmem:$0x4FA0];
	_ =	sdelay $0x7  }
0x1f9: {  	[tilespmem:v2+s24+$0x0] =	vst.idx.add.f32.msk $0x1, v1  }
0x1fa: {  	[tilespmem:v2+s24+$0x0] =	vst.idx.add.f32.msk vm0, v1  }
0x1fb: {  	[tilespmem:v2+s24+$0x0] =	vst.idx.add.f32.msk vm1, v1  }
0x1fc: {  	[tilespmem:v2+s24+$0x0] =	vst.idx.add.f32.msk vm2, v1  }
0x1fd: {  	[tilespmem:v2+s24+$0x0] =	vst.idx.add.f32.msk vm3, v1  }
0x1fe: {  	[tilespmem:v2+s24+$0x0] =	vst.idx.add.f32.msk vm4, v1  }
0x1ff: {  	[tilespmem:v2+s24+$0x0] =	vst.idx.add.f32.msk vm5, v1  }
0x200: {  	[tilespmem:v2+s24+$0x0] =	vst.idx.add.f32.msk vm6, v1  }
0x201: {  	[tilespmem:v2+s24+$0x0] =	vst.idx.add.f32.msk vm7, v1  }
0x202: {  	[tilespmem:v2+s24+$0x0] =	vst.idx.add.f32.msk vm8, v1  }
0x203: {  	[tilespmem:v2+s24+$0x0] =	vst.idx.add.f32.msk vm9, v1  }
0x204: {  	[tilespmem:v2+s24+$0x0] =	vst.idx.add.f32.msk vm10, v1  }
0x205: {  	[tilespmem:v2+s24+$0x0] =	vst.idx.add.f32.msk vm11, v1  }
0x206: {  	[tilespmem:v2+s24+$0x0] =	vst.idx.add.f32.msk vm12, v1  }
0x207: {  	[tilespmem:v2+s24+$0x0] =	vst.idx.add.f32.msk vm13, v1  }
0x208: {  	[tilespmem:v2+s24+$0x0] =	vst.idx.add.f32.msk vm14, v1  }
0x209: {  	v2 =	vld [tilespmem:$0x4FB0];
	_ =	sdelay $0x7  }
0x20a: {  	[tilespmem:v2+s24+$0x0] =	vst.idx.add.f32.msk $0x1, v1  }
0x20b: {  	[tilespmem:v2+s24+$0x0] =	vst.idx.add.f32.msk vm0, v1  }
0x20c: {  	[tilespmem:v2+s24+$0x0] =	vst.idx.add.f32.msk vm1, v1  }
0x20d: {  	[tilespmem:v2+s24+$0x0] =	vst.idx.add.f32.msk vm2, v1  }
0x20e: {  	[tilespmem:v2+s24+$0x0] =	vst.idx.add.f32.msk vm3, v1  }
0x20f: {  	[tilespmem:v2+s24+$0x0] =	vst.idx.add.f32.msk vm4, v1  }
0x210: {  	[tilespmem:v2+s24+$0x0] =	vst.idx.add.f32.msk vm5, v1  }
0x211: {  	[tilespmem:v2+s24+$0x0] =	vst.idx.add.f32.msk vm6, v1  }
0x212: {  	[tilespmem:v2+s24+$0x0] =	vst.idx.add.f32.msk vm7, v1  }
0x213: {  	[tilespmem:v2+s24+$0x0] =	vst.idx.add.f32.msk vm8, v1  }
0x214: {  	[tilespmem:v2+s24+$0x0] =	vst.idx.add.f32.msk vm9, v1  }
0x215: {  	[tilespmem:v2+s24+$0x0] =	vst.idx.add.f32.msk vm10, v1  }
0x216: {  	[tilespmem:v2+s24+$0x0] =	vst.idx.add.f32.msk vm11, v1  }
0x217: {  	[tilespmem:v2+s24+$0x0] =	vst.idx.add.f32.msk vm12, v1  }
0x218: {  	[tilespmem:v2+s24+$0x0] =	vst.idx.add.f32.msk vm13, v1  }
0x219: {  	[tilespmem:v2+s24+$0x0] =	vst.idx.add.f32.msk vm14, v1  }
0x21a: {  	v2 =	vld [tilespmem:$0x4FC0];
	_ =	sdelay $0x7  }
0x21b: {  	[tilespmem:v2+s24+$0x0] =	vst.idx.add.f32.msk $0x1, v1  }
0x21c: {  	[tilespmem:v2+s24+$0x0] =	vst.idx.add.f32.msk vm0, v1  }
0x21d: {  	[tilespmem:v2+s24+$0x0] =	vst.idx.add.f32.msk vm1, v1  }
0x21e: {  	[tilespmem:v2+s24+$0x0] =	vst.idx.add.f32.msk vm2, v1  }
0x21f: {  	[tilespmem:v2+s24+$0x0] =	vst.idx.add.f32.msk vm3, v1  }
0x220: {  	[tilespmem:v2+s24+$0x0] =	vst.idx.add.f32.msk vm4, v1  }
0x221: {  	[tilespmem:v2+s24+$0x0] =	vst.idx.add.f32.msk vm5, v1  }
0x222: {  	[tilespmem:v2+s24+$0x0] =	vst.idx.add.f32.msk vm6, v1  }
0x223: {  	[tilespmem:v2+s24+$0x0] =	vst.idx.add.f32.msk vm7, v1  }
0x224: {  	[tilespmem:v2+s24+$0x0] =	vst.idx.add.f32.msk vm8, v1  }
0x225: {  	[tilespmem:v2+s24+$0x0] =	vst.idx.add.f32.msk vm9, v1  }
0x226: {  	[tilespmem:v2+s24+$0x0] =	vst.idx.add.f32.msk vm10, v1  }
0x227: {  	[tilespmem:v2+s24+$0x0] =	vst.idx.add.f32.msk vm11, v1  }
0x228: {  	[tilespmem:v2+s24+$0x0] =	vst.idx.add.f32.msk vm12, v1  }
0x229: {  	[tilespmem:v2+s24+$0x0] =	vst.idx.add.f32.msk vm13, v1  }
0x22a: {  	[tilespmem:v2+s24+$0x0] =	vst.idx.add.f32.msk vm14, v1  }
0x22b: {  	v2 =	vld [tilespmem:$0x4FD0];
	_ =	sdelay $0x7  }
0x22c: {  	[tilespmem:v2+s24+$0x0] =	vst.idx.add.f32.msk $0x1, v1  }
0x22d: {  	[tilespmem:v2+s24+$0x0] =	vst.idx.add.f32.msk vm0, v1  }
0x22e: {  	[tilespmem:v2+s24+$0x0] =	vst.idx.add.f32.msk vm1, v1  }
0x22f: {  	[tilespmem:v2+s24+$0x0] =	vst.idx.add.f32.msk vm2, v1  }
0x230: {  	[tilespmem:v2+s24+$0x0] =	vst.idx.add.f32.msk vm3, v1  }
0x231: {  	[tilespmem:v2+s24+$0x0] =	vst.idx.add.f32.msk vm4, v1  }
0x232: {  	[tilespmem:v2+s24+$0x0] =	vst.idx.add.f32.msk vm5, v1  }
0x233: {  	[tilespmem:v2+s24+$0x0] =	vst.idx.add.f32.msk vm6, v1  }
0x234: {  	[tilespmem:v2+s24+$0x0] =	vst.idx.add.f32.msk vm7, v1  }
0x235: {  	[tilespmem:v2+s24+$0x0] =	vst.idx.add.f32.msk vm8, v1  }
0x236: {  	[tilespmem:v2+s24+$0x0] =	vst.idx.add.f32.msk vm9, v1  }
0x237: {  	[tilespmem:v2+s24+$0x0] =	vst.idx.add.f32.msk vm10, v1  }
0x238: {  	[tilespmem:v2+s24+$0x0] =	vst.idx.add.f32.msk vm11, v1  }
0x239: {  	[tilespmem:v2+s24+$0x0] =	vst.idx.add.f32.msk vm12, v1  }
0x23a: {  	[tilespmem:v2+s24+$0x0] =	vst.idx.add.f32.msk vm13, v1  }
0x23b: {  	[tilespmem:v2+s24+$0x0] =	vst.idx.add.f32.msk vm14, v1  }
0x23c: {  	v2 =	vld [tilespmem:$0x4FE0];
	_ =	sdelay $0x7  }
0x23d: {  	[tilespmem:v2+s24+$0x0] =	vst.idx.add.f32.msk $0x1, v1  }
0x23e: {  	[tilespmem:v2+s24+$0x0] =	vst.idx.add.f32.msk vm0, v1  }
0x23f: {  	[tilespmem:v2+s24+$0x0] =	vst.idx.add.f32.msk vm1, v1  }
0x240: {  	[tilespmem:v2+s24+$0x0] =	vst.idx.add.f32.msk vm2, v1  }
0x241: {  	[tilespmem:v2+s24+$0x0] =	vst.idx.add.f32.msk vm3, v1  }
0x242: {  	[tilespmem:v2+s24+$0x0] =	vst.idx.add.f32.msk vm4, v1  }
0x243: {  	[tilespmem:v2+s24+$0x0] =	vst.idx.add.f32.msk vm5, v1  }
0x244: {  	[tilespmem:v2+s24+$0x0] =	vst.idx.add.f32.msk vm6, v1  }
0x245: {  	[tilespmem:v2+s24+$0x0] =	vst.idx.add.f32.msk vm7, v1  }
0x246: {  	[tilespmem:v2+s24+$0x0] =	vst.idx.add.f32.msk vm8, v1  }
0x247: {  	[tilespmem:v2+s24+$0x0] =	vst.idx.add.f32.msk vm9, v1  }
0x248: {  	[tilespmem:v2+s24+$0x0] =	vst.idx.add.f32.msk vm10, v1  }
0x249: {  	[tilespmem:v2+s24+$0x0] =	vst.idx.add.f32.msk vm11, v1  }
0x24a: {  	[tilespmem:v2+s24+$0x0] =	vst.idx.add.f32.msk vm12, v1  }
0x24b: {  	[tilespmem:v2+s24+$0x0] =	vst.idx.add.f32.msk vm13, v1  }
0x24c: {  	[tilespmem:v2+s24+$0x0] =	vst.idx.add.f32.msk vm14, v1  }
0x24d: {  	v2 =	vld [tilespmem:$0x4FF0];
	_ =	sdelay $0x7  }
0x24e: {  	[tilespmem:v2+s24+$0x0] =	vst.idx.add.f32.msk $0x1, v1  }
0x24f: {  	[tilespmem:v2+s24+$0x0] =	vst.idx.add.f32.msk vm0, v1  }
0x250: {  	[tilespmem:v2+s24+$0x0] =	vst.idx.add.f32.msk vm1, v1  }
0x251: {  	[tilespmem:v2+s24+$0x0] =	vst.idx.add.f32.msk vm2, v1  }
0x252: {  	[tilespmem:v2+s24+$0x0] =	vst.idx.add.f32.msk vm3, v1  }
0x253: {  	[tilespmem:v2+s24+$0x0] =	vst.idx.add.f32.msk vm4, v1  }
0x254: {  	[tilespmem:v2+s24+$0x0] =	vst.idx.add.f32.msk vm5, v1  }
0x255: {  	[tilespmem:v2+s24+$0x0] =	vst.idx.add.f32.msk vm6, v1  }
0x256: {  	[tilespmem:v2+s24+$0x0] =	vst.idx.add.f32.msk vm7, v1  }
0x257: {  	[tilespmem:v2+s24+$0x0] =	vst.idx.add.f32.msk vm8, v1  }
0x258: {  	[tilespmem:v2+s24+$0x0] =	vst.idx.add.f32.msk vm9, v1  }
0x259: {  	p1 =	sne.s32 s5, $0x10;
	[tilespmem:v2+s24+$0x0] =	vst.idx.add.f32.msk vm10, v1  }
.Ltmp10:
0x25a: {  	[tilespmem:v2+s24+$0x0] =	vst.idx.add.f32.msk vm11, v1;
	(pc) =	sbr.rel @p1 .LBB2_14-.Ltmp10, $4  }
0x25b: {  	[tilespmem:v2+s24+$0x0] =	vst.idx.add.f32.msk vm12, v1  }
0x25c: {  	[tilespmem:v2+s24+$0x0] =	vst.idx.add.f32.msk vm13, v1  }
0x25d: {  	[tilespmem:v2+s24+$0x0] =	vst.idx.add.f32.msk vm14, v1  }
0x25e: {  	[hbm4b:s9+s0] =	stream.strided.scatter [tilespmem:s24], [sflag:$0x5], $0x2780, s3, s0, $0x38;
	[tilespmem:$0x5200] =	vst v63  }
0x25f: {  	_ =	swait.ge [sflag:s2], $0x2780  }
0x260: {  	[sflag:s2] =	ssyncset.done $0x0  }
0x261: {  	[sflag:s2] =	ssyncadd.s32 $0xFFFFD880  }
0x262: {  	v2 =	vld [tilespmem:$0x4F00];
	_ =	sdelay $0x7  }
0x263: {  	[tilespmem:v2+s4+$0x0] =	vst.idx.msk $0xffff, v0  }
0x264: {  	v2 =	vld [tilespmem:$0x4F10];
	_ =	sdelay $0x7  }
0x265: {  	[tilespmem:v2+s4+$0x0] =	vst.idx.msk $0xffff, v0  }
0x266: {  	v2 =	vld [tilespmem:$0x4F20];
	_ =	sdelay $0x7  }
0x267: {  	[tilespmem:v2+s4+$0x0] =	vst.idx.msk $0xffff, v0  }
0x268: {  	v2 =	vld [tilespmem:$0x4F30];
	_ =	sdelay $0x7  }
0x269: {  	[tilespmem:v2+s4+$0x0] =	vst.idx.msk $0xffff, v0  }
0x26a: {  	v2 =	vld [tilespmem:$0x4F40];
	_ =	sdelay $0x7  }
0x26b: {  	[tilespmem:v2+s4+$0x0] =	vst.idx.msk $0xffff, v0  }
0x26c: {  	v2 =	vld [tilespmem:$0x4F50];
	_ =	sdelay $0x7  }
0x26d: {  	[tilespmem:v2+s4+$0x0] =	vst.idx.msk $0xffff, v0  }
0x26e: {  	v2 =	vld [tilespmem:$0x4F60];
	_ =	sdelay $0x7  }
0x26f: {  	[tilespmem:v2+s4+$0x0] =	vst.idx.msk $0xffff, v0  }
0x270: {  	v2 =	vld [tilespmem:$0x4F70];
	_ =	sdelay $0x7  }
0x271: {  	[tilespmem:v2+s4+$0x0] =	vst.idx.msk $0xffff, v0  }
0x272: {  	_ =	swait.ge [sflag:s28], $0x80  }
0x273: {  	[sflag:s28] =	ssyncset.done $0x0  }
0x274: {  	[sflag:s28] =	ssyncadd.s32 $0xFFFFFF80  }
0x275: {  	v2 =	vld [tilespmem:$0x5000];
	_ =	sdelay $0x7  }
0x276: {  	[tilespmem:v2+s4+$0x0] =	vst.idx.add.f32.msk $0x1, v1  }
0x277: {  	[tilespmem:v2+s4+$0x0] =	vst.idx.add.f32.msk vm0, v1  }
0x278: {  	[tilespmem:v2+s4+$0x0] =	vst.idx.add.f32.msk vm1, v1  }
0x279: {  	[tilespmem:v2+s4+$0x0] =	vst.idx.add.f32.msk vm2, v1  }
0x27a: {  	[tilespmem:v2+s4+$0x0] =	vst.idx.add.f32.msk vm3, v1  }
0x27b: {  	[tilespmem:v2+s4+$0x0] =	vst.idx.add.f32.msk vm4, v1  }
0x27c: {  	[tilespmem:v2+s4+$0x0] =	vst.idx.add.f32.msk vm5, v1  }
0x27d: {  	[tilespmem:v2+s4+$0x0] =	vst.idx.add.f32.msk vm6, v1  }
0x27e: {  	[tilespmem:v2+s4+$0x0] =	vst.idx.add.f32.msk vm7, v1  }
0x27f: {  	[tilespmem:v2+s4+$0x0] =	vst.idx.add.f32.msk vm8, v1  }
0x280: {  	[tilespmem:v2+s4+$0x0] =	vst.idx.add.f32.msk vm9, v1  }
0x281: {  	[tilespmem:v2+s4+$0x0] =	vst.idx.add.f32.msk vm10, v1  }
0x282: {  	[tilespmem:v2+s4+$0x0] =	vst.idx.add.f32.msk vm11, v1  }
0x283: {  	[tilespmem:v2+s4+$0x0] =	vst.idx.add.f32.msk vm12, v1  }
0x284: {  	[tilespmem:v2+s4+$0x0] =	vst.idx.add.f32.msk vm13, v1  }
0x285: {  	[tilespmem:v2+s4+$0x0] =	vst.idx.add.f32.msk vm14, v1  }
0x286: {  	v2 =	vld [tilespmem:$0x5010];
	_ =	sdelay $0x7  }
0x287: {  	[tilespmem:v2+s4+$0x0] =	vst.idx.add.f32.msk $0x1, v1  }
0x288: {  	[tilespmem:v2+s4+$0x0] =	vst.idx.add.f32.msk vm0, v1  }
0x289: {  	[tilespmem:v2+s4+$0x0] =	vst.idx.add.f32.msk vm1, v1  }
0x28a: {  	[tilespmem:v2+s4+$0x0] =	vst.idx.add.f32.msk vm2, v1  }
0x28b: {  	[tilespmem:v2+s4+$0x0] =	vst.idx.add.f32.msk vm3, v1  }
0x28c: {  	[tilespmem:v2+s4+$0x0] =	vst.idx.add.f32.msk vm4, v1  }
0x28d: {  	[tilespmem:v2+s4+$0x0] =	vst.idx.add.f32.msk vm5, v1  }
0x28e: {  	[tilespmem:v2+s4+$0x0] =	vst.idx.add.f32.msk vm6, v1  }
0x28f: {  	[tilespmem:v2+s4+$0x0] =	vst.idx.add.f32.msk vm7, v1  }
0x290: {  	[tilespmem:v2+s4+$0x0] =	vst.idx.add.f32.msk vm8, v1  }
0x291: {  	[tilespmem:v2+s4+$0x0] =	vst.idx.add.f32.msk vm9, v1  }
0x292: {  	[tilespmem:v2+s4+$0x0] =	vst.idx.add.f32.msk vm10, v1  }
0x293: {  	[tilespmem:v2+s4+$0x0] =	vst.idx.add.f32.msk vm11, v1  }
0x294: {  	[tilespmem:v2+s4+$0x0] =	vst.idx.add.f32.msk vm12, v1  }
0x295: {  	[tilespmem:v2+s4+$0x0] =	vst.idx.add.f32.msk vm13, v1  }
0x296: {  	[tilespmem:v2+s4+$0x0] =	vst.idx.add.f32.msk vm14, v1  }
0x297: {  	v2 =	vld [tilespmem:$0x5020];
	_ =	sdelay $0x7  }
0x298: {  	[tilespmem:v2+s4+$0x0] =	vst.idx.add.f32.msk $0x1, v1  }
0x299: {  	[tilespmem:v2+s4+$0x0] =	vst.idx.add.f32.msk vm0, v1  }
0x29a: {  	[tilespmem:v2+s4+$0x0] =	vst.idx.add.f32.msk vm1, v1  }
0x29b: {  	[tilespmem:v2+s4+$0x0] =	vst.idx.add.f32.msk vm2, v1  }
0x29c: {  	[tilespmem:v2+s4+$0x0] =	vst.idx.add.f32.msk vm3, v1  }
0x29d: {  	[tilespmem:v2+s4+$0x0] =	vst.idx.add.f32.msk vm4, v1  }
0x29e: {  	[tilespmem:v2+s4+$0x0] =	vst.idx.add.f32.msk vm5, v1  }
0x29f: {  	[tilespmem:v2+s4+$0x0] =	vst.idx.add.f32.msk vm6, v1  }
0x2a0: {  	[tilespmem:v2+s4+$0x0] =	vst.idx.add.f32.msk vm7, v1  }
0x2a1: {  	[tilespmem:v2+s4+$0x0] =	vst.idx.add.f32.msk vm8, v1  }
0x2a2: {  	[tilespmem:v2+s4+$0x0] =	vst.idx.add.f32.msk vm9, v1  }
0x2a3: {  	[tilespmem:v2+s4+$0x0] =	vst.idx.add.f32.msk vm10, v1  }
0x2a4: {  	[tilespmem:v2+s4+$0x0] =	vst.idx.add.f32.msk vm11, v1  }
0x2a5: {  	[tilespmem:v2+s4+$0x0] =	vst.idx.add.f32.msk vm12, v1  }
0x2a6: {  	[tilespmem:v2+s4+$0x0] =	vst.idx.add.f32.msk vm13, v1  }
0x2a7: {  	[tilespmem:v2+s4+$0x0] =	vst.idx.add.f32.msk vm14, v1  }
0x2a8: {  	v2 =	vld [tilespmem:$0x5030];
	_ =	sdelay $0x7  }
0x2a9: {  	[tilespmem:v2+s4+$0x0] =	vst.idx.add.f32.msk $0x1, v1  }
0x2aa: {  	[tilespmem:v2+s4+$0x0] =	vst.idx.add.f32.msk vm0, v1  }
0x2ab: {  	[tilespmem:v2+s4+$0x0] =	vst.idx.add.f32.msk vm1, v1  }
0x2ac: {  	[tilespmem:v2+s4+$0x0] =	vst.idx.add.f32.msk vm2, v1  }
0x2ad: {  	[tilespmem:v2+s4+$0x0] =	vst.idx.add.f32.msk vm3, v1  }
0x2ae: {  	[tilespmem:v2+s4+$0x0] =	vst.idx.add.f32.msk vm4, v1  }
0x2af: {  	[tilespmem:v2+s4+$0x0] =	vst.idx.add.f32.msk vm5, v1  }
0x2b0: {  	[tilespmem:v2+s4+$0x0] =	vst.idx.add.f32.msk vm6, v1  }
0x2b1: {  	[tilespmem:v2+s4+$0x0] =	vst.idx.add.f32.msk vm7, v1  }
0x2b2: {  	[tilespmem:v2+s4+$0x0] =	vst.idx.add.f32.msk vm8, v1  }
0x2b3: {  	[tilespmem:v2+s4+$0x0] =	vst.idx.add.f32.msk vm9, v1  }
0x2b4: {  	[tilespmem:v2+s4+$0x0] =	vst.idx.add.f32.msk vm10, v1  }
0x2b5: {  	[tilespmem:v2+s4+$0x0] =	vst.idx.add.f32.msk vm11, v1  }
0x2b6: {  	[tilespmem:v2+s4+$0x0] =	vst.idx.add.f32.msk vm12, v1  }
0x2b7: {  	[tilespmem:v2+s4+$0x0] =	vst.idx.add.f32.msk vm13, v1  }
0x2b8: {  	[tilespmem:v2+s4+$0x0] =	vst.idx.add.f32.msk vm14, v1  }
0x2b9: {  	v2 =	vld [tilespmem:$0x5040];
	_ =	sdelay $0x7  }
0x2ba: {  	[tilespmem:v2+s4+$0x0] =	vst.idx.add.f32.msk $0x1, v1  }
0x2bb: {  	[tilespmem:v2+s4+$0x0] =	vst.idx.add.f32.msk vm0, v1  }
0x2bc: {  	[tilespmem:v2+s4+$0x0] =	vst.idx.add.f32.msk vm1, v1  }
0x2bd: {  	[tilespmem:v2+s4+$0x0] =	vst.idx.add.f32.msk vm2, v1  }
0x2be: {  	[tilespmem:v2+s4+$0x0] =	vst.idx.add.f32.msk vm3, v1  }
0x2bf: {  	[tilespmem:v2+s4+$0x0] =	vst.idx.add.f32.msk vm4, v1  }
0x2c0: {  	[tilespmem:v2+s4+$0x0] =	vst.idx.add.f32.msk vm5, v1  }
0x2c1: {  	[tilespmem:v2+s4+$0x0] =	vst.idx.add.f32.msk vm6, v1  }
0x2c2: {  	[tilespmem:v2+s4+$0x0] =	vst.idx.add.f32.msk vm7, v1  }
0x2c3: {  	[tilespmem:v2+s4+$0x0] =	vst.idx.add.f32.msk vm8, v1  }
0x2c4: {  	[tilespmem:v2+s4+$0x0] =	vst.idx.add.f32.msk vm9, v1  }
0x2c5: {  	[tilespmem:v2+s4+$0x0] =	vst.idx.add.f32.msk vm10, v1  }
0x2c6: {  	[tilespmem:v2+s4+$0x0] =	vst.idx.add.f32.msk vm11, v1  }
0x2c7: {  	[tilespmem:v2+s4+$0x0] =	vst.idx.add.f32.msk vm12, v1  }
0x2c8: {  	[tilespmem:v2+s4+$0x0] =	vst.idx.add.f32.msk vm13, v1  }
0x2c9: {  	[tilespmem:v2+s4+$0x0] =	vst.idx.add.f32.msk vm14, v1  }
0x2ca: {  	v2 =	vld [tilespmem:$0x5050];
	_ =	sdelay $0x7  }
0x2cb: {  	[tilespmem:v2+s4+$0x0] =	vst.idx.add.f32.msk $0x1, v1  }
0x2cc: {  	[tilespmem:v2+s4+$0x0] =	vst.idx.add.f32.msk vm0, v1  }
0x2cd: {  	[tilespmem:v2+s4+$0x0] =	vst.idx.add.f32.msk vm1, v1  }
0x2ce: {  	[tilespmem:v2+s4+$0x0] =	vst.idx.add.f32.msk vm2, v1  }
0x2cf: {  	[tilespmem:v2+s4+$0x0] =	vst.idx.add.f32.msk vm3, v1  }
0x2d0: {  	[tilespmem:v2+s4+$0x0] =	vst.idx.add.f32.msk vm4, v1  }
0x2d1: {  	[tilespmem:v2+s4+$0x0] =	vst.idx.add.f32.msk vm5, v1  }
0x2d2: {  	[tilespmem:v2+s4+$0x0] =	vst.idx.add.f32.msk vm6, v1  }
0x2d3: {  	[tilespmem:v2+s4+$0x0] =	vst.idx.add.f32.msk vm7, v1  }
0x2d4: {  	[tilespmem:v2+s4+$0x0] =	vst.idx.add.f32.msk vm8, v1  }
0x2d5: {  	[tilespmem:v2+s4+$0x0] =	vst.idx.add.f32.msk vm9, v1  }
0x2d6: {  	[tilespmem:v2+s4+$0x0] =	vst.idx.add.f32.msk vm10, v1  }
0x2d7: {  	[tilespmem:v2+s4+$0x0] =	vst.idx.add.f32.msk vm11, v1  }
0x2d8: {  	[tilespmem:v2+s4+$0x0] =	vst.idx.add.f32.msk vm12, v1  }
0x2d9: {  	[tilespmem:v2+s4+$0x0] =	vst.idx.add.f32.msk vm13, v1  }
0x2da: {  	[tilespmem:v2+s4+$0x0] =	vst.idx.add.f32.msk vm14, v1  }
0x2db: {  	v2 =	vld [tilespmem:$0x5060];
	_ =	sdelay $0x7  }
0x2dc: {  	[tilespmem:v2+s4+$0x0] =	vst.idx.add.f32.msk $0x1, v1  }
0x2dd: {  	[tilespmem:v2+s4+$0x0] =	vst.idx.add.f32.msk vm0, v1  }
0x2de: {  	[tilespmem:v2+s4+$0x0] =	vst.idx.add.f32.msk vm1, v1  }
0x2df: {  	[tilespmem:v2+s4+$0x0] =	vst.idx.add.f32.msk vm2, v1  }
0x2e0: {  	[tilespmem:v2+s4+$0x0] =	vst.idx.add.f32.msk vm3, v1  }
0x2e1: {  	[tilespmem:v2+s4+$0x0] =	vst.idx.add.f32.msk vm4, v1  }
0x2e2: {  	[tilespmem:v2+s4+$0x0] =	vst.idx.add.f32.msk vm5, v1  }
0x2e3: {  	[tilespmem:v2+s4+$0x0] =	vst.idx.add.f32.msk vm6, v1  }
0x2e4: {  	[tilespmem:v2+s4+$0x0] =	vst.idx.add.f32.msk vm7, v1  }
0x2e5: {  	[tilespmem:v2+s4+$0x0] =	vst.idx.add.f32.msk vm8, v1  }
0x2e6: {  	[tilespmem:v2+s4+$0x0] =	vst.idx.add.f32.msk vm9, v1  }
0x2e7: {  	[tilespmem:v2+s4+$0x0] =	vst.idx.add.f32.msk vm10, v1  }
0x2e8: {  	[tilespmem:v2+s4+$0x0] =	vst.idx.add.f32.msk vm11, v1  }
0x2e9: {  	[tilespmem:v2+s4+$0x0] =	vst.idx.add.f32.msk vm12, v1  }
0x2ea: {  	[tilespmem:v2+s4+$0x0] =	vst.idx.add.f32.msk vm13, v1  }
0x2eb: {  	[tilespmem:v2+s4+$0x0] =	vst.idx.add.f32.msk vm14, v1  }
0x2ec: {  	v2 =	vld [tilespmem:$0x5070];
	_ =	sdelay $0x7  }
0x2ed: {  	[tilespmem:v2+s4+$0x0] =	vst.idx.add.f32.msk $0x1, v1  }
0x2ee: {  	[tilespmem:v2+s4+$0x0] =	vst.idx.add.f32.msk vm0, v1  }
0x2ef: {  	[tilespmem:v2+s4+$0x0] =	vst.idx.add.f32.msk vm1, v1  }
0x2f0: {  	[tilespmem:v2+s4+$0x0] =	vst.idx.add.f32.msk vm2, v1  }
0x2f1: {  	[tilespmem:v2+s4+$0x0] =	vst.idx.add.f32.msk vm3, v1  }
0x2f2: {  	[tilespmem:v2+s4+$0x0] =	vst.idx.add.f32.msk vm4, v1  }
0x2f3: {  	[tilespmem:v2+s4+$0x0] =	vst.idx.add.f32.msk vm5, v1  }
0x2f4: {  	[tilespmem:v2+s4+$0x0] =	vst.idx.add.f32.msk vm6, v1  }
0x2f5: {  	[tilespmem:v2+s4+$0x0] =	vst.idx.add.f32.msk vm7, v1  }
0x2f6: {  	[tilespmem:v2+s4+$0x0] =	vst.idx.add.f32.msk vm8, v1  }
0x2f7: {  	[tilespmem:v2+s4+$0x0] =	vst.idx.add.f32.msk vm9, v1  }
0x2f8: {  	[tilespmem:v2+s4+$0x0] =	vst.idx.add.f32.msk vm10, v1  }
0x2f9: {  	[tilespmem:v2+s4+$0x0] =	vst.idx.add.f32.msk vm11, v1  }
0x2fa: {  	[tilespmem:v2+s4+$0x0] =	vst.idx.add.f32.msk vm12, v1  }
0x2fb: {  	[tilespmem:v2+s4+$0x0] =	vst.idx.add.f32.msk vm13, v1  }
0x2fc: {  	s10 =	rddreg [dreg:$0x5];
	[tilespmem:v2+s4+$0x0] =	vst.idx.add.f32.msk vm14, v1  }
0x2fd: {  	[hbm4b:s10+s0] =	stream.strided.scatter [tilespmem:s4], [sflag:$0x4], $0x2780, s3, s0, $0x38;
	[tilespmem:$0x5200] =	vst v63  }
.LBB2_14:
.Ltmp11:
0x2fe: {  	(pc) =	sbr.rel @!p0 .LBB2_16-.Ltmp11, $1  }
0x2ff: {  	_ =	sdelay $0x3  }
0x300: {  	_ =	swait.ge [sflag:s2], $0x2780  }
0x301: {  	[sflag:s2] =	ssyncset.done $0x0  }
0x302: {  	[sflag:s2] =	ssyncadd.s32 $0xFFFFD880  }
0x303: {  	v2 =	vld [tilespmem:$0x4F00];
	_ =	sdelay $0x7  }
0x304: {  	[tilespmem:v2+s4+$0x0] =	vst.idx.msk $0xffff, v0  }
0x305: {  	v2 =	vld [tilespmem:$0x4F10];
	_ =	sdelay $0x7  }
0x306: {  	[tilespmem:v2+s4+$0x0] =	vst.idx.msk $0xffff, v0  }
0x307: {  	v2 =	vld [tilespmem:$0x4F20];
	_ =	sdelay $0x7  }
0x308: {  	[tilespmem:v2+s4+$0x0] =	vst.idx.msk $0xffff, v0  }
0x309: {  	v2 =	vld [tilespmem:$0x4F30];
	_ =	sdelay $0x7  }
0x30a: {  	[tilespmem:v2+s4+$0x0] =	vst.idx.msk $0xffff, v0  }
0x30b: {  	v2 =	vld [tilespmem:$0x4F40];
	_ =	sdelay $0x7  }
0x30c: {  	[tilespmem:v2+s4+$0x0] =	vst.idx.msk $0xffff, v0  }
0x30d: {  	v2 =	vld [tilespmem:$0x4F50];
	_ =	sdelay $0x7  }
0x30e: {  	[tilespmem:v2+s4+$0x0] =	vst.idx.msk $0xffff, v0  }
0x30f: {  	v2 =	vld [tilespmem:$0x4F60];
	_ =	sdelay $0x7  }
0x310: {  	[tilespmem:v2+s4+$0x0] =	vst.idx.msk $0xffff, v0  }
0x311: {  	v2 =	vld [tilespmem:$0x4F70];
	_ =	sdelay $0x7  }
0x312: {  	[tilespmem:v2+s4+$0x0] =	vst.idx.msk $0xffff, v0  }
0x313: {  	_ =	swait.ge [sflag:s28], $0x80  }
0x314: {  	[sflag:s28] =	ssyncset.done $0x0  }
0x315: {  	[sflag:s28] =	ssyncadd.s32 $0xFFFFFF80  }
0x316: {  	v2 =	vld [tilespmem:$0x5000];
	_ =	sdelay $0x7  }
0x317: {  	[tilespmem:v2+s4+$0x0] =	vst.idx.add.f32.msk $0x1, v1  }
0x318: {  	[tilespmem:v2+s4+$0x0] =	vst.idx.add.f32.msk vm0, v1  }
0x319: {  	[tilespmem:v2+s4+$0x0] =	vst.idx.add.f32.msk vm1, v1  }
0x31a: {  	[tilespmem:v2+s4+$0x0] =	vst.idx.add.f32.msk vm2, v1  }
0x31b: {  	[tilespmem:v2+s4+$0x0] =	vst.idx.add.f32.msk vm3, v1  }
0x31c: {  	[tilespmem:v2+s4+$0x0] =	vst.idx.add.f32.msk vm4, v1  }
0x31d: {  	[tilespmem:v2+s4+$0x0] =	vst.idx.add.f32.msk vm5, v1  }
0x31e: {  	[tilespmem:v2+s4+$0x0] =	vst.idx.add.f32.msk vm6, v1  }
0x31f: {  	[tilespmem:v2+s4+$0x0] =	vst.idx.add.f32.msk vm7, v1  }
0x320: {  	[tilespmem:v2+s4+$0x0] =	vst.idx.add.f32.msk vm8, v1  }
0x321: {  	[tilespmem:v2+s4+$0x0] =	vst.idx.add.f32.msk vm9, v1  }
0x322: {  	[tilespmem:v2+s4+$0x0] =	vst.idx.add.f32.msk vm10, v1  }
0x323: {  	[tilespmem:v2+s4+$0x0] =	vst.idx.add.f32.msk vm11, v1  }
0x324: {  	[tilespmem:v2+s4+$0x0] =	vst.idx.add.f32.msk vm12, v1  }
0x325: {  	[tilespmem:v2+s4+$0x0] =	vst.idx.add.f32.msk vm13, v1  }
0x326: {  	[tilespmem:v2+s4+$0x0] =	vst.idx.add.f32.msk vm14, v1  }
0x327: {  	v2 =	vld [tilespmem:$0x5010];
	_ =	sdelay $0x7  }
0x328: {  	[tilespmem:v2+s4+$0x0] =	vst.idx.add.f32.msk $0x1, v1  }
0x329: {  	[tilespmem:v2+s4+$0x0] =	vst.idx.add.f32.msk vm0, v1  }
0x32a: {  	[tilespmem:v2+s4+$0x0] =	vst.idx.add.f32.msk vm1, v1  }
0x32b: {  	[tilespmem:v2+s4+$0x0] =	vst.idx.add.f32.msk vm2, v1  }
0x32c: {  	[tilespmem:v2+s4+$0x0] =	vst.idx.add.f32.msk vm3, v1  }
0x32d: {  	[tilespmem:v2+s4+$0x0] =	vst.idx.add.f32.msk vm4, v1  }
0x32e: {  	[tilespmem:v2+s4+$0x0] =	vst.idx.add.f32.msk vm5, v1  }
0x32f: {  	[tilespmem:v2+s4+$0x0] =	vst.idx.add.f32.msk vm6, v1  }
0x330: {  	[tilespmem:v2+s4+$0x0] =	vst.idx.add.f32.msk vm7, v1  }
0x331: {  	[tilespmem:v2+s4+$0x0] =	vst.idx.add.f32.msk vm8, v1  }
0x332: {  	[tilespmem:v2+s4+$0x0] =	vst.idx.add.f32.msk vm9, v1  }
0x333: {  	[tilespmem:v2+s4+$0x0] =	vst.idx.add.f32.msk vm10, v1  }
0x334: {  	[tilespmem:v2+s4+$0x0] =	vst.idx.add.f32.msk vm11, v1  }
0x335: {  	[tilespmem:v2+s4+$0x0] =	vst.idx.add.f32.msk vm12, v1  }
0x336: {  	[tilespmem:v2+s4+$0x0] =	vst.idx.add.f32.msk vm13, v1  }
0x337: {  	[tilespmem:v2+s4+$0x0] =	vst.idx.add.f32.msk vm14, v1  }
0x338: {  	v2 =	vld [tilespmem:$0x5020];
	_ =	sdelay $0x7  }
0x339: {  	[tilespmem:v2+s4+$0x0] =	vst.idx.add.f32.msk $0x1, v1  }
0x33a: {  	[tilespmem:v2+s4+$0x0] =	vst.idx.add.f32.msk vm0, v1  }
0x33b: {  	[tilespmem:v2+s4+$0x0] =	vst.idx.add.f32.msk vm1, v1  }
0x33c: {  	[tilespmem:v2+s4+$0x0] =	vst.idx.add.f32.msk vm2, v1  }
0x33d: {  	[tilespmem:v2+s4+$0x0] =	vst.idx.add.f32.msk vm3, v1  }
0x33e: {  	[tilespmem:v2+s4+$0x0] =	vst.idx.add.f32.msk vm4, v1  }
0x33f: {  	[tilespmem:v2+s4+$0x0] =	vst.idx.add.f32.msk vm5, v1  }
0x340: {  	[tilespmem:v2+s4+$0x0] =	vst.idx.add.f32.msk vm6, v1  }
0x341: {  	[tilespmem:v2+s4+$0x0] =	vst.idx.add.f32.msk vm7, v1  }
0x342: {  	[tilespmem:v2+s4+$0x0] =	vst.idx.add.f32.msk vm8, v1  }
0x343: {  	[tilespmem:v2+s4+$0x0] =	vst.idx.add.f32.msk vm9, v1  }
0x344: {  	[tilespmem:v2+s4+$0x0] =	vst.idx.add.f32.msk vm10, v1  }
0x345: {  	[tilespmem:v2+s4+$0x0] =	vst.idx.add.f32.msk vm11, v1  }
0x346: {  	[tilespmem:v2+s4+$0x0] =	vst.idx.add.f32.msk vm12, v1  }
0x347: {  	[tilespmem:v2+s4+$0x0] =	vst.idx.add.f32.msk vm13, v1  }
0x348: {  	[tilespmem:v2+s4+$0x0] =	vst.idx.add.f32.msk vm14, v1  }
0x349: {  	v2 =	vld [tilespmem:$0x5030];
	_ =	sdelay $0x7  }
0x34a: {  	[tilespmem:v2+s4+$0x0] =	vst.idx.add.f32.msk $0x1, v1  }
0x34b: {  	[tilespmem:v2+s4+$0x0] =	vst.idx.add.f32.msk vm0, v1  }
0x34c: {  	[tilespmem:v2+s4+$0x0] =	vst.idx.add.f32.msk vm1, v1  }
0x34d: {  	[tilespmem:v2+s4+$0x0] =	vst.idx.add.f32.msk vm2, v1  }
0x34e: {  	[tilespmem:v2+s4+$0x0] =	vst.idx.add.f32.msk vm3, v1  }
0x34f: {  	[tilespmem:v2+s4+$0x0] =	vst.idx.add.f32.msk vm4, v1  }
0x350: {  	[tilespmem:v2+s4+$0x0] =	vst.idx.add.f32.msk vm5, v1  }
0x351: {  	[tilespmem:v2+s4+$0x0] =	vst.idx.add.f32.msk vm6, v1  }
0x352: {  	[tilespmem:v2+s4+$0x0] =	vst.idx.add.f32.msk vm7, v1  }
0x353: {  	[tilespmem:v2+s4+$0x0] =	vst.idx.add.f32.msk vm8, v1  }
0x354: {  	[tilespmem:v2+s4+$0x0] =	vst.idx.add.f32.msk vm9, v1  }
0x355: {  	[tilespmem:v2+s4+$0x0] =	vst.idx.add.f32.msk vm10, v1  }
0x356: {  	[tilespmem:v2+s4+$0x0] =	vst.idx.add.f32.msk vm11, v1  }
0x357: {  	[tilespmem:v2+s4+$0x0] =	vst.idx.add.f32.msk vm12, v1  }
0x358: {  	[tilespmem:v2+s4+$0x0] =	vst.idx.add.f32.msk vm13, v1  }
0x359: {  	[tilespmem:v2+s4+$0x0] =	vst.idx.add.f32.msk vm14, v1  }
0x35a: {  	v2 =	vld [tilespmem:$0x5040];
	_ =	sdelay $0x7  }
0x35b: {  	[tilespmem:v2+s4+$0x0] =	vst.idx.add.f32.msk $0x1, v1  }
0x35c: {  	[tilespmem:v2+s4+$0x0] =	vst.idx.add.f32.msk vm0, v1  }
0x35d: {  	[tilespmem:v2+s4+$0x0] =	vst.idx.add.f32.msk vm1, v1  }
0x35e: {  	[tilespmem:v2+s4+$0x0] =	vst.idx.add.f32.msk vm2, v1  }
0x35f: {  	[tilespmem:v2+s4+$0x0] =	vst.idx.add.f32.msk vm3, v1  }
0x360: {  	[tilespmem:v2+s4+$0x0] =	vst.idx.add.f32.msk vm4, v1  }
0x361: {  	[tilespmem:v2+s4+$0x0] =	vst.idx.add.f32.msk vm5, v1  }
0x362: {  	[tilespmem:v2+s4+$0x0] =	vst.idx.add.f32.msk vm6, v1  }
0x363: {  	[tilespmem:v2+s4+$0x0] =	vst.idx.add.f32.msk vm7, v1  }
0x364: {  	[tilespmem:v2+s4+$0x0] =	vst.idx.add.f32.msk vm8, v1  }
0x365: {  	[tilespmem:v2+s4+$0x0] =	vst.idx.add.f32.msk vm9, v1  }
0x366: {  	[tilespmem:v2+s4+$0x0] =	vst.idx.add.f32.msk vm10, v1  }
0x367: {  	[tilespmem:v2+s4+$0x0] =	vst.idx.add.f32.msk vm11, v1  }
0x368: {  	[tilespmem:v2+s4+$0x0] =	vst.idx.add.f32.msk vm12, v1  }
0x369: {  	[tilespmem:v2+s4+$0x0] =	vst.idx.add.f32.msk vm13, v1  }
0x36a: {  	[tilespmem:v2+s4+$0x0] =	vst.idx.add.f32.msk vm14, v1  }
0x36b: {  	v2 =	vld [tilespmem:$0x5050];
	_ =	sdelay $0x7  }
0x36c: {  	[tilespmem:v2+s4+$0x0] =	vst.idx.add.f32.msk $0x1, v1  }
0x36d: {  	[tilespmem:v2+s4+$0x0] =	vst.idx.add.f32.msk vm0, v1  }
0x36e: {  	[tilespmem:v2+s4+$0x0] =	vst.idx.add.f32.msk vm1, v1  }
0x36f: {  	[tilespmem:v2+s4+$0x0] =	vst.idx.add.f32.msk vm2, v1  }
0x370: {  	[tilespmem:v2+s4+$0x0] =	vst.idx.add.f32.msk vm3, v1  }
0x371: {  	[tilespmem:v2+s4+$0x0] =	vst.idx.add.f32.msk vm4, v1  }
0x372: {  	[tilespmem:v2+s4+$0x0] =	vst.idx.add.f32.msk vm5, v1  }
0x373: {  	[tilespmem:v2+s4+$0x0] =	vst.idx.add.f32.msk vm6, v1  }
0x374: {  	[tilespmem:v2+s4+$0x0] =	vst.idx.add.f32.msk vm7, v1  }
0x375: {  	[tilespmem:v2+s4+$0x0] =	vst.idx.add.f32.msk vm8, v1  }
0x376: {  	[tilespmem:v2+s4+$0x0] =	vst.idx.add.f32.msk vm9, v1  }
0x377: {  	[tilespmem:v2+s4+$0x0] =	vst.idx.add.f32.msk vm10, v1  }
0x378: {  	[tilespmem:v2+s4+$0x0] =	vst.idx.add.f32.msk vm11, v1  }
0x379: {  	[tilespmem:v2+s4+$0x0] =	vst.idx.add.f32.msk vm12, v1  }
0x37a: {  	[tilespmem:v2+s4+$0x0] =	vst.idx.add.f32.msk vm13, v1  }
0x37b: {  	[tilespmem:v2+s4+$0x0] =	vst.idx.add.f32.msk vm14, v1  }
0x37c: {  	v2 =	vld [tilespmem:$0x5060];
	_ =	sdelay $0x7  }
0x37d: {  	[tilespmem:v2+s4+$0x0] =	vst.idx.add.f32.msk $0x1, v1  }
0x37e: {  	[tilespmem:v2+s4+$0x0] =	vst.idx.add.f32.msk vm0, v1  }
0x37f: {  	[tilespmem:v2+s4+$0x0] =	vst.idx.add.f32.msk vm1, v1  }
0x380: {  	[tilespmem:v2+s4+$0x0] =	vst.idx.add.f32.msk vm2, v1  }
0x381: {  	[tilespmem:v2+s4+$0x0] =	vst.idx.add.f32.msk vm3, v1  }
0x382: {  	[tilespmem:v2+s4+$0x0] =	vst.idx.add.f32.msk vm4, v1  }
0x383: {  	[tilespmem:v2+s4+$0x0] =	vst.idx.add.f32.msk vm5, v1  }
0x384: {  	[tilespmem:v2+s4+$0x0] =	vst.idx.add.f32.msk vm6, v1  }
0x385: {  	[tilespmem:v2+s4+$0x0] =	vst.idx.add.f32.msk vm7, v1  }
0x386: {  	[tilespmem:v2+s4+$0x0] =	vst.idx.add.f32.msk vm8, v1  }
0x387: {  	[tilespmem:v2+s4+$0x0] =	vst.idx.add.f32.msk vm9, v1  }
0x388: {  	[tilespmem:v2+s4+$0x0] =	vst.idx.add.f32.msk vm10, v1  }
0x389: {  	[tilespmem:v2+s4+$0x0] =	vst.idx.add.f32.msk vm11, v1  }
0x38a: {  	[tilespmem:v2+s4+$0x0] =	vst.idx.add.f32.msk vm12, v1  }
0x38b: {  	[tilespmem:v2+s4+$0x0] =	vst.idx.add.f32.msk vm13, v1  }
0x38c: {  	[tilespmem:v2+s4+$0x0] =	vst.idx.add.f32.msk vm14, v1  }
0x38d: {  	v2 =	vld [tilespmem:$0x5070];
	_ =	sdelay $0x7  }
0x38e: {  	[tilespmem:v2+s4+$0x0] =	vst.idx.add.f32.msk $0x1, v1  }
0x38f: {  	[tilespmem:v2+s4+$0x0] =	vst.idx.add.f32.msk vm0, v1  }
0x390: {  	[tilespmem:v2+s4+$0x0] =	vst.idx.add.f32.msk vm1, v1  }
0x391: {  	[tilespmem:v2+s4+$0x0] =	vst.idx.add.f32.msk vm2, v1  }
0x392: {  	[tilespmem:v2+s4+$0x0] =	vst.idx.add.f32.msk vm3, v1  }
0x393: {  	[tilespmem:v2+s4+$0x0] =	vst.idx.add.f32.msk vm4, v1  }
0x394: {  	[tilespmem:v2+s4+$0x0] =	vst.idx.add.f32.msk vm5, v1  }
0x395: {  	[tilespmem:v2+s4+$0x0] =	vst.idx.add.f32.msk vm6, v1  }
0x396: {  	[tilespmem:v2+s4+$0x0] =	vst.idx.add.f32.msk vm7, v1  }
0x397: {  	[tilespmem:v2+s4+$0x0] =	vst.idx.add.f32.msk vm8, v1  }
0x398: {  	[tilespmem:v2+s4+$0x0] =	vst.idx.add.f32.msk vm9, v1  }
0x399: {  	[tilespmem:v2+s4+$0x0] =	vst.idx.add.f32.msk vm10, v1  }
0x39a: {  	[tilespmem:v2+s4+$0x0] =	vst.idx.add.f32.msk vm11, v1  }
0x39b: {  	[tilespmem:v2+s4+$0x0] =	vst.idx.add.f32.msk vm12, v1  }
0x39c: {  	[tilespmem:v2+s4+$0x0] =	vst.idx.add.f32.msk vm13, v1  }
0x39d: {  	s10 =	rddreg [dreg:$0x6];
	[tilespmem:v2+s4+$0x0] =	vst.idx.add.f32.msk vm14, v1  }
0x39e: {  	[hbm4b:s10+s0] =	stream.strided.scatter [tilespmem:s4], [sflag:$0x4], $0x2780, s3, s0, $0x38;
	[tilespmem:$0x5200] =	vst v63  }
.LBB2_16:
.Ltmp12:
0x39f: {  	(pc) =	sbr.rel @!p5 .LBB2_18-.Ltmp12, $1  }
0x3a0: {  	_ =	sdelay $0x3  }
0x3a1: {  	_ =	swait.ge [sflag:s2], $0x2780  }
0x3a2: {  	[sflag:s2] =	ssyncset.done $0x0  }
0x3a3: {  	[sflag:s2] =	ssyncadd.s32 $0xFFFFD880  }
0x3a4: {  	v2 =	vld [tilespmem:$0x4F00];
	_ =	sdelay $0x7  }
0x3a5: {  	[tilespmem:v2+s4+$0x0] =	vst.idx.msk $0xffff, v0  }
0x3a6: {  	v2 =	vld [tilespmem:$0x4F10];
	_ =	sdelay $0x7  }
0x3a7: {  	[tilespmem:v2+s4+$0x0] =	vst.idx.msk $0xffff, v0  }
0x3a8: {  	v2 =	vld [tilespmem:$0x4F20];
	_ =	sdelay $0x7  }
0x3a9: {  	[tilespmem:v2+s4+$0x0] =	vst.idx.msk $0xffff, v0  }
0x3aa: {  	v2 =	vld [tilespmem:$0x4F30];
	_ =	sdelay $0x7  }
0x3ab: {  	[tilespmem:v2+s4+$0x0] =	vst.idx.msk $0xffff, v0  }
0x3ac: {  	v2 =	vld [tilespmem:$0x4F40];
	_ =	sdelay $0x7  }
0x3ad: {  	[tilespmem:v2+s4+$0x0] =	vst.idx.msk $0xffff, v0  }
0x3ae: {  	v2 =	vld [tilespmem:$0x4F50];
	_ =	sdelay $0x7  }
0x3af: {  	[tilespmem:v2+s4+$0x0] =	vst.idx.msk $0xffff, v0  }
0x3b0: {  	v2 =	vld [tilespmem:$0x4F60];
	_ =	sdelay $0x7  }
0x3b1: {  	[tilespmem:v2+s4+$0x0] =	vst.idx.msk $0xffff, v0  }
0x3b2: {  	v2 =	vld [tilespmem:$0x4F70];
	_ =	sdelay $0x7  }
0x3b3: {  	[tilespmem:v2+s4+$0x0] =	vst.idx.msk $0xffff, v0  }
0x3b4: {  	_ =	swait.ge [sflag:s28], $0x80  }
0x3b5: {  	[sflag:s28] =	ssyncset.done $0x0  }
0x3b6: {  	[sflag:s28] =	ssyncadd.s32 $0xFFFFFF80  }
0x3b7: {  	v2 =	vld [tilespmem:$0x5000];
	_ =	sdelay $0x7  }
0x3b8: {  	[tilespmem:v2+s4+$0x0] =	vst.idx.add.f32.msk $0x1, v1  }
0x3b9: {  	[tilespmem:v2+s4+$0x0] =	vst.idx.add.f32.msk vm0, v1  }
0x3ba: {  	[tilespmem:v2+s4+$0x0] =	vst.idx.add.f32.msk vm1, v1  }
0x3bb: {  	[tilespmem:v2+s4+$0x0] =	vst.idx.add.f32.msk vm2, v1  }
0x3bc: {  	[tilespmem:v2+s4+$0x0] =	vst.idx.add.f32.msk vm3, v1  }
0x3bd: {  	[tilespmem:v2+s4+$0x0] =	vst.idx.add.f32.msk vm4, v1  }
0x3be: {  	[tilespmem:v2+s4+$0x0] =	vst.idx.add.f32.msk vm5, v1  }
0x3bf: {  	[tilespmem:v2+s4+$0x0] =	vst.idx.add.f32.msk vm6, v1  }
0x3c0: {  	[tilespmem:v2+s4+$0x0] =	vst.idx.add.f32.msk vm7, v1  }
0x3c1: {  	[tilespmem:v2+s4+$0x0] =	vst.idx.add.f32.msk vm8, v1  }
0x3c2: {  	[tilespmem:v2+s4+$0x0] =	vst.idx.add.f32.msk vm9, v1  }
0x3c3: {  	[tilespmem:v2+s4+$0x0] =	vst.idx.add.f32.msk vm10, v1  }
0x3c4: {  	[tilespmem:v2+s4+$0x0] =	vst.idx.add.f32.msk vm11, v1  }
0x3c5: {  	[tilespmem:v2+s4+$0x0] =	vst.idx.add.f32.msk vm12, v1  }
0x3c6: {  	[tilespmem:v2+s4+$0x0] =	vst.idx.add.f32.msk vm13, v1  }
0x3c7: {  	[tilespmem:v2+s4+$0x0] =	vst.idx.add.f32.msk vm14, v1  }
0x3c8: {  	v2 =	vld [tilespmem:$0x5010];
	_ =	sdelay $0x7  }
0x3c9: {  	[tilespmem:v2+s4+$0x0] =	vst.idx.add.f32.msk $0x1, v1  }
0x3ca: {  	[tilespmem:v2+s4+$0x0] =	vst.idx.add.f32.msk vm0, v1  }
0x3cb: {  	[tilespmem:v2+s4+$0x0] =	vst.idx.add.f32.msk vm1, v1  }
0x3cc: {  	[tilespmem:v2+s4+$0x0] =	vst.idx.add.f32.msk vm2, v1  }
0x3cd: {  	[tilespmem:v2+s4+$0x0] =	vst.idx.add.f32.msk vm3, v1  }
0x3ce: {  	[tilespmem:v2+s4+$0x0] =	vst.idx.add.f32.msk vm4, v1  }
0x3cf: {  	[tilespmem:v2+s4+$0x0] =	vst.idx.add.f32.msk vm5, v1  }
0x3d0: {  	[tilespmem:v2+s4+$0x0] =	vst.idx.add.f32.msk vm6, v1  }
0x3d1: {  	[tilespmem:v2+s4+$0x0] =	vst.idx.add.f32.msk vm7, v1  }
0x3d2: {  	[tilespmem:v2+s4+$0x0] =	vst.idx.add.f32.msk vm8, v1  }
0x3d3: {  	[tilespmem:v2+s4+$0x0] =	vst.idx.add.f32.msk vm9, v1  }
0x3d4: {  	[tilespmem:v2+s4+$0x0] =	vst.idx.add.f32.msk vm10, v1  }
0x3d5: {  	[tilespmem:v2+s4+$0x0] =	vst.idx.add.f32.msk vm11, v1  }
0x3d6: {  	[tilespmem:v2+s4+$0x0] =	vst.idx.add.f32.msk vm12, v1  }
0x3d7: {  	[tilespmem:v2+s4+$0x0] =	vst.idx.add.f32.msk vm13, v1  }
0x3d8: {  	[tilespmem:v2+s4+$0x0] =	vst.idx.add.f32.msk vm14, v1  }
0x3d9: {  	v2 =	vld [tilespmem:$0x5020];
	_ =	sdelay $0x7  }
0x3da: {  	[tilespmem:v2+s4+$0x0] =	vst.idx.add.f32.msk $0x1, v1  }
0x3db: {  	[tilespmem:v2+s4+$0x0] =	vst.idx.add.f32.msk vm0, v1  }
0x3dc: {  	[tilespmem:v2+s4+$0x0] =	vst.idx.add.f32.msk vm1, v1  }
0x3dd: {  	[tilespmem:v2+s4+$0x0] =	vst.idx.add.f32.msk vm2, v1  }
0x3de: {  	[tilespmem:v2+s4+$0x0] =	vst.idx.add.f32.msk vm3, v1  }
0x3df: {  	[tilespmem:v2+s4+$0x0] =	vst.idx.add.f32.msk vm4, v1  }
0x3e0: {  	[tilespmem:v2+s4+$0x0] =	vst.idx.add.f32.msk vm5, v1  }
0x3e1: {  	[tilespmem:v2+s4+$0x0] =	vst.idx.add.f32.msk vm6, v1  }
0x3e2: {  	[tilespmem:v2+s4+$0x0] =	vst.idx.add.f32.msk vm7, v1  }
0x3e3: {  	[tilespmem:v2+s4+$0x0] =	vst.idx.add.f32.msk vm8, v1  }
0x3e4: {  	[tilespmem:v2+s4+$0x0] =	vst.idx.add.f32.msk vm9, v1  }
0x3e5: {  	[tilespmem:v2+s4+$0x0] =	vst.idx.add.f32.msk vm10, v1  }
0x3e6: {  	[tilespmem:v2+s4+$0x0] =	vst.idx.add.f32.msk vm11, v1  }
0x3e7: {  	[tilespmem:v2+s4+$0x0] =	vst.idx.add.f32.msk vm12, v1  }
0x3e8: {  	[tilespmem:v2+s4+$0x0] =	vst.idx.add.f32.msk vm13, v1  }
0x3e9: {  	[tilespmem:v2+s4+$0x0] =	vst.idx.add.f32.msk vm14, v1  }
0x3ea: {  	v2 =	vld [tilespmem:$0x5030];
	_ =	sdelay $0x7  }
0x3eb: {  	[tilespmem:v2+s4+$0x0] =	vst.idx.add.f32.msk $0x1, v1  }
0x3ec: {  	[tilespmem:v2+s4+$0x0] =	vst.idx.add.f32.msk vm0, v1  }
0x3ed: {  	[tilespmem:v2+s4+$0x0] =	vst.idx.add.f32.msk vm1, v1  }
0x3ee: {  	[tilespmem:v2+s4+$0x0] =	vst.idx.add.f32.msk vm2, v1  }
0x3ef: {  	[tilespmem:v2+s4+$0x0] =	vst.idx.add.f32.msk vm3, v1  }
0x3f0: {  	[tilespmem:v2+s4+$0x0] =	vst.idx.add.f32.msk vm4, v1  }
0x3f1: {  	[tilespmem:v2+s4+$0x0] =	vst.idx.add.f32.msk vm5, v1  }
0x3f2: {  	[tilespmem:v2+s4+$0x0] =	vst.idx.add.f32.msk vm6, v1  }
0x3f3: {  	[tilespmem:v2+s4+$0x0] =	vst.idx.add.f32.msk vm7, v1  }
0x3f4: {  	[tilespmem:v2+s4+$0x0] =	vst.idx.add.f32.msk vm8, v1  }
0x3f5: {  	[tilespmem:v2+s4+$0x0] =	vst.idx.add.f32.msk vm9, v1  }
0x3f6: {  	[tilespmem:v2+s4+$0x0] =	vst.idx.add.f32.msk vm10, v1  }
0x3f7: {  	[tilespmem:v2+s4+$0x0] =	vst.idx.add.f32.msk vm11, v1  }
0x3f8: {  	[tilespmem:v2+s4+$0x0] =	vst.idx.add.f32.msk vm12, v1  }
0x3f9: {  	[tilespmem:v2+s4+$0x0] =	vst.idx.add.f32.msk vm13, v1  }
0x3fa: {  	[tilespmem:v2+s4+$0x0] =	vst.idx.add.f32.msk vm14, v1  }
0x3fb: {  	v2 =	vld [tilespmem:$0x5040];
	_ =	sdelay $0x7  }
0x3fc: {  	[tilespmem:v2+s4+$0x0] =	vst.idx.add.f32.msk $0x1, v1  }
0x3fd: {  	[tilespmem:v2+s4+$0x0] =	vst.idx.add.f32.msk vm0, v1  }
0x3fe: {  	[tilespmem:v2+s4+$0x0] =	vst.idx.add.f32.msk vm1, v1  }
0x3ff: {  	[tilespmem:v2+s4+$0x0] =	vst.idx.add.f32.msk vm2, v1  }
0x400: {  	[tilespmem:v2+s4+$0x0] =	vst.idx.add.f32.msk vm3, v1  }
0x401: {  	[tilespmem:v2+s4+$0x0] =	vst.idx.add.f32.msk vm4, v1  }
0x402: {  	[tilespmem:v2+s4+$0x0] =	vst.idx.add.f32.msk vm5, v1  }
0x403: {  	[tilespmem:v2+s4+$0x0] =	vst.idx.add.f32.msk vm6, v1  }
0x404: {  	[tilespmem:v2+s4+$0x0] =	vst.idx.add.f32.msk vm7, v1  }
0x405: {  	[tilespmem:v2+s4+$0x0] =	vst.idx.add.f32.msk vm8, v1  }
0x406: {  	[tilespmem:v2+s4+$0x0] =	vst.idx.add.f32.msk vm9, v1  }
0x407: {  	[tilespmem:v2+s4+$0x0] =	vst.idx.add.f32.msk vm10, v1  }
0x408: {  	[tilespmem:v2+s4+$0x0] =	vst.idx.add.f32.msk vm11, v1  }
0x409: {  	[tilespmem:v2+s4+$0x0] =	vst.idx.add.f32.msk vm12, v1  }
0x40a: {  	[tilespmem:v2+s4+$0x0] =	vst.idx.add.f32.msk vm13, v1  }
0x40b: {  	[tilespmem:v2+s4+$0x0] =	vst.idx.add.f32.msk vm14, v1  }
0x40c: {  	v2 =	vld [tilespmem:$0x5050];
	_ =	sdelay $0x7  }
0x40d: {  	[tilespmem:v2+s4+$0x0] =	vst.idx.add.f32.msk $0x1, v1  }
0x40e: {  	[tilespmem:v2+s4+$0x0] =	vst.idx.add.f32.msk vm0, v1  }
0x40f: {  	[tilespmem:v2+s4+$0x0] =	vst.idx.add.f32.msk vm1, v1  }
0x410: {  	[tilespmem:v2+s4+$0x0] =	vst.idx.add.f32.msk vm2, v1  }
0x411: {  	[tilespmem:v2+s4+$0x0] =	vst.idx.add.f32.msk vm3, v1  }
0x412: {  	[tilespmem:v2+s4+$0x0] =	vst.idx.add.f32.msk vm4, v1  }
0x413: {  	[tilespmem:v2+s4+$0x0] =	vst.idx.add.f32.msk vm5, v1  }
0x414: {  	[tilespmem:v2+s4+$0x0] =	vst.idx.add.f32.msk vm6, v1  }
0x415: {  	[tilespmem:v2+s4+$0x0] =	vst.idx.add.f32.msk vm7, v1  }
0x416: {  	[tilespmem:v2+s4+$0x0] =	vst.idx.add.f32.msk vm8, v1  }
0x417: {  	[tilespmem:v2+s4+$0x0] =	vst.idx.add.f32.msk vm9, v1  }
0x418: {  	[tilespmem:v2+s4+$0x0] =	vst.idx.add.f32.msk vm10, v1  }
0x419: {  	[tilespmem:v2+s4+$0x0] =	vst.idx.add.f32.msk vm11, v1  }
0x41a: {  	[tilespmem:v2+s4+$0x0] =	vst.idx.add.f32.msk vm12, v1  }
0x41b: {  	[tilespmem:v2+s4+$0x0] =	vst.idx.add.f32.msk vm13, v1  }
0x41c: {  	[tilespmem:v2+s4+$0x0] =	vst.idx.add.f32.msk vm14, v1  }
0x41d: {  	v2 =	vld [tilespmem:$0x5060];
	_ =	sdelay $0x7  }
0x41e: {  	[tilespmem:v2+s4+$0x0] =	vst.idx.add.f32.msk $0x1, v1  }
0x41f: {  	[tilespmem:v2+s4+$0x0] =	vst.idx.add.f32.msk vm0, v1  }
0x420: {  	[tilespmem:v2+s4+$0x0] =	vst.idx.add.f32.msk vm1, v1  }
0x421: {  	[tilespmem:v2+s4+$0x0] =	vst.idx.add.f32.msk vm2, v1  }
0x422: {  	[tilespmem:v2+s4+$0x0] =	vst.idx.add.f32.msk vm3, v1  }
0x423: {  	[tilespmem:v2+s4+$0x0] =	vst.idx.add.f32.msk vm4, v1  }
0x424: {  	[tilespmem:v2+s4+$0x0] =	vst.idx.add.f32.msk vm5, v1  }
0x425: {  	[tilespmem:v2+s4+$0x0] =	vst.idx.add.f32.msk vm6, v1  }
0x426: {  	[tilespmem:v2+s4+$0x0] =	vst.idx.add.f32.msk vm7, v1  }
0x427: {  	[tilespmem:v2+s4+$0x0] =	vst.idx.add.f32.msk vm8, v1  }
0x428: {  	[tilespmem:v2+s4+$0x0] =	vst.idx.add.f32.msk vm9, v1  }
0x429: {  	[tilespmem:v2+s4+$0x0] =	vst.idx.add.f32.msk vm10, v1  }
0x42a: {  	[tilespmem:v2+s4+$0x0] =	vst.idx.add.f32.msk vm11, v1  }
0x42b: {  	[tilespmem:v2+s4+$0x0] =	vst.idx.add.f32.msk vm12, v1  }
0x42c: {  	[tilespmem:v2+s4+$0x0] =	vst.idx.add.f32.msk vm13, v1  }
0x42d: {  	[tilespmem:v2+s4+$0x0] =	vst.idx.add.f32.msk vm14, v1  }
0x42e: {  	v2 =	vld [tilespmem:$0x5070];
	_ =	sdelay $0x7  }
0x42f: {  	[tilespmem:v2+s4+$0x0] =	vst.idx.add.f32.msk $0x1, v1  }
0x430: {  	[tilespmem:v2+s4+$0x0] =	vst.idx.add.f32.msk vm0, v1  }
0x431: {  	[tilespmem:v2+s4+$0x0] =	vst.idx.add.f32.msk vm1, v1  }
0x432: {  	[tilespmem:v2+s4+$0x0] =	vst.idx.add.f32.msk vm2, v1  }
0x433: {  	[tilespmem:v2+s4+$0x0] =	vst.idx.add.f32.msk vm3, v1  }
0x434: {  	[tilespmem:v2+s4+$0x0] =	vst.idx.add.f32.msk vm4, v1  }
0x435: {  	[tilespmem:v2+s4+$0x0] =	vst.idx.add.f32.msk vm5, v1  }
0x436: {  	[tilespmem:v2+s4+$0x0] =	vst.idx.add.f32.msk vm6, v1  }
0x437: {  	[tilespmem:v2+s4+$0x0] =	vst.idx.add.f32.msk vm7, v1  }
0x438: {  	[tilespmem:v2+s4+$0x0] =	vst.idx.add.f32.msk vm8, v1  }
0x439: {  	[tilespmem:v2+s4+$0x0] =	vst.idx.add.f32.msk vm9, v1  }
0x43a: {  	[tilespmem:v2+s4+$0x0] =	vst.idx.add.f32.msk vm10, v1  }
0x43b: {  	[tilespmem:v2+s4+$0x0] =	vst.idx.add.f32.msk vm11, v1  }
0x43c: {  	[tilespmem:v2+s4+$0x0] =	vst.idx.add.f32.msk vm12, v1  }
0x43d: {  	[tilespmem:v2+s4+$0x0] =	vst.idx.add.f32.msk vm13, v1  }
0x43e: {  	s10 =	rddreg [dreg:$0x7];
	[tilespmem:v2+s4+$0x0] =	vst.idx.add.f32.msk vm14, v1  }
0x43f: {  	[hbm4b:s10+s0] =	stream.strided.scatter [tilespmem:s4], [sflag:$0x4], $0x2780, s3, s0, $0x38;
	[tilespmem:$0x5200] =	vst v63  }
.LBB2_18:
.Ltmp13:
0x440: {  	(pc) =	sbr.rel @!p2 .LBB2_20-.Ltmp13, $1  }
0x441: {  	_ =	sdelay $0x3  }
0x442: {  	_ =	swait.ge [sflag:s2], $0x2780  }
0x443: {  	[sflag:s2] =	ssyncset.done $0x0  }
0x444: {  	[sflag:s2] =	ssyncadd.s32 $0xFFFFD880  }
0x445: {  	v2 =	vld [tilespmem:$0x4F00];
	_ =	sdelay $0x7  }
0x446: {  	[tilespmem:v2+s4+$0x0] =	vst.idx.msk $0xffff, v0  }
0x447: {  	v2 =	vld [tilespmem:$0x4F10];
	_ =	sdelay $0x7  }
0x448: {  	[tilespmem:v2+s4+$0x0] =	vst.idx.msk $0xffff, v0  }
0x449: {  	v2 =	vld [tilespmem:$0x4F20];
	_ =	sdelay $0x7  }
0x44a: {  	[tilespmem:v2+s4+$0x0] =	vst.idx.msk $0xffff, v0  }
0x44b: {  	v2 =	vld [tilespmem:$0x4F30];
	_ =	sdelay $0x7  }
0x44c: {  	[tilespmem:v2+s4+$0x0] =	vst.idx.msk $0xffff, v0  }
0x44d: {  	v2 =	vld [tilespmem:$0x4F40];
	_ =	sdelay $0x7  }
0x44e: {  	[tilespmem:v2+s4+$0x0] =	vst.idx.msk $0xffff, v0  }
0x44f: {  	v2 =	vld [tilespmem:$0x4F50];
	_ =	sdelay $0x7  }
0x450: {  	[tilespmem:v2+s4+$0x0] =	vst.idx.msk $0xffff, v0  }
0x451: {  	v2 =	vld [tilespmem:$0x4F60];
	_ =	sdelay $0x7  }
0x452: {  	[tilespmem:v2+s4+$0x0] =	vst.idx.msk $0xffff, v0  }
0x453: {  	v2 =	vld [tilespmem:$0x4F70];
	_ =	sdelay $0x7  }
0x454: {  	[tilespmem:v2+s4+$0x0] =	vst.idx.msk $0xffff, v0  }
0x455: {  	_ =	swait.ge [sflag:s28], $0x80  }
0x456: {  	[sflag:s28] =	ssyncset.done $0x0  }
0x457: {  	[sflag:s28] =	ssyncadd.s32 $0xFFFFFF80  }
0x458: {  	v2 =	vld [tilespmem:$0x5000];
	_ =	sdelay $0x7  }
0x459: {  	[tilespmem:v2+s4+$0x0] =	vst.idx.add.f32.msk $0x1, v1  }
0x45a: {  	[tilespmem:v2+s4+$0x0] =	vst.idx.add.f32.msk vm0, v1  }
0x45b: {  	[tilespmem:v2+s4+$0x0] =	vst.idx.add.f32.msk vm1, v1  }
0x45c: {  	[tilespmem:v2+s4+$0x0] =	vst.idx.add.f32.msk vm2, v1  }
0x45d: {  	[tilespmem:v2+s4+$0x0] =	vst.idx.add.f32.msk vm3, v1  }
0x45e: {  	[tilespmem:v2+s4+$0x0] =	vst.idx.add.f32.msk vm4, v1  }
0x45f: {  	[tilespmem:v2+s4+$0x0] =	vst.idx.add.f32.msk vm5, v1  }
0x460: {  	[tilespmem:v2+s4+$0x0] =	vst.idx.add.f32.msk vm6, v1  }
0x461: {  	[tilespmem:v2+s4+$0x0] =	vst.idx.add.f32.msk vm7, v1  }
0x462: {  	[tilespmem:v2+s4+$0x0] =	vst.idx.add.f32.msk vm8, v1  }
0x463: {  	[tilespmem:v2+s4+$0x0] =	vst.idx.add.f32.msk vm9, v1  }
0x464: {  	[tilespmem:v2+s4+$0x0] =	vst.idx.add.f32.msk vm10, v1  }
0x465: {  	[tilespmem:v2+s4+$0x0] =	vst.idx.add.f32.msk vm11, v1  }
0x466: {  	[tilespmem:v2+s4+$0x0] =	vst.idx.add.f32.msk vm12, v1  }
0x467: {  	[tilespmem:v2+s4+$0x0] =	vst.idx.add.f32.msk vm13, v1  }
0x468: {  	[tilespmem:v2+s4+$0x0] =	vst.idx.add.f32.msk vm14, v1  }
0x469: {  	v2 =	vld [tilespmem:$0x5010];
	_ =	sdelay $0x7  }
0x46a: {  	[tilespmem:v2+s4+$0x0] =	vst.idx.add.f32.msk $0x1, v1  }
0x46b: {  	[tilespmem:v2+s4+$0x0] =	vst.idx.add.f32.msk vm0, v1  }
0x46c: {  	[tilespmem:v2+s4+$0x0] =	vst.idx.add.f32.msk vm1, v1  }
0x46d: {  	[tilespmem:v2+s4+$0x0] =	vst.idx.add.f32.msk vm2, v1  }
0x46e: {  	[tilespmem:v2+s4+$0x0] =	vst.idx.add.f32.msk vm3, v1  }
0x46f: {  	[tilespmem:v2+s4+$0x0] =	vst.idx.add.f32.msk vm4, v1  }
0x470: {  	[tilespmem:v2+s4+$0x0] =	vst.idx.add.f32.msk vm5, v1  }
0x471: {  	[tilespmem:v2+s4+$0x0] =	vst.idx.add.f32.msk vm6, v1  }
0x472: {  	[tilespmem:v2+s4+$0x0] =	vst.idx.add.f32.msk vm7, v1  }
0x473: {  	[tilespmem:v2+s4+$0x0] =	vst.idx.add.f32.msk vm8, v1  }
0x474: {  	[tilespmem:v2+s4+$0x0] =	vst.idx.add.f32.msk vm9, v1  }
0x475: {  	[tilespmem:v2+s4+$0x0] =	vst.idx.add.f32.msk vm10, v1  }
0x476: {  	[tilespmem:v2+s4+$0x0] =	vst.idx.add.f32.msk vm11, v1  }
0x477: {  	[tilespmem:v2+s4+$0x0] =	vst.idx.add.f32.msk vm12, v1  }
0x478: {  	[tilespmem:v2+s4+$0x0] =	vst.idx.add.f32.msk vm13, v1  }
0x479: {  	[tilespmem:v2+s4+$0x0] =	vst.idx.add.f32.msk vm14, v1  }
0x47a: {  	v2 =	vld [tilespmem:$0x5020];
	_ =	sdelay $0x7  }
0x47b: {  	[tilespmem:v2+s4+$0x0] =	vst.idx.add.f32.msk $0x1, v1  }
0x47c: {  	[tilespmem:v2+s4+$0x0] =	vst.idx.add.f32.msk vm0, v1  }
0x47d: {  	[tilespmem:v2+s4+$0x0] =	vst.idx.add.f32.msk vm1, v1  }
0x47e: {  	[tilespmem:v2+s4+$0x0] =	vst.idx.add.f32.msk vm2, v1  }
0x47f: {  	[tilespmem:v2+s4+$0x0] =	vst.idx.add.f32.msk vm3, v1  }
0x480: {  	[tilespmem:v2+s4+$0x0] =	vst.idx.add.f32.msk vm4, v1  }
0x481: {  	[tilespmem:v2+s4+$0x0] =	vst.idx.add.f32.msk vm5, v1  }
0x482: {  	[tilespmem:v2+s4+$0x0] =	vst.idx.add.f32.msk vm6, v1  }
0x483: {  	[tilespmem:v2+s4+$0x0] =	vst.idx.add.f32.msk vm7, v1  }
0x484: {  	[tilespmem:v2+s4+$0x0] =	vst.idx.add.f32.msk vm8, v1  }
0x485: {  	[tilespmem:v2+s4+$0x0] =	vst.idx.add.f32.msk vm9, v1  }
0x486: {  	[tilespmem:v2+s4+$0x0] =	vst.idx.add.f32.msk vm10, v1  }
0x487: {  	[tilespmem:v2+s4+$0x0] =	vst.idx.add.f32.msk vm11, v1  }
0x488: {  	[tilespmem:v2+s4+$0x0] =	vst.idx.add.f32.msk vm12, v1  }
0x489: {  	[tilespmem:v2+s4+$0x0] =	vst.idx.add.f32.msk vm13, v1  }
0x48a: {  	[tilespmem:v2+s4+$0x0] =	vst.idx.add.f32.msk vm14, v1  }
0x48b: {  	v2 =	vld [tilespmem:$0x5030];
	_ =	sdelay $0x7  }
0x48c: {  	[tilespmem:v2+s4+$0x0] =	vst.idx.add.f32.msk $0x1, v1  }
0x48d: {  	[tilespmem:v2+s4+$0x0] =	vst.idx.add.f32.msk vm0, v1  }
0x48e: {  	[tilespmem:v2+s4+$0x0] =	vst.idx.add.f32.msk vm1, v1  }
0x48f: {  	[tilespmem:v2+s4+$0x0] =	vst.idx.add.f32.msk vm2, v1  }
0x490: {  	[tilespmem:v2+s4+$0x0] =	vst.idx.add.f32.msk vm3, v1  }
0x491: {  	[tilespmem:v2+s4+$0x0] =	vst.idx.add.f32.msk vm4, v1  }
0x492: {  	[tilespmem:v2+s4+$0x0] =	vst.idx.add.f32.msk vm5, v1  }
0x493: {  	[tilespmem:v2+s4+$0x0] =	vst.idx.add.f32.msk vm6, v1  }
0x494: {  	[tilespmem:v2+s4+$0x0] =	vst.idx.add.f32.msk vm7, v1  }
0x495: {  	[tilespmem:v2+s4+$0x0] =	vst.idx.add.f32.msk vm8, v1  }
0x496: {  	[tilespmem:v2+s4+$0x0] =	vst.idx.add.f32.msk vm9, v1  }
0x497: {  	[tilespmem:v2+s4+$0x0] =	vst.idx.add.f32.msk vm10, v1  }
0x498: {  	[tilespmem:v2+s4+$0x0] =	vst.idx.add.f32.msk vm11, v1  }
0x499: {  	[tilespmem:v2+s4+$0x0] =	vst.idx.add.f32.msk vm12, v1  }
0x49a: {  	[tilespmem:v2+s4+$0x0] =	vst.idx.add.f32.msk vm13, v1  }
0x49b: {  	[tilespmem:v2+s4+$0x0] =	vst.idx.add.f32.msk vm14, v1  }
0x49c: {  	v2 =	vld [tilespmem:$0x5040];
	_ =	sdelay $0x7  }
0x49d: {  	[tilespmem:v2+s4+$0x0] =	vst.idx.add.f32.msk $0x1, v1  }
0x49e: {  	[tilespmem:v2+s4+$0x0] =	vst.idx.add.f32.msk vm0, v1  }
0x49f: {  	[tilespmem:v2+s4+$0x0] =	vst.idx.add.f32.msk vm1, v1  }
0x4a0: {  	[tilespmem:v2+s4+$0x0] =	vst.idx.add.f32.msk vm2, v1  }
0x4a1: {  	[tilespmem:v2+s4+$0x0] =	vst.idx.add.f32.msk vm3, v1  }
0x4a2: {  	[tilespmem:v2+s4+$0x0] =	vst.idx.add.f32.msk vm4, v1  }
0x4a3: {  	[tilespmem:v2+s4+$0x0] =	vst.idx.add.f32.msk vm5, v1  }
0x4a4: {  	[tilespmem:v2+s4+$0x0] =	vst.idx.add.f32.msk vm6, v1  }
0x4a5: {  	[tilespmem:v2+s4+$0x0] =	vst.idx.add.f32.msk vm7, v1  }
0x4a6: {  	[tilespmem:v2+s4+$0x0] =	vst.idx.add.f32.msk vm8, v1  }
0x4a7: {  	[tilespmem:v2+s4+$0x0] =	vst.idx.add.f32.msk vm9, v1  }
0x4a8: {  	[tilespmem:v2+s4+$0x0] =	vst.idx.add.f32.msk vm10, v1  }
0x4a9: {  	[tilespmem:v2+s4+$0x0] =	vst.idx.add.f32.msk vm11, v1  }
0x4aa: {  	[tilespmem:v2+s4+$0x0] =	vst.idx.add.f32.msk vm12, v1  }
0x4ab: {  	[tilespmem:v2+s4+$0x0] =	vst.idx.add.f32.msk vm13, v1  }
0x4ac: {  	[tilespmem:v2+s4+$0x0] =	vst.idx.add.f32.msk vm14, v1  }
0x4ad: {  	v2 =	vld [tilespmem:$0x5050];
	_ =	sdelay $0x7  }
0x4ae: {  	[tilespmem:v2+s4+$0x0] =	vst.idx.add.f32.msk $0x1, v1  }
0x4af: {  	[tilespmem:v2+s4+$0x0] =	vst.idx.add.f32.msk vm0, v1  }
0x4b0: {  	[tilespmem:v2+s4+$0x0] =	vst.idx.add.f32.msk vm1, v1  }
0x4b1: {  	[tilespmem:v2+s4+$0x0] =	vst.idx.add.f32.msk vm2, v1  }
0x4b2: {  	[tilespmem:v2+s4+$0x0] =	vst.idx.add.f32.msk vm3, v1  }
0x4b3: {  	[tilespmem:v2+s4+$0x0] =	vst.idx.add.f32.msk vm4, v1  }
0x4b4: {  	[tilespmem:v2+s4+$0x0] =	vst.idx.add.f32.msk vm5, v1  }
0x4b5: {  	[tilespmem:v2+s4+$0x0] =	vst.idx.add.f32.msk vm6, v1  }
0x4b6: {  	[tilespmem:v2+s4+$0x0] =	vst.idx.add.f32.msk vm7, v1  }
0x4b7: {  	[tilespmem:v2+s4+$0x0] =	vst.idx.add.f32.msk vm8, v1  }
0x4b8: {  	[tilespmem:v2+s4+$0x0] =	vst.idx.add.f32.msk vm9, v1  }
0x4b9: {  	[tilespmem:v2+s4+$0x0] =	vst.idx.add.f32.msk vm10, v1  }
0x4ba: {  	[tilespmem:v2+s4+$0x0] =	vst.idx.add.f32.msk vm11, v1  }
0x4bb: {  	[tilespmem:v2+s4+$0x0] =	vst.idx.add.f32.msk vm12, v1  }
0x4bc: {  	[tilespmem:v2+s4+$0x0] =	vst.idx.add.f32.msk vm13, v1  }
0x4bd: {  	[tilespmem:v2+s4+$0x0] =	vst.idx.add.f32.msk vm14, v1  }
0x4be: {  	v2 =	vld [tilespmem:$0x5060];
	_ =	sdelay $0x7  }
0x4bf: {  	[tilespmem:v2+s4+$0x0] =	vst.idx.add.f32.msk $0x1, v1  }
0x4c0: {  	[tilespmem:v2+s4+$0x0] =	vst.idx.add.f32.msk vm0, v1  }
0x4c1: {  	[tilespmem:v2+s4+$0x0] =	vst.idx.add.f32.msk vm1, v1  }
0x4c2: {  	[tilespmem:v2+s4+$0x0] =	vst.idx.add.f32.msk vm2, v1  }
0x4c3: {  	[tilespmem:v2+s4+$0x0] =	vst.idx.add.f32.msk vm3, v1  }
0x4c4: {  	[tilespmem:v2+s4+$0x0] =	vst.idx.add.f32.msk vm4, v1  }
0x4c5: {  	[tilespmem:v2+s4+$0x0] =	vst.idx.add.f32.msk vm5, v1  }
0x4c6: {  	[tilespmem:v2+s4+$0x0] =	vst.idx.add.f32.msk vm6, v1  }
0x4c7: {  	[tilespmem:v2+s4+$0x0] =	vst.idx.add.f32.msk vm7, v1  }
0x4c8: {  	[tilespmem:v2+s4+$0x0] =	vst.idx.add.f32.msk vm8, v1  }
0x4c9: {  	[tilespmem:v2+s4+$0x0] =	vst.idx.add.f32.msk vm9, v1  }
0x4ca: {  	[tilespmem:v2+s4+$0x0] =	vst.idx.add.f32.msk vm10, v1  }
0x4cb: {  	[tilespmem:v2+s4+$0x0] =	vst.idx.add.f32.msk vm11, v1  }
0x4cc: {  	[tilespmem:v2+s4+$0x0] =	vst.idx.add.f32.msk vm12, v1  }
0x4cd: {  	[tilespmem:v2+s4+$0x0] =	vst.idx.add.f32.msk vm13, v1  }
0x4ce: {  	[tilespmem:v2+s4+$0x0] =	vst.idx.add.f32.msk vm14, v1  }
0x4cf: {  	v2 =	vld [tilespmem:$0x5070];
	_ =	sdelay $0x7  }
0x4d0: {  	[tilespmem:v2+s4+$0x0] =	vst.idx.add.f32.msk $0x1, v1  }
0x4d1: {  	[tilespmem:v2+s4+$0x0] =	vst.idx.add.f32.msk vm0, v1  }
0x4d2: {  	[tilespmem:v2+s4+$0x0] =	vst.idx.add.f32.msk vm1, v1  }
0x4d3: {  	[tilespmem:v2+s4+$0x0] =	vst.idx.add.f32.msk vm2, v1  }
0x4d4: {  	[tilespmem:v2+s4+$0x0] =	vst.idx.add.f32.msk vm3, v1  }
0x4d5: {  	[tilespmem:v2+s4+$0x0] =	vst.idx.add.f32.msk vm4, v1  }
0x4d6: {  	[tilespmem:v2+s4+$0x0] =	vst.idx.add.f32.msk vm5, v1  }
0x4d7: {  	[tilespmem:v2+s4+$0x0] =	vst.idx.add.f32.msk vm6, v1  }
0x4d8: {  	[tilespmem:v2+s4+$0x0] =	vst.idx.add.f32.msk vm7, v1  }
0x4d9: {  	[tilespmem:v2+s4+$0x0] =	vst.idx.add.f32.msk vm8, v1  }
0x4da: {  	[tilespmem:v2+s4+$0x0] =	vst.idx.add.f32.msk vm9, v1  }
0x4db: {  	[tilespmem:v2+s4+$0x0] =	vst.idx.add.f32.msk vm10, v1  }
0x4dc: {  	[tilespmem:v2+s4+$0x0] =	vst.idx.add.f32.msk vm11, v1  }
0x4dd: {  	[tilespmem:v2+s4+$0x0] =	vst.idx.add.f32.msk vm12, v1  }
0x4de: {  	[tilespmem:v2+s4+$0x0] =	vst.idx.add.f32.msk vm13, v1  }
0x4df: {  	s10 =	rddreg [dreg:$0x8];
	[tilespmem:v2+s4+$0x0] =	vst.idx.add.f32.msk vm14, v1  }
0x4e0: {  	[hbm4b:s10+s0] =	stream.strided.scatter [tilespmem:s4], [sflag:$0x4], $0x2780, s3, s0, $0x38;
	[tilespmem:$0x5200] =	vst v63  }
.LBB2_20:
0x4e1: {  	s10 =	sld [smem:$0x7F1];
	_ =	sdelay $0x2  }
0x4e2: {  	p0 =	seq.s32 s10, $0x1  }
.Ltmp14:
0x4e3: {  	_ = 	snop;
	(pc) =	sbr.rel @!p0 .LBB2_24-.Ltmp14, $1  }
0x4e4: {  	_ =	sdelay $0x3  }
0x4e5: {  	_ =	swait.ge [sflag:s2], $0x2780  }
0x4e6: {  	[sflag:s2] =	ssyncset.done $0x0  }
0x4e7: {  	[sflag:s2] =	ssyncadd.s32 $0xFFFFD880  }
0x4e8: {  	v2 =	vld [tilespmem:$0x4F00];
	_ =	sdelay $0x6  }
0x4e9: {  	s10 =	simm.s32 $0x0  }
0x4ea: {  	[tilespmem:v2+s10+$0x0] =	vst.idx.msk $0xffff, v0  }
0x4eb: {  	v2 =	vld [tilespmem:$0x4F10];
	_ =	sdelay $0x7  }
0x4ec: {  	[tilespmem:v2+s10+$0x0] =	vst.idx.msk $0xffff, v0  }
0x4ed: {  	v2 =	vld [tilespmem:$0x4F20];
	_ =	sdelay $0x7  }
0x4ee: {  	[tilespmem:v2+s10+$0x0] =	vst.idx.msk $0xffff, v0  }
0x4ef: {  	v2 =	vld [tilespmem:$0x4F30];
	_ =	sdelay $0x7  }
0x4f0: {  	[tilespmem:v2+s10+$0x0] =	vst.idx.msk $0xffff, v0  }
0x4f1: {  	v2 =	vld [tilespmem:$0x4F40];
	_ =	sdelay $0x7  }
0x4f2: {  	[tilespmem:v2+s10+$0x0] =	vst.idx.msk $0xffff, v0  }
0x4f3: {  	v2 =	vld [tilespmem:$0x4F50];
	_ =	sdelay $0x7  }
0x4f4: {  	[tilespmem:v2+s10+$0x0] =	vst.idx.msk $0xffff, v0  }
0x4f5: {  	v2 =	vld [tilespmem:$0x4F60];
	_ =	sdelay $0x7  }
0x4f6: {  	[tilespmem:v2+s10+$0x0] =	vst.idx.msk $0xffff, v0  }
0x4f7: {  	v2 =	vld [tilespmem:$0x4F70];
	_ =	sdelay $0x7  }
0x4f8: {  	[tilespmem:v2+s10+$0x0] =	vst.idx.msk $0xffff, v0  }
0x4f9: {  	_ =	swait.ge [sflag:s28], $0x200  }
0x4fa: {  	[sflag:s28] =	ssyncset.done $0x0  }
0x4fb: {  	s10 =	sand.u32 $0x1F0, s10;
	[sflag:s28] =	ssyncadd.s32 $0xFFFFFE00  }
0x4fc: {  	v2 =	vld [tilespmem:s10+$0x5000];
	_ =	sdelay $0x7  }
0x4fd: {  	[tilespmem:v2+s4+$0x0] =	vst.idx.add.f32.msk $0x1, v1  }
0x4fe: {  	[tilespmem:v2+s4+$0x0] =	vst.idx.add.f32.msk vm0, v1  }
0x4ff: {  	[tilespmem:v2+s4+$0x0] =	vst.idx.add.f32.msk vm1, v1  }
0x500: {  	[tilespmem:v2+s4+$0x0] =	vst.idx.add.f32.msk vm2, v1  }
0x501: {  	[tilespmem:v2+s4+$0x0] =	vst.idx.add.f32.msk vm3, v1  }
0x502: {  	[tilespmem:v2+s4+$0x0] =	vst.idx.add.f32.msk vm4, v1  }
0x503: {  	[tilespmem:v2+s4+$0x0] =	vst.idx.add.f32.msk vm5, v1  }
0x504: {  	[tilespmem:v2+s4+$0x0] =	vst.idx.add.f32.msk vm6, v1  }
0x505: {  	[tilespmem:v2+s4+$0x0] =	vst.idx.add.f32.msk vm7, v1  }
0x506: {  	[tilespmem:v2+s4+$0x0] =	vst.idx.add.f32.msk vm8, v1  }
0x507: {  	[tilespmem:v2+s4+$0x0] =	vst.idx.add.f32.msk vm9, v1  }
0x508: {  	[tilespmem:v2+s4+$0x0] =	vst.idx.add.f32.msk vm10, v1  }
0x509: {  	[tilespmem:v2+s4+$0x0] =	vst.idx.add.f32.msk vm11, v1  }
0x50a: {  	[tilespmem:v2+s4+$0x0] =	vst.idx.add.f32.msk vm12, v1  }
0x50b: {  	s11 =	simm.s32 $0x20;
	s10 =	simm.s32 $0x10;
	[tilespmem:v2+s4+$0x0] =	vst.idx.add.f32.msk vm13, v1  }
.LBB2_22:
0x50c: {  	p0 =	sne.s32 s11, $0x1F0  }
0x50d: {  	s12 =	sand.u32 $0x1F0, s10;
	[tilespmem:v2+s4+$0x0] =	vst.idx.add.f32.msk vm14, v1;
	s10 =	smov.u32 s11;
	s11 =	sadd.s32 $0x10, s11  }
0x50e: {  	v2 =	vld [tilespmem:s12+$0x5000];
	_ =	sdelay $0x7  }
0x50f: {  	[tilespmem:v2+s4+$0x0] =	vst.idx.add.f32.msk $0x1, v1  }
0x510: {  	[tilespmem:v2+s4+$0x0] =	vst.idx.add.f32.msk vm0, v1  }
0x511: {  	[tilespmem:v2+s4+$0x0] =	vst.idx.add.f32.msk vm1, v1  }
0x512: {  	[tilespmem:v2+s4+$0x0] =	vst.idx.add.f32.msk vm2, v1  }
0x513: {  	[tilespmem:v2+s4+$0x0] =	vst.idx.add.f32.msk vm3, v1  }
0x514: {  	[tilespmem:v2+s4+$0x0] =	vst.idx.add.f32.msk vm4, v1  }
0x515: {  	[tilespmem:v2+s4+$0x0] =	vst.idx.add.f32.msk vm5, v1  }
0x516: {  	[tilespmem:v2+s4+$0x0] =	vst.idx.add.f32.msk vm6, v1  }
0x517: {  	[tilespmem:v2+s4+$0x0] =	vst.idx.add.f32.msk vm7, v1  }
0x518: {  	[tilespmem:v2+s4+$0x0] =	vst.idx.add.f32.msk vm8, v1  }
.Ltmp15:
0x519: {  	[tilespmem:v2+s4+$0x0] =	vst.idx.add.f32.msk vm9, v1;
	(pc) =	sbr.rel @p0 .LBB2_22-.Ltmp15, $4  }
0x51a: {  	[tilespmem:v2+s4+$0x0] =	vst.idx.add.f32.msk vm10, v1  }
0x51b: {  	[tilespmem:v2+s4+$0x0] =	vst.idx.add.f32.msk vm11, v1  }
0x51c: {  	[tilespmem:v2+s4+$0x0] =	vst.idx.add.f32.msk vm12, v1  }
0x51d: {  	[tilespmem:v2+s4+$0x0] =	vst.idx.add.f32.msk vm13, v1  }
0x51e: {  	_ =	sdelay $0x4  }
0x51f: {  	s10 =	sand.u32 $0x1F0, s10;
	[tilespmem:v2+s4+$0x0] =	vst.idx.add.f32.msk vm14, v1  }
0x520: {  	v2 =	vld [tilespmem:s10+$0x5000];
	_ =	sdelay $0x7  }
0x521: {  	[tilespmem:v2+s4+$0x0] =	vst.idx.add.f32.msk $0x1, v1  }
0x522: {  	[tilespmem:v2+s4+$0x0] =	vst.idx.add.f32.msk vm0, v1  }
0x523: {  	[tilespmem:v2+s4+$0x0] =	vst.idx.add.f32.msk vm1, v1  }
0x524: {  	[tilespmem:v2+s4+$0x0] =	vst.idx.add.f32.msk vm2, v1  }
0x525: {  	[tilespmem:v2+s4+$0x0] =	vst.idx.add.f32.msk vm3, v1  }
0x526: {  	[tilespmem:v2+s4+$0x0] =	vst.idx.add.f32.msk vm4, v1  }
0x527: {  	[tilespmem:v2+s4+$0x0] =	vst.idx.add.f32.msk vm5, v1  }
0x528: {  	[tilespmem:v2+s4+$0x0] =	vst.idx.add.f32.msk vm6, v1  }
0x529: {  	[tilespmem:v2+s4+$0x0] =	vst.idx.add.f32.msk vm7, v1  }
0x52a: {  	[tilespmem:v2+s4+$0x0] =	vst.idx.add.f32.msk vm8, v1  }
0x52b: {  	[tilespmem:v2+s4+$0x0] =	vst.idx.add.f32.msk vm9, v1  }
0x52c: {  	[tilespmem:v2+s4+$0x0] =	vst.idx.add.f32.msk vm10, v1  }
0x52d: {  	[tilespmem:v2+s4+$0x0] =	vst.idx.add.f32.msk vm11, v1  }
0x52e: {  	[tilespmem:v2+s4+$0x0] =	vst.idx.add.f32.msk vm12, v1  }
0x52f: {  	[tilespmem:v2+s4+$0x0] =	vst.idx.add.f32.msk vm13, v1  }
0x530: {  	s30 =	rddreg [dreg:$0x9];
	[tilespmem:v2+s4+$0x0] =	vst.idx.add.f32.msk vm14, v1  }
0x531: {  	[hbm4b:s30+s0] =	stream.strided.scatter [tilespmem:s4], [sflag:$0x4], $0x2780, s3, s0, $0x38;
	[tilespmem:$0x5200] =	vst v63  }
.LBB2_24:
0x532: {  	s10 =	sld [smem:$0x7F0];
	_ =	sdelay $0x2  }
0x533: {  	p0 =	seq.s32 s10, $0x1  }
.Ltmp16:
0x534: {  	_ = 	snop;
	(pc) =	sbr.rel @!p0 .LBB2_28-.Ltmp16, $1  }
0x535: {  	_ =	sdelay $0x3  }
0x536: {  	_ =	swait.ge [sflag:s2], $0x2780  }
0x537: {  	[sflag:s2] =	ssyncset.done $0x0  }
0x538: {  	[sflag:s2] =	ssyncadd.s32 $0xFFFFD880  }
0x539: {  	v2 =	vld [tilespmem:$0x4F00];
	_ =	sdelay $0x6  }
0x53a: {  	s10 =	simm.s32 $0x0  }
0x53b: {  	[tilespmem:v2+s10+$0x0] =	vst.idx.msk $0xffff, v0  }
0x53c: {  	v2 =	vld [tilespmem:$0x4F10];
	_ =	sdelay $0x7  }
0x53d: {  	[tilespmem:v2+s10+$0x0] =	vst.idx.msk $0xffff, v0  }
0x53e: {  	v2 =	vld [tilespmem:$0x4F20];
	_ =	sdelay $0x7  }
0x53f: {  	[tilespmem:v2+s10+$0x0] =	vst.idx.msk $0xffff, v0  }
0x540: {  	v2 =	vld [tilespmem:$0x4F30];
	_ =	sdelay $0x7  }
0x541: {  	[tilespmem:v2+s10+$0x0] =	vst.idx.msk $0xffff, v0  }
0x542: {  	v2 =	vld [tilespmem:$0x4F40];
	_ =	sdelay $0x7  }
0x543: {  	[tilespmem:v2+s10+$0x0] =	vst.idx.msk $0xffff, v0  }
0x544: {  	v2 =	vld [tilespmem:$0x4F50];
	_ =	sdelay $0x7  }
0x545: {  	[tilespmem:v2+s10+$0x0] =	vst.idx.msk $0xffff, v0  }
0x546: {  	v2 =	vld [tilespmem:$0x4F60];
	_ =	sdelay $0x7  }
0x547: {  	[tilespmem:v2+s10+$0x0] =	vst.idx.msk $0xffff, v0  }
0x548: {  	v2 =	vld [tilespmem:$0x4F70];
	_ =	sdelay $0x7  }
0x549: {  	[tilespmem:v2+s10+$0x0] =	vst.idx.msk $0xffff, v0  }
0x54a: {  	_ =	swait.ge [sflag:s28], $0x200  }
0x54b: {  	[sflag:s28] =	ssyncset.done $0x0  }
0x54c: {  	s10 =	sand.u32 $0x1F0, s10;
	[sflag:s28] =	ssyncadd.s32 $0xFFFFFE00  }
0x54d: {  	v2 =	vld [tilespmem:s10+$0x5000];
	_ =	sdelay $0x7  }
0x54e: {  	[tilespmem:v2+s4+$0x0] =	vst.idx.add.f32.msk $0x1, v1  }
0x54f: {  	[tilespmem:v2+s4+$0x0] =	vst.idx.add.f32.msk vm0, v1  }
0x550: {  	[tilespmem:v2+s4+$0x0] =	vst.idx.add.f32.msk vm1, v1  }
0x551: {  	[tilespmem:v2+s4+$0x0] =	vst.idx.add.f32.msk vm2, v1  }
0x552: {  	[tilespmem:v2+s4+$0x0] =	vst.idx.add.f32.msk vm3, v1  }
0x553: {  	[tilespmem:v2+s4+$0x0] =	vst.idx.add.f32.msk vm4, v1  }
0x554: {  	[tilespmem:v2+s4+$0x0] =	vst.idx.add.f32.msk vm5, v1  }
0x555: {  	[tilespmem:v2+s4+$0x0] =	vst.idx.add.f32.msk vm6, v1  }
0x556: {  	[tilespmem:v2+s4+$0x0] =	vst.idx.add.f32.msk vm7, v1  }
0x557: {  	[tilespmem:v2+s4+$0x0] =	vst.idx.add.f32.msk vm8, v1  }
0x558: {  	[tilespmem:v2+s4+$0x0] =	vst.idx.add.f32.msk vm9, v1  }
0x559: {  	[tilespmem:v2+s4+$0x0] =	vst.idx.add.f32.msk vm10, v1  }
0x55a: {  	[tilespmem:v2+s4+$0x0] =	vst.idx.add.f32.msk vm11, v1  }
0x55b: {  	[tilespmem:v2+s4+$0x0] =	vst.idx.add.f32.msk vm12, v1  }
0x55c: {  	s11 =	simm.s32 $0x20;
	s10 =	simm.s32 $0x10;
	[tilespmem:v2+s4+$0x0] =	vst.idx.add.f32.msk vm13, v1  }
.LBB2_26:
0x55d: {  	p0 =	sne.s32 s11, $0x1F0  }
0x55e: {  	s12 =	sand.u32 $0x1F0, s10;
	[tilespmem:v2+s4+$0x0] =	vst.idx.add.f32.msk vm14, v1;
	s10 =	smov.u32 s11;
	s11 =	sadd.s32 $0x10, s11  }
0x55f: {  	v2 =	vld [tilespmem:s12+$0x5000];
	_ =	sdelay $0x7  }
0x560: {  	[tilespmem:v2+s4+$0x0] =	vst.idx.add.f32.msk $0x1, v1  }
0x561: {  	[tilespmem:v2+s4+$0x0] =	vst.idx.add.f32.msk vm0, v1  }
0x562: {  	[tilespmem:v2+s4+$0x0] =	vst.idx.add.f32.msk vm1, v1  }
0x563: {  	[tilespmem:v2+s4+$0x0] =	vst.idx.add.f32.msk vm2, v1  }
0x564: {  	[tilespmem:v2+s4+$0x0] =	vst.idx.add.f32.msk vm3, v1  }
0x565: {  	[tilespmem:v2+s4+$0x0] =	vst.idx.add.f32.msk vm4, v1  }
0x566: {  	[tilespmem:v2+s4+$0x0] =	vst.idx.add.f32.msk vm5, v1  }
0x567: {  	[tilespmem:v2+s4+$0x0] =	vst.idx.add.f32.msk vm6, v1  }
0x568: {  	[tilespmem:v2+s4+$0x0] =	vst.idx.add.f32.msk vm7, v1  }
0x569: {  	[tilespmem:v2+s4+$0x0] =	vst.idx.add.f32.msk vm8, v1  }
.Ltmp17:
0x56a: {  	[tilespmem:v2+s4+$0x0] =	vst.idx.add.f32.msk vm9, v1;
	(pc) =	sbr.rel @p0 .LBB2_26-.Ltmp17, $4  }
0x56b: {  	[tilespmem:v2+s4+$0x0] =	vst.idx.add.f32.msk vm10, v1  }
0x56c: {  	[tilespmem:v2+s4+$0x0] =	vst.idx.add.f32.msk vm11, v1  }
0x56d: {  	[tilespmem:v2+s4+$0x0] =	vst.idx.add.f32.msk vm12, v1  }
0x56e: {  	[tilespmem:v2+s4+$0x0] =	vst.idx.add.f32.msk vm13, v1  }
0x56f: {  	_ =	sdelay $0x4  }
0x570: {  	s10 =	sand.u32 $0x1F0, s10;
	[tilespmem:v2+s4+$0x0] =	vst.idx.add.f32.msk vm14, v1  }
0x571: {  	v2 =	vld [tilespmem:s10+$0x5000];
	_ =	sdelay $0x7  }
0x572: {  	[tilespmem:v2+s4+$0x0] =	vst.idx.add.f32.msk $0x1, v1  }
0x573: {  	[tilespmem:v2+s4+$0x0] =	vst.idx.add.f32.msk vm0, v1  }
0x574: {  	[tilespmem:v2+s4+$0x0] =	vst.idx.add.f32.msk vm1, v1  }
0x575: {  	[tilespmem:v2+s4+$0x0] =	vst.idx.add.f32.msk vm2, v1  }
0x576: {  	[tilespmem:v2+s4+$0x0] =	vst.idx.add.f32.msk vm3, v1  }
0x577: {  	[tilespmem:v2+s4+$0x0] =	vst.idx.add.f32.msk vm4, v1  }
0x578: {  	[tilespmem:v2+s4+$0x0] =	vst.idx.add.f32.msk vm5, v1  }
0x579: {  	[tilespmem:v2+s4+$0x0] =	vst.idx.add.f32.msk vm6, v1  }
0x57a: {  	[tilespmem:v2+s4+$0x0] =	vst.idx.add.f32.msk vm7, v1  }
0x57b: {  	[tilespmem:v2+s4+$0x0] =	vst.idx.add.f32.msk vm8, v1  }
0x57c: {  	[tilespmem:v2+s4+$0x0] =	vst.idx.add.f32.msk vm9, v1  }
0x57d: {  	[tilespmem:v2+s4+$0x0] =	vst.idx.add.f32.msk vm10, v1  }
0x57e: {  	[tilespmem:v2+s4+$0x0] =	vst.idx.add.f32.msk vm11, v1  }
0x57f: {  	[tilespmem:v2+s4+$0x0] =	vst.idx.add.f32.msk vm12, v1  }
0x580: {  	[tilespmem:v2+s4+$0x0] =	vst.idx.add.f32.msk vm13, v1  }
0x581: {  	[tilespmem:v2+s4+$0x0] =	vst.idx.add.f32.msk vm14, v1  }
0x582: {  	[hbm4b:s15+s0] =	stream.strided.scatter [tilespmem:s4], [sflag:$0x4], $0x2780, s3, s0, $0x38;
	[tilespmem:$0x5200] =	vst v63  }
.LBB2_28:
0x583: {  	s10 =	sld [smem:$0x7F2];
	_ =	sdelay $0x2  }
0x584: {  	p0 =	seq.s32 s10, $0x1  }
.Ltmp18:
0x585: {  	_ = 	snop;
	(pc) =	sbr.rel @!p0 .LBB2_32-.Ltmp18, $1  }
0x586: {  	_ =	sdelay $0x3  }
0x587: {  	_ =	swait.ge [sflag:s2], $0x2780  }
0x588: {  	[sflag:s2] =	ssyncset.done $0x0  }
0x589: {  	[sflag:s2] =	ssyncadd.s32 $0xFFFFD880  }
0x58a: {  	v2 =	vld [tilespmem:$0x4F00];
	_ =	sdelay $0x6  }
0x58b: {  	s10 =	simm.s32 $0x0  }
0x58c: {  	[tilespmem:v2+s10+$0x0] =	vst.idx.msk $0xffff, v0  }
0x58d: {  	v2 =	vld [tilespmem:$0x4F10];
	_ =	sdelay $0x7  }
0x58e: {  	[tilespmem:v2+s10+$0x0] =	vst.idx.msk $0xffff, v0  }
0x58f: {  	v2 =	vld [tilespmem:$0x4F20];
	_ =	sdelay $0x7  }
0x590: {  	[tilespmem:v2+s10+$0x0] =	vst.idx.msk $0xffff, v0  }
0x591: {  	v2 =	vld [tilespmem:$0x4F30];
	_ =	sdelay $0x7  }
0x592: {  	[tilespmem:v2+s10+$0x0] =	vst.idx.msk $0xffff, v0  }
0x593: {  	v2 =	vld [tilespmem:$0x4F40];
	_ =	sdelay $0x7  }
0x594: {  	[tilespmem:v2+s10+$0x0] =	vst.idx.msk $0xffff, v0  }
0x595: {  	v2 =	vld [tilespmem:$0x4F50];
	_ =	sdelay $0x7  }
0x596: {  	[tilespmem:v2+s10+$0x0] =	vst.idx.msk $0xffff, v0  }
0x597: {  	v2 =	vld [tilespmem:$0x4F60];
	_ =	sdelay $0x7  }
0x598: {  	[tilespmem:v2+s10+$0x0] =	vst.idx.msk $0xffff, v0  }
0x599: {  	v2 =	vld [tilespmem:$0x4F70];
	_ =	sdelay $0x7  }
0x59a: {  	[tilespmem:v2+s10+$0x0] =	vst.idx.msk $0xffff, v0  }
0x59b: {  	_ =	swait.ge [sflag:s28], $0x200  }
0x59c: {  	[sflag:s28] =	ssyncset.done $0x0  }
0x59d: {  	s10 =	sand.u32 $0x1F0, s10;
	[sflag:s28] =	ssyncadd.s32 $0xFFFFFE00  }
0x59e: {  	v2 =	vld [tilespmem:s10+$0x5000];
	_ =	sdelay $0x7  }
0x59f: {  	[tilespmem:v2+s4+$0x0] =	vst.idx.add.f32.msk $0x1, v1  }
0x5a0: {  	[tilespmem:v2+s4+$0x0] =	vst.idx.add.f32.msk vm0, v1  }
0x5a1: {  	[tilespmem:v2+s4+$0x0] =	vst.idx.add.f32.msk vm1, v1  }
0x5a2: {  	[tilespmem:v2+s4+$0x0] =	vst.idx.add.f32.msk vm2, v1  }
0x5a3: {  	[tilespmem:v2+s4+$0x0] =	vst.idx.add.f32.msk vm3, v1  }
0x5a4: {  	[tilespmem:v2+s4+$0x0] =	vst.idx.add.f32.msk vm4, v1  }
0x5a5: {  	[tilespmem:v2+s4+$0x0] =	vst.idx.add.f32.msk vm5, v1  }
0x5a6: {  	[tilespmem:v2+s4+$0x0] =	vst.idx.add.f32.msk vm6, v1  }
0x5a7: {  	[tilespmem:v2+s4+$0x0] =	vst.idx.add.f32.msk vm7, v1  }
0x5a8: {  	[tilespmem:v2+s4+$0x0] =	vst.idx.add.f32.msk vm8, v1  }
0x5a9: {  	[tilespmem:v2+s4+$0x0] =	vst.idx.add.f32.msk vm9, v1  }
0x5aa: {  	[tilespmem:v2+s4+$0x0] =	vst.idx.add.f32.msk vm10, v1  }
0x5ab: {  	[tilespmem:v2+s4+$0x0] =	vst.idx.add.f32.msk vm11, v1  }
0x5ac: {  	[tilespmem:v2+s4+$0x0] =	vst.idx.add.f32.msk vm12, v1  }
0x5ad: {  	s11 =	simm.s32 $0x20;
	s10 =	simm.s32 $0x10;
	[tilespmem:v2+s4+$0x0] =	vst.idx.add.f32.msk vm13, v1  }
.LBB2_30:
0x5ae: {  	p0 =	sne.s32 s11, $0x1F0  }
0x5af: {  	s12 =	sand.u32 $0x1F0, s10;
	[tilespmem:v2+s4+$0x0] =	vst.idx.add.f32.msk vm14, v1;
	s10 =	smov.u32 s11;
	s11 =	sadd.s32 $0x10, s11  }
0x5b0: {  	v2 =	vld [tilespmem:s12+$0x5000];
	_ =	sdelay $0x7  }
0x5b1: {  	[tilespmem:v2+s4+$0x0] =	vst.idx.add.f32.msk $0x1, v1  }
0x5b2: {  	[tilespmem:v2+s4+$0x0] =	vst.idx.add.f32.msk vm0, v1  }
0x5b3: {  	[tilespmem:v2+s4+$0x0] =	vst.idx.add.f32.msk vm1, v1  }
0x5b4: {  	[tilespmem:v2+s4+$0x0] =	vst.idx.add.f32.msk vm2, v1  }
0x5b5: {  	[tilespmem:v2+s4+$0x0] =	vst.idx.add.f32.msk vm3, v1  }
0x5b6: {  	[tilespmem:v2+s4+$0x0] =	vst.idx.add.f32.msk vm4, v1  }
0x5b7: {  	[tilespmem:v2+s4+$0x0] =	vst.idx.add.f32.msk vm5, v1  }
0x5b8: {  	[tilespmem:v2+s4+$0x0] =	vst.idx.add.f32.msk vm6, v1  }
0x5b9: {  	[tilespmem:v2+s4+$0x0] =	vst.idx.add.f32.msk vm7, v1  }
0x5ba: {  	[tilespmem:v2+s4+$0x0] =	vst.idx.add.f32.msk vm8, v1  }
.Ltmp19:
0x5bb: {  	[tilespmem:v2+s4+$0x0] =	vst.idx.add.f32.msk vm9, v1;
	(pc) =	sbr.rel @p0 .LBB2_30-.Ltmp19, $4  }
0x5bc: {  	[tilespmem:v2+s4+$0x0] =	vst.idx.add.f32.msk vm10, v1  }
0x5bd: {  	[tilespmem:v2+s4+$0x0] =	vst.idx.add.f32.msk vm11, v1  }
0x5be: {  	[tilespmem:v2+s4+$0x0] =	vst.idx.add.f32.msk vm12, v1  }
0x5bf: {  	[tilespmem:v2+s4+$0x0] =	vst.idx.add.f32.msk vm13, v1  }
0x5c0: {  	_ =	sdelay $0x4  }
0x5c1: {  	s10 =	sand.u32 $0x1F0, s10;
	[tilespmem:v2+s4+$0x0] =	vst.idx.add.f32.msk vm14, v1  }
0x5c2: {  	v2 =	vld [tilespmem:s10+$0x5000];
	_ =	sdelay $0x7  }
0x5c3: {  	[tilespmem:v2+s4+$0x0] =	vst.idx.add.f32.msk $0x1, v1  }
0x5c4: {  	[tilespmem:v2+s4+$0x0] =	vst.idx.add.f32.msk vm0, v1  }
0x5c5: {  	[tilespmem:v2+s4+$0x0] =	vst.idx.add.f32.msk vm1, v1  }
0x5c6: {  	[tilespmem:v2+s4+$0x0] =	vst.idx.add.f32.msk vm2, v1  }
0x5c7: {  	[tilespmem:v2+s4+$0x0] =	vst.idx.add.f32.msk vm3, v1  }
0x5c8: {  	[tilespmem:v2+s4+$0x0] =	vst.idx.add.f32.msk vm4, v1  }
0x5c9: {  	[tilespmem:v2+s4+$0x0] =	vst.idx.add.f32.msk vm5, v1  }
0x5ca: {  	[tilespmem:v2+s4+$0x0] =	vst.idx.add.f32.msk vm6, v1  }
0x5cb: {  	[tilespmem:v2+s4+$0x0] =	vst.idx.add.f32.msk vm7, v1  }
0x5cc: {  	[tilespmem:v2+s4+$0x0] =	vst.idx.add.f32.msk vm8, v1  }
0x5cd: {  	[tilespmem:v2+s4+$0x0] =	vst.idx.add.f32.msk vm9, v1  }
0x5ce: {  	[tilespmem:v2+s4+$0x0] =	vst.idx.add.f32.msk vm10, v1  }
0x5cf: {  	[tilespmem:v2+s4+$0x0] =	vst.idx.add.f32.msk vm11, v1  }
0x5d0: {  	[tilespmem:v2+s4+$0x0] =	vst.idx.add.f32.msk vm12, v1  }
0x5d1: {  	[tilespmem:v2+s4+$0x0] =	vst.idx.add.f32.msk vm13, v1  }
0x5d2: {  	[tilespmem:v2+s4+$0x0] =	vst.idx.add.f32.msk vm14, v1  }
0x5d3: {  	[hbm4b:s16+s0] =	stream.strided.scatter [tilespmem:s4], [sflag:$0x4], $0x2780, s3, s0, $0x38;
	[tilespmem:$0x5200] =	vst v63  }
.LBB2_32:
0x5d4: {  	s10 =	sld [smem:$0x7EF];
	_ =	sdelay $0x2  }
0x5d5: {  	p0 =	seq.s32 s10, $0x1  }
.Ltmp20:
0x5d6: {  	_ = 	snop;
	(pc) =	sbr.rel @!p0 .LBB2_36-.Ltmp20, $1  }
0x5d7: {  	_ =	sdelay $0x3  }
0x5d8: {  	_ =	swait.ge [sflag:s2], $0x2780  }
0x5d9: {  	[sflag:s2] =	ssyncset.done $0x0  }
0x5da: {  	[sflag:s2] =	ssyncadd.s32 $0xFFFFD880  }
0x5db: {  	v2 =	vld [tilespmem:$0x4F00];
	_ =	sdelay $0x6  }
0x5dc: {  	s10 =	simm.s32 $0x0  }
0x5dd: {  	[tilespmem:v2+s10+$0x0] =	vst.idx.msk $0xffff, v0  }
0x5de: {  	v2 =	vld [tilespmem:$0x4F10];
	_ =	sdelay $0x7  }
0x5df: {  	[tilespmem:v2+s10+$0x0] =	vst.idx.msk $0xffff, v0  }
0x5e0: {  	v2 =	vld [tilespmem:$0x4F20];
	_ =	sdelay $0x7  }
0x5e1: {  	[tilespmem:v2+s10+$0x0] =	vst.idx.msk $0xffff, v0  }
0x5e2: {  	v2 =	vld [tilespmem:$0x4F30];
	_ =	sdelay $0x7  }
0x5e3: {  	[tilespmem:v2+s10+$0x0] =	vst.idx.msk $0xffff, v0  }
0x5e4: {  	v2 =	vld [tilespmem:$0x4F40];
	_ =	sdelay $0x7  }
0x5e5: {  	[tilespmem:v2+s10+$0x0] =	vst.idx.msk $0xffff, v0  }
0x5e6: {  	v2 =	vld [tilespmem:$0x4F50];
	_ =	sdelay $0x7  }
0x5e7: {  	[tilespmem:v2+s10+$0x0] =	vst.idx.msk $0xffff, v0  }
0x5e8: {  	v2 =	vld [tilespmem:$0x4F60];
	_ =	sdelay $0x7  }
0x5e9: {  	[tilespmem:v2+s10+$0x0] =	vst.idx.msk $0xffff, v0  }
0x5ea: {  	v2 =	vld [tilespmem:$0x4F70];
	_ =	sdelay $0x7  }
0x5eb: {  	[tilespmem:v2+s10+$0x0] =	vst.idx.msk $0xffff, v0  }
0x5ec: {  	_ =	swait.ge [sflag:s28], $0x200  }
0x5ed: {  	[sflag:s28] =	ssyncset.done $0x0  }
0x5ee: {  	s10 =	sand.u32 $0x1F0, s10;
	[sflag:s28] =	ssyncadd.s32 $0xFFFFFE00  }
0x5ef: {  	v2 =	vld [tilespmem:s10+$0x5000];
	_ =	sdelay $0x7  }
0x5f0: {  	[tilespmem:v2+s4+$0x0] =	vst.idx.add.f32.msk $0x1, v1  }
0x5f1: {  	[tilespmem:v2+s4+$0x0] =	vst.idx.add.f32.msk vm0, v1  }
0x5f2: {  	[tilespmem:v2+s4+$0x0] =	vst.idx.add.f32.msk vm1, v1  }
0x5f3: {  	[tilespmem:v2+s4+$0x0] =	vst.idx.add.f32.msk vm2, v1  }
0x5f4: {  	[tilespmem:v2+s4+$0x0] =	vst.idx.add.f32.msk vm3, v1  }
0x5f5: {  	[tilespmem:v2+s4+$0x0] =	vst.idx.add.f32.msk vm4, v1  }
0x5f6: {  	[tilespmem:v2+s4+$0x0] =	vst.idx.add.f32.msk vm5, v1  }
0x5f7: {  	[tilespmem:v2+s4+$0x0] =	vst.idx.add.f32.msk vm6, v1  }
0x5f8: {  	[tilespmem:v2+s4+$0x0] =	vst.idx.add.f32.msk vm7, v1  }
0x5f9: {  	[tilespmem:v2+s4+$0x0] =	vst.idx.add.f32.msk vm8, v1  }
0x5fa: {  	[tilespmem:v2+s4+$0x0] =	vst.idx.add.f32.msk vm9, v1  }
0x5fb: {  	[tilespmem:v2+s4+$0x0] =	vst.idx.add.f32.msk vm10, v1  }
0x5fc: {  	[tilespmem:v2+s4+$0x0] =	vst.idx.add.f32.msk vm11, v1  }
0x5fd: {  	[tilespmem:v2+s4+$0x0] =	vst.idx.add.f32.msk vm12, v1  }
0x5fe: {  	s11 =	simm.s32 $0x20;
	s10 =	simm.s32 $0x10;
	[tilespmem:v2+s4+$0x0] =	vst.idx.add.f32.msk vm13, v1  }
.LBB2_34:
0x5ff: {  	p0 =	sne.s32 s11, $0x1F0  }
0x600: {  	s12 =	sand.u32 $0x1F0, s10;
	[tilespmem:v2+s4+$0x0] =	vst.idx.add.f32.msk vm14, v1;
	s10 =	smov.u32 s11;
	s11 =	sadd.s32 $0x10, s11  }
0x601: {  	v2 =	vld [tilespmem:s12+$0x5000];
	_ =	sdelay $0x7  }
0x602: {  	[tilespmem:v2+s4+$0x0] =	vst.idx.add.f32.msk $0x1, v1  }
0x603: {  	[tilespmem:v2+s4+$0x0] =	vst.idx.add.f32.msk vm0, v1  }
0x604: {  	[tilespmem:v2+s4+$0x0] =	vst.idx.add.f32.msk vm1, v1  }
0x605: {  	[tilespmem:v2+s4+$0x0] =	vst.idx.add.f32.msk vm2, v1  }
0x606: {  	[tilespmem:v2+s4+$0x0] =	vst.idx.add.f32.msk vm3, v1  }
0x607: {  	[tilespmem:v2+s4+$0x0] =	vst.idx.add.f32.msk vm4, v1  }
0x608: {  	[tilespmem:v2+s4+$0x0] =	vst.idx.add.f32.msk vm5, v1  }
0x609: {  	[tilespmem:v2+s4+$0x0] =	vst.idx.add.f32.msk vm6, v1  }
0x60a: {  	[tilespmem:v2+s4+$0x0] =	vst.idx.add.f32.msk vm7, v1  }
0x60b: {  	[tilespmem:v2+s4+$0x0] =	vst.idx.add.f32.msk vm8, v1  }
.Ltmp21:
0x60c: {  	[tilespmem:v2+s4+$0x0] =	vst.idx.add.f32.msk vm9, v1;
	(pc) =	sbr.rel @p0 .LBB2_34-.Ltmp21, $4  }
0x60d: {  	[tilespmem:v2+s4+$0x0] =	vst.idx.add.f32.msk vm10, v1  }
0x60e: {  	[tilespmem:v2+s4+$0x0] =	vst.idx.add.f32.msk vm11, v1  }
0x60f: {  	[tilespmem:v2+s4+$0x0] =	vst.idx.add.f32.msk vm12, v1  }
0x610: {  	[tilespmem:v2+s4+$0x0] =	vst.idx.add.f32.msk vm13, v1  }
0x611: {  	_ =	sdelay $0x4  }
0x612: {  	s10 =	sand.u32 $0x1F0, s10;
	[tilespmem:v2+s4+$0x0] =	vst.idx.add.f32.msk vm14, v1  }
0x613: {  	v2 =	vld [tilespmem:s10+$0x5000];
	_ =	sdelay $0x7  }
0x614: {  	[tilespmem:v2+s4+$0x0] =	vst.idx.add.f32.msk $0x1, v1  }
0x615: {  	[tilespmem:v2+s4+$0x0] =	vst.idx.add.f32.msk vm0, v1  }
0x616: {  	[tilespmem:v2+s4+$0x0] =	vst.idx.add.f32.msk vm1, v1  }
0x617: {  	[tilespmem:v2+s4+$0x0] =	vst.idx.add.f32.msk vm2, v1  }
0x618: {  	[tilespmem:v2+s4+$0x0] =	vst.idx.add.f32.msk vm3, v1  }
0x619: {  	[tilespmem:v2+s4+$0x0] =	vst.idx.add.f32.msk vm4, v1  }
0x61a: {  	[tilespmem:v2+s4+$0x0] =	vst.idx.add.f32.msk vm5, v1  }
0x61b: {  	[tilespmem:v2+s4+$0x0] =	vst.idx.add.f32.msk vm6, v1  }
0x61c: {  	[tilespmem:v2+s4+$0x0] =	vst.idx.add.f32.msk vm7, v1  }
0x61d: {  	[tilespmem:v2+s4+$0x0] =	vst.idx.add.f32.msk vm8, v1  }
0x61e: {  	[tilespmem:v2+s4+$0x0] =	vst.idx.add.f32.msk vm9, v1  }
0x61f: {  	[tilespmem:v2+s4+$0x0] =	vst.idx.add.f32.msk vm10, v1  }
0x620: {  	[tilespmem:v2+s4+$0x0] =	vst.idx.add.f32.msk vm11, v1  }
0x621: {  	[tilespmem:v2+s4+$0x0] =	vst.idx.add.f32.msk vm12, v1  }
0x622: {  	[tilespmem:v2+s4+$0x0] =	vst.idx.add.f32.msk vm13, v1  }
0x623: {  	[tilespmem:v2+s4+$0x0] =	vst.idx.add.f32.msk vm14, v1  }
0x624: {  	[hbm4b:s17+s0] =	stream.strided.scatter [tilespmem:s4], [sflag:$0x4], $0x2780, s3, s0, $0x38;
	[tilespmem:$0x5200] =	vst v63  }
.LBB2_36:
0x625: {  	s10 =	sld [smem:$0x7F3];
	_ =	sdelay $0x2  }
0x626: {  	p0 =	seq.s32 s10, $0x1  }
.Ltmp22:
0x627: {  	_ = 	snop;
	(pc) =	sbr.rel @!p0 .LBB2_40-.Ltmp22, $1  }
0x628: {  	_ =	sdelay $0x3  }
0x629: {  	_ =	swait.ge [sflag:s2], $0x2780  }
0x62a: {  	[sflag:s2] =	ssyncset.done $0x0  }
0x62b: {  	[sflag:s2] =	ssyncadd.s32 $0xFFFFD880  }
0x62c: {  	v2 =	vld [tilespmem:$0x4F00];
	_ =	sdelay $0x6  }
0x62d: {  	s10 =	simm.s32 $0x0  }
0x62e: {  	[tilespmem:v2+s10+$0x0] =	vst.idx.msk $0xffff, v0  }
0x62f: {  	v2 =	vld [tilespmem:$0x4F10];
	_ =	sdelay $0x7  }
0x630: {  	[tilespmem:v2+s10+$0x0] =	vst.idx.msk $0xffff, v0  }
0x631: {  	v2 =	vld [tilespmem:$0x4F20];
	_ =	sdelay $0x7  }
0x632: {  	[tilespmem:v2+s10+$0x0] =	vst.idx.msk $0xffff, v0  }
0x633: {  	v2 =	vld [tilespmem:$0x4F30];
	_ =	sdelay $0x7  }
0x634: {  	[tilespmem:v2+s10+$0x0] =	vst.idx.msk $0xffff, v0  }
0x635: {  	v2 =	vld [tilespmem:$0x4F40];
	_ =	sdelay $0x7  }
0x636: {  	[tilespmem:v2+s10+$0x0] =	vst.idx.msk $0xffff, v0  }
0x637: {  	v2 =	vld [tilespmem:$0x4F50];
	_ =	sdelay $0x7  }
0x638: {  	[tilespmem:v2+s10+$0x0] =	vst.idx.msk $0xffff, v0  }
0x639: {  	v2 =	vld [tilespmem:$0x4F60];
	_ =	sdelay $0x7  }
0x63a: {  	[tilespmem:v2+s10+$0x0] =	vst.idx.msk $0xffff, v0  }
0x63b: {  	v2 =	vld [tilespmem:$0x4F70];
	_ =	sdelay $0x7  }
0x63c: {  	[tilespmem:v2+s10+$0x0] =	vst.idx.msk $0xffff, v0  }
0x63d: {  	_ =	swait.ge [sflag:s28], $0x200  }
0x63e: {  	[sflag:s28] =	ssyncset.done $0x0  }
0x63f: {  	s10 =	sand.u32 $0x1F0, s10;
	[sflag:s28] =	ssyncadd.s32 $0xFFFFFE00  }
0x640: {  	v2 =	vld [tilespmem:s10+$0x5000];
	_ =	sdelay $0x7  }
0x641: {  	[tilespmem:v2+s4+$0x0] =	vst.idx.add.f32.msk $0x1, v1  }
0x642: {  	[tilespmem:v2+s4+$0x0] =	vst.idx.add.f32.msk vm0, v1  }
0x643: {  	[tilespmem:v2+s4+$0x0] =	vst.idx.add.f32.msk vm1, v1  }
0x644: {  	[tilespmem:v2+s4+$0x0] =	vst.idx.add.f32.msk vm2, v1  }
0x645: {  	[tilespmem:v2+s4+$0x0] =	vst.idx.add.f32.msk vm3, v1  }
0x646: {  	[tilespmem:v2+s4+$0x0] =	vst.idx.add.f32.msk vm4, v1  }
0x647: {  	[tilespmem:v2+s4+$0x0] =	vst.idx.add.f32.msk vm5, v1  }
0x648: {  	[tilespmem:v2+s4+$0x0] =	vst.idx.add.f32.msk vm6, v1  }
0x649: {  	[tilespmem:v2+s4+$0x0] =	vst.idx.add.f32.msk vm7, v1  }
0x64a: {  	[tilespmem:v2+s4+$0x0] =	vst.idx.add.f32.msk vm8, v1  }
0x64b: {  	[tilespmem:v2+s4+$0x0] =	vst.idx.add.f32.msk vm9, v1  }
0x64c: {  	[tilespmem:v2+s4+$0x0] =	vst.idx.add.f32.msk vm10, v1  }
0x64d: {  	[tilespmem:v2+s4+$0x0] =	vst.idx.add.f32.msk vm11, v1  }
0x64e: {  	[tilespmem:v2+s4+$0x0] =	vst.idx.add.f32.msk vm12, v1  }
0x64f: {  	s11 =	simm.s32 $0x20;
	s10 =	simm.s32 $0x10;
	[tilespmem:v2+s4+$0x0] =	vst.idx.add.f32.msk vm13, v1  }
.LBB2_38:
0x650: {  	p0 =	sne.s32 s11, $0x1F0  }
0x651: {  	s12 =	sand.u32 $0x1F0, s10;
	[tilespmem:v2+s4+$0x0] =	vst.idx.add.f32.msk vm14, v1;
	s10 =	smov.u32 s11;
	s11 =	sadd.s32 $0x10, s11  }
0x652: {  	v2 =	vld [tilespmem:s12+$0x5000];
	_ =	sdelay $0x7  }
0x653: {  	[tilespmem:v2+s4+$0x0] =	vst.idx.add.f32.msk $0x1, v1  }
0x654: {  	[tilespmem:v2+s4+$0x0] =	vst.idx.add.f32.msk vm0, v1  }
0x655: {  	[tilespmem:v2+s4+$0x0] =	vst.idx.add.f32.msk vm1, v1  }
0x656: {  	[tilespmem:v2+s4+$0x0] =	vst.idx.add.f32.msk vm2, v1  }
0x657: {  	[tilespmem:v2+s4+$0x0] =	vst.idx.add.f32.msk vm3, v1  }
0x658: {  	[tilespmem:v2+s4+$0x0] =	vst.idx.add.f32.msk vm4, v1  }
0x659: {  	[tilespmem:v2+s4+$0x0] =	vst.idx.add.f32.msk vm5, v1  }
0x65a: {  	[tilespmem:v2+s4+$0x0] =	vst.idx.add.f32.msk vm6, v1  }
0x65b: {  	[tilespmem:v2+s4+$0x0] =	vst.idx.add.f32.msk vm7, v1  }
0x65c: {  	[tilespmem:v2+s4+$0x0] =	vst.idx.add.f32.msk vm8, v1  }
.Ltmp23:
0x65d: {  	[tilespmem:v2+s4+$0x0] =	vst.idx.add.f32.msk vm9, v1;
	(pc) =	sbr.rel @p0 .LBB2_38-.Ltmp23, $4  }
0x65e: {  	[tilespmem:v2+s4+$0x0] =	vst.idx.add.f32.msk vm10, v1  }
0x65f: {  	[tilespmem:v2+s4+$0x0] =	vst.idx.add.f32.msk vm11, v1  }
0x660: {  	[tilespmem:v2+s4+$0x0] =	vst.idx.add.f32.msk vm12, v1  }
0x661: {  	[tilespmem:v2+s4+$0x0] =	vst.idx.add.f32.msk vm13, v1  }
0x662: {  	_ =	sdelay $0x4  }
0x663: {  	s10 =	sand.u32 $0x1F0, s10;
	[tilespmem:v2+s4+$0x0] =	vst.idx.add.f32.msk vm14, v1  }
0x664: {  	v2 =	vld [tilespmem:s10+$0x5000];
	_ =	sdelay $0x7  }
0x665: {  	[tilespmem:v2+s4+$0x0] =	vst.idx.add.f32.msk $0x1, v1  }
0x666: {  	[tilespmem:v2+s4+$0x0] =	vst.idx.add.f32.msk vm0, v1  }
0x667: {  	[tilespmem:v2+s4+$0x0] =	vst.idx.add.f32.msk vm1, v1  }
0x668: {  	[tilespmem:v2+s4+$0x0] =	vst.idx.add.f32.msk vm2, v1  }
0x669: {  	[tilespmem:v2+s4+$0x0] =	vst.idx.add.f32.msk vm3, v1  }
0x66a: {  	[tilespmem:v2+s4+$0x0] =	vst.idx.add.f32.msk vm4, v1  }
0x66b: {  	[tilespmem:v2+s4+$0x0] =	vst.idx.add.f32.msk vm5, v1  }
0x66c: {  	[tilespmem:v2+s4+$0x0] =	vst.idx.add.f32.msk vm6, v1  }
0x66d: {  	[tilespmem:v2+s4+$0x0] =	vst.idx.add.f32.msk vm7, v1  }
0x66e: {  	[tilespmem:v2+s4+$0x0] =	vst.idx.add.f32.msk vm8, v1  }
0x66f: {  	[tilespmem:v2+s4+$0x0] =	vst.idx.add.f32.msk vm9, v1  }
0x670: {  	[tilespmem:v2+s4+$0x0] =	vst.idx.add.f32.msk vm10, v1  }
0x671: {  	[tilespmem:v2+s4+$0x0] =	vst.idx.add.f32.msk vm11, v1  }
0x672: {  	[tilespmem:v2+s4+$0x0] =	vst.idx.add.f32.msk vm12, v1  }
0x673: {  	[tilespmem:v2+s4+$0x0] =	vst.idx.add.f32.msk vm13, v1  }
0x674: {  	[tilespmem:v2+s4+$0x0] =	vst.idx.add.f32.msk vm14, v1  }
0x675: {  	[hbm4b:s18+s0] =	stream.strided.scatter [tilespmem:s4], [sflag:$0x4], $0x2780, s3, s0, $0x38;
	[tilespmem:$0x5200] =	vst v63  }
.LBB2_40:
0x676: {  	s10 =	sld [smem:$0x7EE];
	_ =	sdelay $0x2  }
0x677: {  	p0 =	seq.s32 s10, $0x1  }
.Ltmp24:
0x678: {  	_ = 	snop;
	(pc) =	sbr.rel @!p0 .LBB2_44-.Ltmp24, $1  }
0x679: {  	_ =	sdelay $0x3  }
0x67a: {  	_ =	swait.ge [sflag:s2], $0x2780  }
0x67b: {  	[sflag:s2] =	ssyncset.done $0x0  }
0x67c: {  	[sflag:s2] =	ssyncadd.s32 $0xFFFFD880  }
0x67d: {  	v2 =	vld [tilespmem:$0x4F00];
	_ =	sdelay $0x6  }
0x67e: {  	s10 =	simm.s32 $0x0  }
0x67f: {  	[tilespmem:v2+s10+$0x0] =	vst.idx.msk $0xffff, v0  }
0x680: {  	v2 =	vld [tilespmem:$0x4F10];
	_ =	sdelay $0x7  }
0x681: {  	[tilespmem:v2+s10+$0x0] =	vst.idx.msk $0xffff, v0  }
0x682: {  	v2 =	vld [tilespmem:$0x4F20];
	_ =	sdelay $0x7  }
0x683: {  	[tilespmem:v2+s10+$0x0] =	vst.idx.msk $0xffff, v0  }
0x684: {  	v2 =	vld [tilespmem:$0x4F30];
	_ =	sdelay $0x7  }
0x685: {  	[tilespmem:v2+s10+$0x0] =	vst.idx.msk $0xffff, v0  }
0x686: {  	v2 =	vld [tilespmem:$0x4F40];
	_ =	sdelay $0x7  }
0x687: {  	[tilespmem:v2+s10+$0x0] =	vst.idx.msk $0xffff, v0  }
0x688: {  	v2 =	vld [tilespmem:$0x4F50];
	_ =	sdelay $0x7  }
0x689: {  	[tilespmem:v2+s10+$0x0] =	vst.idx.msk $0xffff, v0  }
0x68a: {  	v2 =	vld [tilespmem:$0x4F60];
	_ =	sdelay $0x7  }
0x68b: {  	[tilespmem:v2+s10+$0x0] =	vst.idx.msk $0xffff, v0  }
0x68c: {  	v2 =	vld [tilespmem:$0x4F70];
	_ =	sdelay $0x7  }
0x68d: {  	[tilespmem:v2+s10+$0x0] =	vst.idx.msk $0xffff, v0  }
0x68e: {  	_ =	swait.ge [sflag:s28], $0x200  }
0x68f: {  	[sflag:s28] =	ssyncset.done $0x0  }
0x690: {  	s10 =	sand.u32 $0x1F0, s10;
	[sflag:s28] =	ssyncadd.s32 $0xFFFFFE00  }
0x691: {  	v2 =	vld [tilespmem:s10+$0x5000];
	_ =	sdelay $0x7  }
0x692: {  	[tilespmem:v2+s4+$0x0] =	vst.idx.add.f32.msk $0x1, v1  }
0x693: {  	[tilespmem:v2+s4+$0x0] =	vst.idx.add.f32.msk vm0, v1  }
0x694: {  	[tilespmem:v2+s4+$0x0] =	vst.idx.add.f32.msk vm1, v1  }
0x695: {  	[tilespmem:v2+s4+$0x0] =	vst.idx.add.f32.msk vm2, v1  }
0x696: {  	[tilespmem:v2+s4+$0x0] =	vst.idx.add.f32.msk vm3, v1  }
0x697: {  	[tilespmem:v2+s4+$0x0] =	vst.idx.add.f32.msk vm4, v1  }
0x698: {  	[tilespmem:v2+s4+$0x0] =	vst.idx.add.f32.msk vm5, v1  }
0x699: {  	[tilespmem:v2+s4+$0x0] =	vst.idx.add.f32.msk vm6, v1  }
0x69a: {  	[tilespmem:v2+s4+$0x0] =	vst.idx.add.f32.msk vm7, v1  }
0x69b: {  	[tilespmem:v2+s4+$0x0] =	vst.idx.add.f32.msk vm8, v1  }
0x69c: {  	[tilespmem:v2+s4+$0x0] =	vst.idx.add.f32.msk vm9, v1  }
0x69d: {  	[tilespmem:v2+s4+$0x0] =	vst.idx.add.f32.msk vm10, v1  }
0x69e: {  	[tilespmem:v2+s4+$0x0] =	vst.idx.add.f32.msk vm11, v1  }
0x69f: {  	[tilespmem:v2+s4+$0x0] =	vst.idx.add.f32.msk vm12, v1  }
0x6a0: {  	s11 =	simm.s32 $0x20;
	s10 =	simm.s32 $0x10;
	[tilespmem:v2+s4+$0x0] =	vst.idx.add.f32.msk vm13, v1  }
.LBB2_42:
0x6a1: {  	p0 =	sne.s32 s11, $0x1F0  }
0x6a2: {  	s12 =	sand.u32 $0x1F0, s10;
	[tilespmem:v2+s4+$0x0] =	vst.idx.add.f32.msk vm14, v1;
	s10 =	smov.u32 s11;
	s11 =	sadd.s32 $0x10, s11  }
0x6a3: {  	v2 =	vld [tilespmem:s12+$0x5000];
	_ =	sdelay $0x7  }
0x6a4: {  	[tilespmem:v2+s4+$0x0] =	vst.idx.add.f32.msk $0x1, v1  }
0x6a5: {  	[tilespmem:v2+s4+$0x0] =	vst.idx.add.f32.msk vm0, v1  }
0x6a6: {  	[tilespmem:v2+s4+$0x0] =	vst.idx.add.f32.msk vm1, v1  }
0x6a7: {  	[tilespmem:v2+s4+$0x0] =	vst.idx.add.f32.msk vm2, v1  }
0x6a8: {  	[tilespmem:v2+s4+$0x0] =	vst.idx.add.f32.msk vm3, v1  }
0x6a9: {  	[tilespmem:v2+s4+$0x0] =	vst.idx.add.f32.msk vm4, v1  }
0x6aa: {  	[tilespmem:v2+s4+$0x0] =	vst.idx.add.f32.msk vm5, v1  }
0x6ab: {  	[tilespmem:v2+s4+$0x0] =	vst.idx.add.f32.msk vm6, v1  }
0x6ac: {  	[tilespmem:v2+s4+$0x0] =	vst.idx.add.f32.msk vm7, v1  }
0x6ad: {  	[tilespmem:v2+s4+$0x0] =	vst.idx.add.f32.msk vm8, v1  }
.Ltmp25:
0x6ae: {  	[tilespmem:v2+s4+$0x0] =	vst.idx.add.f32.msk vm9, v1;
	(pc) =	sbr.rel @p0 .LBB2_42-.Ltmp25, $4  }
0x6af: {  	[tilespmem:v2+s4+$0x0] =	vst.idx.add.f32.msk vm10, v1  }
0x6b0: {  	[tilespmem:v2+s4+$0x0] =	vst.idx.add.f32.msk vm11, v1  }
0x6b1: {  	[tilespmem:v2+s4+$0x0] =	vst.idx.add.f32.msk vm12, v1  }
0x6b2: {  	[tilespmem:v2+s4+$0x0] =	vst.idx.add.f32.msk vm13, v1  }
0x6b3: {  	_ =	sdelay $0x4  }
0x6b4: {  	s10 =	sand.u32 $0x1F0, s10;
	[tilespmem:v2+s4+$0x0] =	vst.idx.add.f32.msk vm14, v1  }
0x6b5: {  	v2 =	vld [tilespmem:s10+$0x5000];
	_ =	sdelay $0x7  }
0x6b6: {  	[tilespmem:v2+s4+$0x0] =	vst.idx.add.f32.msk $0x1, v1  }
0x6b7: {  	[tilespmem:v2+s4+$0x0] =	vst.idx.add.f32.msk vm0, v1  }
0x6b8: {  	[tilespmem:v2+s4+$0x0] =	vst.idx.add.f32.msk vm1, v1  }
0x6b9: {  	[tilespmem:v2+s4+$0x0] =	vst.idx.add.f32.msk vm2, v1  }
0x6ba: {  	[tilespmem:v2+s4+$0x0] =	vst.idx.add.f32.msk vm3, v1  }
0x6bb: {  	[tilespmem:v2+s4+$0x0] =	vst.idx.add.f32.msk vm4, v1  }
0x6bc: {  	[tilespmem:v2+s4+$0x0] =	vst.idx.add.f32.msk vm5, v1  }
0x6bd: {  	[tilespmem:v2+s4+$0x0] =	vst.idx.add.f32.msk vm6, v1  }
0x6be: {  	[tilespmem:v2+s4+$0x0] =	vst.idx.add.f32.msk vm7, v1  }
0x6bf: {  	[tilespmem:v2+s4+$0x0] =	vst.idx.add.f32.msk vm8, v1  }
0x6c0: {  	[tilespmem:v2+s4+$0x0] =	vst.idx.add.f32.msk vm9, v1  }
0x6c1: {  	[tilespmem:v2+s4+$0x0] =	vst.idx.add.f32.msk vm10, v1  }
0x6c2: {  	[tilespmem:v2+s4+$0x0] =	vst.idx.add.f32.msk vm11, v1  }
0x6c3: {  	[tilespmem:v2+s4+$0x0] =	vst.idx.add.f32.msk vm12, v1  }
0x6c4: {  	[tilespmem:v2+s4+$0x0] =	vst.idx.add.f32.msk vm13, v1  }
0x6c5: {  	[tilespmem:v2+s4+$0x0] =	vst.idx.add.f32.msk vm14, v1  }
0x6c6: {  	[hbm4b:s19+s0] =	stream.strided.scatter [tilespmem:s4], [sflag:$0x4], $0x2780, s3, s0, $0x38;
	[tilespmem:$0x5200] =	vst v63  }
.LBB2_44:
.Ltmp26:
0x6c7: {  	(pc) =	sbr.rel @!p4 .LBB2_48-.Ltmp26, $1  }
0x6c8: {  	_ =	sdelay $0x3  }
0x6c9: {  	_ =	swait.ge [sflag:s2], $0x2780  }
0x6ca: {  	[sflag:s2] =	ssyncset.done $0x0  }
0x6cb: {  	[sflag:s2] =	ssyncadd.s32 $0xFFFFD880  }
0x6cc: {  	v2 =	vld [tilespmem:$0x4F00];
	_ =	sdelay $0x6  }
0x6cd: {  	s10 =	simm.s32 $0x0  }
0x6ce: {  	[tilespmem:v2+s10+$0x0] =	vst.idx.msk $0xffff, v0  }
0x6cf: {  	v2 =	vld [tilespmem:$0x4F10];
	_ =	sdelay $0x7  }
0x6d0: {  	[tilespmem:v2+s10+$0x0] =	vst.idx.msk $0xffff, v0  }
0x6d1: {  	v2 =	vld [tilespmem:$0x4F20];
	_ =	sdelay $0x7  }
0x6d2: {  	[tilespmem:v2+s10+$0x0] =	vst.idx.msk $0xffff, v0  }
0x6d3: {  	v2 =	vld [tilespmem:$0x4F30];
	_ =	sdelay $0x7  }
0x6d4: {  	[tilespmem:v2+s10+$0x0] =	vst.idx.msk $0xffff, v0  }
0x6d5: {  	v2 =	vld [tilespmem:$0x4F40];
	_ =	sdelay $0x7  }
0x6d6: {  	[tilespmem:v2+s10+$0x0] =	vst.idx.msk $0xffff, v0  }
0x6d7: {  	v2 =	vld [tilespmem:$0x4F50];
	_ =	sdelay $0x7  }
0x6d8: {  	[tilespmem:v2+s10+$0x0] =	vst.idx.msk $0xffff, v0  }
0x6d9: {  	v2 =	vld [tilespmem:$0x4F60];
	_ =	sdelay $0x7  }
0x6da: {  	[tilespmem:v2+s10+$0x0] =	vst.idx.msk $0xffff, v0  }
0x6db: {  	v2 =	vld [tilespmem:$0x4F70];
	_ =	sdelay $0x7  }
0x6dc: {  	[tilespmem:v2+s10+$0x0] =	vst.idx.msk $0xffff, v0  }
0x6dd: {  	_ =	swait.ge [sflag:s28], $0x200  }
0x6de: {  	[sflag:s28] =	ssyncset.done $0x0  }
0x6df: {  	s10 =	sand.u32 $0x1F0, s10;
	[sflag:s28] =	ssyncadd.s32 $0xFFFFFE00  }
0x6e0: {  	v2 =	vld [tilespmem:s10+$0x5000];
	_ =	sdelay $0x7  }
0x6e1: {  	[tilespmem:v2+s4+$0x0] =	vst.idx.add.f32.msk $0x1, v1  }
0x6e2: {  	[tilespmem:v2+s4+$0x0] =	vst.idx.add.f32.msk vm0, v1  }
0x6e3: {  	[tilespmem:v2+s4+$0x0] =	vst.idx.add.f32.msk vm1, v1  }
0x6e4: {  	[tilespmem:v2+s4+$0x0] =	vst.idx.add.f32.msk vm2, v1  }
0x6e5: {  	[tilespmem:v2+s4+$0x0] =	vst.idx.add.f32.msk vm3, v1  }
0x6e6: {  	[tilespmem:v2+s4+$0x0] =	vst.idx.add.f32.msk vm4, v1  }
0x6e7: {  	[tilespmem:v2+s4+$0x0] =	vst.idx.add.f32.msk vm5, v1  }
0x6e8: {  	[tilespmem:v2+s4+$0x0] =	vst.idx.add.f32.msk vm6, v1  }
0x6e9: {  	[tilespmem:v2+s4+$0x0] =	vst.idx.add.f32.msk vm7, v1  }
0x6ea: {  	[tilespmem:v2+s4+$0x0] =	vst.idx.add.f32.msk vm8, v1  }
0x6eb: {  	[tilespmem:v2+s4+$0x0] =	vst.idx.add.f32.msk vm9, v1  }
0x6ec: {  	[tilespmem:v2+s4+$0x0] =	vst.idx.add.f32.msk vm10, v1  }
0x6ed: {  	[tilespmem:v2+s4+$0x0] =	vst.idx.add.f32.msk vm11, v1  }
0x6ee: {  	[tilespmem:v2+s4+$0x0] =	vst.idx.add.f32.msk vm12, v1  }
0x6ef: {  	s11 =	simm.s32 $0x20;
	s10 =	simm.s32 $0x10;
	[tilespmem:v2+s4+$0x0] =	vst.idx.add.f32.msk vm13, v1  }
.LBB2_46:
0x6f0: {  	p0 =	sne.s32 s11, $0x1F0  }
0x6f1: {  	s12 =	sand.u32 $0x1F0, s10;
	[tilespmem:v2+s4+$0x0] =	vst.idx.add.f32.msk vm14, v1;
	s10 =	smov.u32 s11;
	s11 =	sadd.s32 $0x10, s11  }
0x6f2: {  	v2 =	vld [tilespmem:s12+$0x5000];
	_ =	sdelay $0x7  }
0x6f3: {  	[tilespmem:v2+s4+$0x0] =	vst.idx.add.f32.msk $0x1, v1  }
0x6f4: {  	[tilespmem:v2+s4+$0x0] =	vst.idx.add.f32.msk vm0, v1  }
0x6f5: {  	[tilespmem:v2+s4+$0x0] =	vst.idx.add.f32.msk vm1, v1  }
0x6f6: {  	[tilespmem:v2+s4+$0x0] =	vst.idx.add.f32.msk vm2, v1  }
0x6f7: {  	[tilespmem:v2+s4+$0x0] =	vst.idx.add.f32.msk vm3, v1  }
0x6f8: {  	[tilespmem:v2+s4+$0x0] =	vst.idx.add.f32.msk vm4, v1  }
0x6f9: {  	[tilespmem:v2+s4+$0x0] =	vst.idx.add.f32.msk vm5, v1  }
0x6fa: {  	[tilespmem:v2+s4+$0x0] =	vst.idx.add.f32.msk vm6, v1  }
0x6fb: {  	[tilespmem:v2+s4+$0x0] =	vst.idx.add.f32.msk vm7, v1  }
0x6fc: {  	[tilespmem:v2+s4+$0x0] =	vst.idx.add.f32.msk vm8, v1  }
.Ltmp27:
0x6fd: {  	[tilespmem:v2+s4+$0x0] =	vst.idx.add.f32.msk vm9, v1;
	(pc) =	sbr.rel @p0 .LBB2_46-.Ltmp27, $4  }
0x6fe: {  	[tilespmem:v2+s4+$0x0] =	vst.idx.add.f32.msk vm10, v1  }
0x6ff: {  	[tilespmem:v2+s4+$0x0] =	vst.idx.add.f32.msk vm11, v1  }
0x700: {  	[tilespmem:v2+s4+$0x0] =	vst.idx.add.f32.msk vm12, v1  }
0x701: {  	[tilespmem:v2+s4+$0x0] =	vst.idx.add.f32.msk vm13, v1  }
0x702: {  	_ =	sdelay $0x4  }
0x703: {  	s10 =	sand.u32 $0x1F0, s10;
	[tilespmem:v2+s4+$0x0] =	vst.idx.add.f32.msk vm14, v1  }
0x704: {  	v2 =	vld [tilespmem:s10+$0x5000];
	_ =	sdelay $0x7  }
0x705: {  	[tilespmem:v2+s4+$0x0] =	vst.idx.add.f32.msk $0x1, v1  }
0x706: {  	[tilespmem:v2+s4+$0x0] =	vst.idx.add.f32.msk vm0, v1  }
0x707: {  	[tilespmem:v2+s4+$0x0] =	vst.idx.add.f32.msk vm1, v1  }
0x708: {  	[tilespmem:v2+s4+$0x0] =	vst.idx.add.f32.msk vm2, v1  }
0x709: {  	[tilespmem:v2+s4+$0x0] =	vst.idx.add.f32.msk vm3, v1  }
0x70a: {  	[tilespmem:v2+s4+$0x0] =	vst.idx.add.f32.msk vm4, v1  }
0x70b: {  	[tilespmem:v2+s4+$0x0] =	vst.idx.add.f32.msk vm5, v1  }
0x70c: {  	[tilespmem:v2+s4+$0x0] =	vst.idx.add.f32.msk vm6, v1  }
0x70d: {  	[tilespmem:v2+s4+$0x0] =	vst.idx.add.f32.msk vm7, v1  }
0x70e: {  	[tilespmem:v2+s4+$0x0] =	vst.idx.add.f32.msk vm8, v1  }
0x70f: {  	[tilespmem:v2+s4+$0x0] =	vst.idx.add.f32.msk vm9, v1  }
0x710: {  	[tilespmem:v2+s4+$0x0] =	vst.idx.add.f32.msk vm10, v1  }
0x711: {  	[tilespmem:v2+s4+$0x0] =	vst.idx.add.f32.msk vm11, v1  }
0x712: {  	[tilespmem:v2+s4+$0x0] =	vst.idx.add.f32.msk vm12, v1  }
0x713: {  	[tilespmem:v2+s4+$0x0] =	vst.idx.add.f32.msk vm13, v1  }
0x714: {  	[tilespmem:v2+s4+$0x0] =	vst.idx.add.f32.msk vm14, v1  }
0x715: {  	[hbm4b:s20+s0] =	stream.strided.scatter [tilespmem:s4], [sflag:$0x4], $0x2780, s3, s0, $0x38;
	[tilespmem:$0x5200] =	vst v63  }
.LBB2_48:
0x716: {  	s10 =	sld [smem:$0x7ED];
	_ =	sdelay $0x2  }
0x717: {  	p0 =	seq.s32 s10, $0x1  }
.Ltmp28:
0x718: {  	_ = 	snop;
	(pc) =	sbr.rel @!p0 .LBB2_52-.Ltmp28, $1  }
0x719: {  	_ =	sdelay $0x3  }
0x71a: {  	_ =	swait.ge [sflag:s2], $0x2780  }
0x71b: {  	[sflag:s2] =	ssyncset.done $0x0  }
0x71c: {  	[sflag:s2] =	ssyncadd.s32 $0xFFFFD880  }
0x71d: {  	v2 =	vld [tilespmem:$0x4F00];
	_ =	sdelay $0x6  }
0x71e: {  	s10 =	simm.s32 $0x0  }
0x71f: {  	[tilespmem:v2+s10+$0x0] =	vst.idx.msk $0xffff, v0  }
0x720: {  	v2 =	vld [tilespmem:$0x4F10];
	_ =	sdelay $0x7  }
0x721: {  	[tilespmem:v2+s10+$0x0] =	vst.idx.msk $0xffff, v0  }
0x722: {  	v2 =	vld [tilespmem:$0x4F20];
	_ =	sdelay $0x7  }
0x723: {  	[tilespmem:v2+s10+$0x0] =	vst.idx.msk $0xffff, v0  }
0x724: {  	v2 =	vld [tilespmem:$0x4F30];
	_ =	sdelay $0x7  }
0x725: {  	[tilespmem:v2+s10+$0x0] =	vst.idx.msk $0xffff, v0  }
0x726: {  	v2 =	vld [tilespmem:$0x4F40];
	_ =	sdelay $0x7  }
0x727: {  	[tilespmem:v2+s10+$0x0] =	vst.idx.msk $0xffff, v0  }
0x728: {  	v2 =	vld [tilespmem:$0x4F50];
	_ =	sdelay $0x7  }
0x729: {  	[tilespmem:v2+s10+$0x0] =	vst.idx.msk $0xffff, v0  }
0x72a: {  	v2 =	vld [tilespmem:$0x4F60];
	_ =	sdelay $0x7  }
0x72b: {  	[tilespmem:v2+s10+$0x0] =	vst.idx.msk $0xffff, v0  }
0x72c: {  	v2 =	vld [tilespmem:$0x4F70];
	_ =	sdelay $0x7  }
0x72d: {  	[tilespmem:v2+s10+$0x0] =	vst.idx.msk $0xffff, v0  }
0x72e: {  	_ =	swait.ge [sflag:s28], $0x200  }
0x72f: {  	[sflag:s28] =	ssyncset.done $0x0  }
0x730: {  	s10 =	sand.u32 $0x1F0, s10;
	[sflag:s28] =	ssyncadd.s32 $0xFFFFFE00  }
0x731: {  	v2 =	vld [tilespmem:s10+$0x5000];
	_ =	sdelay $0x7  }
0x732: {  	[tilespmem:v2+s4+$0x0] =	vst.idx.add.f32.msk $0x1, v1  }
0x733: {  	[tilespmem:v2+s4+$0x0] =	vst.idx.add.f32.msk vm0, v1  }
0x734: {  	[tilespmem:v2+s4+$0x0] =	vst.idx.add.f32.msk vm1, v1  }
0x735: {  	[tilespmem:v2+s4+$0x0] =	vst.idx.add.f32.msk vm2, v1  }
0x736: {  	[tilespmem:v2+s4+$0x0] =	vst.idx.add.f32.msk vm3, v1  }
0x737: {  	[tilespmem:v2+s4+$0x0] =	vst.idx.add.f32.msk vm4, v1  }
0x738: {  	[tilespmem:v2+s4+$0x0] =	vst.idx.add.f32.msk vm5, v1  }
0x739: {  	[tilespmem:v2+s4+$0x0] =	vst.idx.add.f32.msk vm6, v1  }
0x73a: {  	[tilespmem:v2+s4+$0x0] =	vst.idx.add.f32.msk vm7, v1  }
0x73b: {  	[tilespmem:v2+s4+$0x0] =	vst.idx.add.f32.msk vm8, v1  }
0x73c: {  	[tilespmem:v2+s4+$0x0] =	vst.idx.add.f32.msk vm9, v1  }
0x73d: {  	[tilespmem:v2+s4+$0x0] =	vst.idx.add.f32.msk vm10, v1  }
0x73e: {  	[tilespmem:v2+s4+$0x0] =	vst.idx.add.f32.msk vm11, v1  }
0x73f: {  	[tilespmem:v2+s4+$0x0] =	vst.idx.add.f32.msk vm12, v1  }
0x740: {  	s11 =	simm.s32 $0x20;
	s10 =	simm.s32 $0x10;
	[tilespmem:v2+s4+$0x0] =	vst.idx.add.f32.msk vm13, v1  }
.LBB2_50:
0x741: {  	p0 =	sne.s32 s11, $0x1F0  }
0x742: {  	s12 =	sand.u32 $0x1F0, s10;
	[tilespmem:v2+s4+$0x0] =	vst.idx.add.f32.msk vm14, v1;
	s10 =	smov.u32 s11;
	s11 =	sadd.s32 $0x10, s11  }
0x743: {  	v2 =	vld [tilespmem:s12+$0x5000];
	_ =	sdelay $0x7  }
0x744: {  	[tilespmem:v2+s4+$0x0] =	vst.idx.add.f32.msk $0x1, v1  }
0x745: {  	[tilespmem:v2+s4+$0x0] =	vst.idx.add.f32.msk vm0, v1  }
0x746: {  	[tilespmem:v2+s4+$0x0] =	vst.idx.add.f32.msk vm1, v1  }
0x747: {  	[tilespmem:v2+s4+$0x0] =	vst.idx.add.f32.msk vm2, v1  }
0x748: {  	[tilespmem:v2+s4+$0x0] =	vst.idx.add.f32.msk vm3, v1  }
0x749: {  	[tilespmem:v2+s4+$0x0] =	vst.idx.add.f32.msk vm4, v1  }
0x74a: {  	[tilespmem:v2+s4+$0x0] =	vst.idx.add.f32.msk vm5, v1  }
0x74b: {  	[tilespmem:v2+s4+$0x0] =	vst.idx.add.f32.msk vm6, v1  }
0x74c: {  	[tilespmem:v2+s4+$0x0] =	vst.idx.add.f32.msk vm7, v1  }
0x74d: {  	[tilespmem:v2+s4+$0x0] =	vst.idx.add.f32.msk vm8, v1  }
.Ltmp29:
0x74e: {  	[tilespmem:v2+s4+$0x0] =	vst.idx.add.f32.msk vm9, v1;
	(pc) =	sbr.rel @p0 .LBB2_50-.Ltmp29, $4  }
0x74f: {  	[tilespmem:v2+s4+$0x0] =	vst.idx.add.f32.msk vm10, v1  }
0x750: {  	[tilespmem:v2+s4+$0x0] =	vst.idx.add.f32.msk vm11, v1  }
0x751: {  	[tilespmem:v2+s4+$0x0] =	vst.idx.add.f32.msk vm12, v1  }
0x752: {  	[tilespmem:v2+s4+$0x0] =	vst.idx.add.f32.msk vm13, v1  }
0x753: {  	_ =	sdelay $0x4  }
0x754: {  	s10 =	sand.u32 $0x1F0, s10;
	[tilespmem:v2+s4+$0x0] =	vst.idx.add.f32.msk vm14, v1  }
0x755: {  	v2 =	vld [tilespmem:s10+$0x5000];
	_ =	sdelay $0x7  }
0x756: {  	[tilespmem:v2+s4+$0x0] =	vst.idx.add.f32.msk $0x1, v1  }
0x757: {  	[tilespmem:v2+s4+$0x0] =	vst.idx.add.f32.msk vm0, v1  }
0x758: {  	[tilespmem:v2+s4+$0x0] =	vst.idx.add.f32.msk vm1, v1  }
0x759: {  	[tilespmem:v2+s4+$0x0] =	vst.idx.add.f32.msk vm2, v1  }
0x75a: {  	[tilespmem:v2+s4+$0x0] =	vst.idx.add.f32.msk vm3, v1  }
0x75b: {  	[tilespmem:v2+s4+$0x0] =	vst.idx.add.f32.msk vm4, v1  }
0x75c: {  	[tilespmem:v2+s4+$0x0] =	vst.idx.add.f32.msk vm5, v1  }
0x75d: {  	[tilespmem:v2+s4+$0x0] =	vst.idx.add.f32.msk vm6, v1  }
0x75e: {  	[tilespmem:v2+s4+$0x0] =	vst.idx.add.f32.msk vm7, v1  }
0x75f: {  	[tilespmem:v2+s4+$0x0] =	vst.idx.add.f32.msk vm8, v1  }
0x760: {  	[tilespmem:v2+s4+$0x0] =	vst.idx.add.f32.msk vm9, v1  }
0x761: {  	[tilespmem:v2+s4+$0x0] =	vst.idx.add.f32.msk vm10, v1  }
0x762: {  	[tilespmem:v2+s4+$0x0] =	vst.idx.add.f32.msk vm11, v1  }
0x763: {  	[tilespmem:v2+s4+$0x0] =	vst.idx.add.f32.msk vm12, v1  }
0x764: {  	[tilespmem:v2+s4+$0x0] =	vst.idx.add.f32.msk vm13, v1  }
0x765: {  	[tilespmem:v2+s4+$0x0] =	vst.idx.add.f32.msk vm14, v1  }
0x766: {  	[hbm4b:s21+s0] =	stream.strided.scatter [tilespmem:s4], [sflag:$0x4], $0x2780, s3, s0, $0x38;
	[tilespmem:$0x5200] =	vst v63  }
.LBB2_52:
0x767: {  	p0 =	sgt.s32 s5, $0x1D  }
.Ltmp30:
0x768: {  	_ = 	snop;
	(pc) =	sbr.rel @p0 .LBB2_55-.Ltmp30, $1  }
0x769: {  	_ =	sdelay $0x3  }
0x76a: {  	p0 =	seq.s32 s5, $0x1C  }
0x76b: {  	p1 =	seq.s32 @!p0 s5, $0x1D  }
0x76c: {  	p1 =	por p0, p1  }
.Ltmp31:
0x76d: {  	_ = 	snop;
	(pc) =	sbr.rel @!p1 .LBB2_59-.Ltmp31, $1  }
0x76e: {  	_ =	sdelay $0x3  }
.Ltmp32:
0x76f: {  	(pc) =	sbr.rel .LBB2_58-.Ltmp32, $4  }
0x770: {  	_ = 	snop  }
0x771: {  	s10 =	rddreg [dreg:$0xa]  }
0x772: {  	s11 =	rddreg [dreg:$0xc]  }
0x773: {  	s10 =	smov.u32 @p0 s11  }
.LBB2_55:
0x774: {  	p0 =	seq.s32 s5, $0x1E  }
.Ltmp33:
0x775: {  	_ = 	snop;
	(pc) =	sbr.rel @p0 .LBB2_58-.Ltmp33, $2  }
0x776: {  	_ =	sdelay $0x2  }
0x777: {  	s10 =	smov.u32 s23  }
0x778: {  	p0 =	seq.s32 s5, $0x1F  }
.Ltmp34:
0x779: {  	_ = 	snop;
	(pc) =	sbr.rel @!p0 .LBB2_59-.Ltmp34, $1  }
0x77a: {  	_ =	sdelay $0x3  }
.Ltmp35:
0x77b: {  	(pc) =	sbr.rel .LBB2_58-.Ltmp35, $2  }
0x77c: {  	_ =	sdelay $0x2  }
0x77d: {  	s10 =	rddreg [dreg:$0xb]  }
.LBB2_60:
0x77e: {  	_ =	sfence.sel $0x180000  }
0x77f: {  	[bflag:$0x0] =	sbarrier.arrive $0xFFFF  }
0x780: {  	_ =	strace $0x90000047  }
0x781: {  	s0 =	stileid.u32;
	[bflag:$0x2] =	sbarrier.arrive $0xFFFF  }
0x782: {  	p0 =	sne.s32 s0, $0x0;
	s0 =	rddreg [dreg:$0x4]  }
0x783: {  	s0 =	sadd.s32 @!p0 $0x100000, s0  }
0x784: {  	[sflag:s0] =	ssyncadd.tile.s32 @!p0 $0x1;
	_ =	shalt  }
.Lfunc_end2:
_tile_overlayer_lowered:
.L_overlay_start_2:
0x785: {  	(tag) =	ssettag $0x2  }
0x786: {  	s0 =	rddreg [dreg:$0x0];
	s2 =	stileid.u32  }
0x787: {  	s1 =	rddreg [dreg:$0x1];
	p0 =	sne.s32 s2, $0x0  }
0x788: {  	s3 =	rddreg [dreg:$0x2];
	[bflag:$0x3] =	sbarrier.arrive $0xFFFF;
	s2 =	simm.s32 @!p0 $0x1C06  }
0x789: {  	[timem:s3], [sflag:s2] =	dma.local @!p0 [hbm:s0], s1  }
0x78a: {  	s0 =	simm.s32 @!p0 $0x6  }
0x78b: {  	_ =	swait.ge @!p0 [sflag:s0], s1  }
0x78c: {  	s1 =	ssub.s32 @!p0 $0x0, s1;
	[sflag:s0] =	ssyncset.done @!p0 $0x0  }
0x78d: {  	[sflag:s0] =	ssyncadd.s32 @!p0 s1  }
0x78e: {  	[bflag:$0x3] =	sbarrier.arrive $0xFFFF  }
0x78f: {  	_ =	shalt  }

</sc_bundles>
